<compile_context>
chip_gen: v7x
topology: tpu7x:2x2x1
jax: 0.10.2.dev20260603
libtpu: 0.0.44.dev20260713+nightly
codegen_flags: <defaults>
</compile_context>

<pallas_src>
import functools

import jax
import jax.numpy as jnp
from jax import lax
from jax.experimental import pallas as pl
from jax.experimental.pallas import tpu as pltpu
from jax.experimental.pallas import tpu_sc as plsc

N = 10000
E = 320000
F = 128
G = 64

NC = 2
NS = 16
NW = NC * NS
CHUNK = 128
NCHUNKS = 80
EPT = NCHUNKS * CHUNK
E_PAD = NW * EPT
ACC_ROWS = 10240
ZPT = ACC_ROWS // NS

@functools.lru_cache(maxsize=None)
def _make_agg():
    mesh = plsc.VectorSubcoreMesh(core_axis_name="c", subcore_axis_name="s",
                                  num_cores=NC, num_subcores=NS)
    return functools.partial(
        pl.kernel,
        out_type=jax.ShapeDtypeStruct((NC * ACC_ROWS, F), jnp.float32),
        mesh=mesh,
        scratch_types=[
            pltpu.VMEM((NCHUNKS, CHUNK), jnp.int32),
            pltpu.VMEM((CHUNK,), jnp.int32),
            pltpu.VMEM((CHUNK,), jnp.int32),
            pltpu.VMEM((CHUNK, F), jnp.float32),
            pltpu.VMEM((CHUNK, F), jnp.float32),
            pltpu.VMEM_SHARED((ACC_ROWS, F), jnp.float32),
            pltpu.SemaphoreType.DMA,
            pltpu.SemaphoreType.DMA,
        ],
    )(_agg_body)


def _agg_body(h_hbm, src_hbm, dst_hbm, out_hbm, src_all, dst_a, dst_b,
              buf_a, buf_b, acc, semg, semd):
    cid = lax.axis_index("c")
    sid = lax.axis_index("s")
    wid = cid * NS + sid
    rbase = wid * NCHUNKS

    pltpu.async_copy(src_hbm.at[pl.ds(rbase, NCHUNKS)], src_all, semg)

    def _zrow(i, _):
        def _zcol(j, _):
            buf_a[i, pl.ds(j * 16, 16)] = jnp.zeros((16,), jnp.float32)
            return 0
        return lax.fori_loop(0, F // 16, _zcol, 0)
    lax.fori_loop(0, CHUNK, _zrow, 0)
    for k in range(ZPT // CHUNK):
        pltpu.sync_copy(buf_a, acc.at[pl.ds(sid * ZPT + k * CHUNK, CHUNK)])
    pltpu.make_async_copy(src_hbm.at[pl.ds(rbase, NCHUNKS)], src_all, semg).wait()
    plsc.subcore_barrier()

    def _startg(i, buf):
        pltpu.async_copy(h_hbm.at[src_all.at[i]], buf, semg)

    def _waitg(buf):
        pltpu.make_async_copy(h_hbm.at[pl.ds(0, CHUNK)], buf, semg).wait()

    def _startd(i, dbuf):
        pltpu.async_copy(dst_hbm.at[rbase + i], dbuf, semd)

    def _waitd(dbuf):
        pltpu.make_async_copy(dst_hbm.at[0], dbuf, semd).wait()

    def _scatter(buf, dbuf):
        pltpu.sync_copy(buf, acc.at[dbuf], add=True)

    _startg(0, buf_a)
    _startd(0, dst_a)
    _startg(1, buf_b)
    _startd(1, dst_b)

    def _pair(u, _):
        i0 = 2 * u
        _waitg(buf_a)
        _waitd(dst_a)
        _scatter(buf_a, dst_a)
        _startg(i0 + 2, buf_a)
        _startd(i0 + 2, dst_a)
        _waitg(buf_b)
        _waitd(dst_b)
        _scatter(buf_b, dst_b)
        _startg(i0 + 3, buf_b)
        _startd(i0 + 3, dst_b)
        return 0
    lax.fori_loop(0, NCHUNKS // 2 - 1, _pair, 0)

    _waitg(buf_a)
    _waitd(dst_a)
    _scatter(buf_a, dst_a)
    _waitg(buf_b)
    _waitd(dst_b)
    _scatter(buf_b, dst_b)
    plsc.subcore_barrier()

    pltpu.sync_copy(acc.at[pl.ds(sid * ZPT, ZPT)],
                    out_hbm.at[pl.ds(cid * ACC_ROWS + sid * ZPT, ZPT)])


def _mlp_body(x_ref, p_ref, w1_ref, b1_ref, g_ref, bt_ref, w2_ref, b2_ref, o_ref):
    z = x_ref[...] + p_ref[0:N, :] + p_ref[ACC_ROWS:ACC_ROWS + N, :]
    h = jnp.dot(z, w1_ref[...], preferred_element_type=jnp.float32, precision=lax.Precision.HIGHEST) + b1_ref[...]
    mean = jnp.mean(h, axis=0, keepdims=True)
    d = h - mean
    var = jnp.mean(d * d, axis=0, keepdims=True)
    hn = d * jax.lax.rsqrt(var + 1e-5) * g_ref[...] + bt_ref[...]
    hn = jnp.maximum(hn, 0.0)
    h2 = jnp.dot(hn, w2_ref[...], preferred_element_type=jnp.float32, precision=lax.Precision.HIGHEST) + b2_ref[...]
    o_ref[...] = jnp.maximum(h2, 0.0)


def _mlp_call(x, parts, p):
    return pl.pallas_call(
        _mlp_body,
        out_shape=jax.ShapeDtypeStruct((N, F), jnp.float32),
    )(x, parts, p['W1'], p['b1'].reshape(1, F), p['gamma'].reshape(1, F),
      p['beta'].reshape(1, F), p['W2'], p['b2'].reshape(1, F))


POOL_CH = 64


def _pool_body(starts_ref, h_ref, sum_ref, max_ref):
    g = pl.program_id(0)
    s = starts_ref[g]
    e = starts_ref[g + 1]
    nloops = (e - s + POOL_CH - 1) // POOL_CH

    def _body(i, carry):
        sm, mx = carry
        off = jnp.minimum(s + i * POOL_CH, N - POOL_CH)
        rows = h_ref[pl.ds(off, POOL_CH), :]
        ridx = off + lax.broadcasted_iota(jnp.int32, (POOL_CH, 1), 0)
        valid = (ridx >= s + i * POOL_CH) & (ridx < e)
        sm = sm + jnp.sum(jnp.where(valid, rows, 0.0), axis=0, keepdims=True)
        mx = jnp.maximum(mx, jnp.max(jnp.where(valid, rows, -jnp.inf), axis=0,
                                     keepdims=True))
        return sm, mx

    sm, mx = lax.fori_loop(
        0, nloops, _body,
        (jnp.zeros((1, F), jnp.float32), jnp.full((1, F), -jnp.inf, jnp.float32)))
    sum_ref[0] = sm
    max_ref[0] = mx


def _pool_call(starts, h):
    return pl.pallas_call(
        _pool_body,
        grid=(G,),
        in_specs=[
            pl.BlockSpec(memory_space=pltpu.SMEM),
            pl.BlockSpec((N, F), lambda g: (0, 0)),
        ],
        out_specs=[
            pl.BlockSpec((1, 1, F), lambda g: (g, 0, 0)),
            pl.BlockSpec((1, 1, F), lambda g: (g, 0, 0)),
        ],
        out_shape=[
            jax.ShapeDtypeStruct((G, 1, F), jnp.float32),
            jax.ShapeDtypeStruct((G, 1, F), jnp.float32),
        ],
    )(starts, h)


def _head_body(hc_ref, w1_ref, b1_ref, w2_ref, b2_ref, sig_ref, out_ref):
    h = jnp.dot(hc_ref[...], w1_ref[...], preferred_element_type=jnp.float32, precision=lax.Precision.HIGHEST)
    h = jnp.maximum(h + b1_ref[...], 0.0)
    o = jnp.dot(h, w2_ref[...], preferred_element_type=jnp.float32, precision=lax.Precision.HIGHEST) + b2_ref[...]
    out_ref[...] = o
    sig_ref[...] = 1.0 / (1.0 + jnp.exp(-o))


def _head_call(hcat, w1, b1, w2, b2):
    return pl.pallas_call(
        _head_body,
        out_shape=[
            jax.ShapeDtypeStruct((G, 1), jnp.float32),
            jax.ShapeDtypeStruct((G, 1), jnp.float32),
        ],
    )(hcat, w1, b1.reshape(1, -1), w2, b2.reshape(1, 1))


def kernel(x, edge_index, batch, params):
    src = edge_index[0]
    dst = edge_index[1]
    pad = E_PAD - E
    src_p = jnp.concatenate([src, jnp.zeros((pad,), jnp.int32)])
    dst_p = jnp.concatenate([dst, jnp.full((pad,), N, jnp.int32)])
    src_p = src_p.reshape(NW * NCHUNKS, CHUNK)
    dst_p = dst_p.reshape(NW * NCHUNKS, CHUNK)
    starts = jnp.searchsorted(
        batch, jnp.arange(G + 1, dtype=jnp.int32), side='left').astype(jnp.int32)

    h = x
    sums, maxs = [], []
    for i in range(7):
        p = params['conv%d' % i]
        parts = _make_agg()(h, src_p, dst_p)
        h = _mlp_call(h, parts, p)
        s, m = _pool_call(starts, h)
        sums.append(s.reshape(G, F))
        maxs.append(m.reshape(G, F))
    hcat = jnp.concatenate(sums + maxs, axis=1)
    sig, out = _head_call(hcat, params['lin1_W'], params['lin1_b'],
                          params['lin2_W'], params['lin2_b'])
    return (sig, out)

# --- scband reference (transcript-rebuilt; emitter-appended) ---
"""Pipeline reference for scband-gin-78606491452618 (READ-ONLY COPY).

The authoritative reference and input builder live on the scoring server;
editing this copy changes nothing except your own understanding.
"""

import jax, jax.numpy as jnp
import numpy as np

N_NODES = 10000
N_EDGES = 320000
NUM_FEATURES = 128
DIM_H = 128
NUM_GRAPHS = 64


def _linear_init(key, fan_in, fan_out):
    k1, k2 = jax.random.split(key)
    lim = 1.0 / np.sqrt(fan_in)
    W = jax.random.uniform(k1, (fan_in, fan_out), minval=-lim, maxval=lim, dtype=jnp.float32)
    b = jax.random.uniform(k2, (fan_out,), minval=-lim, maxval=lim, dtype=jnp.float32)
    return W, b


def setup_inputs(seed: int = 0) -> dict:
    key = jax.random.key(seed)
    ks = jax.random.split(key, 8)
    x = jax.random.normal(ks[0], (N_NODES, NUM_FEATURES), dtype=jnp.float32)
    edge_index = jax.random.randint(ks[1], (2, N_EDGES), 0, N_NODES, dtype=jnp.int32)
    batch = jnp.sort(jax.random.randint(ks[2], (N_NODES,), 0, NUM_GRAPHS, dtype=jnp.int32))
    params = {}
    in_dim = NUM_FEATURES
    for i in range(7):
        k = jax.random.fold_in(key, 100 + i)
        ka, kb = jax.random.split(k)
        W1, b1 = _linear_init(ka, in_dim, DIM_H)
        W2, b2 = _linear_init(kb, DIM_H, DIM_H)
        params['conv%d' % i] = {
            'W1': W1, 'b1': b1,
            'gamma': jnp.ones((DIM_H,), jnp.float32),
            'beta': jnp.zeros((DIM_H,), jnp.float32),
            'W2': W2, 'b2': b2,
        }
        in_dim = DIM_H
    lw1, lb1 = _linear_init(ks[3], DIM_H * 14, DIM_H * 14)
    lw2, lb2 = _linear_init(ks[4], DIM_H * 14, 1)
    params['lin1_W'] = lw1
    params['lin1_b'] = lb1
    params['lin2_W'] = lw2
    params['lin2_b'] = lb2
    return {'x': x, 'edge_index': edge_index, 'batch': batch, 'params': params}


def _mlp(p, h):
    # Linear -> BatchNorm1d (training mode, batch stats) -> ReLU -> Linear -> ReLU
    h = h @ p['W1'] + p['b1']
    mean = jnp.mean(h, axis=0)
    var = jnp.var(h, axis=0)
    h = (h - mean) / jnp.sqrt(var + 1e-5) * p['gamma'] + p['beta']
    h = jax.nn.relu(h)
    h = h @ p['W2'] + p['b2']
    return jax.nn.relu(h)


def _gin_conv(p, x, src, dst, num_nodes):
    # GINConv with eps=0: MLP((1 + eps) * x_i + sum_{j in N(i)} x_j)
    agg = jax.ops.segment_sum(jnp.take(x, src, axis=0), dst, num_segments=num_nodes)
    return _mlp(p, x + agg)


def reference(x, edge_index, batch, params):
    num_nodes = x.shape[0]
    src = edge_index[0]
    dst = edge_index[1]
    hs = []
    h = x
    for i in range(7):
        h = _gin_conv(params['conv%d' % i], h, src, dst, num_nodes)
        hs.append(h)
    sums = [jax.ops.segment_sum(hi, batch, num_segments=NUM_GRAPHS) for hi in hs]
    maxs = [jax.ops.segment_max(hi, batch, num_segments=NUM_GRAPHS) for hi in hs]
    hcat = jnp.concatenate(sums + maxs, axis=1)
    h = jax.nn.relu(hcat @ params['lin1_W'] + params['lin1_b'])
    out = h @ params['lin2_W'] + params['lin2_b']
    return (jax.nn.sigmoid(out), out)

if __name__ == "__main__":
    import jax
    _d = setup_inputs()
    print(jax.jit(kernel)(*tuple(_d.values())))

</pallas_src>

<mosaic_0001>
#map = affine_map<(d0, d1) -> (0, 0)>
module attributes {stable_mosaic.version = 14 : i64} {
  func.func @_agg_body(%arg0: i32, %arg1: i32, %arg2: memref<10000x128xf32, #tpu.memory_space<hbm>>, %arg3: memref<2560x128xi32, #tpu.memory_space<hbm>>, %arg4: memref<2560x128xi32, #tpu.memory_space<hbm>>, %arg5: memref<20480x128xf32, #tpu.memory_space<hbm>>, %arg6: memref<80x128xi32, #tpu.memory_space<vmem>>, %arg7: memref<128xi32, #tpu.memory_space<vmem>>, %arg8: memref<128xi32, #tpu.memory_space<vmem>>, %arg9: memref<128x128xf32, #tpu.memory_space<vmem>>, %arg10: memref<128x128xf32, #tpu.memory_space<vmem>>, %arg11: memref<10240x128xf32, #tpu.memory_space<vmem_shared>>, %arg12: memref<!tpu.dma_semaphore, #tpu.memory_space<semaphore_mem>>, %arg13: memref<!tpu.dma_semaphore, #tpu.memory_space<semaphore_mem>>) attributes {dimension_semantics = [#tpu.dimension_semantics<core_parallel>, #tpu.dimension_semantics<subcore_parallel>], iteration_bounds = array<i64: 2, 16>, scalar_prefetch = 0 : i64, scratch_operands = 8 : i64, tpu.core_type = #tpu.core_type<sc_vector_subcore>, window_params = [{transform_indices = #map}, {transform_indices = #map}, {transform_indices = #map}, {transform_indices = #map}]} {
    %mul3A = arith.constant 16 : i32
    %mul3A_0 = arith.muli %arg0, %mul3A : i32
    %add3A = arith.addi %mul3A_0, %arg1 : i32
    %mul3A_1 = arith.constant 80 : i32
    %mul3A_2 = arith.muli %add3A, %mul3A_1 : i32
    %dma_start3A = arith.constant 0 : i32
    %dma_start3A_3 = tpu.memref_slice %arg3[%mul3A_2, %dma_start3A] : memref<2560x128xi32, #tpu.memory_space<hbm>> -> memref<80x128xi32, #tpu.memory_space<hbm>>
    %dma_start3A_4 = arith.constant 0 : i32
    %dma_start3A_5 = tpu.memref_slice %arg3[%mul3A_2, %dma_start3A_4] : memref<2560x128xi32, #tpu.memory_space<hbm>> -> memref<80x128xi32, #tpu.memory_space<hbm>>
    tpu.enqueue_dma source(%dma_start3A_5 : memref<80x128xi32, #tpu.memory_space<hbm>>) target(%arg6 : memref<80x128xi32, #tpu.memory_space<vmem>>) target_semaphore(%arg12 : memref<!tpu.dma_semaphore, #tpu.memory_space<semaphore_mem>>)
    %scan3A = arith.constant 0 : i32
    %scan3A_6 = arith.constant 0 : i32
    %scan3A_7 = arith.constant 128 : i32
    %scan3A_8 = arith.addi %scan3A_6, %scan3A_7 : i32
    %scan3A_9 = arith.constant 1 : i32
    %scan3A_10 = scf.for %scan3A_106 = %scan3A_6 to %scan3A_8 step %scan3A_9 iter_args(%scan3A_107 = %scan3A) -> (i32)  : i32 {
      %scan3A_108 = arith.constant 0 : i32
      %scan3A_109 = arith.constant 0 : i32
      %scan3A_110 = arith.constant 8 : i32
      %scan3A_111 = arith.addi %scan3A_109, %scan3A_110 : i32
      %scan3A_112 = arith.constant 1 : i32
      %scan3A_113 = scf.for %scan3A_115 = %scan3A_109 to %scan3A_111 step %scan3A_112 iter_args(%scan3A_116 = %scan3A_108) -> (i32)  : i32 {
        %broadcast_in_dim3A = arith.constant 0.000000e+00 : f32
        %broadcast_in_dim3A_117 = vector.broadcast %broadcast_in_dim3A : f32 to vector<16xf32>
        %mul3A_118 = arith.constant 16 : i32
        %mul3A_119 = arith.muli %scan3A_115, %mul3A_118 : i32
        %swap3A = arith.index_cast %scan3A_106 : i32 to index
        %swap3A_120 = arith.index_cast %mul3A_119 : i32 to index
        %swap3A_121 = tpu.vector_load %arg9[%swap3A, %swap3A_120] {strides = array<i32>} : memref<128x128xf32, #tpu.memory_space<vmem>>, vector<1x16xf32>,
        %swap3A_122 = vector.shape_cast %swap3A_121 : vector<1x16xf32> to vector<16xf32>
        %swap3A_123 = vector.shape_cast %broadcast_in_dim3A_117 : vector<16xf32> to vector<1x16xf32>
        tpu.vector_store %arg9[%swap3A, %swap3A_120], %swap3A_123 {strides = array<i32>} : memref<128x128xf32, #tpu.memory_space<vmem>>, vector<1x16xf32>,
        %scan3A_124 = arith.constant 0 : i32
        scf.yield %scan3A_124 : i32
      }
      %scan3A_114 = arith.constant 8 : i32
      scf.yield %scan3A_113 : i32
    }
    %scan3A_11 = arith.constant 128 : i32
    %mul3A_12 = arith.constant 640 : i32
    %mul3A_13 = arith.muli %arg1, %mul3A_12 : i32
    %add3A_14 = arith.constant 0 : i32
    %add3A_15 = arith.addi %mul3A_13, %add3A_14 : i32
    "tpu.region"() ({
      %run_scoped3A = tpu.sem_alloc : memref<!tpu.dma_semaphore, #tpu.memory_space<semaphore_mem>>
      %dma_start3A_106 = arith.constant 0 : i32
      %dma_start3A_107 = tpu.memref_slice %arg11[%add3A_15, %dma_start3A_106] : memref<10240x128xf32, #tpu.memory_space<vmem_shared>> -> memref<128x128xf32, #tpu.memory_space<vmem_shared>>
      %dma_start3A_108 = arith.constant 0 : i32
      %dma_start3A_109 = tpu.memref_slice %arg11[%add3A_15, %dma_start3A_108] : memref<10240x128xf32, #tpu.memory_space<vmem_shared>> -> memref<128x128xf32, #tpu.memory_space<vmem_shared>>
      tpu.enqueue_dma source(%arg9 : memref<128x128xf32, #tpu.memory_space<vmem>>) target(%dma_start3A_109 : memref<128x128xf32, #tpu.memory_space<vmem_shared>>) target_semaphore(%run_scoped3A : memref<!tpu.dma_semaphore, #tpu.memory_space<semaphore_mem>>)
      %dma_wait3A_110 = arith.constant 0 : i32
      %dma_wait3A_111 = tpu.memref_slice %arg11[%add3A_15, %dma_wait3A_110] : memref<10240x128xf32, #tpu.memory_space<vmem_shared>> -> memref<128x128xf32, #tpu.memory_space<vmem_shared>>
      %dma_wait3A_112 = arith.constant 0 : i32
      %dma_wait3A_113 = tpu.memref_slice %arg11[%add3A_15, %dma_wait3A_112] : memref<10240x128xf32, #tpu.memory_space<vmem_shared>> -> memref<128x128xf32, #tpu.memory_space<vmem_shared>>
      tpu.wait_dma2 semaphore(%run_scoped3A : memref<!tpu.dma_semaphore, #tpu.memory_space<semaphore_mem>>) src(%arg9 : memref<128x128xf32, #tpu.memory_space<vmem>>) dst(%dma_wait3A_113 : memref<128x128xf32, #tpu.memory_space<vmem_shared>>)
      tpu.yield
    }) : () -> ()
    %mul3A_16 = arith.constant 640 : i32
    %mul3A_17 = arith.muli %arg1, %mul3A_16 : i32
    %add3A_18 = arith.constant 128 : i32
    %add3A_19 = arith.addi %mul3A_17, %add3A_18 : i32
    "tpu.region"() ({
      %run_scoped3A = tpu.sem_alloc : memref<!tpu.dma_semaphore, #tpu.memory_space<semaphore_mem>>
      %dma_start3A_106 = arith.constant 0 : i32
      %dma_start3A_107 = tpu.memref_slice %arg11[%add3A_19, %dma_start3A_106] : memref<10240x128xf32, #tpu.memory_space<vmem_shared>> -> memref<128x128xf32, #tpu.memory_space<vmem_shared>>
      %dma_start3A_108 = arith.constant 0 : i32
      %dma_start3A_109 = tpu.memref_slice %arg11[%add3A_19, %dma_start3A_108] : memref<10240x128xf32, #tpu.memory_space<vmem_shared>> -> memref<128x128xf32, #tpu.memory_space<vmem_shared>>
      tpu.enqueue_dma source(%arg9 : memref<128x128xf32, #tpu.memory_space<vmem>>) target(%dma_start3A_109 : memref<128x128xf32, #tpu.memory_space<vmem_shared>>) target_semaphore(%run_scoped3A : memref<!tpu.dma_semaphore, #tpu.memory_space<semaphore_mem>>)
      %dma_wait3A_110 = arith.constant 0 : i32
      %dma_wait3A_111 = tpu.memref_slice %arg11[%add3A_19, %dma_wait3A_110] : memref<10240x128xf32, #tpu.memory_space<vmem_shared>> -> memref<128x128xf32, #tpu.memory_space<vmem_shared>>
      %dma_wait3A_112 = arith.constant 0 : i32
      %dma_wait3A_113 = tpu.memref_slice %arg11[%add3A_19, %dma_wait3A_112] : memref<10240x128xf32, #tpu.memory_space<vmem_shared>> -> memref<128x128xf32, #tpu.memory_space<vmem_shared>>
      tpu.wait_dma2 semaphore(%run_scoped3A : memref<!tpu.dma_semaphore, #tpu.memory_space<semaphore_mem>>) src(%arg9 : memref<128x128xf32, #tpu.memory_space<vmem>>) dst(%dma_wait3A_113 : memref<128x128xf32, #tpu.memory_space<vmem_shared>>)
      tpu.yield
    }) : () -> ()
    %mul3A_20 = arith.constant 640 : i32
    %mul3A_21 = arith.muli %arg1, %mul3A_20 : i32
    %add3A_22 = arith.constant 256 : i32
    %add3A_23 = arith.addi %mul3A_21, %add3A_22 : i32
    "tpu.region"() ({
      %run_scoped3A = tpu.sem_alloc : memref<!tpu.dma_semaphore, #tpu.memory_space<semaphore_mem>>
      %dma_start3A_106 = arith.constant 0 : i32
      %dma_start3A_107 = tpu.memref_slice %arg11[%add3A_23, %dma_start3A_106] : memref<10240x128xf32, #tpu.memory_space<vmem_shared>> -> memref<128x128xf32, #tpu.memory_space<vmem_shared>>
      %dma_start3A_108 = arith.constant 0 : i32
      %dma_start3A_109 = tpu.memref_slice %arg11[%add3A_23, %dma_start3A_108] : memref<10240x128xf32, #tpu.memory_space<vmem_shared>> -> memref<128x128xf32, #tpu.memory_space<vmem_shared>>
      tpu.enqueue_dma source(%arg9 : memref<128x128xf32, #tpu.memory_space<vmem>>) target(%dma_start3A_109 : memref<128x128xf32, #tpu.memory_space<vmem_shared>>) target_semaphore(%run_scoped3A : memref<!tpu.dma_semaphore, #tpu.memory_space<semaphore_mem>>)
      %dma_wait3A_110 = arith.constant 0 : i32
      %dma_wait3A_111 = tpu.memref_slice %arg11[%add3A_23, %dma_wait3A_110] : memref<10240x128xf32, #tpu.memory_space<vmem_shared>> -> memref<128x128xf32, #tpu.memory_space<vmem_shared>>
      %dma_wait3A_112 = arith.constant 0 : i32
      %dma_wait3A_113 = tpu.memref_slice %arg11[%add3A_23, %dma_wait3A_112] : memref<10240x128xf32, #tpu.memory_space<vmem_shared>> -> memref<128x128xf32, #tpu.memory_space<vmem_shared>>
      tpu.wait_dma2 semaphore(%run_scoped3A : memref<!tpu.dma_semaphore, #tpu.memory_space<semaphore_mem>>) src(%arg9 : memref<128x128xf32, #tpu.memory_space<vmem>>) dst(%dma_wait3A_113 : memref<128x128xf32, #tpu.memory_space<vmem_shared>>)
      tpu.yield
    }) : () -> ()
    %mul3A_24 = arith.constant 640 : i32
    %mul3A_25 = arith.muli %arg1, %mul3A_24 : i32
    %add3A_26 = arith.constant 384 : i32
    %add3A_27 = arith.addi %mul3A_25, %add3A_26 : i32
    "tpu.region"() ({
      %run_scoped3A = tpu.sem_alloc : memref<!tpu.dma_semaphore, #tpu.memory_space<semaphore_mem>>
      %dma_start3A_106 = arith.constant 0 : i32
      %dma_start3A_107 = tpu.memref_slice %arg11[%add3A_27, %dma_start3A_106] : memref<10240x128xf32, #tpu.memory_space<vmem_shared>> -> memref<128x128xf32, #tpu.memory_space<vmem_shared>>
      %dma_start3A_108 = arith.constant 0 : i32
      %dma_start3A_109 = tpu.memref_slice %arg11[%add3A_27, %dma_start3A_108] : memref<10240x128xf32, #tpu.memory_space<vmem_shared>> -> memref<128x128xf32, #tpu.memory_space<vmem_shared>>
      tpu.enqueue_dma source(%arg9 : memref<128x128xf32, #tpu.memory_space<vmem>>) target(%dma_start3A_109 : memref<128x128xf32, #tpu.memory_space<vmem_shared>>) target_semaphore(%run_scoped3A : memref<!tpu.dma_semaphore, #tpu.memory_space<semaphore_mem>>)
      %dma_wait3A_110 = arith.constant 0 : i32
      %dma_wait3A_111 = tpu.memref_slice %arg11[%add3A_27, %dma_wait3A_110] : memref<10240x128xf32, #tpu.memory_space<vmem_shared>> -> memref<128x128xf32, #tpu.memory_space<vmem_shared>>
      %dma_wait3A_112 = arith.constant 0 : i32
      %dma_wait3A_113 = tpu.memref_slice %arg11[%add3A_27, %dma_wait3A_112] : memref<10240x128xf32, #tpu.memory_space<vmem_shared>> -> memref<128x128xf32, #tpu.memory_space<vmem_shared>>
      tpu.wait_dma2 semaphore(%run_scoped3A : memref<!tpu.dma_semaphore, #tpu.memory_space<semaphore_mem>>) src(%arg9 : memref<128x128xf32, #tpu.memory_space<vmem>>) dst(%dma_wait3A_113 : memref<128x128xf32, #tpu.memory_space<vmem_shared>>)
      tpu.yield
    }) : () -> ()
    %mul3A_28 = arith.constant 640 : i32
    %mul3A_29 = arith.muli %arg1, %mul3A_28 : i32
    %add3A_30 = arith.constant 512 : i32
    %add3A_31 = arith.addi %mul3A_29, %add3A_30 : i32
    "tpu.region"() ({
      %run_scoped3A = tpu.sem_alloc : memref<!tpu.dma_semaphore, #tpu.memory_space<semaphore_mem>>
      %dma_start3A_106 = arith.constant 0 : i32
      %dma_start3A_107 = tpu.memref_slice %arg11[%add3A_31, %dma_start3A_106] : memref<10240x128xf32, #tpu.memory_space<vmem_shared>> -> memref<128x128xf32, #tpu.memory_space<vmem_shared>>
      %dma_start3A_108 = arith.constant 0 : i32
      %dma_start3A_109 = tpu.memref_slice %arg11[%add3A_31, %dma_start3A_108] : memref<10240x128xf32, #tpu.memory_space<vmem_shared>> -> memref<128x128xf32, #tpu.memory_space<vmem_shared>>
      tpu.enqueue_dma source(%arg9 : memref<128x128xf32, #tpu.memory_space<vmem>>) target(%dma_start3A_109 : memref<128x128xf32, #tpu.memory_space<vmem_shared>>) target_semaphore(%run_scoped3A : memref<!tpu.dma_semaphore, #tpu.memory_space<semaphore_mem>>)
      %dma_wait3A_110 = arith.constant 0 : i32
      %dma_wait3A_111 = tpu.memref_slice %arg11[%add3A_31, %dma_wait3A_110] : memref<10240x128xf32, #tpu.memory_space<vmem_shared>> -> memref<128x128xf32, #tpu.memory_space<vmem_shared>>
      %dma_wait3A_112 = arith.constant 0 : i32
      %dma_wait3A_113 = tpu.memref_slice %arg11[%add3A_31, %dma_wait3A_112] : memref<10240x128xf32, #tpu.memory_space<vmem_shared>> -> memref<128x128xf32, #tpu.memory_space<vmem_shared>>
      tpu.wait_dma2 semaphore(%run_scoped3A : memref<!tpu.dma_semaphore, #tpu.memory_space<semaphore_mem>>) src(%arg9 : memref<128x128xf32, #tpu.memory_space<vmem>>) dst(%dma_wait3A_113 : memref<128x128xf32, #tpu.memory_space<vmem_shared>>)
      tpu.yield
    }) : () -> ()
    %dma_wait3A = arith.constant 0 : i32
    %dma_wait3A_32 = tpu.memref_slice %arg3[%mul3A_2, %dma_wait3A] : memref<2560x128xi32, #tpu.memory_space<hbm>> -> memref<80x128xi32, #tpu.memory_space<hbm>>
    %dma_wait3A_33 = arith.constant 0 : i32
    %dma_wait3A_34 = tpu.memref_slice %arg3[%mul3A_2, %dma_wait3A_33] : memref<2560x128xi32, #tpu.memory_space<hbm>> -> memref<80x128xi32, #tpu.memory_space<hbm>>
    tpu.wait_dma2 semaphore(%arg12 : memref<!tpu.dma_semaphore, #tpu.memory_space<semaphore_mem>>) src(%dma_wait3A_34 : memref<80x128xi32, #tpu.memory_space<hbm>>) dst(%arg6 : memref<80x128xi32, #tpu.memory_space<vmem>>)
    %barrier3A = arith.constant 0 : index
    tpu.barrier barrier_id(%barrier3A)
    %dma_start3A_35 = arith.constant 0 : i32
    %dma_start3A_36 = arith.constant 0 : i32
    %dma_start3A_37 = tpu.memref_slice %arg6[%dma_start3A_35, %dma_start3A_36] : memref<80x128xi32, #tpu.memory_space<vmem>> -> memref<1x128xi32, #tpu.memory_space<vmem>>
    %dma_start3A_38 = tpu.memref_squeeze %dma_start3A_37 : memref<1x128xi32, #tpu.memory_space<vmem>> -> memref<128xi32, #tpu.memory_space<vmem>>
    %dma_start3A_39 = arith.constant 0 : i32
    %dma_start3A_40 = arith.constant 0 : i32
    %dma_start3A_41 = tpu.memref_slice %arg2[%dma_start3A_39, %dma_start3A_40] : memref<10000x128xf32, #tpu.memory_space<hbm>> -> memref<10000x128xf32, #tpu.memory_space<hbm>>
    tpu.enqueue_indirect_dma source(%dma_start3A_41 : memref<10000x128xf32, #tpu.memory_space<hbm>>) target(%arg9 : memref<128x128xf32, #tpu.memory_space<vmem>>) offsets(%dma_start3A_38 : memref<128xi32, #tpu.memory_space<vmem>>) semaphore(%arg12 : memref<!tpu.dma_semaphore, #tpu.memory_space<semaphore_mem>>)
    %add3A_42 = arith.constant 0 : i32
    %add3A_43 = arith.addi %mul3A_2, %add3A_42 : i32
    %dma_start3A_44 = arith.constant 0 : i32
    %dma_start3A_45 = tpu.memref_slice %arg4[%add3A_43, %dma_start3A_44] : memref<2560x128xi32, #tpu.memory_space<hbm>> -> memref<1x128xi32, #tpu.memory_space<hbm>>
    %dma_start3A_46 = tpu.memref_squeeze %dma_start3A_45 : memref<1x128xi32, #tpu.memory_space<hbm>> -> memref<128xi32, #tpu.memory_space<hbm>>
    %dma_start3A_47 = arith.constant 0 : i32
    %dma_start3A_48 = tpu.memref_slice %arg4[%add3A_43, %dma_start3A_47] : memref<2560x128xi32, #tpu.memory_space<hbm>> -> memref<1x128xi32, #tpu.memory_space<hbm>>
    %dma_start3A_49 = tpu.memref_squeeze %dma_start3A_48 : memref<1x128xi32, #tpu.memory_space<hbm>> -> memref<128xi32, #tpu.memory_space<hbm>>
    tpu.enqueue_dma source(%dma_start3A_49 : memref<128xi32, #tpu.memory_space<hbm>>) target(%arg7 : memref<128xi32, #tpu.memory_space<vmem>>) target_semaphore(%arg13 : memref<!tpu.dma_semaphore, #tpu.memory_space<semaphore_mem>>)
    %dma_start3A_50 = arith.constant 1 : i32
    %dma_start3A_51 = arith.constant 0 : i32
    %dma_start3A_52 = tpu.memref_slice %arg6[%dma_start3A_50, %dma_start3A_51] : memref<80x128xi32, #tpu.memory_space<vmem>> -> memref<1x128xi32, #tpu.memory_space<vmem>>
    %dma_start3A_53 = tpu.memref_squeeze %dma_start3A_52 : memref<1x128xi32, #tpu.memory_space<vmem>> -> memref<128xi32, #tpu.memory_space<vmem>>
    %dma_start3A_54 = arith.constant 0 : i32
    %dma_start3A_55 = arith.constant 0 : i32
    %dma_start3A_56 = tpu.memref_slice %arg2[%dma_start3A_54, %dma_start3A_55] : memref<10000x128xf32, #tpu.memory_space<hbm>> -> memref<10000x128xf32, #tpu.memory_space<hbm>>
    tpu.enqueue_indirect_dma source(%dma_start3A_56 : memref<10000x128xf32, #tpu.memory_space<hbm>>) target(%arg10 : memref<128x128xf32, #tpu.memory_space<vmem>>) offsets(%dma_start3A_53 : memref<128xi32, #tpu.memory_space<vmem>>) semaphore(%arg12 : memref<!tpu.dma_semaphore, #tpu.memory_space<semaphore_mem>>)
    %add3A_57 = arith.constant 1 : i32
    %add3A_58 = arith.addi %mul3A_2, %add3A_57 : i32
    %dma_start3A_59 = arith.constant 0 : i32
    %dma_start3A_60 = tpu.memref_slice %arg4[%add3A_58, %dma_start3A_59] : memref<2560x128xi32, #tpu.memory_space<hbm>> -> memref<1x128xi32, #tpu.memory_space<hbm>>
    %dma_start3A_61 = tpu.memref_squeeze %dma_start3A_60 : memref<1x128xi32, #tpu.memory_space<hbm>> -> memref<128xi32, #tpu.memory_space<hbm>>
    %dma_start3A_62 = arith.constant 0 : i32
    %dma_start3A_63 = tpu.memref_slice %arg4[%add3A_58, %dma_start3A_62] : memref<2560x128xi32, #tpu.memory_space<hbm>> -> memref<1x128xi32, #tpu.memory_space<hbm>>
    %dma_start3A_64 = tpu.memref_squeeze %dma_start3A_63 : memref<1x128xi32, #tpu.memory_space<hbm>> -> memref<128xi32, #tpu.memory_space<hbm>>
    tpu.enqueue_dma source(%dma_start3A_64 : memref<128xi32, #tpu.memory_space<hbm>>) target(%arg8 : memref<128xi32, #tpu.memory_space<vmem>>) target_semaphore(%arg13 : memref<!tpu.dma_semaphore, #tpu.memory_space<semaphore_mem>>)
    %scan3A_65 = arith.constant 0 : i32
    %scan3A_66 = arith.constant 0 : i32
    %scan3A_67 = arith.constant 39 : i32
    %scan3A_68 = arith.addi %scan3A_66, %scan3A_67 : i32
    %scan3A_69 = arith.constant 1 : i32
    %scan3A_70 = scf.for %scan3A_106 = %scan3A_66 to %scan3A_68 step %scan3A_69 iter_args(%scan3A_107 = %scan3A_65) -> (i32)  : i32 {
      %mul3A_108 = arith.constant 2 : i32
      %mul3A_109 = arith.muli %mul3A_108, %scan3A_106 : i32
      %dma_wait3A_110 = arith.constant 0 : i32
      %dma_wait3A_111 = arith.constant 0 : i32
      %dma_wait3A_112 = tpu.memref_slice %arg2[%dma_wait3A_110, %dma_wait3A_111] : memref<10000x128xf32, #tpu.memory_space<hbm>> -> memref<128x128xf32, #tpu.memory_space<hbm>>
      %dma_wait3A_113 = arith.constant 0 : i32
      %dma_wait3A_114 = arith.constant 0 : i32
      %dma_wait3A_115 = tpu.memref_slice %arg2[%dma_wait3A_113, %dma_wait3A_114] : memref<10000x128xf32, #tpu.memory_space<hbm>> -> memref<128x128xf32, #tpu.memory_space<hbm>>
      tpu.wait_dma2 semaphore(%arg12 : memref<!tpu.dma_semaphore, #tpu.memory_space<semaphore_mem>>) src(%dma_wait3A_115 : memref<128x128xf32, #tpu.memory_space<hbm>>) dst(%arg9 : memref<128x128xf32, #tpu.memory_space<vmem>>)
      %dma_wait3A_116 = arith.constant 0 : i32
      %dma_wait3A_117 = arith.constant 0 : i32
      %dma_wait3A_118 = tpu.memref_slice %arg4[%dma_wait3A_116, %dma_wait3A_117] : memref<2560x128xi32, #tpu.memory_space<hbm>> -> memref<1x128xi32, #tpu.memory_space<hbm>>
      %dma_wait3A_119 = tpu.memref_squeeze %dma_wait3A_118 : memref<1x128xi32, #tpu.memory_space<hbm>> -> memref<128xi32, #tpu.memory_space<hbm>>
      %dma_wait3A_120 = arith.constant 0 : i32
      %dma_wait3A_121 = tpu.memref_slice %arg4[%dma_wait3A_116, %dma_wait3A_120] : memref<2560x128xi32, #tpu.memory_space<hbm>> -> memref<1x128xi32, #tpu.memory_space<hbm>>
      %dma_wait3A_122 = tpu.memref_squeeze %dma_wait3A_121 : memref<1x128xi32, #tpu.memory_space<hbm>> -> memref<128xi32, #tpu.memory_space<hbm>>
      tpu.wait_dma2 semaphore(%arg13 : memref<!tpu.dma_semaphore, #tpu.memory_space<semaphore_mem>>) src(%dma_wait3A_122 : memref<128xi32, #tpu.memory_space<hbm>>) dst(%arg7 : memref<128xi32, #tpu.memory_space<vmem>>)
      "tpu.region"() ({
        %run_scoped3A = tpu.sem_alloc : memref<!tpu.dma_semaphore, #tpu.memory_space<semaphore_mem>>
        %dma_start3A_171 = arith.constant 0 : i32
        %dma_start3A_172 = arith.constant 0 : i32
        %dma_start3A_173 = tpu.memref_slice %arg11[%dma_start3A_171, %dma_start3A_172] : memref<10240x128xf32, #tpu.memory_space<vmem_shared>> -> memref<10240x128xf32, #tpu.memory_space<vmem_shared>>
        tpu.enqueue_indirect_dma source(%arg9 : memref<128x128xf32, #tpu.memory_space<vmem>>) target(%dma_start3A_173 : memref<10240x128xf32, #tpu.memory_space<vmem_shared>>) offsets(%arg7 : memref<128xi32, #tpu.memory_space<vmem>>) semaphore(%run_scoped3A : memref<!tpu.dma_semaphore, #tpu.memory_space<semaphore_mem>>) {add = true}
        %dma_wait3A_174 = arith.constant 0 : i32
        %dma_wait3A_175 = arith.constant 0 : i32
        %dma_wait3A_176 = tpu.memref_slice %arg11[%dma_wait3A_174, %dma_wait3A_175] : memref<10240x128xf32, #tpu.memory_space<vmem_shared>> -> memref<10240x128xf32, #tpu.memory_space<vmem_shared>>
        tpu.wait_indirect_dma semaphore(%run_scoped3A : memref<!tpu.dma_semaphore, #tpu.memory_space<semaphore_mem>>) src(%arg9 : memref<128x128xf32, #tpu.memory_space<vmem>>) dst(%dma_wait3A_176 : memref<10240x128xf32, #tpu.memory_space<vmem_shared>>)
        tpu.yield
      }) : () -> ()
      %add3A_123 = arith.constant 2 : i32
      %add3A_124 = arith.addi %mul3A_109, %add3A_123 : i32
      %dma_start3A_125 = arith.constant 0 : i32
      %dma_start3A_126 = tpu.memref_slice %arg6[%add3A_124, %dma_start3A_125] : memref<80x128xi32, #tpu.memory_space<vmem>> -> memref<1x128xi32, #tpu.memory_space<vmem>>
      %dma_start3A_127 = tpu.memref_squeeze %dma_start3A_126 : memref<1x128xi32, #tpu.memory_space<vmem>> -> memref<128xi32, #tpu.memory_space<vmem>>
      %dma_start3A_128 = arith.constant 0 : i32
      %dma_start3A_129 = arith.constant 0 : i32
      %dma_start3A_130 = tpu.memref_slice %arg2[%dma_start3A_128, %dma_start3A_129] : memref<10000x128xf32, #tpu.memory_space<hbm>> -> memref<10000x128xf32, #tpu.memory_space<hbm>>
      tpu.enqueue_indirect_dma source(%dma_start3A_130 : memref<10000x128xf32, #tpu.memory_space<hbm>>) target(%arg9 : memref<128x128xf32, #tpu.memory_space<vmem>>) offsets(%dma_start3A_127 : memref<128xi32, #tpu.memory_space<vmem>>) semaphore(%arg12 : memref<!tpu.dma_semaphore, #tpu.memory_space<semaphore_mem>>)
      %add3A_131 = arith.constant 2 : i32
      %add3A_132 = arith.addi %mul3A_109, %add3A_131 : i32
      %add3A_133 = arith.addi %mul3A_2, %add3A_132 : i32
      %dma_start3A_134 = arith.constant 0 : i32
      %dma_start3A_135 = tpu.memref_slice %arg4[%add3A_133, %dma_start3A_134] : memref<2560x128xi32, #tpu.memory_space<hbm>> -> memref<1x128xi32, #tpu.memory_space<hbm>>
      %dma_start3A_136 = tpu.memref_squeeze %dma_start3A_135 : memref<1x128xi32, #tpu.memory_space<hbm>> -> memref<128xi32, #tpu.memory_space<hbm>>
      %dma_start3A_137 = arith.constant 0 : i32
      %dma_start3A_138 = tpu.memref_slice %arg4[%add3A_133, %dma_start3A_137] : memref<2560x128xi32, #tpu.memory_space<hbm>> -> memref<1x128xi32, #tpu.memory_space<hbm>>
      %dma_start3A_139 = tpu.memref_squeeze %dma_start3A_138 : memref<1x128xi32, #tpu.memory_space<hbm>> -> memref<128xi32, #tpu.memory_space<hbm>>
      tpu.enqueue_dma source(%dma_start3A_139 : memref<128xi32, #tpu.memory_space<hbm>>) target(%arg7 : memref<128xi32, #tpu.memory_space<vmem>>) target_semaphore(%arg13 : memref<!tpu.dma_semaphore, #tpu.memory_space<semaphore_mem>>)
      %dma_wait3A_140 = arith.constant 0 : i32
      %dma_wait3A_141 = arith.constant 0 : i32
      %dma_wait3A_142 = tpu.memref_slice %arg2[%dma_wait3A_140, %dma_wait3A_141] : memref<10000x128xf32, #tpu.memory_space<hbm>> -> memref<128x128xf32, #tpu.memory_space<hbm>>
      %dma_wait3A_143 = arith.constant 0 : i32
      %dma_wait3A_144 = arith.constant 0 : i32
      %dma_wait3A_145 = tpu.memref_slice %arg2[%dma_wait3A_143, %dma_wait3A_144] : memref<10000x128xf32, #tpu.memory_space<hbm>> -> memref<128x128xf32, #tpu.memory_space<hbm>>
      tpu.wait_dma2 semaphore(%arg12 : memref<!tpu.dma_semaphore, #tpu.memory_space<semaphore_mem>>) src(%dma_wait3A_145 : memref<128x128xf32, #tpu.memory_space<hbm>>) dst(%arg10 : memref<128x128xf32, #tpu.memory_space<vmem>>)
      %dma_wait3A_146 = arith.constant 0 : i32
      %dma_wait3A_147 = arith.constant 0 : i32
      %dma_wait3A_148 = tpu.memref_slice %arg4[%dma_wait3A_146, %dma_wait3A_147] : memref<2560x128xi32, #tpu.memory_space<hbm>> -> memref<1x128xi32, #tpu.memory_space<hbm>>
      %dma_wait3A_149 = tpu.memref_squeeze %dma_wait3A_148 : memref<1x128xi32, #tpu.memory_space<hbm>> -> memref<128xi32, #tpu.memory_space<hbm>>
      %dma_wait3A_150 = arith.constant 0 : i32
      %dma_wait3A_151 = tpu.memref_slice %arg4[%dma_wait3A_146, %dma_wait3A_150] : memref<2560x128xi32, #tpu.memory_space<hbm>> -> memref<1x128xi32, #tpu.memory_space<hbm>>
      %dma_wait3A_152 = tpu.memref_squeeze %dma_wait3A_151 : memref<1x128xi32, #tpu.memory_space<hbm>> -> memref<128xi32, #tpu.memory_space<hbm>>
      tpu.wait_dma2 semaphore(%arg13 : memref<!tpu.dma_semaphore, #tpu.memory_space<semaphore_mem>>) src(%dma_wait3A_152 : memref<128xi32, #tpu.memory_space<hbm>>) dst(%arg8 : memref<128xi32, #tpu.memory_space<vmem>>)
      "tpu.region"() ({
        %run_scoped3A = tpu.sem_alloc : memref<!tpu.dma_semaphore, #tpu.memory_space<semaphore_mem>>
        %dma_start3A_171 = arith.constant 0 : i32
        %dma_start3A_172 = arith.constant 0 : i32
        %dma_start3A_173 = tpu.memref_slice %arg11[%dma_start3A_171, %dma_start3A_172] : memref<10240x128xf32, #tpu.memory_space<vmem_shared>> -> memref<10240x128xf32, #tpu.memory_space<vmem_shared>>
        tpu.enqueue_indirect_dma source(%arg10 : memref<128x128xf32, #tpu.memory_space<vmem>>) target(%dma_start3A_173 : memref<10240x128xf32, #tpu.memory_space<vmem_shared>>) offsets(%arg8 : memref<128xi32, #tpu.memory_space<vmem>>) semaphore(%run_scoped3A : memref<!tpu.dma_semaphore, #tpu.memory_space<semaphore_mem>>) {add = true}
        %dma_wait3A_174 = arith.constant 0 : i32
        %dma_wait3A_175 = arith.constant 0 : i32
        %dma_wait3A_176 = tpu.memref_slice %arg11[%dma_wait3A_174, %dma_wait3A_175] : memref<10240x128xf32, #tpu.memory_space<vmem_shared>> -> memref<10240x128xf32, #tpu.memory_space<vmem_shared>>
        tpu.wait_indirect_dma semaphore(%run_scoped3A : memref<!tpu.dma_semaphore, #tpu.memory_space<semaphore_mem>>) src(%arg10 : memref<128x128xf32, #tpu.memory_space<vmem>>) dst(%dma_wait3A_176 : memref<10240x128xf32, #tpu.memory_space<vmem_shared>>)
        tpu.yield
      }) : () -> ()
      %add3A_153 = arith.constant 3 : i32
      %add3A_154 = arith.addi %mul3A_109, %add3A_153 : i32
      %dma_start3A_155 = arith.constant 0 : i32
      %dma_start3A_156 = tpu.memref_slice %arg6[%add3A_154, %dma_start3A_155] : memref<80x128xi32, #tpu.memory_space<vmem>> -> memref<1x128xi32, #tpu.memory_space<vmem>>
      %dma_start3A_157 = tpu.memref_squeeze %dma_start3A_156 : memref<1x128xi32, #tpu.memory_space<vmem>> -> memref<128xi32, #tpu.memory_space<vmem>>
      %dma_start3A_158 = arith.constant 0 : i32
      %dma_start3A_159 = arith.constant 0 : i32
      %dma_start3A_160 = tpu.memref_slice %arg2[%dma_start3A_158, %dma_start3A_159] : memref<10000x128xf32, #tpu.memory_space<hbm>> -> memref<10000x128xf32, #tpu.memory_space<hbm>>
      tpu.enqueue_indirect_dma source(%dma_start3A_160 : memref<10000x128xf32, #tpu.memory_space<hbm>>) target(%arg10 : memref<128x128xf32, #tpu.memory_space<vmem>>) offsets(%dma_start3A_157 : memref<128xi32, #tpu.memory_space<vmem>>) semaphore(%arg12 : memref<!tpu.dma_semaphore, #tpu.memory_space<semaphore_mem>>)
      %add3A_161 = arith.constant 3 : i32
      %add3A_162 = arith.addi %mul3A_109, %add3A_161 : i32
      %add3A_163 = arith.addi %mul3A_2, %add3A_162 : i32
      %dma_start3A_164 = arith.constant 0 : i32
      %dma_start3A_165 = tpu.memref_slice %arg4[%add3A_163, %dma_start3A_164] : memref<2560x128xi32, #tpu.memory_space<hbm>> -> memref<1x128xi32, #tpu.memory_space<hbm>>
      %dma_start3A_166 = tpu.memref_squeeze %dma_start3A_165 : memref<1x128xi32, #tpu.memory_space<hbm>> -> memref<128xi32, #tpu.memory_space<hbm>>
      %dma_start3A_167 = arith.constant 0 : i32
      %dma_start3A_168 = tpu.memref_slice %arg4[%add3A_163, %dma_start3A_167] : memref<2560x128xi32, #tpu.memory_space<hbm>> -> memref<1x128xi32, #tpu.memory_space<hbm>>
      %dma_start3A_169 = tpu.memref_squeeze %dma_start3A_168 : memref<1x128xi32, #tpu.memory_space<hbm>> -> memref<128xi32, #tpu.memory_space<hbm>>
      tpu.enqueue_dma source(%dma_start3A_169 : memref<128xi32, #tpu.memory_space<hbm>>) target(%arg8 : memref<128xi32, #tpu.memory_space<vmem>>) target_semaphore(%arg13 : memref<!tpu.dma_semaphore, #tpu.memory_space<semaphore_mem>>)
      %scan3A_170 = arith.constant 0 : i32
      scf.yield %scan3A_170 : i32
    }
    %scan3A_71 = arith.constant 39 : i32
    %dma_wait3A_72 = arith.constant 0 : i32
    %dma_wait3A_73 = arith.constant 0 : i32
    %dma_wait3A_74 = tpu.memref_slice %arg2[%dma_wait3A_72, %dma_wait3A_73] : memref<10000x128xf32, #tpu.memory_space<hbm>> -> memref<128x128xf32, #tpu.memory_space<hbm>>
    %dma_wait3A_75 = arith.constant 0 : i32
    %dma_wait3A_76 = arith.constant 0 : i32
    %dma_wait3A_77 = tpu.memref_slice %arg2[%dma_wait3A_75, %dma_wait3A_76] : memref<10000x128xf32, #tpu.memory_space<hbm>> -> memref<128x128xf32, #tpu.memory_space<hbm>>
    tpu.wait_dma2 semaphore(%arg12 : memref<!tpu.dma_semaphore, #tpu.memory_space<semaphore_mem>>) src(%dma_wait3A_77 : memref<128x128xf32, #tpu.memory_space<hbm>>) dst(%arg9 : memref<128x128xf32, #tpu.memory_space<vmem>>)
    %dma_wait3A_78 = arith.constant 0 : i32
    %dma_wait3A_79 = arith.constant 0 : i32
    %dma_wait3A_80 = tpu.memref_slice %arg4[%dma_wait3A_78, %dma_wait3A_79] : memref<2560x128xi32, #tpu.memory_space<hbm>> -> memref<1x128xi32, #tpu.memory_space<hbm>>
    %dma_wait3A_81 = tpu.memref_squeeze %dma_wait3A_80 : memref<1x128xi32, #tpu.memory_space<hbm>> -> memref<128xi32, #tpu.memory_space<hbm>>
    %dma_wait3A_82 = arith.constant 0 : i32
    %dma_wait3A_83 = tpu.memref_slice %arg4[%dma_wait3A_78, %dma_wait3A_82] : memref<2560x128xi32, #tpu.memory_space<hbm>> -> memref<1x128xi32, #tpu.memory_space<hbm>>
    %dma_wait3A_84 = tpu.memref_squeeze %dma_wait3A_83 : memref<1x128xi32, #tpu.memory_space<hbm>> -> memref<128xi32, #tpu.memory_space<hbm>>
    tpu.wait_dma2 semaphore(%arg13 : memref<!tpu.dma_semaphore, #tpu.memory_space<semaphore_mem>>) src(%dma_wait3A_84 : memref<128xi32, #tpu.memory_space<hbm>>) dst(%arg7 : memref<128xi32, #tpu.memory_space<vmem>>)
    "tpu.region"() ({
      %run_scoped3A = tpu.sem_alloc : memref<!tpu.dma_semaphore, #tpu.memory_space<semaphore_mem>>
      %dma_start3A_106 = arith.constant 0 : i32
      %dma_start3A_107 = arith.constant 0 : i32
      %dma_start3A_108 = tpu.memref_slice %arg11[%dma_start3A_106, %dma_start3A_107] : memref<10240x128xf32, #tpu.memory_space<vmem_shared>> -> memref<10240x128xf32, #tpu.memory_space<vmem_shared>>
      tpu.enqueue_indirect_dma source(%arg9 : memref<128x128xf32, #tpu.memory_space<vmem>>) target(%dma_start3A_108 : memref<10240x128xf32, #tpu.memory_space<vmem_shared>>) offsets(%arg7 : memref<128xi32, #tpu.memory_space<vmem>>) semaphore(%run_scoped3A : memref<!tpu.dma_semaphore, #tpu.memory_space<semaphore_mem>>) {add = true}
      %dma_wait3A_109 = arith.constant 0 : i32
      %dma_wait3A_110 = arith.constant 0 : i32
      %dma_wait3A_111 = tpu.memref_slice %arg11[%dma_wait3A_109, %dma_wait3A_110] : memref<10240x128xf32, #tpu.memory_space<vmem_shared>> -> memref<10240x128xf32, #tpu.memory_space<vmem_shared>>
      tpu.wait_indirect_dma semaphore(%run_scoped3A : memref<!tpu.dma_semaphore, #tpu.memory_space<semaphore_mem>>) src(%arg9 : memref<128x128xf32, #tpu.memory_space<vmem>>) dst(%dma_wait3A_111 : memref<10240x128xf32, #tpu.memory_space<vmem_shared>>)
      tpu.yield
    }) : () -> ()
    %dma_wait3A_85 = arith.constant 0 : i32
    %dma_wait3A_86 = arith.constant 0 : i32
    %dma_wait3A_87 = tpu.memref_slice %arg2[%dma_wait3A_85, %dma_wait3A_86] : memref<10000x128xf32, #tpu.memory_space<hbm>> -> memref<128x128xf32, #tpu.memory_space<hbm>>
    %dma_wait3A_88 = arith.constant 0 : i32
    %dma_wait3A_89 = arith.constant 0 : i32
    %dma_wait3A_90 = tpu.memref_slice %arg2[%dma_wait3A_88, %dma_wait3A_89] : memref<10000x128xf32, #tpu.memory_space<hbm>> -> memref<128x128xf32, #tpu.memory_space<hbm>>
    tpu.wait_dma2 semaphore(%arg12 : memref<!tpu.dma_semaphore, #tpu.memory_space<semaphore_mem>>) src(%dma_wait3A_90 : memref<128x128xf32, #tpu.memory_space<hbm>>) dst(%arg10 : memref<128x128xf32, #tpu.memory_space<vmem>>)
    %dma_wait3A_91 = arith.constant 0 : i32
    %dma_wait3A_92 = arith.constant 0 : i32
    %dma_wait3A_93 = tpu.memref_slice %arg4[%dma_wait3A_91, %dma_wait3A_92] : memref<2560x128xi32, #tpu.memory_space<hbm>> -> memref<1x128xi32, #tpu.memory_space<hbm>>
    %dma_wait3A_94 = tpu.memref_squeeze %dma_wait3A_93 : memref<1x128xi32, #tpu.memory_space<hbm>> -> memref<128xi32, #tpu.memory_space<hbm>>
    %dma_wait3A_95 = arith.constant 0 : i32
    %dma_wait3A_96 = tpu.memref_slice %arg4[%dma_wait3A_91, %dma_wait3A_95] : memref<2560x128xi32, #tpu.memory_space<hbm>> -> memref<1x128xi32, #tpu.memory_space<hbm>>
    %dma_wait3A_97 = tpu.memref_squeeze %dma_wait3A_96 : memref<1x128xi32, #tpu.memory_space<hbm>> -> memref<128xi32, #tpu.memory_space<hbm>>
    tpu.wait_dma2 semaphore(%arg13 : memref<!tpu.dma_semaphore, #tpu.memory_space<semaphore_mem>>) src(%dma_wait3A_97 : memref<128xi32, #tpu.memory_space<hbm>>) dst(%arg8 : memref<128xi32, #tpu.memory_space<vmem>>)
    "tpu.region"() ({
      %run_scoped3A = tpu.sem_alloc : memref<!tpu.dma_semaphore, #tpu.memory_space<semaphore_mem>>
      %dma_start3A_106 = arith.constant 0 : i32
      %dma_start3A_107 = arith.constant 0 : i32
      %dma_start3A_108 = tpu.memref_slice %arg11[%dma_start3A_106, %dma_start3A_107] : memref<10240x128xf32, #tpu.memory_space<vmem_shared>> -> memref<10240x128xf32, #tpu.memory_space<vmem_shared>>
      tpu.enqueue_indirect_dma source(%arg10 : memref<128x128xf32, #tpu.memory_space<vmem>>) target(%dma_start3A_108 : memref<10240x128xf32, #tpu.memory_space<vmem_shared>>) offsets(%arg8 : memref<128xi32, #tpu.memory_space<vmem>>) semaphore(%run_scoped3A : memref<!tpu.dma_semaphore, #tpu.memory_space<semaphore_mem>>) {add = true}
      %dma_wait3A_109 = arith.constant 0 : i32
      %dma_wait3A_110 = arith.constant 0 : i32
      %dma_wait3A_111 = tpu.memref_slice %arg11[%dma_wait3A_109, %dma_wait3A_110] : memref<10240x128xf32, #tpu.memory_space<vmem_shared>> -> memref<10240x128xf32, #tpu.memory_space<vmem_shared>>
      tpu.wait_indirect_dma semaphore(%run_scoped3A : memref<!tpu.dma_semaphore, #tpu.memory_space<semaphore_mem>>) src(%arg10 : memref<128x128xf32, #tpu.memory_space<vmem>>) dst(%dma_wait3A_111 : memref<10240x128xf32, #tpu.memory_space<vmem_shared>>)
      tpu.yield
    }) : () -> ()
    %barrier3A_98 = arith.constant 0 : index
    tpu.barrier barrier_id(%barrier3A_98)
    %mul3A_99 = arith.constant 640 : i32
    %mul3A_100 = arith.muli %arg1, %mul3A_99 : i32
    %mul3A_101 = arith.constant 10240 : i32
    %mul3A_102 = arith.muli %arg0, %mul3A_101 : i32
    %mul3A_103 = arith.constant 640 : i32
    %mul3A_104 = arith.muli %arg1, %mul3A_103 : i32
    %add3A_105 = arith.addi %mul3A_102, %mul3A_104 : i32
    "tpu.region"() ({
      %run_scoped3A = tpu.sem_alloc : memref<!tpu.dma_semaphore, #tpu.memory_space<semaphore_mem>>
      %dma_start3A_106 = arith.constant 0 : i32
      %dma_start3A_107 = tpu.memref_slice %arg5[%add3A_105, %dma_start3A_106] : memref<20480x128xf32, #tpu.memory_space<hbm>> -> memref<640x128xf32, #tpu.memory_space<hbm>>
      %dma_start3A_108 = arith.constant 0 : i32
      %dma_start3A_109 = tpu.memref_slice %arg11[%mul3A_100, %dma_start3A_108] : memref<10240x128xf32, #tpu.memory_space<vmem_shared>> -> memref<640x128xf32, #tpu.memory_space<vmem_shared>>
      tpu.enqueue_dma source(%dma_start3A_109 : memref<640x128xf32, #tpu.memory_space<vmem_shared>>) target(%dma_start3A_107 : memref<640x128xf32, #tpu.memory_space<hbm>>) target_semaphore(%run_scoped3A : memref<!tpu.dma_semaphore, #tpu.memory_space<semaphore_mem>>)
      %dma_wait3A_110 = arith.constant 0 : i32
      %dma_wait3A_111 = tpu.memref_slice %arg5[%add3A_105, %dma_wait3A_110] : memref<20480x128xf32, #tpu.memory_space<hbm>> -> memref<640x128xf32, #tpu.memory_space<hbm>>
      %dma_wait3A_112 = arith.constant 0 : i32
      %dma_wait3A_113 = tpu.memref_slice %arg11[%mul3A_100, %dma_wait3A_112] : memref<10240x128xf32, #tpu.memory_space<vmem_shared>> -> memref<640x128xf32, #tpu.memory_space<vmem_shared>>
      tpu.wait_dma2 semaphore(%run_scoped3A : memref<!tpu.dma_semaphore, #tpu.memory_space<semaphore_mem>>) src(%dma_wait3A_113 : memref<640x128xf32, #tpu.memory_space<vmem_shared>>) dst(%dma_wait3A_111 : memref<640x128xf32, #tpu.memory_space<hbm>>)
      tpu.yield
    }) : () -> ()
    return
  }
}

#map = affine_map<(d0, d1) -> (0, 0)>
module attributes {stable_mosaic.version = 14 : i64} {
  func.func @_agg_body(%arg0: i32, %arg1: i32, %arg2: memref<10000x128xf32, #tpu.memory_space<hbm>>, %arg3: memref<2560x128xi32, #tpu.memory_space<hbm>>, %arg4: memref<2560x128xi32, #tpu.memory_space<hbm>>, %arg5: memref<20480x128xf32, #tpu.memory_space<hbm>>, %arg6: memref<80x128xi32, #tpu.memory_space<vmem>>, %arg7: memref<128xi32, #tpu.memory_space<vmem>>, %arg8: memref<128xi32, #tpu.memory_space<vmem>>, %arg9: memref<128x128xf32, #tpu.memory_space<vmem>>, %arg10: memref<128x128xf32, #tpu.memory_space<vmem>>, %arg11: memref<10240x128xf32, #tpu.memory_space<vmem_shared>>, %arg12: memref<!tpu.dma_semaphore, #tpu.memory_space<semaphore_mem>>, %arg13: memref<!tpu.dma_semaphore, #tpu.memory_space<semaphore_mem>>) attributes {dimension_semantics = [#tpu.dimension_semantics<core_parallel>, #tpu.dimension_semantics<subcore_parallel>], iteration_bounds = array<i64: 2, 16>, scalar_prefetch = 0 : i64, scratch_operands = 8 : i64, tpu.core_type = #tpu.core_type<sc_vector_subcore>, window_params = [{transform_indices = #map}, {transform_indices = #map}, {transform_indices = #map}, {transform_indices = #map}]} {
    %mul3A = arith.constant 16 : i32
    %mul3A_0 = arith.muli %arg0, %mul3A : i32
    %add3A = arith.addi %mul3A_0, %arg1 : i32
    %mul3A_1 = arith.constant 80 : i32
    %mul3A_2 = arith.muli %add3A, %mul3A_1 : i32
    %dma_start3A = arith.constant 0 : i32
    %dma_start3A_3 = tpu.memref_slice %arg3[%mul3A_2, %dma_start3A] : memref<2560x128xi32, #tpu.memory_space<hbm>> -> memref<80x128xi32, #tpu.memory_space<hbm>>
    %dma_start3A_4 = arith.constant 0 : i32
    %dma_start3A_5 = tpu.memref_slice %arg3[%mul3A_2, %dma_start3A_4] : memref<2560x128xi32, #tpu.memory_space<hbm>> -> memref<80x128xi32, #tpu.memory_space<hbm>>
    tpu.enqueue_dma source(%dma_start3A_5 : memref<80x128xi32, #tpu.memory_space<hbm>>) target(%arg6 : memref<80x128xi32, #tpu.memory_space<vmem>>) target_semaphore(%arg12 : memref<!tpu.dma_semaphore, #tpu.memory_space<semaphore_mem>>)
    %scan3A = arith.constant 0 : i32
    %scan3A_6 = arith.constant 0 : i32
    %scan3A_7 = arith.constant 128 : i32
    %scan3A_8 = arith.addi %scan3A_6, %scan3A_7 : i32
    %scan3A_9 = arith.constant 1 : i32
    %scan3A_10 = scf.for %scan3A_106 = %scan3A_6 to %scan3A_8 step %scan3A_9 iter_args(%scan3A_107 = %scan3A) -> (i32)  : i32 {
      %scan3A_108 = arith.constant 0 : i32
      %scan3A_109 = arith.constant 0 : i32
      %scan3A_110 = arith.constant 8 : i32
      %scan3A_111 = arith.addi %scan3A_109, %scan3A_110 : i32
      %scan3A_112 = arith.constant 1 : i32
      %scan3A_113 = scf.for %scan3A_115 = %scan3A_109 to %scan3A_111 step %scan3A_112 iter_args(%scan3A_116 = %scan3A_108) -> (i32)  : i32 {
        %broadcast_in_dim3A = arith.constant 0.000000e+00 : f32
        %broadcast_in_dim3A_117 = vector.broadcast %broadcast_in_dim3A : f32 to vector<16xf32>
        %mul3A_118 = arith.constant 16 : i32
        %mul3A_119 = arith.muli %scan3A_115, %mul3A_118 : i32
        %swap3A = arith.index_cast %scan3A_106 : i32 to index
        %swap3A_120 = arith.index_cast %mul3A_119 : i32 to index
        %swap3A_121 = tpu.vector_load %arg9[%swap3A, %swap3A_120] {strides = array<i32>} : memref<128x128xf32, #tpu.memory_space<vmem>>, vector<1x16xf32>,
        %swap3A_122 = vector.shape_cast %swap3A_121 : vector<1x16xf32> to vector<16xf32>
        %swap3A_123 = vector.shape_cast %broadcast_in_dim3A_117 : vector<16xf32> to vector<1x16xf32>
        tpu.vector_store %arg9[%swap3A, %swap3A_120], %swap3A_123 {strides = array<i32>} : memref<128x128xf32, #tpu.memory_space<vmem>>, vector<1x16xf32>,
        %scan3A_124 = arith.constant 0 : i32
        scf.yield %scan3A_124 : i32
      }
      %scan3A_114 = arith.constant 8 : i32
      scf.yield %scan3A_113 : i32
    }
    %scan3A_11 = arith.constant 128 : i32
    %mul3A_12 = arith.constant 640 : i32
    %mul3A_13 = arith.muli %arg1, %mul3A_12 : i32
    %add3A_14 = arith.constant 0 : i32
    %add3A_15 = arith.addi %mul3A_13, %add3A_14 : i32
    "tpu.region"() ({
      %run_scoped3A = tpu.sem_alloc : memref<!tpu.dma_semaphore, #tpu.memory_space<semaphore_mem>>
      %dma_start3A_106 = arith.constant 0 : i32
      %dma_start3A_107 = tpu.memref_slice %arg11[%add3A_15, %dma_start3A_106] : memref<10240x128xf32, #tpu.memory_space<vmem_shared>> -> memref<128x128xf32, #tpu.memory_space<vmem_shared>>
      %dma_start3A_108 = arith.constant 0 : i32
      %dma_start3A_109 = tpu.memref_slice %arg11[%add3A_15, %dma_start3A_108] : memref<10240x128xf32, #tpu.memory_space<vmem_shared>> -> memref<128x128xf32, #tpu.memory_space<vmem_shared>>
      tpu.enqueue_dma source(%arg9 : memref<128x128xf32, #tpu.memory_space<vmem>>) target(%dma_start3A_109 : memref<128x128xf32, #tpu.memory_space<vmem_shared>>) target_semaphore(%run_scoped3A : memref<!tpu.dma_semaphore, #tpu.memory_space<semaphore_mem>>)
      %dma_wait3A_110 = arith.constant 0 : i32
      %dma_wait3A_111 = tpu.memref_slice %arg11[%add3A_15, %dma_wait3A_110] : memref<10240x128xf32, #tpu.memory_space<vmem_shared>> -> memref<128x128xf32, #tpu.memory_space<vmem_shared>>
      %dma_wait3A_112 = arith.constant 0 : i32
      %dma_wait3A_113 = tpu.memref_slice %arg11[%add3A_15, %dma_wait3A_112] : memref<10240x128xf32, #tpu.memory_space<vmem_shared>> -> memref<128x128xf32, #tpu.memory_space<vmem_shared>>
      tpu.wait_dma2 semaphore(%run_scoped3A : memref<!tpu.dma_semaphore, #tpu.memory_space<semaphore_mem>>) src(%arg9 : memref<128x128xf32, #tpu.memory_space<vmem>>) dst(%dma_wait3A_113 : memref<128x128xf32, #tpu.memory_space<vmem_shared>>)
      tpu.yield
    }) : () -> ()
    %mul3A_16 = arith.constant 640 : i32
    %mul3A_17 = arith.muli %arg1, %mul3A_16 : i32
    %add3A_18 = arith.constant 128 : i32
    %add3A_19 = arith.addi %mul3A_17, %add3A_18 : i32
    "tpu.region"() ({
      %run_scoped3A = tpu.sem_alloc : memref<!tpu.dma_semaphore, #tpu.memory_space<semaphore_mem>>
      %dma_start3A_106 = arith.constant 0 : i32
      %dma_start3A_107 = tpu.memref_slice %arg11[%add3A_19, %dma_start3A_106] : memref<10240x128xf32, #tpu.memory_space<vmem_shared>> -> memref<128x128xf32, #tpu.memory_space<vmem_shared>>
      %dma_start3A_108 = arith.constant 0 : i32
      %dma_start3A_109 = tpu.memref_slice %arg11[%add3A_19, %dma_start3A_108] : memref<10240x128xf32, #tpu.memory_space<vmem_shared>> -> memref<128x128xf32, #tpu.memory_space<vmem_shared>>
      tpu.enqueue_dma source(%arg9 : memref<128x128xf32, #tpu.memory_space<vmem>>) target(%dma_start3A_109 : memref<128x128xf32, #tpu.memory_space<vmem_shared>>) target_semaphore(%run_scoped3A : memref<!tpu.dma_semaphore, #tpu.memory_space<semaphore_mem>>)
      %dma_wait3A_110 = arith.constant 0 : i32
      %dma_wait3A_111 = tpu.memref_slice %arg11[%add3A_19, %dma_wait3A_110] : memref<10240x128xf32, #tpu.memory_space<vmem_shared>> -> memref<128x128xf32, #tpu.memory_space<vmem_shared>>
      %dma_wait3A_112 = arith.constant 0 : i32
      %dma_wait3A_113 = tpu.memref_slice %arg11[%add3A_19, %dma_wait3A_112] : memref<10240x128xf32, #tpu.memory_space<vmem_shared>> -> memref<128x128xf32, #tpu.memory_space<vmem_shared>>
      tpu.wait_dma2 semaphore(%run_scoped3A : memref<!tpu.dma_semaphore, #tpu.memory_space<semaphore_mem>>) src(%arg9 : memref<128x128xf32, #tpu.memory_space<vmem>>) dst(%dma_wait3A_113 : memref<128x128xf32, #tpu.memory_space<vmem_shared>>)
      tpu.yield
    }) : () -> ()
    %mul3A_20 = arith.constant 640 : i32
    %mul3A_21 = arith.muli %arg1, %mul3A_20 : i32
    %add3A_22 = arith.constant 256 : i32
    %add3A_23 = arith.addi %mul3A_21, %add3A_22 : i32
    "tpu.region"() ({
      %run_scoped3A = tpu.sem_alloc : memref<!tpu.dma_semaphore, #tpu.memory_space<semaphore_mem>>
      %dma_start3A_106 = arith.constant 0 : i32
      %dma_start3A_107 = tpu.memref_slice %arg11[%add3A_23, %dma_start3A_106] : memref<10240x128xf32, #tpu.memory_space<vmem_shared>> -> memref<128x128xf32, #tpu.memory_space<vmem_shared>>
      %dma_start3A_108 = arith.constant 0 : i32
      %dma_start3A_109 = tpu.memref_slice %arg11[%add3A_23, %dma_start3A_108] : memref<10240x128xf32, #tpu.memory_space<vmem_shared>> -> memref<128x128xf32, #tpu.memory_space<vmem_shared>>
      tpu.enqueue_dma source(%arg9 : memref<128x128xf32, #tpu.memory_space<vmem>>) target(%dma_start3A_109 : memref<128x128xf32, #tpu.memory_space<vmem_shared>>) target_semaphore(%run_scoped3A : memref<!tpu.dma_semaphore, #tpu.memory_space<semaphore_mem>>)
      %dma_wait3A_110 = arith.constant 0 : i32
      %dma_wait3A_111 = tpu.memref_slice %arg11[%add3A_23, %dma_wait3A_110] : memref<10240x128xf32, #tpu.memory_space<vmem_shared>> -> memref<128x128xf32, #tpu.memory_space<vmem_shared>>
      %dma_wait3A_112 = arith.constant 0 : i32
      %dma_wait3A_113 = tpu.memref_slice %arg11[%add3A_23, %dma_wait3A_112] : memref<10240x128xf32, #tpu.memory_space<vmem_shared>> -> memref<128x128xf32, #tpu.memory_space<vmem_shared>>
      tpu.wait_dma2 semaphore(%run_scoped3A : memref<!tpu.dma_semaphore, #tpu.memory_space<semaphore_mem>>) src(%arg9 : memref<128x128xf32, #tpu.memory_space<vmem>>) dst(%dma_wait3A_113 : memref<128x128xf32, #tpu.memory_space<vmem_shared>>)
      tpu.yield
    }) : () -> ()
    %mul3A_24 = arith.constant 640 : i32
    %mul3A_25 = arith.muli %arg1, %mul3A_24 : i32
    %add3A_26 = arith.constant 384 : i32
    %add3A_27 = arith.addi %mul3A_25, %add3A_26 : i32
    "tpu.region"() ({
      %run_scoped3A = tpu.sem_alloc : memref<!tpu.dma_semaphore, #tpu.memory_space<semaphore_mem>>
      %dma_start3A_106 = arith.constant 0 : i32
      %dma_start3A_107 = tpu.memref_slice %arg11[%add3A_27, %dma_start3A_106] : memref<10240x128xf32, #tpu.memory_space<vmem_shared>> -> memref<128x128xf32, #tpu.memory_space<vmem_shared>>
      %dma_start3A_108 = arith.constant 0 : i32
      %dma_start3A_109 = tpu.memref_slice %arg11[%add3A_27, %dma_start3A_108] : memref<10240x128xf32, #tpu.memory_space<vmem_shared>> -> memref<128x128xf32, #tpu.memory_space<vmem_shared>>
      tpu.enqueue_dma source(%arg9 : memref<128x128xf32, #tpu.memory_space<vmem>>) target(%dma_start3A_109 : memref<128x128xf32, #tpu.memory_space<vmem_shared>>) target_semaphore(%run_scoped3A : memref<!tpu.dma_semaphore, #tpu.memory_space<semaphore_mem>>)
      %dma_wait3A_110 = arith.constant 0 : i32
      %dma_wait3A_111 = tpu.memref_slice %arg11[%add3A_27, %dma_wait3A_110] : memref<10240x128xf32, #tpu.memory_space<vmem_shared>> -> memref<128x128xf32, #tpu.memory_space<vmem_shared>>
      %dma_wait3A_112 = arith.constant 0 : i32
      %dma_wait3A_113 = tpu.memref_slice %arg11[%add3A_27, %dma_wait3A_112] : memref<10240x128xf32, #tpu.memory_space<vmem_shared>> -> memref<128x128xf32, #tpu.memory_space<vmem_shared>>
      tpu.wait_dma2 semaphore(%run_scoped3A : memref<!tpu.dma_semaphore, #tpu.memory_space<semaphore_mem>>) src(%arg9 : memref<128x128xf32, #tpu.memory_space<vmem>>) dst(%dma_wait3A_113 : memref<128x128xf32, #tpu.memory_space<vmem_shared>>)
      tpu.yield
    }) : () -> ()
    %mul3A_28 = arith.constant 640 : i32
    %mul3A_29 = arith.muli %arg1, %mul3A_28 : i32
    %add3A_30 = arith.constant 512 : i32
    %add3A_31 = arith.addi %mul3A_29, %add3A_30 : i32
    "tpu.region"() ({
      %run_scoped3A = tpu.sem_alloc : memref<!tpu.dma_semaphore, #tpu.memory_space<semaphore_mem>>
      %dma_start3A_106 = arith.constant 0 : i32
      %dma_start3A_107 = tpu.memref_slice %arg11[%add3A_31, %dma_start3A_106] : memref<10240x128xf32, #tpu.memory_space<vmem_shared>> -> memref<128x128xf32, #tpu.memory_space<vmem_shared>>
      %dma_start3A_108 = arith.constant 0 : i32
      %dma_start3A_109 = tpu.memref_slice %arg11[%add3A_31, %dma_start3A_108] : memref<10240x128xf32, #tpu.memory_space<vmem_shared>> -> memref<128x128xf32, #tpu.memory_space<vmem_shared>>
      tpu.enqueue_dma source(%arg9 : memref<128x128xf32, #tpu.memory_space<vmem>>) target(%dma_start3A_109 : memref<128x128xf32, #tpu.memory_space<vmem_shared>>) target_semaphore(%run_scoped3A : memref<!tpu.dma_semaphore, #tpu.memory_space<semaphore_mem>>)
      %dma_wait3A_110 = arith.constant 0 : i32
      %dma_wait3A_111 = tpu.memref_slice %arg11[%add3A_31, %dma_wait3A_110] : memref<10240x128xf32, #tpu.memory_space<vmem_shared>> -> memref<128x128xf32, #tpu.memory_space<vmem_shared>>
      %dma_wait3A_112 = arith.constant 0 : i32
      %dma_wait3A_113 = tpu.memref_slice %arg11[%add3A_31, %dma_wait3A_112] : memref<10240x128xf32, #tpu.memory_space<vmem_shared>> -> memref<128x128xf32, #tpu.memory_space<vmem_shared>>
      tpu.wait_dma2 semaphore(%run_scoped3A : memref<!tpu.dma_semaphore, #tpu.memory_space<semaphore_mem>>) src(%arg9 : memref<128x128xf32, #tpu.memory_space<vmem>>) dst(%dma_wait3A_113 : memref<128x128xf32, #tpu.memory_space<vmem_shared>>)
      tpu.yield
    }) : () -> ()
    %dma_wait3A = arith.constant 0 : i32
    %dma_wait3A_32 = tpu.memref_slice %arg3[%mul3A_2, %dma_wait3A] : memref<2560x128xi32, #tpu.memory_space<hbm>> -> memref<80x128xi32, #tpu.memory_space<hbm>>
    %dma_wait3A_33 = arith.constant 0 : i32
    %dma_wait3A_34 = tpu.memref_slice %arg3[%mul3A_2, %dma_wait3A_33] : memref<2560x128xi32, #tpu.memory_space<hbm>> -> memref<80x128xi32, #tpu.memory_space<hbm>>
    tpu.wait_dma2 semaphore(%arg12 : memref<!tpu.dma_semaphore, #tpu.memory_space<semaphore_mem>>) src(%dma_wait3A_34 : memref<80x128xi32, #tpu.memory_space<hbm>>) dst(%arg6 : memref<80x128xi32, #tpu.memory_space<vmem>>)
    %barrier3A = arith.constant 0 : index
    tpu.barrier barrier_id(%barrier3A)
    %dma_start3A_35 = arith.constant 0 : i32
    %dma_start3A_36 = arith.constant 0 : i32
    %dma_start3A_37 = tpu.memref_slice %arg6[%dma_start3A_35, %dma_start3A_36] : memref<80x128xi32, #tpu.memory_space<vmem>> -> memref<1x128xi32, #tpu.memory_space<vmem>>
    %dma_start3A_38 = tpu.memref_squeeze %dma_start3A_37 : memref<1x128xi32, #tpu.memory_space<vmem>> -> memref<128xi32, #tpu.memory_space<vmem>>
    %dma_start3A_39 = arith.constant 0 : i32
    %dma_start3A_40 = arith.constant 0 : i32
    %dma_start3A_41 = tpu.memref_slice %arg2[%dma_start3A_39, %dma_start3A_40] : memref<10000x128xf32, #tpu.memory_space<hbm>> -> memref<10000x128xf32, #tpu.memory_space<hbm>>
    tpu.enqueue_indirect_dma source(%dma_start3A_41 : memref<10000x128xf32, #tpu.memory_space<hbm>>) target(%arg9 : memref<128x128xf32, #tpu.memory_space<vmem>>) offsets(%dma_start3A_38 : memref<128xi32, #tpu.memory_space<vmem>>) semaphore(%arg12 : memref<!tpu.dma_semaphore, #tpu.memory_space<semaphore_mem>>)
    %add3A_42 = arith.constant 0 : i32
    %add3A_43 = arith.addi %mul3A_2, %add3A_42 : i32
    %dma_start3A_44 = arith.constant 0 : i32
    %dma_start3A_45 = tpu.memref_slice %arg4[%add3A_43, %dma_start3A_44] : memref<2560x128xi32, #tpu.memory_space<hbm>> -> memref<1x128xi32, #tpu.memory_space<hbm>>
    %dma_start3A_46 = tpu.memref_squeeze %dma_start3A_45 : memref<1x128xi32, #tpu.memory_space<hbm>> -> memref<128xi32, #tpu.memory_space<hbm>>
    %dma_start3A_47 = arith.constant 0 : i32
    %dma_start3A_48 = tpu.memref_slice %arg4[%add3A_43, %dma_start3A_47] : memref<2560x128xi32, #tpu.memory_space<hbm>> -> memref<1x128xi32, #tpu.memory_space<hbm>>
    %dma_start3A_49 = tpu.memref_squeeze %dma_start3A_48 : memref<1x128xi32, #tpu.memory_space<hbm>> -> memref<128xi32, #tpu.memory_space<hbm>>
    tpu.enqueue_dma source(%dma_start3A_49 : memref<128xi32, #tpu.memory_space<hbm>>) target(%arg7 : memref<128xi32, #tpu.memory_space<vmem>>) target_semaphore(%arg13 : memref<!tpu.dma_semaphore, #tpu.memory_space<semaphore_mem>>)
    %dma_start3A_50 = arith.constant 1 : i32
    %dma_start3A_51 = arith.constant 0 : i32
    %dma_start3A_52 = tpu.memref_slice %arg6[%dma_start3A_50, %dma_start3A_51] : memref<80x128xi32, #tpu.memory_space<vmem>> -> memref<1x128xi32, #tpu.memory_space<vmem>>
    %dma_start3A_53 = tpu.memref_squeeze %dma_start3A_52 : memref<1x128xi32, #tpu.memory_space<vmem>> -> memref<128xi32, #tpu.memory_space<vmem>>
    %dma_start3A_54 = arith.constant 0 : i32
    %dma_start3A_55 = arith.constant 0 : i32
    %dma_start3A_56 = tpu.memref_slice %arg2[%dma_start3A_54, %dma_start3A_55] : memref<10000x128xf32, #tpu.memory_space<hbm>> -> memref<10000x128xf32, #tpu.memory_space<hbm>>
    tpu.enqueue_indirect_dma source(%dma_start3A_56 : memref<10000x128xf32, #tpu.memory_space<hbm>>) target(%arg10 : memref<128x128xf32, #tpu.memory_space<vmem>>) offsets(%dma_start3A_53 : memref<128xi32, #tpu.memory_space<vmem>>) semaphore(%arg12 : memref<!tpu.dma_semaphore, #tpu.memory_space<semaphore_mem>>)
    %add3A_57 = arith.constant 1 : i32
    %add3A_58 = arith.addi %mul3A_2, %add3A_57 : i32
    %dma_start3A_59 = arith.constant 0 : i32
    %dma_start3A_60 = tpu.memref_slice %arg4[%add3A_58, %dma_start3A_59] : memref<2560x128xi32, #tpu.memory_space<hbm>> -> memref<1x128xi32, #tpu.memory_space<hbm>>
    %dma_start3A_61 = tpu.memref_squeeze %dma_start3A_60 : memref<1x128xi32, #tpu.memory_space<hbm>> -> memref<128xi32, #tpu.memory_space<hbm>>
    %dma_start3A_62 = arith.constant 0 : i32
    %dma_start3A_63 = tpu.memref_slice %arg4[%add3A_58, %dma_start3A_62] : memref<2560x128xi32, #tpu.memory_space<hbm>> -> memref<1x128xi32, #tpu.memory_space<hbm>>
    %dma_start3A_64 = tpu.memref_squeeze %dma_start3A_63 : memref<1x128xi32, #tpu.memory_space<hbm>> -> memref<128xi32, #tpu.memory_space<hbm>>
    tpu.enqueue_dma source(%dma_start3A_64 : memref<128xi32, #tpu.memory_space<hbm>>) target(%arg8 : memref<128xi32, #tpu.memory_space<vmem>>) target_semaphore(%arg13 : memref<!tpu.dma_semaphore, #tpu.memory_space<semaphore_mem>>)
    %scan3A_65 = arith.constant 0 : i32
    %scan3A_66 = arith.constant 0 : i32
    %scan3A_67 = arith.constant 39 : i32
    %scan3A_68 = arith.addi %scan3A_66, %scan3A_67 : i32
    %scan3A_69 = arith.constant 1 : i32
    %scan3A_70 = scf.for %scan3A_106 = %scan3A_66 to %scan3A_68 step %scan3A_69 iter_args(%scan3A_107 = %scan3A_65) -> (i32)  : i32 {
      %mul3A_108 = arith.constant 2 : i32
      %mul3A_109 = arith.muli %mul3A_108, %scan3A_106 : i32
      %dma_wait3A_110 = arith.constant 0 : i32
      %dma_wait3A_111 = arith.constant 0 : i32
      %dma_wait3A_112 = tpu.memref_slice %arg2[%dma_wait3A_110, %dma_wait3A_111] : memref<10000x128xf32, #tpu.memory_space<hbm>> -> memref<128x128xf32, #tpu.memory_space<hbm>>
      %dma_wait3A_113 = arith.constant 0 : i32
      %dma_wait3A_114 = arith.constant 0 : i32
      %dma_wait3A_115 = tpu.memref_slice %arg2[%dma_wait3A_113, %dma_wait3A_114] : memref<10000x128xf32, #tpu.memory_space<hbm>> -> memref<128x128xf32, #tpu.memory_space<hbm>>
      tpu.wait_dma2 semaphore(%arg12 : memref<!tpu.dma_semaphore, #tpu.memory_space<semaphore_mem>>) src(%dma_wait3A_115 : memref<128x128xf32, #tpu.memory_space<hbm>>) dst(%arg9 : memref<128x128xf32, #tpu.memory_space<vmem>>)
      %dma_wait3A_116 = arith.constant 0 : i32
      %dma_wait3A_117 = arith.constant 0 : i32
      %dma_wait3A_118 = tpu.memref_slice %arg4[%dma_wait3A_116, %dma_wait3A_117] : memref<2560x128xi32, #tpu.memory_space<hbm>> -> memref<1x128xi32, #tpu.memory_space<hbm>>
      %dma_wait3A_119 = tpu.memref_squeeze %dma_wait3A_118 : memref<1x128xi32, #tpu.memory_space<hbm>> -> memref<128xi32, #tpu.memory_space<hbm>>
      %dma_wait3A_120 = arith.constant 0 : i32
      %dma_wait3A_121 = tpu.memref_slice %arg4[%dma_wait3A_116, %dma_wait3A_120] : memref<2560x128xi32, #tpu.memory_space<hbm>> -> memref<1x128xi32, #tpu.memory_space<hbm>>
      %dma_wait3A_122 = tpu.memref_squeeze %dma_wait3A_121 : memref<1x128xi32, #tpu.memory_space<hbm>> -> memref<128xi32, #tpu.memory_space<hbm>>
      tpu.wait_dma2 semaphore(%arg13 : memref<!tpu.dma_semaphore, #tpu.memory_space<semaphore_mem>>) src(%dma_wait3A_122 : memref<128xi32, #tpu.memory_space<hbm>>) dst(%arg7 : memref<128xi32, #tpu.memory_space<vmem>>)
      "tpu.region"() ({
        %run_scoped3A = tpu.sem_alloc : memref<!tpu.dma_semaphore, #tpu.memory_space<semaphore_mem>>
        %dma_start3A_171 = arith.constant 0 : i32
        %dma_start3A_172 = arith.constant 0 : i32
        %dma_start3A_173 = tpu.memref_slice %arg11[%dma_start3A_171, %dma_start3A_172] : memref<10240x128xf32, #tpu.memory_space<vmem_shared>> -> memref<10240x128xf32, #tpu.memory_space<vmem_shared>>
        tpu.enqueue_indirect_dma source(%arg9 : memref<128x128xf32, #tpu.memory_space<vmem>>) target(%dma_start3A_173 : memref<10240x128xf32, #tpu.memory_space<vmem_shared>>) offsets(%arg7 : memref<128xi32, #tpu.memory_space<vmem>>) semaphore(%run_scoped3A : memref<!tpu.dma_semaphore, #tpu.memory_space<semaphore_mem>>) {add = true}
        %dma_wait3A_174 = arith.constant 0 : i32
        %dma_wait3A_175 = arith.constant 0 : i32
        %dma_wait3A_176 = tpu.memref_slice %arg11[%dma_wait3A_174, %dma_wait3A_175] : memref<10240x128xf32, #tpu.memory_space<vmem_shared>> -> memref<10240x128xf32, #tpu.memory_space<vmem_shared>>
        tpu.wait_indirect_dma semaphore(%run_scoped3A : memref<!tpu.dma_semaphore, #tpu.memory_space<semaphore_mem>>) src(%arg9 : memref<128x128xf32, #tpu.memory_space<vmem>>) dst(%dma_wait3A_176 : memref<10240x128xf32, #tpu.memory_space<vmem_shared>>)
        tpu.yield
      }) : () -> ()
      %add3A_123 = arith.constant 2 : i32
      %add3A_124 = arith.addi %mul3A_109, %add3A_123 : i32
      %dma_start3A_125 = arith.constant 0 : i32
      %dma_start3A_126 = tpu.memref_slice %arg6[%add3A_124, %dma_start3A_125] : memref<80x128xi32, #tpu.memory_space<vmem>> -> memref<1x128xi32, #tpu.memory_space<vmem>>
      %dma_start3A_127 = tpu.memref_squeeze %dma_start3A_126 : memref<1x128xi32, #tpu.memory_space<vmem>> -> memref<128xi32, #tpu.memory_space<vmem>>
      %dma_start3A_128 = arith.constant 0 : i32
      %dma_start3A_129 = arith.constant 0 : i32
      %dma_start3A_130 = tpu.memref_slice %arg2[%dma_start3A_128, %dma_start3A_129] : memref<10000x128xf32, #tpu.memory_space<hbm>> -> memref<10000x128xf32, #tpu.memory_space<hbm>>
      tpu.enqueue_indirect_dma source(%dma_start3A_130 : memref<10000x128xf32, #tpu.memory_space<hbm>>) target(%arg9 : memref<128x128xf32, #tpu.memory_space<vmem>>) offsets(%dma_start3A_127 : memref<128xi32, #tpu.memory_space<vmem>>) semaphore(%arg12 : memref<!tpu.dma_semaphore, #tpu.memory_space<semaphore_mem>>)
      %add3A_131 = arith.constant 2 : i32
      %add3A_132 = arith.addi %mul3A_109, %add3A_131 : i32
      %add3A_133 = arith.addi %mul3A_2, %add3A_132 : i32
      %dma_start3A_134 = arith.constant 0 : i32
      %dma_start3A_135 = tpu.memref_slice %arg4[%add3A_133, %dma_start3A_134] : memref<2560x128xi32, #tpu.memory_space<hbm>> -> memref<1x128xi32, #tpu.memory_space<hbm>>
      %dma_start3A_136 = tpu.memref_squeeze %dma_start3A_135 : memref<1x128xi32, #tpu.memory_space<hbm>> -> memref<128xi32, #tpu.memory_space<hbm>>
      %dma_start3A_137 = arith.constant 0 : i32
      %dma_start3A_138 = tpu.memref_slice %arg4[%add3A_133, %dma_start3A_137] : memref<2560x128xi32, #tpu.memory_space<hbm>> -> memref<1x128xi32, #tpu.memory_space<hbm>>
      %dma_start3A_139 = tpu.memref_squeeze %dma_start3A_138 : memref<1x128xi32, #tpu.memory_space<hbm>> -> memref<128xi32, #tpu.memory_space<hbm>>
      tpu.enqueue_dma source(%dma_start3A_139 : memref<128xi32, #tpu.memory_space<hbm>>) target(%arg7 : memref<128xi32, #tpu.memory_space<vmem>>) target_semaphore(%arg13 : memref<!tpu.dma_semaphore, #tpu.memory_space<semaphore_mem>>)
      %dma_wait3A_140 = arith.constant 0 : i32
      %dma_wait3A_141 = arith.constant 0 : i32
      %dma_wait3A_142 = tpu.memref_slice %arg2[%dma_wait3A_140, %dma_wait3A_141] : memref<10000x128xf32, #tpu.memory_space<hbm>> -> memref<128x128xf32, #tpu.memory_space<hbm>>
      %dma_wait3A_143 = arith.constant 0 : i32
      %dma_wait3A_144 = arith.constant 0 : i32
      %dma_wait3A_145 = tpu.memref_slice %arg2[%dma_wait3A_143, %dma_wait3A_144] : memref<10000x128xf32, #tpu.memory_space<hbm>> -> memref<128x128xf32, #tpu.memory_space<hbm>>
      tpu.wait_dma2 semaphore(%arg12 : memref<!tpu.dma_semaphore, #tpu.memory_space<semaphore_mem>>) src(%dma_wait3A_145 : memref<128x128xf32, #tpu.memory_space<hbm>>) dst(%arg10 : memref<128x128xf32, #tpu.memory_space<vmem>>)
      %dma_wait3A_146 = arith.constant 0 : i32
      %dma_wait3A_147 = arith.constant 0 : i32
      %dma_wait3A_148 = tpu.memref_slice %arg4[%dma_wait3A_146, %dma_wait3A_147] : memref<2560x128xi32, #tpu.memory_space<hbm>> -> memref<1x128xi32, #tpu.memory_space<hbm>>
      %dma_wait3A_149 = tpu.memref_squeeze %dma_wait3A_148 : memref<1x128xi32, #tpu.memory_space<hbm>> -> memref<128xi32, #tpu.memory_space<hbm>>
      %dma_wait3A_150 = arith.constant 0 : i32
      %dma_wait3A_151 = tpu.memref_slice %arg4[%dma_wait3A_146, %dma_wait3A_150] : memref<2560x128xi32, #tpu.memory_space<hbm>> -> memref<1x128xi32, #tpu.memory_space<hbm>>
      %dma_wait3A_152 = tpu.memref_squeeze %dma_wait3A_151 : memref<1x128xi32, #tpu.memory_space<hbm>> -> memref<128xi32, #tpu.memory_space<hbm>>
      tpu.wait_dma2 semaphore(%arg13 : memref<!tpu.dma_semaphore, #tpu.memory_space<semaphore_mem>>) src(%dma_wait3A_152 : memref<128xi32, #tpu.memory_space<hbm>>) dst(%arg8 : memref<128xi32, #tpu.memory_space<vmem>>)
      "tpu.region"() ({
        %run_scoped3A = tpu.sem_alloc : memref<!tpu.dma_semaphore, #tpu.memory_space<semaphore_mem>>
        %dma_start3A_171 = arith.constant 0 : i32
        %dma_start3A_172 = arith.constant 0 : i32
        %dma_start3A_173 = tpu.memref_slice %arg11[%dma_start3A_171, %dma_start3A_172] : memref<10240x128xf32, #tpu.memory_space<vmem_shared>> -> memref<10240x128xf32, #tpu.memory_space<vmem_shared>>
        tpu.enqueue_indirect_dma source(%arg10 : memref<128x128xf32, #tpu.memory_space<vmem>>) target(%dma_start3A_173 : memref<10240x128xf32, #tpu.memory_space<vmem_shared>>) offsets(%arg8 : memref<128xi32, #tpu.memory_space<vmem>>) semaphore(%run_scoped3A : memref<!tpu.dma_semaphore, #tpu.memory_space<semaphore_mem>>) {add = true}
        %dma_wait3A_174 = arith.constant 0 : i32
        %dma_wait3A_175 = arith.constant 0 : i32
        %dma_wait3A_176 = tpu.memref_slice %arg11[%dma_wait3A_174, %dma_wait3A_175] : memref<10240x128xf32, #tpu.memory_space<vmem_shared>> -> memref<10240x128xf32, #tpu.memory_space<vmem_shared>>
        tpu.wait_indirect_dma semaphore(%run_scoped3A : memref<!tpu.dma_semaphore, #tpu.memory_space<semaphore_mem>>) src(%arg10 : memref<128x128xf32, #tpu.memory_space<vmem>>) dst(%dma_wait3A_176 : memref<10240x128xf32, #tpu.memory_space<vmem_shared>>)
        tpu.yield
      }) : () -> ()
      %add3A_153 = arith.constant 3 : i32
      %add3A_154 = arith.addi %mul3A_109, %add3A_153 : i32
      %dma_start3A_155 = arith.constant 0 : i32
      %dma_start3A_156 = tpu.memref_slice %arg6[%add3A_154, %dma_start3A_155] : memref<80x128xi32, #tpu.memory_space<vmem>> -> memref<1x128xi32, #tpu.memory_space<vmem>>
      %dma_start3A_157 = tpu.memref_squeeze %dma_start3A_156 : memref<1x128xi32, #tpu.memory_space<vmem>> -> memref<128xi32, #tpu.memory_space<vmem>>
      %dma_start3A_158 = arith.constant 0 : i32
      %dma_start3A_159 = arith.constant 0 : i32
      %dma_start3A_160 = tpu.memref_slice %arg2[%dma_start3A_158, %dma_start3A_159] : memref<10000x128xf32, #tpu.memory_space<hbm>> -> memref<10000x128xf32, #tpu.memory_space<hbm>>
      tpu.enqueue_indirect_dma source(%dma_start3A_160 : memref<10000x128xf32, #tpu.memory_space<hbm>>) target(%arg10 : memref<128x128xf32, #tpu.memory_space<vmem>>) offsets(%dma_start3A_157 : memref<128xi32, #tpu.memory_space<vmem>>) semaphore(%arg12 : memref<!tpu.dma_semaphore, #tpu.memory_space<semaphore_mem>>)
      %add3A_161 = arith.constant 3 : i32
      %add3A_162 = arith.addi %mul3A_109, %add3A_161 : i32
      %add3A_163 = arith.addi %mul3A_2, %add3A_162 : i32
      %dma_start3A_164 = arith.constant 0 : i32
      %dma_start3A_165 = tpu.memref_slice %arg4[%add3A_163, %dma_start3A_164] : memref<2560x128xi32, #tpu.memory_space<hbm>> -> memref<1x128xi32, #tpu.memory_space<hbm>>
      %dma_start3A_166 = tpu.memref_squeeze %dma_start3A_165 : memref<1x128xi32, #tpu.memory_space<hbm>> -> memref<128xi32, #tpu.memory_space<hbm>>
      %dma_start3A_167 = arith.constant 0 : i32
      %dma_start3A_168 = tpu.memref_slice %arg4[%add3A_163, %dma_start3A_167] : memref<2560x128xi32, #tpu.memory_space<hbm>> -> memref<1x128xi32, #tpu.memory_space<hbm>>
      %dma_start3A_169 = tpu.memref_squeeze %dma_start3A_168 : memref<1x128xi32, #tpu.memory_space<hbm>> -> memref<128xi32, #tpu.memory_space<hbm>>
      tpu.enqueue_dma source(%dma_start3A_169 : memref<128xi32, #tpu.memory_space<hbm>>) target(%arg8 : memref<128xi32, #tpu.memory_space<vmem>>) target_semaphore(%arg13 : memref<!tpu.dma_semaphore, #tpu.memory_space<semaphore_mem>>)
      %scan3A_170 = arith.constant 0 : i32
      scf.yield %scan3A_170 : i32
    }
    %scan3A_71 = arith.constant 39 : i32
    %dma_wait3A_72 = arith.constant 0 : i32
    %dma_wait3A_73 = arith.constant 0 : i32
    %dma_wait3A_74 = tpu.memref_slice %arg2[%dma_wait3A_72, %dma_wait3A_73] : memref<10000x128xf32, #tpu.memory_space<hbm>> -> memref<128x128xf32, #tpu.memory_space<hbm>>
    %dma_wait3A_75 = arith.constant 0 : i32
    %dma_wait3A_76 = arith.constant 0 : i32
    %dma_wait3A_77 = tpu.memref_slice %arg2[%dma_wait3A_75, %dma_wait3A_76] : memref<10000x128xf32, #tpu.memory_space<hbm>> -> memref<128x128xf32, #tpu.memory_space<hbm>>
    tpu.wait_dma2 semaphore(%arg12 : memref<!tpu.dma_semaphore, #tpu.memory_space<semaphore_mem>>) src(%dma_wait3A_77 : memref<128x128xf32, #tpu.memory_space<hbm>>) dst(%arg9 : memref<128x128xf32, #tpu.memory_space<vmem>>)
    %dma_wait3A_78 = arith.constant 0 : i32
    %dma_wait3A_79 = arith.constant 0 : i32
    %dma_wait3A_80 = tpu.memref_slice %arg4[%dma_wait3A_78, %dma_wait3A_79] : memref<2560x128xi32, #tpu.memory_space<hbm>> -> memref<1x128xi32, #tpu.memory_space<hbm>>
    %dma_wait3A_81 = tpu.memref_squeeze %dma_wait3A_80 : memref<1x128xi32, #tpu.memory_space<hbm>> -> memref<128xi32, #tpu.memory_space<hbm>>
    %dma_wait3A_82 = arith.constant 0 : i32
    %dma_wait3A_83 = tpu.memref_slice %arg4[%dma_wait3A_78, %dma_wait3A_82] : memref<2560x128xi32, #tpu.memory_space<hbm>> -> memref<1x128xi32, #tpu.memory_space<hbm>>
    %dma_wait3A_84 = tpu.memref_squeeze %dma_wait3A_83 : memref<1x128xi32, #tpu.memory_space<hbm>> -> memref<128xi32, #tpu.memory_space<hbm>>
    tpu.wait_dma2 semaphore(%arg13 : memref<!tpu.dma_semaphore, #tpu.memory_space<semaphore_mem>>) src(%dma_wait3A_84 : memref<128xi32, #tpu.memory_space<hbm>>) dst(%arg7 : memref<128xi32, #tpu.memory_space<vmem>>)
    "tpu.region"() ({
      %run_scoped3A = tpu.sem_alloc : memref<!tpu.dma_semaphore, #tpu.memory_space<semaphore_mem>>
      %dma_start3A_106 = arith.constant 0 : i32
      %dma_start3A_107 = arith.constant 0 : i32
      %dma_start3A_108 = tpu.memref_slice %arg11[%dma_start3A_106, %dma_start3A_107] : memref<10240x128xf32, #tpu.memory_space<vmem_shared>> -> memref<10240x128xf32, #tpu.memory_space<vmem_shared>>
      tpu.enqueue_indirect_dma source(%arg9 : memref<128x128xf32, #tpu.memory_space<vmem>>) target(%dma_start3A_108 : memref<10240x128xf32, #tpu.memory_space<vmem_shared>>) offsets(%arg7 : memref<128xi32, #tpu.memory_space<vmem>>) semaphore(%run_scoped3A : memref<!tpu.dma_semaphore, #tpu.memory_space<semaphore_mem>>) {add = true}
      %dma_wait3A_109 = arith.constant 0 : i32
      %dma_wait3A_110 = arith.constant 0 : i32
      %dma_wait3A_111 = tpu.memref_slice %arg11[%dma_wait3A_109, %dma_wait3A_110] : memref<10240x128xf32, #tpu.memory_space<vmem_shared>> -> memref<10240x128xf32, #tpu.memory_space<vmem_shared>>
      tpu.wait_indirect_dma semaphore(%run_scoped3A : memref<!tpu.dma_semaphore, #tpu.memory_space<semaphore_mem>>) src(%arg9 : memref<128x128xf32, #tpu.memory_space<vmem>>) dst(%dma_wait3A_111 : memref<10240x128xf32, #tpu.memory_space<vmem_shared>>)
      tpu.yield
    }) : () -> ()
    %dma_wait3A_85 = arith.constant 0 : i32
    %dma_wait3A_86 = arith.constant 0 : i32
    %dma_wait3A_87 = tpu.memref_slice %arg2[%dma_wait3A_85, %dma_wait3A_86] : memref<10000x128xf32, #tpu.memory_space<hbm>> -> memref<128x128xf32, #tpu.memory_space<hbm>>
    %dma_wait3A_88 = arith.constant 0 : i32
    %dma_wait3A_89 = arith.constant 0 : i32
    %dma_wait3A_90 = tpu.memref_slice %arg2[%dma_wait3A_88, %dma_wait3A_89] : memref<10000x128xf32, #tpu.memory_space<hbm>> -> memref<128x128xf32, #tpu.memory_space<hbm>>
    tpu.wait_dma2 semaphore(%arg12 : memref<!tpu.dma_semaphore, #tpu.memory_space<semaphore_mem>>) src(%dma_wait3A_90 : memref<128x128xf32, #tpu.memory_space<hbm>>) dst(%arg10 : memref<128x128xf32, #tpu.memory_space<vmem>>)
    %dma_wait3A_91 = arith.constant 0 : i32
    %dma_wait3A_92 = arith.constant 0 : i32
    %dma_wait3A_93 = tpu.memref_slice %arg4[%dma_wait3A_91, %dma_wait3A_92] : memref<2560x128xi32, #tpu.memory_space<hbm>> -> memref<1x128xi32, #tpu.memory_space<hbm>>
    %dma_wait3A_94 = tpu.memref_squeeze %dma_wait3A_93 : memref<1x128xi32, #tpu.memory_space<hbm>> -> memref<128xi32, #tpu.memory_space<hbm>>
    %dma_wait3A_95 = arith.constant 0 : i32
    %dma_wait3A_96 = tpu.memref_slice %arg4[%dma_wait3A_91, %dma_wait3A_95] : memref<2560x128xi32, #tpu.memory_space<hbm>> -> memref<1x128xi32, #tpu.memory_space<hbm>>
    %dma_wait3A_97 = tpu.memref_squeeze %dma_wait3A_96 : memref<1x128xi32, #tpu.memory_space<hbm>> -> memref<128xi32, #tpu.memory_space<hbm>>
    tpu.wait_dma2 semaphore(%arg13 : memref<!tpu.dma_semaphore, #tpu.memory_space<semaphore_mem>>) src(%dma_wait3A_97 : memref<128xi32, #tpu.memory_space<hbm>>) dst(%arg8 : memref<128xi32, #tpu.memory_space<vmem>>)
    "tpu.region"() ({
      %run_scoped3A = tpu.sem_alloc : memref<!tpu.dma_semaphore, #tpu.memory_space<semaphore_mem>>
      %dma_start3A_106 = arith.constant 0 : i32
      %dma_start3A_107 = arith.constant 0 : i32
      %dma_start3A_108 = tpu.memref_slice %arg11[%dma_start3A_106, %dma_start3A_107] : memref<10240x128xf32, #tpu.memory_space<vmem_shared>> -> memref<10240x128xf32, #tpu.memory_space<vmem_shared>>
      tpu.enqueue_indirect_dma source(%arg10 : memref<128x128xf32, #tpu.memory_space<vmem>>) target(%dma_start3A_108 : memref<10240x128xf32, #tpu.memory_space<vmem_shared>>) offsets(%arg8 : memref<128xi32, #tpu.memory_space<vmem>>) semaphore(%run_scoped3A : memref<!tpu.dma_semaphore, #tpu.memory_space<semaphore_mem>>) {add = true}
      %dma_wait3A_109 = arith.constant 0 : i32
      %dma_wait3A_110 = arith.constant 0 : i32
      %dma_wait3A_111 = tpu.memref_slice %arg11[%dma_wait3A_109, %dma_wait3A_110] : memref<10240x128xf32, #tpu.memory_space<vmem_shared>> -> memref<10240x128xf32, #tpu.memory_space<vmem_shared>>
      tpu.wait_indirect_dma semaphore(%run_scoped3A : memref<!tpu.dma_semaphore, #tpu.memory_space<semaphore_mem>>) src(%arg10 : memref<128x128xf32, #tpu.memory_space<vmem>>) dst(%dma_wait3A_111 : memref<10240x128xf32, #tpu.memory_space<vmem_shared>>)
      tpu.yield
    }) : () -> ()
    %barrier3A_98 = arith.constant 0 : index
    tpu.barrier barrier_id(%barrier3A_98)
    %mul3A_99 = arith.constant 640 : i32
    %mul3A_100 = arith.muli %arg1, %mul3A_99 : i32
    %mul3A_101 = arith.constant 10240 : i32
    %mul3A_102 = arith.muli %arg0, %mul3A_101 : i32
    %mul3A_103 = arith.constant 640 : i32
    %mul3A_104 = arith.muli %arg1, %mul3A_103 : i32
    %add3A_105 = arith.addi %mul3A_102, %mul3A_104 : i32
    "tpu.region"() ({
      %run_scoped3A = tpu.sem_alloc : memref<!tpu.dma_semaphore, #tpu.memory_space<semaphore_mem>>
      %dma_start3A_106 = arith.constant 0 : i32
      %dma_start3A_107 = tpu.memref_slice %arg5[%add3A_105, %dma_start3A_106] : memref<20480x128xf32, #tpu.memory_space<hbm>> -> memref<640x128xf32, #tpu.memory_space<hbm>>
      %dma_start3A_108 = arith.constant 0 : i32
      %dma_start3A_109 = tpu.memref_slice %arg11[%mul3A_100, %dma_start3A_108] : memref<10240x128xf32, #tpu.memory_space<vmem_shared>> -> memref<640x128xf32, #tpu.memory_space<vmem_shared>>
      tpu.enqueue_dma source(%dma_start3A_109 : memref<640x128xf32, #tpu.memory_space<vmem_shared>>) target(%dma_start3A_107 : memref<640x128xf32, #tpu.memory_space<hbm>>) target_semaphore(%run_scoped3A : memref<!tpu.dma_semaphore, #tpu.memory_space<semaphore_mem>>)
      %dma_wait3A_110 = arith.constant 0 : i32
      %dma_wait3A_111 = tpu.memref_slice %arg5[%add3A_105, %dma_wait3A_110] : memref<20480x128xf32, #tpu.memory_space<hbm>> -> memref<640x128xf32, #tpu.memory_space<hbm>>
      %dma_wait3A_112 = arith.constant 0 : i32
      %dma_wait3A_113 = tpu.memref_slice %arg11[%mul3A_100, %dma_wait3A_112] : memref<10240x128xf32, #tpu.memory_space<vmem_shared>> -> memref<640x128xf32, #tpu.memory_space<vmem_shared>>
      tpu.wait_dma2 semaphore(%run_scoped3A : memref<!tpu.dma_semaphore, #tpu.memory_space<semaphore_mem>>) src(%dma_wait3A_113 : memref<640x128xf32, #tpu.memory_space<vmem_shared>>) dst(%dma_wait3A_111 : memref<640x128xf32, #tpu.memory_space<hbm>>)
      tpu.yield
    }) : () -> ()
    return
  }
}

#map = affine_map<(d0, d1) -> (0, 0)>
module attributes {stable_mosaic.version = 14 : i64} {
  func.func @_agg_body(%arg0: i32, %arg1: i32, %arg2: memref<10000x128xf32, #tpu.memory_space<hbm>>, %arg3: memref<2560x128xi32, #tpu.memory_space<hbm>>, %arg4: memref<2560x128xi32, #tpu.memory_space<hbm>>, %arg5: memref<20480x128xf32, #tpu.memory_space<hbm>>, %arg6: memref<80x128xi32, #tpu.memory_space<vmem>>, %arg7: memref<128xi32, #tpu.memory_space<vmem>>, %arg8: memref<128xi32, #tpu.memory_space<vmem>>, %arg9: memref<128x128xf32, #tpu.memory_space<vmem>>, %arg10: memref<128x128xf32, #tpu.memory_space<vmem>>, %arg11: memref<10240x128xf32, #tpu.memory_space<vmem_shared>>, %arg12: memref<!tpu.dma_semaphore, #tpu.memory_space<semaphore_mem>>, %arg13: memref<!tpu.dma_semaphore, #tpu.memory_space<semaphore_mem>>) attributes {dimension_semantics = [#tpu.dimension_semantics<core_parallel>, #tpu.dimension_semantics<subcore_parallel>], iteration_bounds = array<i64: 2, 16>, scalar_prefetch = 0 : i64, scratch_operands = 8 : i64, tpu.core_type = #tpu.core_type<sc_vector_subcore>, window_params = [{transform_indices = #map}, {transform_indices = #map}, {transform_indices = #map}, {transform_indices = #map}]} {
    %mul3A = arith.constant 16 : i32
    %mul3A_0 = arith.muli %arg0, %mul3A : i32
    %add3A = arith.addi %mul3A_0, %arg1 : i32
    %mul3A_1 = arith.constant 80 : i32
    %mul3A_2 = arith.muli %add3A, %mul3A_1 : i32
    %dma_start3A = arith.constant 0 : i32
    %dma_start3A_3 = tpu.memref_slice %arg3[%mul3A_2, %dma_start3A] : memref<2560x128xi32, #tpu.memory_space<hbm>> -> memref<80x128xi32, #tpu.memory_space<hbm>>
    %dma_start3A_4 = arith.constant 0 : i32
    %dma_start3A_5 = tpu.memref_slice %arg3[%mul3A_2, %dma_start3A_4] : memref<2560x128xi32, #tpu.memory_space<hbm>> -> memref<80x128xi32, #tpu.memory_space<hbm>>
    tpu.enqueue_dma source(%dma_start3A_5 : memref<80x128xi32, #tpu.memory_space<hbm>>) target(%arg6 : memref<80x128xi32, #tpu.memory_space<vmem>>) target_semaphore(%arg12 : memref<!tpu.dma_semaphore, #tpu.memory_space<semaphore_mem>>)
    %scan3A = arith.constant 0 : i32
    %scan3A_6 = arith.constant 0 : i32
    %scan3A_7 = arith.constant 128 : i32
    %scan3A_8 = arith.addi %scan3A_6, %scan3A_7 : i32
    %scan3A_9 = arith.constant 1 : i32
    %scan3A_10 = scf.for %scan3A_106 = %scan3A_6 to %scan3A_8 step %scan3A_9 iter_args(%scan3A_107 = %scan3A) -> (i32)  : i32 {
      %scan3A_108 = arith.constant 0 : i32
      %scan3A_109 = arith.constant 0 : i32
      %scan3A_110 = arith.constant 8 : i32
      %scan3A_111 = arith.addi %scan3A_109, %scan3A_110 : i32
      %scan3A_112 = arith.constant 1 : i32
      %scan3A_113 = scf.for %scan3A_115 = %scan3A_109 to %scan3A_111 step %scan3A_112 iter_args(%scan3A_116 = %scan3A_108) -> (i32)  : i32 {
        %broadcast_in_dim3A = arith.constant 0.000000e+00 : f32
        %broadcast_in_dim3A_117 = vector.broadcast %broadcast_in_dim3A : f32 to vector<16xf32>
        %mul3A_118 = arith.constant 16 : i32
        %mul3A_119 = arith.muli %scan3A_115, %mul3A_118 : i32
        %swap3A = arith.index_cast %scan3A_106 : i32 to index
        %swap3A_120 = arith.index_cast %mul3A_119 : i32 to index
        %swap3A_121 = tpu.vector_load %arg9[%swap3A, %swap3A_120] {strides = array<i32>} : memref<128x128xf32, #tpu.memory_space<vmem>>, vector<1x16xf32>,
        %swap3A_122 = vector.shape_cast %swap3A_121 : vector<1x16xf32> to vector<16xf32>
        %swap3A_123 = vector.shape_cast %broadcast_in_dim3A_117 : vector<16xf32> to vector<1x16xf32>
        tpu.vector_store %arg9[%swap3A, %swap3A_120], %swap3A_123 {strides = array<i32>} : memref<128x128xf32, #tpu.memory_space<vmem>>, vector<1x16xf32>,
        %scan3A_124 = arith.constant 0 : i32
        scf.yield %scan3A_124 : i32
      }
      %scan3A_114 = arith.constant 8 : i32
      scf.yield %scan3A_113 : i32
    }
    %scan3A_11 = arith.constant 128 : i32
    %mul3A_12 = arith.constant 640 : i32
    %mul3A_13 = arith.muli %arg1, %mul3A_12 : i32
    %add3A_14 = arith.constant 0 : i32
    %add3A_15 = arith.addi %mul3A_13, %add3A_14 : i32
    "tpu.region"() ({
      %run_scoped3A = tpu.sem_alloc : memref<!tpu.dma_semaphore, #tpu.memory_space<semaphore_mem>>
      %dma_start3A_106 = arith.constant 0 : i32
      %dma_start3A_107 = tpu.memref_slice %arg11[%add3A_15, %dma_start3A_106] : memref<10240x128xf32, #tpu.memory_space<vmem_shared>> -> memref<128x128xf32, #tpu.memory_space<vmem_shared>>
      %dma_start3A_108 = arith.constant 0 : i32
      %dma_start3A_109 = tpu.memref_slice %arg11[%add3A_15, %dma_start3A_108] : memref<10240x128xf32, #tpu.memory_space<vmem_shared>> -> memref<128x128xf32, #tpu.memory_space<vmem_shared>>
      tpu.enqueue_dma source(%arg9 : memref<128x128xf32, #tpu.memory_space<vmem>>) target(%dma_start3A_109 : memref<128x128xf32, #tpu.memory_space<vmem_shared>>) target_semaphore(%run_scoped3A : memref<!tpu.dma_semaphore, #tpu.memory_space<semaphore_mem>>)
      %dma_wait3A_110 = arith.constant 0 : i32
      %dma_wait3A_111 = tpu.memref_slice %arg11[%add3A_15, %dma_wait3A_110] : memref<10240x128xf32, #tpu.memory_space<vmem_shared>> -> memref<128x128xf32, #tpu.memory_space<vmem_shared>>
      %dma_wait3A_112 = arith.constant 0 : i32
      %dma_wait3A_113 = tpu.memref_slice %arg11[%add3A_15, %dma_wait3A_112] : memref<10240x128xf32, #tpu.memory_space<vmem_shared>> -> memref<128x128xf32, #tpu.memory_space<vmem_shared>>
      tpu.wait_dma2 semaphore(%run_scoped3A : memref<!tpu.dma_semaphore, #tpu.memory_space<semaphore_mem>>) src(%arg9 : memref<128x128xf32, #tpu.memory_space<vmem>>) dst(%dma_wait3A_113 : memref<128x128xf32, #tpu.memory_space<vmem_shared>>)
      tpu.yield
    }) : () -> ()
    %mul3A_16 = arith.constant 640 : i32
    %mul3A_17 = arith.muli %arg1, %mul3A_16 : i32
    %add3A_18 = arith.constant 128 : i32
    %add3A_19 = arith.addi %mul3A_17, %add3A_18 : i32
    "tpu.region"() ({
      %run_scoped3A = tpu.sem_alloc : memref<!tpu.dma_semaphore, #tpu.memory_space<semaphore_mem>>
      %dma_start3A_106 = arith.constant 0 : i32
      %dma_start3A_107 = tpu.memref_slice %arg11[%add3A_19, %dma_start3A_106] : memref<10240x128xf32, #tpu.memory_space<vmem_shared>> -> memref<128x128xf32, #tpu.memory_space<vmem_shared>>
      %dma_start3A_108 = arith.constant 0 : i32
      %dma_start3A_109 = tpu.memref_slice %arg11[%add3A_19, %dma_start3A_108] : memref<10240x128xf32, #tpu.memory_space<vmem_shared>> -> memref<128x128xf32, #tpu.memory_space<vmem_shared>>
      tpu.enqueue_dma source(%arg9 : memref<128x128xf32, #tpu.memory_space<vmem>>) target(%dma_start3A_109 : memref<128x128xf32, #tpu.memory_space<vmem_shared>>) target_semaphore(%run_scoped3A : memref<!tpu.dma_semaphore, #tpu.memory_space<semaphore_mem>>)
      %dma_wait3A_110 = arith.constant 0 : i32
      %dma_wait3A_111 = tpu.memref_slice %arg11[%add3A_19, %dma_wait3A_110] : memref<10240x128xf32, #tpu.memory_space<vmem_shared>> -> memref<128x128xf32, #tpu.memory_space<vmem_shared>>
      %dma_wait3A_112 = arith.constant 0 : i32
      %dma_wait3A_113 = tpu.memref_slice %arg11[%add3A_19, %dma_wait3A_112] : memref<10240x128xf32, #tpu.memory_space<vmem_shared>> -> memref<128x128xf32, #tpu.memory_space<vmem_shared>>
      tpu.wait_dma2 semaphore(%run_scoped3A : memref<!tpu.dma_semaphore, #tpu.memory_space<semaphore_mem>>) src(%arg9 : memref<128x128xf32, #tpu.memory_space<vmem>>) dst(%dma_wait3A_113 : memref<128x128xf32, #tpu.memory_space<vmem_shared>>)
      tpu.yield
    }) : () -> ()
    %mul3A_20 = arith.constant 640 : i32
    %mul3A_21 = arith.muli %arg1, %mul3A_20 : i32
    %add3A_22 = arith.constant 256 : i32
    %add3A_23 = arith.addi %mul3A_21, %add3A_22 : i32
    "tpu.region"() ({
      %run_scoped3A = tpu.sem_alloc : memref<!tpu.dma_semaphore, #tpu.memory_space<semaphore_mem>>
      %dma_start3A_106 = arith.constant 0 : i32
      %dma_start3A_107 = tpu.memref_slice %arg11[%add3A_23, %dma_start3A_106] : memref<10240x128xf32, #tpu.memory_space<vmem_shared>> -> memref<128x128xf32, #tpu.memory_space<vmem_shared>>
      %dma_start3A_108 = arith.constant 0 : i32
      %dma_start3A_109 = tpu.memref_slice %arg11[%add3A_23, %dma_start3A_108] : memref<10240x128xf32, #tpu.memory_space<vmem_shared>> -> memref<128x128xf32, #tpu.memory_space<vmem_shared>>
      tpu.enqueue_dma source(%arg9 : memref<128x128xf32, #tpu.memory_space<vmem>>) target(%dma_start3A_109 : memref<128x128xf32, #tpu.memory_space<vmem_shared>>) target_semaphore(%run_scoped3A : memref<!tpu.dma_semaphore, #tpu.memory_space<semaphore_mem>>)
      %dma_wait3A_110 = arith.constant 0 : i32
      %dma_wait3A_111 = tpu.memref_slice %arg11[%add3A_23, %dma_wait3A_110] : memref<10240x128xf32, #tpu.memory_space<vmem_shared>> -> memref<128x128xf32, #tpu.memory_space<vmem_shared>>
      %dma_wait3A_112 = arith.constant 0 : i32
      %dma_wait3A_113 = tpu.memref_slice %arg11[%add3A_23, %dma_wait3A_112] : memref<10240x128xf32, #tpu.memory_space<vmem_shared>> -> memref<128x128xf32, #tpu.memory_space<vmem_shared>>
      tpu.wait_dma2 semaphore(%run_scoped3A : memref<!tpu.dma_semaphore, #tpu.memory_space<semaphore_mem>>) src(%arg9 : memref<128x128xf32, #tpu.memory_space<vmem>>) dst(%dma_wait3A_113 : memref<128x128xf32, #tpu.memory_space<vmem_shared>>)
      tpu.yield
    }) : () -> ()
    %mul3A_24 = arith.constant 640 : i32
    %mul3A_25 = arith.muli %arg1, %mul3A_24 : i32
    %add3A_26 = arith.constant 384 : i32
    %add3A_27 = arith.addi %mul3A_25, %add3A_26 : i32
    "tpu.region"() ({
      %run_scoped3A = tpu.sem_alloc : memref<!tpu.dma_semaphore, #tpu.memory_space<semaphore_mem>>
      %dma_start3A_106 = arith.constant 0 : i32
      %dma_start3A_107 = tpu.memref_slice %arg11[%add3A_27, %dma_start3A_106] : memref<10240x128xf32, #tpu.memory_space<vmem_shared>> -> memref<128x128xf32, #tpu.memory_space<vmem_shared>>
      %dma_start3A_108 = arith.constant 0 : i32
      %dma_start3A_109 = tpu.memref_slice %arg11[%add3A_27, %dma_start3A_108] : memref<10240x128xf32, #tpu.memory_space<vmem_shared>> -> memref<128x128xf32, #tpu.memory_space<vmem_shared>>
      tpu.enqueue_dma source(%arg9 : memref<128x128xf32, #tpu.memory_space<vmem>>) target(%dma_start3A_109 : memref<128x128xf32, #tpu.memory_space<vmem_shared>>) target_semaphore(%run_scoped3A : memref<!tpu.dma_semaphore, #tpu.memory_space<semaphore_mem>>)
      %dma_wait3A_110 = arith.constant 0 : i32
      %dma_wait3A_111 = tpu.memref_slice %arg11[%add3A_27, %dma_wait3A_110] : memref<10240x128xf32, #tpu.memory_space<vmem_shared>> -> memref<128x128xf32, #tpu.memory_space<vmem_shared>>
      %dma_wait3A_112 = arith.constant 0 : i32
      %dma_wait3A_113 = tpu.memref_slice %arg11[%add3A_27, %dma_wait3A_112] : memref<10240x128xf32, #tpu.memory_space<vmem_shared>> -> memref<128x128xf32, #tpu.memory_space<vmem_shared>>
      tpu.wait_dma2 semaphore(%run_scoped3A : memref<!tpu.dma_semaphore, #tpu.memory_space<semaphore_mem>>) src(%arg9 : memref<128x128xf32, #tpu.memory_space<vmem>>) dst(%dma_wait3A_113 : memref<128x128xf32, #tpu.memory_space<vmem_shared>>)
      tpu.yield
    }) : () -> ()
    %mul3A_28 = arith.constant 640 : i32
    %mul3A_29 = arith.muli %arg1, %mul3A_28 : i32
    %add3A_30 = arith.constant 512 : i32
    %add3A_31 = arith.addi %mul3A_29, %add3A_30 : i32
    "tpu.region"() ({
      %run_scoped3A = tpu.sem_alloc : memref<!tpu.dma_semaphore, #tpu.memory_space<semaphore_mem>>
      %dma_start3A_106 = arith.constant 0 : i32
      %dma_start3A_107 = tpu.memref_slice %arg11[%add3A_31, %dma_start3A_106] : memref<10240x128xf32, #tpu.memory_space<vmem_shared>> -> memref<128x128xf32, #tpu.memory_space<vmem_shared>>
      %dma_start3A_108 = arith.constant 0 : i32
      %dma_start3A_109 = tpu.memref_slice %arg11[%add3A_31, %dma_start3A_108] : memref<10240x128xf32, #tpu.memory_space<vmem_shared>> -> memref<128x128xf32, #tpu.memory_space<vmem_shared>>
      tpu.enqueue_dma source(%arg9 : memref<128x128xf32, #tpu.memory_space<vmem>>) target(%dma_start3A_109 : memref<128x128xf32, #tpu.memory_space<vmem_shared>>) target_semaphore(%run_scoped3A : memref<!tpu.dma_semaphore, #tpu.memory_space<semaphore_mem>>)
      %dma_wait3A_110 = arith.constant 0 : i32
      %dma_wait3A_111 = tpu.memref_slice %arg11[%add3A_31, %dma_wait3A_110] : memref<10240x128xf32, #tpu.memory_space<vmem_shared>> -> memref<128x128xf32, #tpu.memory_space<vmem_shared>>
      %dma_wait3A_112 = arith.constant 0 : i32
      %dma_wait3A_113 = tpu.memref_slice %arg11[%add3A_31, %dma_wait3A_112] : memref<10240x128xf32, #tpu.memory_space<vmem_shared>> -> memref<128x128xf32, #tpu.memory_space<vmem_shared>>
      tpu.wait_dma2 semaphore(%run_scoped3A : memref<!tpu.dma_semaphore, #tpu.memory_space<semaphore_mem>>) src(%arg9 : memref<128x128xf32, #tpu.memory_space<vmem>>) dst(%dma_wait3A_113 : memref<128x128xf32, #tpu.memory_space<vmem_shared>>)
      tpu.yield
    }) : () -> ()
    %dma_wait3A = arith.constant 0 : i32
    %dma_wait3A_32 = tpu.memref_slice %arg3[%mul3A_2, %dma_wait3A] : memref<2560x128xi32, #tpu.memory_space<hbm>> -> memref<80x128xi32, #tpu.memory_space<hbm>>
    %dma_wait3A_33 = arith.constant 0 : i32
    %dma_wait3A_34 = tpu.memref_slice %arg3[%mul3A_2, %dma_wait3A_33] : memref<2560x128xi32, #tpu.memory_space<hbm>> -> memref<80x128xi32, #tpu.memory_space<hbm>>
    tpu.wait_dma2 semaphore(%arg12 : memref<!tpu.dma_semaphore, #tpu.memory_space<semaphore_mem>>) src(%dma_wait3A_34 : memref<80x128xi32, #tpu.memory_space<hbm>>) dst(%arg6 : memref<80x128xi32, #tpu.memory_space<vmem>>)
    %barrier3A = arith.constant 0 : index
    tpu.barrier barrier_id(%barrier3A)
    %dma_start3A_35 = arith.constant 0 : i32
    %dma_start3A_36 = arith.constant 0 : i32
    %dma_start3A_37 = tpu.memref_slice %arg6[%dma_start3A_35, %dma_start3A_36] : memref<80x128xi32, #tpu.memory_space<vmem>> -> memref<1x128xi32, #tpu.memory_space<vmem>>
    %dma_start3A_38 = tpu.memref_squeeze %dma_start3A_37 : memref<1x128xi32, #tpu.memory_space<vmem>> -> memref<128xi32, #tpu.memory_space<vmem>>
    %dma_start3A_39 = arith.constant 0 : i32
    %dma_start3A_40 = arith.constant 0 : i32
    %dma_start3A_41 = tpu.memref_slice %arg2[%dma_start3A_39, %dma_start3A_40] : memref<10000x128xf32, #tpu.memory_space<hbm>> -> memref<10000x128xf32, #tpu.memory_space<hbm>>
    tpu.enqueue_indirect_dma source(%dma_start3A_41 : memref<10000x128xf32, #tpu.memory_space<hbm>>) target(%arg9 : memref<128x128xf32, #tpu.memory_space<vmem>>) offsets(%dma_start3A_38 : memref<128xi32, #tpu.memory_space<vmem>>) semaphore(%arg12 : memref<!tpu.dma_semaphore, #tpu.memory_space<semaphore_mem>>)
    %add3A_42 = arith.constant 0 : i32
    %add3A_43 = arith.addi %mul3A_2, %add3A_42 : i32
    %dma_start3A_44 = arith.constant 0 : i32
    %dma_start3A_45 = tpu.memref_slice %arg4[%add3A_43, %dma_start3A_44] : memref<2560x128xi32, #tpu.memory_space<hbm>> -> memref<1x128xi32, #tpu.memory_space<hbm>>
    %dma_start3A_46 = tpu.memref_squeeze %dma_start3A_45 : memref<1x128xi32, #tpu.memory_space<hbm>> -> memref<128xi32, #tpu.memory_space<hbm>>
    %dma_start3A_47 = arith.constant 0 : i32
    %dma_start3A_48 = tpu.memref_slice %arg4[%add3A_43, %dma_start3A_47] : memref<2560x128xi32, #tpu.memory_space<hbm>> -> memref<1x128xi32, #tpu.memory_space<hbm>>
    %dma_start3A_49 = tpu.memref_squeeze %dma_start3A_48 : memref<1x128xi32, #tpu.memory_space<hbm>> -> memref<128xi32, #tpu.memory_space<hbm>>
    tpu.enqueue_dma source(%dma_start3A_49 : memref<128xi32, #tpu.memory_space<hbm>>) target(%arg7 : memref<128xi32, #tpu.memory_space<vmem>>) target_semaphore(%arg13 : memref<!tpu.dma_semaphore, #tpu.memory_space<semaphore_mem>>)
    %dma_start3A_50 = arith.constant 1 : i32
    %dma_start3A_51 = arith.constant 0 : i32
    %dma_start3A_52 = tpu.memref_slice %arg6[%dma_start3A_50, %dma_start3A_51] : memref<80x128xi32, #tpu.memory_space<vmem>> -> memref<1x128xi32, #tpu.memory_space<vmem>>
    %dma_start3A_53 = tpu.memref_squeeze %dma_start3A_52 : memref<1x128xi32, #tpu.memory_space<vmem>> -> memref<128xi32, #tpu.memory_space<vmem>>
    %dma_start3A_54 = arith.constant 0 : i32
    %dma_start3A_55 = arith.constant 0 : i32
    %dma_start3A_56 = tpu.memref_slice %arg2[%dma_start3A_54, %dma_start3A_55] : memref<10000x128xf32, #tpu.memory_space<hbm>> -> memref<10000x128xf32, #tpu.memory_space<hbm>>
    tpu.enqueue_indirect_dma source(%dma_start3A_56 : memref<10000x128xf32, #tpu.memory_space<hbm>>) target(%arg10 : memref<128x128xf32, #tpu.memory_space<vmem>>) offsets(%dma_start3A_53 : memref<128xi32, #tpu.memory_space<vmem>>) semaphore(%arg12 : memref<!tpu.dma_semaphore, #tpu.memory_space<semaphore_mem>>)
    %add3A_57 = arith.constant 1 : i32
    %add3A_58 = arith.addi %mul3A_2, %add3A_57 : i32
    %dma_start3A_59 = arith.constant 0 : i32
    %dma_start3A_60 = tpu.memref_slice %arg4[%add3A_58, %dma_start3A_59] : memref<2560x128xi32, #tpu.memory_space<hbm>> -> memref<1x128xi32, #tpu.memory_space<hbm>>
    %dma_start3A_61 = tpu.memref_squeeze %dma_start3A_60 : memref<1x128xi32, #tpu.memory_space<hbm>> -> memref<128xi32, #tpu.memory_space<hbm>>
    %dma_start3A_62 = arith.constant 0 : i32
    %dma_start3A_63 = tpu.memref_slice %arg4[%add3A_58, %dma_start3A_62] : memref<2560x128xi32, #tpu.memory_space<hbm>> -> memref<1x128xi32, #tpu.memory_space<hbm>>
    %dma_start3A_64 = tpu.memref_squeeze %dma_start3A_63 : memref<1x128xi32, #tpu.memory_space<hbm>> -> memref<128xi32, #tpu.memory_space<hbm>>
    tpu.enqueue_dma source(%dma_start3A_64 : memref<128xi32, #tpu.memory_space<hbm>>) target(%arg8 : memref<128xi32, #tpu.memory_space<vmem>>) target_semaphore(%arg13 : memref<!tpu.dma_semaphore, #tpu.memory_space<semaphore_mem>>)
    %scan3A_65 = arith.constant 0 : i32
    %scan3A_66 = arith.constant 0 : i32
    %scan3A_67 = arith.constant 39 : i32
    %scan3A_68 = arith.addi %scan3A_66, %scan3A_67 : i32
    %scan3A_69 = arith.constant 1 : i32
    %scan3A_70 = scf.for %scan3A_106 = %scan3A_66 to %scan3A_68 step %scan3A_69 iter_args(%scan3A_107 = %scan3A_65) -> (i32)  : i32 {
      %mul3A_108 = arith.constant 2 : i32
      %mul3A_109 = arith.muli %mul3A_108, %scan3A_106 : i32
      %dma_wait3A_110 = arith.constant 0 : i32
      %dma_wait3A_111 = arith.constant 0 : i32
      %dma_wait3A_112 = tpu.memref_slice %arg2[%dma_wait3A_110, %dma_wait3A_111] : memref<10000x128xf32, #tpu.memory_space<hbm>> -> memref<128x128xf32, #tpu.memory_space<hbm>>
      %dma_wait3A_113 = arith.constant 0 : i32
      %dma_wait3A_114 = arith.constant 0 : i32
      %dma_wait3A_115 = tpu.memref_slice %arg2[%dma_wait3A_113, %dma_wait3A_114] : memref<10000x128xf32, #tpu.memory_space<hbm>> -> memref<128x128xf32, #tpu.memory_space<hbm>>
      tpu.wait_dma2 semaphore(%arg12 : memref<!tpu.dma_semaphore, #tpu.memory_space<semaphore_mem>>) src(%dma_wait3A_115 : memref<128x128xf32, #tpu.memory_space<hbm>>) dst(%arg9 : memref<128x128xf32, #tpu.memory_space<vmem>>)
      %dma_wait3A_116 = arith.constant 0 : i32
      %dma_wait3A_117 = arith.constant 0 : i32
      %dma_wait3A_118 = tpu.memref_slice %arg4[%dma_wait3A_116, %dma_wait3A_117] : memref<2560x128xi32, #tpu.memory_space<hbm>> -> memref<1x128xi32, #tpu.memory_space<hbm>>
      %dma_wait3A_119 = tpu.memref_squeeze %dma_wait3A_118 : memref<1x128xi32, #tpu.memory_space<hbm>> -> memref<128xi32, #tpu.memory_space<hbm>>
      %dma_wait3A_120 = arith.constant 0 : i32
      %dma_wait3A_121 = tpu.memref_slice %arg4[%dma_wait3A_116, %dma_wait3A_120] : memref<2560x128xi32, #tpu.memory_space<hbm>> -> memref<1x128xi32, #tpu.memory_space<hbm>>
      %dma_wait3A_122 = tpu.memref_squeeze %dma_wait3A_121 : memref<1x128xi32, #tpu.memory_space<hbm>> -> memref<128xi32, #tpu.memory_space<hbm>>
      tpu.wait_dma2 semaphore(%arg13 : memref<!tpu.dma_semaphore, #tpu.memory_space<semaphore_mem>>) src(%dma_wait3A_122 : memref<128xi32, #tpu.memory_space<hbm>>) dst(%arg7 : memref<128xi32, #tpu.memory_space<vmem>>)
      "tpu.region"() ({
        %run_scoped3A = tpu.sem_alloc : memref<!tpu.dma_semaphore, #tpu.memory_space<semaphore_mem>>
        %dma_start3A_171 = arith.constant 0 : i32
        %dma_start3A_172 = arith.constant 0 : i32
        %dma_start3A_173 = tpu.memref_slice %arg11[%dma_start3A_171, %dma_start3A_172] : memref<10240x128xf32, #tpu.memory_space<vmem_shared>> -> memref<10240x128xf32, #tpu.memory_space<vmem_shared>>
        tpu.enqueue_indirect_dma source(%arg9 : memref<128x128xf32, #tpu.memory_space<vmem>>) target(%dma_start3A_173 : memref<10240x128xf32, #tpu.memory_space<vmem_shared>>) offsets(%arg7 : memref<128xi32, #tpu.memory_space<vmem>>) semaphore(%run_scoped3A : memref<!tpu.dma_semaphore, #tpu.memory_space<semaphore_mem>>) {add = true}
        %dma_wait3A_174 = arith.constant 0 : i32
        %dma_wait3A_175 = arith.constant 0 : i32
        %dma_wait3A_176 = tpu.memref_slice %arg11[%dma_wait3A_174, %dma_wait3A_175] : memref<10240x128xf32, #tpu.memory_space<vmem_shared>> -> memref<10240x128xf32, #tpu.memory_space<vmem_shared>>
        tpu.wait_indirect_dma semaphore(%run_scoped3A : memref<!tpu.dma_semaphore, #tpu.memory_space<semaphore_mem>>) src(%arg9 : memref<128x128xf32, #tpu.memory_space<vmem>>) dst(%dma_wait3A_176 : memref<10240x128xf32, #tpu.memory_space<vmem_shared>>)
        tpu.yield
      }) : () -> ()
      %add3A_123 = arith.constant 2 : i32
      %add3A_124 = arith.addi %mul3A_109, %add3A_123 : i32
      %dma_start3A_125 = arith.constant 0 : i32
      %dma_start3A_126 = tpu.memref_slice %arg6[%add3A_124, %dma_start3A_125] : memref<80x128xi32, #tpu.memory_space<vmem>> -> memref<1x128xi32, #tpu.memory_space<vmem>>
      %dma_start3A_127 = tpu.memref_squeeze %dma_start3A_126 : memref<1x128xi32, #tpu.memory_space<vmem>> -> memref<128xi32, #tpu.memory_space<vmem>>
      %dma_start3A_128 = arith.constant 0 : i32
      %dma_start3A_129 = arith.constant 0 : i32
      %dma_start3A_130 = tpu.memref_slice %arg2[%dma_start3A_128, %dma_start3A_129] : memref<10000x128xf32, #tpu.memory_space<hbm>> -> memref<10000x128xf32, #tpu.memory_space<hbm>>
      tpu.enqueue_indirect_dma source(%dma_start3A_130 : memref<10000x128xf32, #tpu.memory_space<hbm>>) target(%arg9 : memref<128x128xf32, #tpu.memory_space<vmem>>) offsets(%dma_start3A_127 : memref<128xi32, #tpu.memory_space<vmem>>) semaphore(%arg12 : memref<!tpu.dma_semaphore, #tpu.memory_space<semaphore_mem>>)
      %add3A_131 = arith.constant 2 : i32
      %add3A_132 = arith.addi %mul3A_109, %add3A_131 : i32
      %add3A_133 = arith.addi %mul3A_2, %add3A_132 : i32
      %dma_start3A_134 = arith.constant 0 : i32
      %dma_start3A_135 = tpu.memref_slice %arg4[%add3A_133, %dma_start3A_134] : memref<2560x128xi32, #tpu.memory_space<hbm>> -> memref<1x128xi32, #tpu.memory_space<hbm>>
      %dma_start3A_136 = tpu.memref_squeeze %dma_start3A_135 : memref<1x128xi32, #tpu.memory_space<hbm>> -> memref<128xi32, #tpu.memory_space<hbm>>
      %dma_start3A_137 = arith.constant 0 : i32
      %dma_start3A_138 = tpu.memref_slice %arg4[%add3A_133, %dma_start3A_137] : memref<2560x128xi32, #tpu.memory_space<hbm>> -> memref<1x128xi32, #tpu.memory_space<hbm>>
      %dma_start3A_139 = tpu.memref_squeeze %dma_start3A_138 : memref<1x128xi32, #tpu.memory_space<hbm>> -> memref<128xi32, #tpu.memory_space<hbm>>
      tpu.enqueue_dma source(%dma_start3A_139 : memref<128xi32, #tpu.memory_space<hbm>>) target(%arg7 : memref<128xi32, #tpu.memory_space<vmem>>) target_semaphore(%arg13 : memref<!tpu.dma_semaphore, #tpu.memory_space<semaphore_mem>>)
      %dma_wait3A_140 = arith.constant 0 : i32
      %dma_wait3A_141 = arith.constant 0 : i32
      %dma_wait3A_142 = tpu.memref_slice %arg2[%dma_wait3A_140, %dma_wait3A_141] : memref<10000x128xf32, #tpu.memory_space<hbm>> -> memref<128x128xf32, #tpu.memory_space<hbm>>
      %dma_wait3A_143 = arith.constant 0 : i32
      %dma_wait3A_144 = arith.constant 0 : i32
      %dma_wait3A_145 = tpu.memref_slice %arg2[%dma_wait3A_143, %dma_wait3A_144] : memref<10000x128xf32, #tpu.memory_space<hbm>> -> memref<128x128xf32, #tpu.memory_space<hbm>>
      tpu.wait_dma2 semaphore(%arg12 : memref<!tpu.dma_semaphore, #tpu.memory_space<semaphore_mem>>) src(%dma_wait3A_145 : memref<128x128xf32, #tpu.memory_space<hbm>>) dst(%arg10 : memref<128x128xf32, #tpu.memory_space<vmem>>)
      %dma_wait3A_146 = arith.constant 0 : i32
      %dma_wait3A_147 = arith.constant 0 : i32
      %dma_wait3A_148 = tpu.memref_slice %arg4[%dma_wait3A_146, %dma_wait3A_147] : memref<2560x128xi32, #tpu.memory_space<hbm>> -> memref<1x128xi32, #tpu.memory_space<hbm>>
      %dma_wait3A_149 = tpu.memref_squeeze %dma_wait3A_148 : memref<1x128xi32, #tpu.memory_space<hbm>> -> memref<128xi32, #tpu.memory_space<hbm>>
      %dma_wait3A_150 = arith.constant 0 : i32
      %dma_wait3A_151 = tpu.memref_slice %arg4[%dma_wait3A_146, %dma_wait3A_150] : memref<2560x128xi32, #tpu.memory_space<hbm>> -> memref<1x128xi32, #tpu.memory_space<hbm>>
      %dma_wait3A_152 = tpu.memref_squeeze %dma_wait3A_151 : memref<1x128xi32, #tpu.memory_space<hbm>> -> memref<128xi32, #tpu.memory_space<hbm>>
      tpu.wait_dma2 semaphore(%arg13 : memref<!tpu.dma_semaphore, #tpu.memory_space<semaphore_mem>>) src(%dma_wait3A_152 : memref<128xi32, #tpu.memory_space<hbm>>) dst(%arg8 : memref<128xi32, #tpu.memory_space<vmem>>)
      "tpu.region"() ({
        %run_scoped3A = tpu.sem_alloc : memref<!tpu.dma_semaphore, #tpu.memory_space<semaphore_mem>>
        %dma_start3A_171 = arith.constant 0 : i32
        %dma_start3A_172 = arith.constant 0 : i32
        %dma_start3A_173 = tpu.memref_slice %arg11[%dma_start3A_171, %dma_start3A_172] : memref<10240x128xf32, #tpu.memory_space<vmem_shared>> -> memref<10240x128xf32, #tpu.memory_space<vmem_shared>>
        tpu.enqueue_indirect_dma source(%arg10 : memref<128x128xf32, #tpu.memory_space<vmem>>) target(%dma_start3A_173 : memref<10240x128xf32, #tpu.memory_space<vmem_shared>>) offsets(%arg8 : memref<128xi32, #tpu.memory_space<vmem>>) semaphore(%run_scoped3A : memref<!tpu.dma_semaphore, #tpu.memory_space<semaphore_mem>>) {add = true}
        %dma_wait3A_174 = arith.constant 0 : i32
        %dma_wait3A_175 = arith.constant 0 : i32
        %dma_wait3A_176 = tpu.memref_slice %arg11[%dma_wait3A_174, %dma_wait3A_175] : memref<10240x128xf32, #tpu.memory_space<vmem_shared>> -> memref<10240x128xf32, #tpu.memory_space<vmem_shared>>
        tpu.wait_indirect_dma semaphore(%run_scoped3A : memref<!tpu.dma_semaphore, #tpu.memory_space<semaphore_mem>>) src(%arg10 : memref<128x128xf32, #tpu.memory_space<vmem>>) dst(%dma_wait3A_176 : memref<10240x128xf32, #tpu.memory_space<vmem_shared>>)
        tpu.yield
      }) : () -> ()
      %add3A_153 = arith.constant 3 : i32
      %add3A_154 = arith.addi %mul3A_109, %add3A_153 : i32
      %dma_start3A_155 = arith.constant 0 : i32
      %dma_start3A_156 = tpu.memref_slice %arg6[%add3A_154, %dma_start3A_155] : memref<80x128xi32, #tpu.memory_space<vmem>> -> memref<1x128xi32, #tpu.memory_space<vmem>>
      %dma_start3A_157 = tpu.memref_squeeze %dma_start3A_156 : memref<1x128xi32, #tpu.memory_space<vmem>> -> memref<128xi32, #tpu.memory_space<vmem>>
      %dma_start3A_158 = arith.constant 0 : i32
      %dma_start3A_159 = arith.constant 0 : i32
      %dma_start3A_160 = tpu.memref_slice %arg2[%dma_start3A_158, %dma_start3A_159] : memref<10000x128xf32, #tpu.memory_space<hbm>> -> memref<10000x128xf32, #tpu.memory_space<hbm>>
      tpu.enqueue_indirect_dma source(%dma_start3A_160 : memref<10000x128xf32, #tpu.memory_space<hbm>>) target(%arg10 : memref<128x128xf32, #tpu.memory_space<vmem>>) offsets(%dma_start3A_157 : memref<128xi32, #tpu.memory_space<vmem>>) semaphore(%arg12 : memref<!tpu.dma_semaphore, #tpu.memory_space<semaphore_mem>>)
      %add3A_161 = arith.constant 3 : i32
      %add3A_162 = arith.addi %mul3A_109, %add3A_161 : i32
      %add3A_163 = arith.addi %mul3A_2, %add3A_162 : i32
      %dma_start3A_164 = arith.constant 0 : i32
      %dma_start3A_165 = tpu.memref_slice %arg4[%add3A_163, %dma_start3A_164] : memref<2560x128xi32, #tpu.memory_space<hbm>> -> memref<1x128xi32, #tpu.memory_space<hbm>>
      %dma_start3A_166 = tpu.memref_squeeze %dma_start3A_165 : memref<1x128xi32, #tpu.memory_space<hbm>> -> memref<128xi32, #tpu.memory_space<hbm>>
      %dma_start3A_167 = arith.constant 0 : i32
      %dma_start3A_168 = tpu.memref_slice %arg4[%add3A_163, %dma_start3A_167] : memref<2560x128xi32, #tpu.memory_space<hbm>> -> memref<1x128xi32, #tpu.memory_space<hbm>>
      %dma_start3A_169 = tpu.memref_squeeze %dma_start3A_168 : memref<1x128xi32, #tpu.memory_space<hbm>> -> memref<128xi32, #tpu.memory_space<hbm>>
      tpu.enqueue_dma source(%dma_start3A_169 : memref<128xi32, #tpu.memory_space<hbm>>) target(%arg8 : memref<128xi32, #tpu.memory_space<vmem>>) target_semaphore(%arg13 : memref<!tpu.dma_semaphore, #tpu.memory_space<semaphore_mem>>)
      %scan3A_170 = arith.constant 0 : i32
      scf.yield %scan3A_170 : i32
    }
    %scan3A_71 = arith.constant 39 : i32
    %dma_wait3A_72 = arith.constant 0 : i32
    %dma_wait3A_73 = arith.constant 0 : i32
    %dma_wait3A_74 = tpu.memref_slice %arg2[%dma_wait3A_72, %dma_wait3A_73] : memref<10000x128xf32, #tpu.memory_space<hbm>> -> memref<128x128xf32, #tpu.memory_space<hbm>>
    %dma_wait3A_75 = arith.constant 0 : i32
    %dma_wait3A_76 = arith.constant 0 : i32
    %dma_wait3A_77 = tpu.memref_slice %arg2[%dma_wait3A_75, %dma_wait3A_76] : memref<10000x128xf32, #tpu.memory_space<hbm>> -> memref<128x128xf32, #tpu.memory_space<hbm>>
    tpu.wait_dma2 semaphore(%arg12 : memref<!tpu.dma_semaphore, #tpu.memory_space<semaphore_mem>>) src(%dma_wait3A_77 : memref<128x128xf32, #tpu.memory_space<hbm>>) dst(%arg9 : memref<128x128xf32, #tpu.memory_space<vmem>>)
    %dma_wait3A_78 = arith.constant 0 : i32
    %dma_wait3A_79 = arith.constant 0 : i32
    %dma_wait3A_80 = tpu.memref_slice %arg4[%dma_wait3A_78, %dma_wait3A_79] : memref<2560x128xi32, #tpu.memory_space<hbm>> -> memref<1x128xi32, #tpu.memory_space<hbm>>
    %dma_wait3A_81 = tpu.memref_squeeze %dma_wait3A_80 : memref<1x128xi32, #tpu.memory_space<hbm>> -> memref<128xi32, #tpu.memory_space<hbm>>
    %dma_wait3A_82 = arith.constant 0 : i32
    %dma_wait3A_83 = tpu.memref_slice %arg4[%dma_wait3A_78, %dma_wait3A_82] : memref<2560x128xi32, #tpu.memory_space<hbm>> -> memref<1x128xi32, #tpu.memory_space<hbm>>
    %dma_wait3A_84 = tpu.memref_squeeze %dma_wait3A_83 : memref<1x128xi32, #tpu.memory_space<hbm>> -> memref<128xi32, #tpu.memory_space<hbm>>
    tpu.wait_dma2 semaphore(%arg13 : memref<!tpu.dma_semaphore, #tpu.memory_space<semaphore_mem>>) src(%dma_wait3A_84 : memref<128xi32, #tpu.memory_space<hbm>>) dst(%arg7 : memref<128xi32, #tpu.memory_space<vmem>>)
    "tpu.region"() ({
      %run_scoped3A = tpu.sem_alloc : memref<!tpu.dma_semaphore, #tpu.memory_space<semaphore_mem>>
      %dma_start3A_106 = arith.constant 0 : i32
      %dma_start3A_107 = arith.constant 0 : i32
      %dma_start3A_108 = tpu.memref_slice %arg11[%dma_start3A_106, %dma_start3A_107] : memref<10240x128xf32, #tpu.memory_space<vmem_shared>> -> memref<10240x128xf32, #tpu.memory_space<vmem_shared>>
      tpu.enqueue_indirect_dma source(%arg9 : memref<128x128xf32, #tpu.memory_space<vmem>>) target(%dma_start3A_108 : memref<10240x128xf32, #tpu.memory_space<vmem_shared>>) offsets(%arg7 : memref<128xi32, #tpu.memory_space<vmem>>) semaphore(%run_scoped3A : memref<!tpu.dma_semaphore, #tpu.memory_space<semaphore_mem>>) {add = true}
      %dma_wait3A_109 = arith.constant 0 : i32
      %dma_wait3A_110 = arith.constant 0 : i32
      %dma_wait3A_111 = tpu.memref_slice %arg11[%dma_wait3A_109, %dma_wait3A_110] : memref<10240x128xf32, #tpu.memory_space<vmem_shared>> -> memref<10240x128xf32, #tpu.memory_space<vmem_shared>>
      tpu.wait_indirect_dma semaphore(%run_scoped3A : memref<!tpu.dma_semaphore, #tpu.memory_space<semaphore_mem>>) src(%arg9 : memref<128x128xf32, #tpu.memory_space<vmem>>) dst(%dma_wait3A_111 : memref<10240x128xf32, #tpu.memory_space<vmem_shared>>)
      tpu.yield
    }) : () -> ()
    %dma_wait3A_85 = arith.constant 0 : i32
    %dma_wait3A_86 = arith.constant 0 : i32
    %dma_wait3A_87 = tpu.memref_slice %arg2[%dma_wait3A_85, %dma_wait3A_86] : memref<10000x128xf32, #tpu.memory_space<hbm>> -> memref<128x128xf32, #tpu.memory_space<hbm>>
    %dma_wait3A_88 = arith.constant 0 : i32
    %dma_wait3A_89 = arith.constant 0 : i32
    %dma_wait3A_90 = tpu.memref_slice %arg2[%dma_wait3A_88, %dma_wait3A_89] : memref<10000x128xf32, #tpu.memory_space<hbm>> -> memref<128x128xf32, #tpu.memory_space<hbm>>
    tpu.wait_dma2 semaphore(%arg12 : memref<!tpu.dma_semaphore, #tpu.memory_space<semaphore_mem>>) src(%dma_wait3A_90 : memref<128x128xf32, #tpu.memory_space<hbm>>) dst(%arg10 : memref<128x128xf32, #tpu.memory_space<vmem>>)
    %dma_wait3A_91 = arith.constant 0 : i32
    %dma_wait3A_92 = arith.constant 0 : i32
    %dma_wait3A_93 = tpu.memref_slice %arg4[%dma_wait3A_91, %dma_wait3A_92] : memref<2560x128xi32, #tpu.memory_space<hbm>> -> memref<1x128xi32, #tpu.memory_space<hbm>>
    %dma_wait3A_94 = tpu.memref_squeeze %dma_wait3A_93 : memref<1x128xi32, #tpu.memory_space<hbm>> -> memref<128xi32, #tpu.memory_space<hbm>>
    %dma_wait3A_95 = arith.constant 0 : i32
    %dma_wait3A_96 = tpu.memref_slice %arg4[%dma_wait3A_91, %dma_wait3A_95] : memref<2560x128xi32, #tpu.memory_space<hbm>> -> memref<1x128xi32, #tpu.memory_space<hbm>>
    %dma_wait3A_97 = tpu.memref_squeeze %dma_wait3A_96 : memref<1x128xi32, #tpu.memory_space<hbm>> -> memref<128xi32, #tpu.memory_space<hbm>>
    tpu.wait_dma2 semaphore(%arg13 : memref<!tpu.dma_semaphore, #tpu.memory_space<semaphore_mem>>) src(%dma_wait3A_97 : memref<128xi32, #tpu.memory_space<hbm>>) dst(%arg8 : memref<128xi32, #tpu.memory_space<vmem>>)
    "tpu.region"() ({
      %run_scoped3A = tpu.sem_alloc : memref<!tpu.dma_semaphore, #tpu.memory_space<semaphore_mem>>
      %dma_start3A_106 = arith.constant 0 : i32
      %dma_start3A_107 = arith.constant 0 : i32
      %dma_start3A_108 = tpu.memref_slice %arg11[%dma_start3A_106, %dma_start3A_107] : memref<10240x128xf32, #tpu.memory_space<vmem_shared>> -> memref<10240x128xf32, #tpu.memory_space<vmem_shared>>
      tpu.enqueue_indirect_dma source(%arg10 : memref<128x128xf32, #tpu.memory_space<vmem>>) target(%dma_start3A_108 : memref<10240x128xf32, #tpu.memory_space<vmem_shared>>) offsets(%arg8 : memref<128xi32, #tpu.memory_space<vmem>>) semaphore(%run_scoped3A : memref<!tpu.dma_semaphore, #tpu.memory_space<semaphore_mem>>) {add = true}
      %dma_wait3A_109 = arith.constant 0 : i32
      %dma_wait3A_110 = arith.constant 0 : i32
      %dma_wait3A_111 = tpu.memref_slice %arg11[%dma_wait3A_109, %dma_wait3A_110] : memref<10240x128xf32, #tpu.memory_space<vmem_shared>> -> memref<10240x128xf32, #tpu.memory_space<vmem_shared>>
      tpu.wait_indirect_dma semaphore(%run_scoped3A : memref<!tpu.dma_semaphore, #tpu.memory_space<semaphore_mem>>) src(%arg10 : memref<128x128xf32, #tpu.memory_space<vmem>>) dst(%dma_wait3A_111 : memref<10240x128xf32, #tpu.memory_space<vmem_shared>>)
      tpu.yield
    }) : () -> ()
    %barrier3A_98 = arith.constant 0 : index
    tpu.barrier barrier_id(%barrier3A_98)
    %mul3A_99 = arith.constant 640 : i32
    %mul3A_100 = arith.muli %arg1, %mul3A_99 : i32
    %mul3A_101 = arith.constant 10240 : i32
    %mul3A_102 = arith.muli %arg0, %mul3A_101 : i32
    %mul3A_103 = arith.constant 640 : i32
    %mul3A_104 = arith.muli %arg1, %mul3A_103 : i32
    %add3A_105 = arith.addi %mul3A_102, %mul3A_104 : i32
    "tpu.region"() ({
      %run_scoped3A = tpu.sem_alloc : memref<!tpu.dma_semaphore, #tpu.memory_space<semaphore_mem>>
      %dma_start3A_106 = arith.constant 0 : i32
      %dma_start3A_107 = tpu.memref_slice %arg5[%add3A_105, %dma_start3A_106] : memref<20480x128xf32, #tpu.memory_space<hbm>> -> memref<640x128xf32, #tpu.memory_space<hbm>>
      %dma_start3A_108 = arith.constant 0 : i32
      %dma_start3A_109 = tpu.memref_slice %arg11[%mul3A_100, %dma_start3A_108] : memref<10240x128xf32, #tpu.memory_space<vmem_shared>> -> memref<640x128xf32, #tpu.memory_space<vmem_shared>>
      tpu.enqueue_dma source(%dma_start3A_109 : memref<640x128xf32, #tpu.memory_space<vmem_shared>>) target(%dma_start3A_107 : memref<640x128xf32, #tpu.memory_space<hbm>>) target_semaphore(%run_scoped3A : memref<!tpu.dma_semaphore, #tpu.memory_space<semaphore_mem>>)
      %dma_wait3A_110 = arith.constant 0 : i32
      %dma_wait3A_111 = tpu.memref_slice %arg5[%add3A_105, %dma_wait3A_110] : memref<20480x128xf32, #tpu.memory_space<hbm>> -> memref<640x128xf32, #tpu.memory_space<hbm>>
      %dma_wait3A_112 = arith.constant 0 : i32
      %dma_wait3A_113 = tpu.memref_slice %arg11[%mul3A_100, %dma_wait3A_112] : memref<10240x128xf32, #tpu.memory_space<vmem_shared>> -> memref<640x128xf32, #tpu.memory_space<vmem_shared>>
      tpu.wait_dma2 semaphore(%run_scoped3A : memref<!tpu.dma_semaphore, #tpu.memory_space<semaphore_mem>>) src(%dma_wait3A_113 : memref<640x128xf32, #tpu.memory_space<vmem_shared>>) dst(%dma_wait3A_111 : memref<640x128xf32, #tpu.memory_space<hbm>>)
      tpu.yield
    }) : () -> ()
    return
  }
}

#map = affine_map<(d0, d1) -> (0, 0)>
module attributes {stable_mosaic.version = 14 : i64} {
  func.func @_agg_body(%arg0: i32, %arg1: i32, %arg2: memref<10000x128xf32, #tpu.memory_space<hbm>>, %arg3: memref<2560x128xi32, #tpu.memory_space<hbm>>, %arg4: memref<2560x128xi32, #tpu.memory_space<hbm>>, %arg5: memref<20480x128xf32, #tpu.memory_space<hbm>>, %arg6: memref<80x128xi32, #tpu.memory_space<vmem>>, %arg7: memref<128xi32, #tpu.memory_space<vmem>>, %arg8: memref<128xi32, #tpu.memory_space<vmem>>, %arg9: memref<128x128xf32, #tpu.memory_space<vmem>>, %arg10: memref<128x128xf32, #tpu.memory_space<vmem>>, %arg11: memref<10240x128xf32, #tpu.memory_space<vmem_shared>>, %arg12: memref<!tpu.dma_semaphore, #tpu.memory_space<semaphore_mem>>, %arg13: memref<!tpu.dma_semaphore, #tpu.memory_space<semaphore_mem>>) attributes {dimension_semantics = [#tpu.dimension_semantics<core_parallel>, #tpu.dimension_semantics<subcore_parallel>], iteration_bounds = array<i64: 2, 16>, scalar_prefetch = 0 : i64, scratch_operands = 8 : i64, tpu.core_type = #tpu.core_type<sc_vector_subcore>, window_params = [{transform_indices = #map}, {transform_indices = #map}, {transform_indices = #map}, {transform_indices = #map}]} {
    %mul3A = arith.constant 16 : i32
    %mul3A_0 = arith.muli %arg0, %mul3A : i32
    %add3A = arith.addi %mul3A_0, %arg1 : i32
    %mul3A_1 = arith.constant 80 : i32
    %mul3A_2 = arith.muli %add3A, %mul3A_1 : i32
    %dma_start3A = arith.constant 0 : i32
    %dma_start3A_3 = tpu.memref_slice %arg3[%mul3A_2, %dma_start3A] : memref<2560x128xi32, #tpu.memory_space<hbm>> -> memref<80x128xi32, #tpu.memory_space<hbm>>
    %dma_start3A_4 = arith.constant 0 : i32
    %dma_start3A_5 = tpu.memref_slice %arg3[%mul3A_2, %dma_start3A_4] : memref<2560x128xi32, #tpu.memory_space<hbm>> -> memref<80x128xi32, #tpu.memory_space<hbm>>
    tpu.enqueue_dma source(%dma_start3A_5 : memref<80x128xi32, #tpu.memory_space<hbm>>) target(%arg6 : memref<80x128xi32, #tpu.memory_space<vmem>>) target_semaphore(%arg12 : memref<!tpu.dma_semaphore, #tpu.memory_space<semaphore_mem>>)
    %scan3A = arith.constant 0 : i32
    %scan3A_6 = arith.constant 0 : i32
    %scan3A_7 = arith.constant 128 : i32
    %scan3A_8 = arith.addi %scan3A_6, %scan3A_7 : i32
    %scan3A_9 = arith.constant 1 : i32
    %scan3A_10 = scf.for %scan3A_106 = %scan3A_6 to %scan3A_8 step %scan3A_9 iter_args(%scan3A_107 = %scan3A) -> (i32)  : i32 {
      %scan3A_108 = arith.constant 0 : i32
      %scan3A_109 = arith.constant 0 : i32
      %scan3A_110 = arith.constant 8 : i32
      %scan3A_111 = arith.addi %scan3A_109, %scan3A_110 : i32
      %scan3A_112 = arith.constant 1 : i32
      %scan3A_113 = scf.for %scan3A_115 = %scan3A_109 to %scan3A_111 step %scan3A_112 iter_args(%scan3A_116 = %scan3A_108) -> (i32)  : i32 {
        %broadcast_in_dim3A = arith.constant 0.000000e+00 : f32
        %broadcast_in_dim3A_117 = vector.broadcast %broadcast_in_dim3A : f32 to vector<16xf32>
        %mul3A_118 = arith.constant 16 : i32
        %mul3A_119 = arith.muli %scan3A_115, %mul3A_118 : i32
        %swap3A = arith.index_cast %scan3A_106 : i32 to index
        %swap3A_120 = arith.index_cast %mul3A_119 : i32 to index
        %swap3A_121 = tpu.vector_load %arg9[%swap3A, %swap3A_120] {strides = array<i32>} : memref<128x128xf32, #tpu.memory_space<vmem>>, vector<1x16xf32>,
        %swap3A_122 = vector.shape_cast %swap3A_121 : vector<1x16xf32> to vector<16xf32>
        %swap3A_123 = vector.shape_cast %broadcast_in_dim3A_117 : vector<16xf32> to vector<1x16xf32>
        tpu.vector_store %arg9[%swap3A, %swap3A_120], %swap3A_123 {strides = array<i32>} : memref<128x128xf32, #tpu.memory_space<vmem>>, vector<1x16xf32>,
        %scan3A_124 = arith.constant 0 : i32
        scf.yield %scan3A_124 : i32
      }
      %scan3A_114 = arith.constant 8 : i32
      scf.yield %scan3A_113 : i32
    }
    %scan3A_11 = arith.constant 128 : i32
    %mul3A_12 = arith.constant 640 : i32
    %mul3A_13 = arith.muli %arg1, %mul3A_12 : i32
    %add3A_14 = arith.constant 0 : i32
    %add3A_15 = arith.addi %mul3A_13, %add3A_14 : i32
    "tpu.region"() ({
      %run_scoped3A = tpu.sem_alloc : memref<!tpu.dma_semaphore, #tpu.memory_space<semaphore_mem>>
      %dma_start3A_106 = arith.constant 0 : i32
      %dma_start3A_107 = tpu.memref_slice %arg11[%add3A_15, %dma_start3A_106] : memref<10240x128xf32, #tpu.memory_space<vmem_shared>> -> memref<128x128xf32, #tpu.memory_space<vmem_shared>>
      %dma_start3A_108 = arith.constant 0 : i32
      %dma_start3A_109 = tpu.memref_slice %arg11[%add3A_15, %dma_start3A_108] : memref<10240x128xf32, #tpu.memory_space<vmem_shared>> -> memref<128x128xf32, #tpu.memory_space<vmem_shared>>
      tpu.enqueue_dma source(%arg9 : memref<128x128xf32, #tpu.memory_space<vmem>>) target(%dma_start3A_109 : memref<128x128xf32, #tpu.memory_space<vmem_shared>>) target_semaphore(%run_scoped3A : memref<!tpu.dma_semaphore, #tpu.memory_space<semaphore_mem>>)
      %dma_wait3A_110 = arith.constant 0 : i32
      %dma_wait3A_111 = tpu.memref_slice %arg11[%add3A_15, %dma_wait3A_110] : memref<10240x128xf32, #tpu.memory_space<vmem_shared>> -> memref<128x128xf32, #tpu.memory_space<vmem_shared>>
      %dma_wait3A_112 = arith.constant 0 : i32
      %dma_wait3A_113 = tpu.memref_slice %arg11[%add3A_15, %dma_wait3A_112] : memref<10240x128xf32, #tpu.memory_space<vmem_shared>> -> memref<128x128xf32, #tpu.memory_space<vmem_shared>>
      tpu.wait_dma2 semaphore(%run_scoped3A : memref<!tpu.dma_semaphore, #tpu.memory_space<semaphore_mem>>) src(%arg9 : memref<128x128xf32, #tpu.memory_space<vmem>>) dst(%dma_wait3A_113 : memref<128x128xf32, #tpu.memory_space<vmem_shared>>)
      tpu.yield
    }) : () -> ()
    %mul3A_16 = arith.constant 640 : i32
    %mul3A_17 = arith.muli %arg1, %mul3A_16 : i32
    %add3A_18 = arith.constant 128 : i32
    %add3A_19 = arith.addi %mul3A_17, %add3A_18 : i32
    "tpu.region"() ({
      %run_scoped3A = tpu.sem_alloc : memref<!tpu.dma_semaphore, #tpu.memory_space<semaphore_mem>>
      %dma_start3A_106 = arith.constant 0 : i32
      %dma_start3A_107 = tpu.memref_slice %arg11[%add3A_19, %dma_start3A_106] : memref<10240x128xf32, #tpu.memory_space<vmem_shared>> -> memref<128x128xf32, #tpu.memory_space<vmem_shared>>
      %dma_start3A_108 = arith.constant 0 : i32
      %dma_start3A_109 = tpu.memref_slice %arg11[%add3A_19, %dma_start3A_108] : memref<10240x128xf32, #tpu.memory_space<vmem_shared>> -> memref<128x128xf32, #tpu.memory_space<vmem_shared>>
      tpu.enqueue_dma source(%arg9 : memref<128x128xf32, #tpu.memory_space<vmem>>) target(%dma_start3A_109 : memref<128x128xf32, #tpu.memory_space<vmem_shared>>) target_semaphore(%run_scoped3A : memref<!tpu.dma_semaphore, #tpu.memory_space<semaphore_mem>>)
      %dma_wait3A_110 = arith.constant 0 : i32
      %dma_wait3A_111 = tpu.memref_slice %arg11[%add3A_19, %dma_wait3A_110] : memref<10240x128xf32, #tpu.memory_space<vmem_shared>> -> memref<128x128xf32, #tpu.memory_space<vmem_shared>>
      %dma_wait3A_112 = arith.constant 0 : i32
      %dma_wait3A_113 = tpu.memref_slice %arg11[%add3A_19, %dma_wait3A_112] : memref<10240x128xf32, #tpu.memory_space<vmem_shared>> -> memref<128x128xf32, #tpu.memory_space<vmem_shared>>
      tpu.wait_dma2 semaphore(%run_scoped3A : memref<!tpu.dma_semaphore, #tpu.memory_space<semaphore_mem>>) src(%arg9 : memref<128x128xf32, #tpu.memory_space<vmem>>) dst(%dma_wait3A_113 : memref<128x128xf32, #tpu.memory_space<vmem_shared>>)
      tpu.yield
    }) : () -> ()
    %mul3A_20 = arith.constant 640 : i32
    %mul3A_21 = arith.muli %arg1, %mul3A_20 : i32
    %add3A_22 = arith.constant 256 : i32
    %add3A_23 = arith.addi %mul3A_21, %add3A_22 : i32
    "tpu.region"() ({
      %run_scoped3A = tpu.sem_alloc : memref<!tpu.dma_semaphore, #tpu.memory_space<semaphore_mem>>
      %dma_start3A_106 = arith.constant 0 : i32
      %dma_start3A_107 = tpu.memref_slice %arg11[%add3A_23, %dma_start3A_106] : memref<10240x128xf32, #tpu.memory_space<vmem_shared>> -> memref<128x128xf32, #tpu.memory_space<vmem_shared>>
      %dma_start3A_108 = arith.constant 0 : i32
      %dma_start3A_109 = tpu.memref_slice %arg11[%add3A_23, %dma_start3A_108] : memref<10240x128xf32, #tpu.memory_space<vmem_shared>> -> memref<128x128xf32, #tpu.memory_space<vmem_shared>>
      tpu.enqueue_dma source(%arg9 : memref<128x128xf32, #tpu.memory_space<vmem>>) target(%dma_start3A_109 : memref<128x128xf32, #tpu.memory_space<vmem_shared>>) target_semaphore(%run_scoped3A : memref<!tpu.dma_semaphore, #tpu.memory_space<semaphore_mem>>)
      %dma_wait3A_110 = arith.constant 0 : i32
      %dma_wait3A_111 = tpu.memref_slice %arg11[%add3A_23, %dma_wait3A_110] : memref<10240x128xf32, #tpu.memory_space<vmem_shared>> -> memref<128x128xf32, #tpu.memory_space<vmem_shared>>
      %dma_wait3A_112 = arith.constant 0 : i32
      %dma_wait3A_113 = tpu.memref_slice %arg11[%add3A_23, %dma_wait3A_112] : memref<10240x128xf32, #tpu.memory_space<vmem_shared>> -> memref<128x128xf32, #tpu.memory_space<vmem_shared>>
      tpu.wait_dma2 semaphore(%run_scoped3A : memref<!tpu.dma_semaphore, #tpu.memory_space<semaphore_mem>>) src(%arg9 : memref<128x128xf32, #tpu.memory_space<vmem>>) dst(%dma_wait3A_113 : memref<128x128xf32, #tpu.memory_space<vmem_shared>>)
      tpu.yield
    }) : () -> ()
    %mul3A_24 = arith.constant 640 : i32
    %mul3A_25 = arith.muli %arg1, %mul3A_24 : i32
    %add3A_26 = arith.constant 384 : i32
    %add3A_27 = arith.addi %mul3A_25, %add3A_26 : i32
    "tpu.region"() ({
      %run_scoped3A = tpu.sem_alloc : memref<!tpu.dma_semaphore, #tpu.memory_space<semaphore_mem>>
      %dma_start3A_106 = arith.constant 0 : i32
      %dma_start3A_107 = tpu.memref_slice %arg11[%add3A_27, %dma_start3A_106] : memref<10240x128xf32, #tpu.memory_space<vmem_shared>> -> memref<128x128xf32, #tpu.memory_space<vmem_shared>>
      %dma_start3A_108 = arith.constant 0 : i32
      %dma_start3A_109 = tpu.memref_slice %arg11[%add3A_27, %dma_start3A_108] : memref<10240x128xf32, #tpu.memory_space<vmem_shared>> -> memref<128x128xf32, #tpu.memory_space<vmem_shared>>
      tpu.enqueue_dma source(%arg9 : memref<128x128xf32, #tpu.memory_space<vmem>>) target(%dma_start3A_109 : memref<128x128xf32, #tpu.memory_space<vmem_shared>>) target_semaphore(%run_scoped3A : memref<!tpu.dma_semaphore, #tpu.memory_space<semaphore_mem>>)
      %dma_wait3A_110 = arith.constant 0 : i32
      %dma_wait3A_111 = tpu.memref_slice %arg11[%add3A_27, %dma_wait3A_110] : memref<10240x128xf32, #tpu.memory_space<vmem_shared>> -> memref<128x128xf32, #tpu.memory_space<vmem_shared>>
      %dma_wait3A_112 = arith.constant 0 : i32
      %dma_wait3A_113 = tpu.memref_slice %arg11[%add3A_27, %dma_wait3A_112] : memref<10240x128xf32, #tpu.memory_space<vmem_shared>> -> memref<128x128xf32, #tpu.memory_space<vmem_shared>>
      tpu.wait_dma2 semaphore(%run_scoped3A : memref<!tpu.dma_semaphore, #tpu.memory_space<semaphore_mem>>) src(%arg9 : memref<128x128xf32, #tpu.memory_space<vmem>>) dst(%dma_wait3A_113 : memref<128x128xf32, #tpu.memory_space<vmem_shared>>)
      tpu.yield
    }) : () -> ()
    %mul3A_28 = arith.constant 640 : i32
    %mul3A_29 = arith.muli %arg1, %mul3A_28 : i32
    %add3A_30 = arith.constant 512 : i32
    %add3A_31 = arith.addi %mul3A_29, %add3A_30 : i32
    "tpu.region"() ({
      %run_scoped3A = tpu.sem_alloc : memref<!tpu.dma_semaphore, #tpu.memory_space<semaphore_mem>>
      %dma_start3A_106 = arith.constant 0 : i32
      %dma_start3A_107 = tpu.memref_slice %arg11[%add3A_31, %dma_start3A_106] : memref<10240x128xf32, #tpu.memory_space<vmem_shared>> -> memref<128x128xf32, #tpu.memory_space<vmem_shared>>
      %dma_start3A_108 = arith.constant 0 : i32
      %dma_start3A_109 = tpu.memref_slice %arg11[%add3A_31, %dma_start3A_108] : memref<10240x128xf32, #tpu.memory_space<vmem_shared>> -> memref<128x128xf32, #tpu.memory_space<vmem_shared>>
      tpu.enqueue_dma source(%arg9 : memref<128x128xf32, #tpu.memory_space<vmem>>) target(%dma_start3A_109 : memref<128x128xf32, #tpu.memory_space<vmem_shared>>) target_semaphore(%run_scoped3A : memref<!tpu.dma_semaphore, #tpu.memory_space<semaphore_mem>>)
      %dma_wait3A_110 = arith.constant 0 : i32
      %dma_wait3A_111 = tpu.memref_slice %arg11[%add3A_31, %dma_wait3A_110] : memref<10240x128xf32, #tpu.memory_space<vmem_shared>> -> memref<128x128xf32, #tpu.memory_space<vmem_shared>>
      %dma_wait3A_112 = arith.constant 0 : i32
      %dma_wait3A_113 = tpu.memref_slice %arg11[%add3A_31, %dma_wait3A_112] : memref<10240x128xf32, #tpu.memory_space<vmem_shared>> -> memref<128x128xf32, #tpu.memory_space<vmem_shared>>
      tpu.wait_dma2 semaphore(%run_scoped3A : memref<!tpu.dma_semaphore, #tpu.memory_space<semaphore_mem>>) src(%arg9 : memref<128x128xf32, #tpu.memory_space<vmem>>) dst(%dma_wait3A_113 : memref<128x128xf32, #tpu.memory_space<vmem_shared>>)
      tpu.yield
    }) : () -> ()
    %dma_wait3A = arith.constant 0 : i32
    %dma_wait3A_32 = tpu.memref_slice %arg3[%mul3A_2, %dma_wait3A] : memref<2560x128xi32, #tpu.memory_space<hbm>> -> memref<80x128xi32, #tpu.memory_space<hbm>>
    %dma_wait3A_33 = arith.constant 0 : i32
    %dma_wait3A_34 = tpu.memref_slice %arg3[%mul3A_2, %dma_wait3A_33] : memref<2560x128xi32, #tpu.memory_space<hbm>> -> memref<80x128xi32, #tpu.memory_space<hbm>>
    tpu.wait_dma2 semaphore(%arg12 : memref<!tpu.dma_semaphore, #tpu.memory_space<semaphore_mem>>) src(%dma_wait3A_34 : memref<80x128xi32, #tpu.memory_space<hbm>>) dst(%arg6 : memref<80x128xi32, #tpu.memory_space<vmem>>)
    %barrier3A = arith.constant 0 : index
    tpu.barrier barrier_id(%barrier3A)
    %dma_start3A_35 = arith.constant 0 : i32
    %dma_start3A_36 = arith.constant 0 : i32
    %dma_start3A_37 = tpu.memref_slice %arg6[%dma_start3A_35, %dma_start3A_36] : memref<80x128xi32, #tpu.memory_space<vmem>> -> memref<1x128xi32, #tpu.memory_space<vmem>>
    %dma_start3A_38 = tpu.memref_squeeze %dma_start3A_37 : memref<1x128xi32, #tpu.memory_space<vmem>> -> memref<128xi32, #tpu.memory_space<vmem>>
    %dma_start3A_39 = arith.constant 0 : i32
    %dma_start3A_40 = arith.constant 0 : i32
    %dma_start3A_41 = tpu.memref_slice %arg2[%dma_start3A_39, %dma_start3A_40] : memref<10000x128xf32, #tpu.memory_space<hbm>> -> memref<10000x128xf32, #tpu.memory_space<hbm>>
    tpu.enqueue_indirect_dma source(%dma_start3A_41 : memref<10000x128xf32, #tpu.memory_space<hbm>>) target(%arg9 : memref<128x128xf32, #tpu.memory_space<vmem>>) offsets(%dma_start3A_38 : memref<128xi32, #tpu.memory_space<vmem>>) semaphore(%arg12 : memref<!tpu.dma_semaphore, #tpu.memory_space<semaphore_mem>>)
    %add3A_42 = arith.constant 0 : i32
    %add3A_43 = arith.addi %mul3A_2, %add3A_42 : i32
    %dma_start3A_44 = arith.constant 0 : i32
    %dma_start3A_45 = tpu.memref_slice %arg4[%add3A_43, %dma_start3A_44] : memref<2560x128xi32, #tpu.memory_space<hbm>> -> memref<1x128xi32, #tpu.memory_space<hbm>>
    %dma_start3A_46 = tpu.memref_squeeze %dma_start3A_45 : memref<1x128xi32, #tpu.memory_space<hbm>> -> memref<128xi32, #tpu.memory_space<hbm>>
    %dma_start3A_47 = arith.constant 0 : i32
    %dma_start3A_48 = tpu.memref_slice %arg4[%add3A_43, %dma_start3A_47] : memref<2560x128xi32, #tpu.memory_space<hbm>> -> memref<1x128xi32, #tpu.memory_space<hbm>>
    %dma_start3A_49 = tpu.memref_squeeze %dma_start3A_48 : memref<1x128xi32, #tpu.memory_space<hbm>> -> memref<128xi32, #tpu.memory_space<hbm>>
    tpu.enqueue_dma source(%dma_start3A_49 : memref<128xi32, #tpu.memory_space<hbm>>) target(%arg7 : memref<128xi32, #tpu.memory_space<vmem>>) target_semaphore(%arg13 : memref<!tpu.dma_semaphore, #tpu.memory_space<semaphore_mem>>)
    %dma_start3A_50 = arith.constant 1 : i32
    %dma_start3A_51 = arith.constant 0 : i32
    %dma_start3A_52 = tpu.memref_slice %arg6[%dma_start3A_50, %dma_start3A_51] : memref<80x128xi32, #tpu.memory_space<vmem>> -> memref<1x128xi32, #tpu.memory_space<vmem>>
    %dma_start3A_53 = tpu.memref_squeeze %dma_start3A_52 : memref<1x128xi32, #tpu.memory_space<vmem>> -> memref<128xi32, #tpu.memory_space<vmem>>
    %dma_start3A_54 = arith.constant 0 : i32
    %dma_start3A_55 = arith.constant 0 : i32
    %dma_start3A_56 = tpu.memref_slice %arg2[%dma_start3A_54, %dma_start3A_55] : memref<10000x128xf32, #tpu.memory_space<hbm>> -> memref<10000x128xf32, #tpu.memory_space<hbm>>
    tpu.enqueue_indirect_dma source(%dma_start3A_56 : memref<10000x128xf32, #tpu.memory_space<hbm>>) target(%arg10 : memref<128x128xf32, #tpu.memory_space<vmem>>) offsets(%dma_start3A_53 : memref<128xi32, #tpu.memory_space<vmem>>) semaphore(%arg12 : memref<!tpu.dma_semaphore, #tpu.memory_space<semaphore_mem>>)
    %add3A_57 = arith.constant 1 : i32
    %add3A_58 = arith.addi %mul3A_2, %add3A_57 : i32
    %dma_start3A_59 = arith.constant 0 : i32
    %dma_start3A_60 = tpu.memref_slice %arg4[%add3A_58, %dma_start3A_59] : memref<2560x128xi32, #tpu.memory_space<hbm>> -> memref<1x128xi32, #tpu.memory_space<hbm>>
    %dma_start3A_61 = tpu.memref_squeeze %dma_start3A_60 : memref<1x128xi32, #tpu.memory_space<hbm>> -> memref<128xi32, #tpu.memory_space<hbm>>
    %dma_start3A_62 = arith.constant 0 : i32
    %dma_start3A_63 = tpu.memref_slice %arg4[%add3A_58, %dma_start3A_62] : memref<2560x128xi32, #tpu.memory_space<hbm>> -> memref<1x128xi32, #tpu.memory_space<hbm>>
    %dma_start3A_64 = tpu.memref_squeeze %dma_start3A_63 : memref<1x128xi32, #tpu.memory_space<hbm>> -> memref<128xi32, #tpu.memory_space<hbm>>
    tpu.enqueue_dma source(%dma_start3A_64 : memref<128xi32, #tpu.memory_space<hbm>>) target(%arg8 : memref<128xi32, #tpu.memory_space<vmem>>) target_semaphore(%arg13 : memref<!tpu.dma_semaphore, #tpu.memory_space<semaphore_mem>>)
    %scan3A_65 = arith.constant 0 : i32
    %scan3A_66 = arith.constant 0 : i32
    %scan3A_67 = arith.constant 39 : i32
    %scan3A_68 = arith.addi %scan3A_66, %scan3A_67 : i32
    %scan3A_69 = arith.constant 1 : i32
    %scan3A_70 = scf.for %scan3A_106 = %scan3A_66 to %scan3A_68 step %scan3A_69 iter_args(%scan3A_107 = %scan3A_65) -> (i32)  : i32 {
      %mul3A_108 = arith.constant 2 : i32
      %mul3A_109 = arith.muli %mul3A_108, %scan3A_106 : i32
      %dma_wait3A_110 = arith.constant 0 : i32
      %dma_wait3A_111 = arith.constant 0 : i32
      %dma_wait3A_112 = tpu.memref_slice %arg2[%dma_wait3A_110, %dma_wait3A_111] : memref<10000x128xf32, #tpu.memory_space<hbm>> -> memref<128x128xf32, #tpu.memory_space<hbm>>
      %dma_wait3A_113 = arith.constant 0 : i32
      %dma_wait3A_114 = arith.constant 0 : i32
      %dma_wait3A_115 = tpu.memref_slice %arg2[%dma_wait3A_113, %dma_wait3A_114] : memref<10000x128xf32, #tpu.memory_space<hbm>> -> memref<128x128xf32, #tpu.memory_space<hbm>>
      tpu.wait_dma2 semaphore(%arg12 : memref<!tpu.dma_semaphore, #tpu.memory_space<semaphore_mem>>) src(%dma_wait3A_115 : memref<128x128xf32, #tpu.memory_space<hbm>>) dst(%arg9 : memref<128x128xf32, #tpu.memory_space<vmem>>)
      %dma_wait3A_116 = arith.constant 0 : i32
      %dma_wait3A_117 = arith.constant 0 : i32
      %dma_wait3A_118 = tpu.memref_slice %arg4[%dma_wait3A_116, %dma_wait3A_117] : memref<2560x128xi32, #tpu.memory_space<hbm>> -> memref<1x128xi32, #tpu.memory_space<hbm>>
      %dma_wait3A_119 = tpu.memref_squeeze %dma_wait3A_118 : memref<1x128xi32, #tpu.memory_space<hbm>> -> memref<128xi32, #tpu.memory_space<hbm>>
      %dma_wait3A_120 = arith.constant 0 : i32
      %dma_wait3A_121 = tpu.memref_slice %arg4[%dma_wait3A_116, %dma_wait3A_120] : memref<2560x128xi32, #tpu.memory_space<hbm>> -> memref<1x128xi32, #tpu.memory_space<hbm>>
      %dma_wait3A_122 = tpu.memref_squeeze %dma_wait3A_121 : memref<1x128xi32, #tpu.memory_space<hbm>> -> memref<128xi32, #tpu.memory_space<hbm>>
      tpu.wait_dma2 semaphore(%arg13 : memref<!tpu.dma_semaphore, #tpu.memory_space<semaphore_mem>>) src(%dma_wait3A_122 : memref<128xi32, #tpu.memory_space<hbm>>) dst(%arg7 : memref<128xi32, #tpu.memory_space<vmem>>)
      "tpu.region"() ({
        %run_scoped3A = tpu.sem_alloc : memref<!tpu.dma_semaphore, #tpu.memory_space<semaphore_mem>>
        %dma_start3A_171 = arith.constant 0 : i32
        %dma_start3A_172 = arith.constant 0 : i32
        %dma_start3A_173 = tpu.memref_slice %arg11[%dma_start3A_171, %dma_start3A_172] : memref<10240x128xf32, #tpu.memory_space<vmem_shared>> -> memref<10240x128xf32, #tpu.memory_space<vmem_shared>>
        tpu.enqueue_indirect_dma source(%arg9 : memref<128x128xf32, #tpu.memory_space<vmem>>) target(%dma_start3A_173 : memref<10240x128xf32, #tpu.memory_space<vmem_shared>>) offsets(%arg7 : memref<128xi32, #tpu.memory_space<vmem>>) semaphore(%run_scoped3A : memref<!tpu.dma_semaphore, #tpu.memory_space<semaphore_mem>>) {add = true}
        %dma_wait3A_174 = arith.constant 0 : i32
        %dma_wait3A_175 = arith.constant 0 : i32
        %dma_wait3A_176 = tpu.memref_slice %arg11[%dma_wait3A_174, %dma_wait3A_175] : memref<10240x128xf32, #tpu.memory_space<vmem_shared>> -> memref<10240x128xf32, #tpu.memory_space<vmem_shared>>
        tpu.wait_indirect_dma semaphore(%run_scoped3A : memref<!tpu.dma_semaphore, #tpu.memory_space<semaphore_mem>>) src(%arg9 : memref<128x128xf32, #tpu.memory_space<vmem>>) dst(%dma_wait3A_176 : memref<10240x128xf32, #tpu.memory_space<vmem_shared>>)
        tpu.yield
      }) : () -> ()
      %add3A_123 = arith.constant 2 : i32
      %add3A_124 = arith.addi %mul3A_109, %add3A_123 : i32
      %dma_start3A_125 = arith.constant 0 : i32
      %dma_start3A_126 = tpu.memref_slice %arg6[%add3A_124, %dma_start3A_125] : memref<80x128xi32, #tpu.memory_space<vmem>> -> memref<1x128xi32, #tpu.memory_space<vmem>>
      %dma_start3A_127 = tpu.memref_squeeze %dma_start3A_126 : memref<1x128xi32, #tpu.memory_space<vmem>> -> memref<128xi32, #tpu.memory_space<vmem>>
      %dma_start3A_128 = arith.constant 0 : i32
      %dma_start3A_129 = arith.constant 0 : i32
      %dma_start3A_130 = tpu.memref_slice %arg2[%dma_start3A_128, %dma_start3A_129] : memref<10000x128xf32, #tpu.memory_space<hbm>> -> memref<10000x128xf32, #tpu.memory_space<hbm>>
      tpu.enqueue_indirect_dma source(%dma_start3A_130 : memref<10000x128xf32, #tpu.memory_space<hbm>>) target(%arg9 : memref<128x128xf32, #tpu.memory_space<vmem>>) offsets(%dma_start3A_127 : memref<128xi32, #tpu.memory_space<vmem>>) semaphore(%arg12 : memref<!tpu.dma_semaphore, #tpu.memory_space<semaphore_mem>>)
      %add3A_131 = arith.constant 2 : i32
      %add3A_132 = arith.addi %mul3A_109, %add3A_131 : i32
      %add3A_133 = arith.addi %mul3A_2, %add3A_132 : i32
      %dma_start3A_134 = arith.constant 0 : i32
      %dma_start3A_135 = tpu.memref_slice %arg4[%add3A_133, %dma_start3A_134] : memref<2560x128xi32, #tpu.memory_space<hbm>> -> memref<1x128xi32, #tpu.memory_space<hbm>>
      %dma_start3A_136 = tpu.memref_squeeze %dma_start3A_135 : memref<1x128xi32, #tpu.memory_space<hbm>> -> memref<128xi32, #tpu.memory_space<hbm>>
      %dma_start3A_137 = arith.constant 0 : i32
      %dma_start3A_138 = tpu.memref_slice %arg4[%add3A_133, %dma_start3A_137] : memref<2560x128xi32, #tpu.memory_space<hbm>> -> memref<1x128xi32, #tpu.memory_space<hbm>>
      %dma_start3A_139 = tpu.memref_squeeze %dma_start3A_138 : memref<1x128xi32, #tpu.memory_space<hbm>> -> memref<128xi32, #tpu.memory_space<hbm>>
      tpu.enqueue_dma source(%dma_start3A_139 : memref<128xi32, #tpu.memory_space<hbm>>) target(%arg7 : memref<128xi32, #tpu.memory_space<vmem>>) target_semaphore(%arg13 : memref<!tpu.dma_semaphore, #tpu.memory_space<semaphore_mem>>)
      %dma_wait3A_140 = arith.constant 0 : i32
      %dma_wait3A_141 = arith.constant 0 : i32
      %dma_wait3A_142 = tpu.memref_slice %arg2[%dma_wait3A_140, %dma_wait3A_141] : memref<10000x128xf32, #tpu.memory_space<hbm>> -> memref<128x128xf32, #tpu.memory_space<hbm>>
      %dma_wait3A_143 = arith.constant 0 : i32
      %dma_wait3A_144 = arith.constant 0 : i32
      %dma_wait3A_145 = tpu.memref_slice %arg2[%dma_wait3A_143, %dma_wait3A_144] : memref<10000x128xf32, #tpu.memory_space<hbm>> -> memref<128x128xf32, #tpu.memory_space<hbm>>
      tpu.wait_dma2 semaphore(%arg12 : memref<!tpu.dma_semaphore, #tpu.memory_space<semaphore_mem>>) src(%dma_wait3A_145 : memref<128x128xf32, #tpu.memory_space<hbm>>) dst(%arg10 : memref<128x128xf32, #tpu.memory_space<vmem>>)
      %dma_wait3A_146 = arith.constant 0 : i32
      %dma_wait3A_147 = arith.constant 0 : i32
      %dma_wait3A_148 = tpu.memref_slice %arg4[%dma_wait3A_146, %dma_wait3A_147] : memref<2560x128xi32, #tpu.memory_space<hbm>> -> memref<1x128xi32, #tpu.memory_space<hbm>>
      %dma_wait3A_149 = tpu.memref_squeeze %dma_wait3A_148 : memref<1x128xi32, #tpu.memory_space<hbm>> -> memref<128xi32, #tpu.memory_space<hbm>>
      %dma_wait3A_150 = arith.constant 0 : i32
      %dma_wait3A_151 = tpu.memref_slice %arg4[%dma_wait3A_146, %dma_wait3A_150] : memref<2560x128xi32, #tpu.memory_space<hbm>> -> memref<1x128xi32, #tpu.memory_space<hbm>>
      %dma_wait3A_152 = tpu.memref_squeeze %dma_wait3A_151 : memref<1x128xi32, #tpu.memory_space<hbm>> -> memref<128xi32, #tpu.memory_space<hbm>>
      tpu.wait_dma2 semaphore(%arg13 : memref<!tpu.dma_semaphore, #tpu.memory_space<semaphore_mem>>) src(%dma_wait3A_152 : memref<128xi32, #tpu.memory_space<hbm>>) dst(%arg8 : memref<128xi32, #tpu.memory_space<vmem>>)
      "tpu.region"() ({
        %run_scoped3A = tpu.sem_alloc : memref<!tpu.dma_semaphore, #tpu.memory_space<semaphore_mem>>
        %dma_start3A_171 = arith.constant 0 : i32
        %dma_start3A_172 = arith.constant 0 : i32
        %dma_start3A_173 = tpu.memref_slice %arg11[%dma_start3A_171, %dma_start3A_172] : memref<10240x128xf32, #tpu.memory_space<vmem_shared>> -> memref<10240x128xf32, #tpu.memory_space<vmem_shared>>
        tpu.enqueue_indirect_dma source(%arg10 : memref<128x128xf32, #tpu.memory_space<vmem>>) target(%dma_start3A_173 : memref<10240x128xf32, #tpu.memory_space<vmem_shared>>) offsets(%arg8 : memref<128xi32, #tpu.memory_space<vmem>>) semaphore(%run_scoped3A : memref<!tpu.dma_semaphore, #tpu.memory_space<semaphore_mem>>) {add = true}
        %dma_wait3A_174 = arith.constant 0 : i32
        %dma_wait3A_175 = arith.constant 0 : i32
        %dma_wait3A_176 = tpu.memref_slice %arg11[%dma_wait3A_174, %dma_wait3A_175] : memref<10240x128xf32, #tpu.memory_space<vmem_shared>> -> memref<10240x128xf32, #tpu.memory_space<vmem_shared>>
        tpu.wait_indirect_dma semaphore(%run_scoped3A : memref<!tpu.dma_semaphore, #tpu.memory_space<semaphore_mem>>) src(%arg10 : memref<128x128xf32, #tpu.memory_space<vmem>>) dst(%dma_wait3A_176 : memref<10240x128xf32, #tpu.memory_space<vmem_shared>>)
        tpu.yield
      }) : () -> ()
      %add3A_153 = arith.constant 3 : i32
      %add3A_154 = arith.addi %mul3A_109, %add3A_153 : i32
      %dma_start3A_155 = arith.constant 0 : i32
      %dma_start3A_156 = tpu.memref_slice %arg6[%add3A_154, %dma_start3A_155] : memref<80x128xi32, #tpu.memory_space<vmem>> -> memref<1x128xi32, #tpu.memory_space<vmem>>
      %dma_start3A_157 = tpu.memref_squeeze %dma_start3A_156 : memref<1x128xi32, #tpu.memory_space<vmem>> -> memref<128xi32, #tpu.memory_space<vmem>>
      %dma_start3A_158 = arith.constant 0 : i32
      %dma_start3A_159 = arith.constant 0 : i32
      %dma_start3A_160 = tpu.memref_slice %arg2[%dma_start3A_158, %dma_start3A_159] : memref<10000x128xf32, #tpu.memory_space<hbm>> -> memref<10000x128xf32, #tpu.memory_space<hbm>>
      tpu.enqueue_indirect_dma source(%dma_start3A_160 : memref<10000x128xf32, #tpu.memory_space<hbm>>) target(%arg10 : memref<128x128xf32, #tpu.memory_space<vmem>>) offsets(%dma_start3A_157 : memref<128xi32, #tpu.memory_space<vmem>>) semaphore(%arg12 : memref<!tpu.dma_semaphore, #tpu.memory_space<semaphore_mem>>)
      %add3A_161 = arith.constant 3 : i32
      %add3A_162 = arith.addi %mul3A_109, %add3A_161 : i32
      %add3A_163 = arith.addi %mul3A_2, %add3A_162 : i32
      %dma_start3A_164 = arith.constant 0 : i32
      %dma_start3A_165 = tpu.memref_slice %arg4[%add3A_163, %dma_start3A_164] : memref<2560x128xi32, #tpu.memory_space<hbm>> -> memref<1x128xi32, #tpu.memory_space<hbm>>
      %dma_start3A_166 = tpu.memref_squeeze %dma_start3A_165 : memref<1x128xi32, #tpu.memory_space<hbm>> -> memref<128xi32, #tpu.memory_space<hbm>>
      %dma_start3A_167 = arith.constant 0 : i32
      %dma_start3A_168 = tpu.memref_slice %arg4[%add3A_163, %dma_start3A_167] : memref<2560x128xi32, #tpu.memory_space<hbm>> -> memref<1x128xi32, #tpu.memory_space<hbm>>
      %dma_start3A_169 = tpu.memref_squeeze %dma_start3A_168 : memref<1x128xi32, #tpu.memory_space<hbm>> -> memref<128xi32, #tpu.memory_space<hbm>>
      tpu.enqueue_dma source(%dma_start3A_169 : memref<128xi32, #tpu.memory_space<hbm>>) target(%arg8 : memref<128xi32, #tpu.memory_space<vmem>>) target_semaphore(%arg13 : memref<!tpu.dma_semaphore, #tpu.memory_space<semaphore_mem>>)
      %scan3A_170 = arith.constant 0 : i32
      scf.yield %scan3A_170 : i32
    }
    %scan3A_71 = arith.constant 39 : i32
    %dma_wait3A_72 = arith.constant 0 : i32
    %dma_wait3A_73 = arith.constant 0 : i32
    %dma_wait3A_74 = tpu.memref_slice %arg2[%dma_wait3A_72, %dma_wait3A_73] : memref<10000x128xf32, #tpu.memory_space<hbm>> -> memref<128x128xf32, #tpu.memory_space<hbm>>
    %dma_wait3A_75 = arith.constant 0 : i32
    %dma_wait3A_76 = arith.constant 0 : i32
    %dma_wait3A_77 = tpu.memref_slice %arg2[%dma_wait3A_75, %dma_wait3A_76] : memref<10000x128xf32, #tpu.memory_space<hbm>> -> memref<128x128xf32, #tpu.memory_space<hbm>>
    tpu.wait_dma2 semaphore(%arg12 : memref<!tpu.dma_semaphore, #tpu.memory_space<semaphore_mem>>) src(%dma_wait3A_77 : memref<128x128xf32, #tpu.memory_space<hbm>>) dst(%arg9 : memref<128x128xf32, #tpu.memory_space<vmem>>)
    %dma_wait3A_78 = arith.constant 0 : i32
    %dma_wait3A_79 = arith.constant 0 : i32
    %dma_wait3A_80 = tpu.memref_slice %arg4[%dma_wait3A_78, %dma_wait3A_79] : memref<2560x128xi32, #tpu.memory_space<hbm>> -> memref<1x128xi32, #tpu.memory_space<hbm>>
    %dma_wait3A_81 = tpu.memref_squeeze %dma_wait3A_80 : memref<1x128xi32, #tpu.memory_space<hbm>> -> memref<128xi32, #tpu.memory_space<hbm>>
    %dma_wait3A_82 = arith.constant 0 : i32
    %dma_wait3A_83 = tpu.memref_slice %arg4[%dma_wait3A_78, %dma_wait3A_82] : memref<2560x128xi32, #tpu.memory_space<hbm>> -> memref<1x128xi32, #tpu.memory_space<hbm>>
    %dma_wait3A_84 = tpu.memref_squeeze %dma_wait3A_83 : memref<1x128xi32, #tpu.memory_space<hbm>> -> memref<128xi32, #tpu.memory_space<hbm>>
    tpu.wait_dma2 semaphore(%arg13 : memref<!tpu.dma_semaphore, #tpu.memory_space<semaphore_mem>>) src(%dma_wait3A_84 : memref<128xi32, #tpu.memory_space<hbm>>) dst(%arg7 : memref<128xi32, #tpu.memory_space<vmem>>)
    "tpu.region"() ({
      %run_scoped3A = tpu.sem_alloc : memref<!tpu.dma_semaphore, #tpu.memory_space<semaphore_mem>>
      %dma_start3A_106 = arith.constant 0 : i32
      %dma_start3A_107 = arith.constant 0 : i32
      %dma_start3A_108 = tpu.memref_slice %arg11[%dma_start3A_106, %dma_start3A_107] : memref<10240x128xf32, #tpu.memory_space<vmem_shared>> -> memref<10240x128xf32, #tpu.memory_space<vmem_shared>>
      tpu.enqueue_indirect_dma source(%arg9 : memref<128x128xf32, #tpu.memory_space<vmem>>) target(%dma_start3A_108 : memref<10240x128xf32, #tpu.memory_space<vmem_shared>>) offsets(%arg7 : memref<128xi32, #tpu.memory_space<vmem>>) semaphore(%run_scoped3A : memref<!tpu.dma_semaphore, #tpu.memory_space<semaphore_mem>>) {add = true}
      %dma_wait3A_109 = arith.constant 0 : i32
      %dma_wait3A_110 = arith.constant 0 : i32
      %dma_wait3A_111 = tpu.memref_slice %arg11[%dma_wait3A_109, %dma_wait3A_110] : memref<10240x128xf32, #tpu.memory_space<vmem_shared>> -> memref<10240x128xf32, #tpu.memory_space<vmem_shared>>
      tpu.wait_indirect_dma semaphore(%run_scoped3A : memref<!tpu.dma_semaphore, #tpu.memory_space<semaphore_mem>>) src(%arg9 : memref<128x128xf32, #tpu.memory_space<vmem>>) dst(%dma_wait3A_111 : memref<10240x128xf32, #tpu.memory_space<vmem_shared>>)
      tpu.yield
    }) : () -> ()
    %dma_wait3A_85 = arith.constant 0 : i32
    %dma_wait3A_86 = arith.constant 0 : i32
    %dma_wait3A_87 = tpu.memref_slice %arg2[%dma_wait3A_85, %dma_wait3A_86] : memref<10000x128xf32, #tpu.memory_space<hbm>> -> memref<128x128xf32, #tpu.memory_space<hbm>>
    %dma_wait3A_88 = arith.constant 0 : i32
    %dma_wait3A_89 = arith.constant 0 : i32
    %dma_wait3A_90 = tpu.memref_slice %arg2[%dma_wait3A_88, %dma_wait3A_89] : memref<10000x128xf32, #tpu.memory_space<hbm>> -> memref<128x128xf32, #tpu.memory_space<hbm>>
    tpu.wait_dma2 semaphore(%arg12 : memref<!tpu.dma_semaphore, #tpu.memory_space<semaphore_mem>>) src(%dma_wait3A_90 : memref<128x128xf32, #tpu.memory_space<hbm>>) dst(%arg10 : memref<128x128xf32, #tpu.memory_space<vmem>>)
    %dma_wait3A_91 = arith.constant 0 : i32
    %dma_wait3A_92 = arith.constant 0 : i32
    %dma_wait3A_93 = tpu.memref_slice %arg4[%dma_wait3A_91, %dma_wait3A_92] : memref<2560x128xi32, #tpu.memory_space<hbm>> -> memref<1x128xi32, #tpu.memory_space<hbm>>
    %dma_wait3A_94 = tpu.memref_squeeze %dma_wait3A_93 : memref<1x128xi32, #tpu.memory_space<hbm>> -> memref<128xi32, #tpu.memory_space<hbm>>
    %dma_wait3A_95 = arith.constant 0 : i32
    %dma_wait3A_96 = tpu.memref_slice %arg4[%dma_wait3A_91, %dma_wait3A_95] : memref<2560x128xi32, #tpu.memory_space<hbm>> -> memref<1x128xi32, #tpu.memory_space<hbm>>
    %dma_wait3A_97 = tpu.memref_squeeze %dma_wait3A_96 : memref<1x128xi32, #tpu.memory_space<hbm>> -> memref<128xi32, #tpu.memory_space<hbm>>
    tpu.wait_dma2 semaphore(%arg13 : memref<!tpu.dma_semaphore, #tpu.memory_space<semaphore_mem>>) src(%dma_wait3A_97 : memref<128xi32, #tpu.memory_space<hbm>>) dst(%arg8 : memref<128xi32, #tpu.memory_space<vmem>>)
    "tpu.region"() ({
      %run_scoped3A = tpu.sem_alloc : memref<!tpu.dma_semaphore, #tpu.memory_space<semaphore_mem>>
      %dma_start3A_106 = arith.constant 0 : i32
      %dma_start3A_107 = arith.constant 0 : i32
      %dma_start3A_108 = tpu.memref_slice %arg11[%dma_start3A_106, %dma_start3A_107] : memref<10240x128xf32, #tpu.memory_space<vmem_shared>> -> memref<10240x128xf32, #tpu.memory_space<vmem_shared>>
      tpu.enqueue_indirect_dma source(%arg10 : memref<128x128xf32, #tpu.memory_space<vmem>>) target(%dma_start3A_108 : memref<10240x128xf32, #tpu.memory_space<vmem_shared>>) offsets(%arg8 : memref<128xi32, #tpu.memory_space<vmem>>) semaphore(%run_scoped3A : memref<!tpu.dma_semaphore, #tpu.memory_space<semaphore_mem>>) {add = true}
      %dma_wait3A_109 = arith.constant 0 : i32
      %dma_wait3A_110 = arith.constant 0 : i32
      %dma_wait3A_111 = tpu.memref_slice %arg11[%dma_wait3A_109, %dma_wait3A_110] : memref<10240x128xf32, #tpu.memory_space<vmem_shared>> -> memref<10240x128xf32, #tpu.memory_space<vmem_shared>>
      tpu.wait_indirect_dma semaphore(%run_scoped3A : memref<!tpu.dma_semaphore, #tpu.memory_space<semaphore_mem>>) src(%arg10 : memref<128x128xf32, #tpu.memory_space<vmem>>) dst(%dma_wait3A_111 : memref<10240x128xf32, #tpu.memory_space<vmem_shared>>)
      tpu.yield
    }) : () -> ()
    %barrier3A_98 = arith.constant 0 : index
    tpu.barrier barrier_id(%barrier3A_98)
    %mul3A_99 = arith.constant 640 : i32
    %mul3A_100 = arith.muli %arg1, %mul3A_99 : i32
    %mul3A_101 = arith.constant 10240 : i32
    %mul3A_102 = arith.muli %arg0, %mul3A_101 : i32
    %mul3A_103 = arith.constant 640 : i32
    %mul3A_104 = arith.muli %arg1, %mul3A_103 : i32
    %add3A_105 = arith.addi %mul3A_102, %mul3A_104 : i32
    "tpu.region"() ({
      %run_scoped3A = tpu.sem_alloc : memref<!tpu.dma_semaphore, #tpu.memory_space<semaphore_mem>>
      %dma_start3A_106 = arith.constant 0 : i32
      %dma_start3A_107 = tpu.memref_slice %arg5[%add3A_105, %dma_start3A_106] : memref<20480x128xf32, #tpu.memory_space<hbm>> -> memref<640x128xf32, #tpu.memory_space<hbm>>
      %dma_start3A_108 = arith.constant 0 : i32
      %dma_start3A_109 = tpu.memref_slice %arg11[%mul3A_100, %dma_start3A_108] : memref<10240x128xf32, #tpu.memory_space<vmem_shared>> -> memref<640x128xf32, #tpu.memory_space<vmem_shared>>
      tpu.enqueue_dma source(%dma_start3A_109 : memref<640x128xf32, #tpu.memory_space<vmem_shared>>) target(%dma_start3A_107 : memref<640x128xf32, #tpu.memory_space<hbm>>) target_semaphore(%run_scoped3A : memref<!tpu.dma_semaphore, #tpu.memory_space<semaphore_mem>>)
      %dma_wait3A_110 = arith.constant 0 : i32
      %dma_wait3A_111 = tpu.memref_slice %arg5[%add3A_105, %dma_wait3A_110] : memref<20480x128xf32, #tpu.memory_space<hbm>> -> memref<640x128xf32, #tpu.memory_space<hbm>>
      %dma_wait3A_112 = arith.constant 0 : i32
      %dma_wait3A_113 = tpu.memref_slice %arg11[%mul3A_100, %dma_wait3A_112] : memref<10240x128xf32, #tpu.memory_space<vmem_shared>> -> memref<640x128xf32, #tpu.memory_space<vmem_shared>>
      tpu.wait_dma2 semaphore(%run_scoped3A : memref<!tpu.dma_semaphore, #tpu.memory_space<semaphore_mem>>) src(%dma_wait3A_113 : memref<640x128xf32, #tpu.memory_space<vmem_shared>>) dst(%dma_wait3A_111 : memref<640x128xf32, #tpu.memory_space<hbm>>)
      tpu.yield
    }) : () -> ()
    return
  }
}

#map = affine_map<(d0, d1) -> (0, 0)>
module attributes {stable_mosaic.version = 14 : i64} {
  func.func @_agg_body(%arg0: i32, %arg1: i32, %arg2: memref<10000x128xf32, #tpu.memory_space<hbm>>, %arg3: memref<2560x128xi32, #tpu.memory_space<hbm>>, %arg4: memref<2560x128xi32, #tpu.memory_space<hbm>>, %arg5: memref<20480x128xf32, #tpu.memory_space<hbm>>, %arg6: memref<80x128xi32, #tpu.memory_space<vmem>>, %arg7: memref<128xi32, #tpu.memory_space<vmem>>, %arg8: memref<128xi32, #tpu.memory_space<vmem>>, %arg9: memref<128x128xf32, #tpu.memory_space<vmem>>, %arg10: memref<128x128xf32, #tpu.memory_space<vmem>>, %arg11: memref<10240x128xf32, #tpu.memory_space<vmem_shared>>, %arg12: memref<!tpu.dma_semaphore, #tpu.memory_space<semaphore_mem>>, %arg13: memref<!tpu.dma_semaphore, #tpu.memory_space<semaphore_mem>>) attributes {dimension_semantics = [#tpu.dimension_semantics<core_parallel>, #tpu.dimension_semantics<subcore_parallel>], iteration_bounds = array<i64: 2, 16>, scalar_prefetch = 0 : i64, scratch_operands = 8 : i64, tpu.core_type = #tpu.core_type<sc_vector_subcore>, window_params = [{transform_indices = #map}, {transform_indices = #map}, {transform_indices = #map}, {transform_indices = #map}]} {
    %mul3A = arith.constant 16 : i32
    %mul3A_0 = arith.muli %arg0, %mul3A : i32
    %add3A = arith.addi %mul3A_0, %arg1 : i32
    %mul3A_1 = arith.constant 80 : i32
    %mul3A_2 = arith.muli %add3A, %mul3A_1 : i32
    %dma_start3A = arith.constant 0 : i32
    %dma_start3A_3 = tpu.memref_slice %arg3[%mul3A_2, %dma_start3A] : memref<2560x128xi32, #tpu.memory_space<hbm>> -> memref<80x128xi32, #tpu.memory_space<hbm>>
    %dma_start3A_4 = arith.constant 0 : i32
    %dma_start3A_5 = tpu.memref_slice %arg3[%mul3A_2, %dma_start3A_4] : memref<2560x128xi32, #tpu.memory_space<hbm>> -> memref<80x128xi32, #tpu.memory_space<hbm>>
    tpu.enqueue_dma source(%dma_start3A_5 : memref<80x128xi32, #tpu.memory_space<hbm>>) target(%arg6 : memref<80x128xi32, #tpu.memory_space<vmem>>) target_semaphore(%arg12 : memref<!tpu.dma_semaphore, #tpu.memory_space<semaphore_mem>>)
    %scan3A = arith.constant 0 : i32
    %scan3A_6 = arith.constant 0 : i32
    %scan3A_7 = arith.constant 128 : i32
    %scan3A_8 = arith.addi %scan3A_6, %scan3A_7 : i32
    %scan3A_9 = arith.constant 1 : i32
    %scan3A_10 = scf.for %scan3A_106 = %scan3A_6 to %scan3A_8 step %scan3A_9 iter_args(%scan3A_107 = %scan3A) -> (i32)  : i32 {
      %scan3A_108 = arith.constant 0 : i32
      %scan3A_109 = arith.constant 0 : i32
      %scan3A_110 = arith.constant 8 : i32
      %scan3A_111 = arith.addi %scan3A_109, %scan3A_110 : i32
      %scan3A_112 = arith.constant 1 : i32
      %scan3A_113 = scf.for %scan3A_115 = %scan3A_109 to %scan3A_111 step %scan3A_112 iter_args(%scan3A_116 = %scan3A_108) -> (i32)  : i32 {
        %broadcast_in_dim3A = arith.constant 0.000000e+00 : f32
        %broadcast_in_dim3A_117 = vector.broadcast %broadcast_in_dim3A : f32 to vector<16xf32>
        %mul3A_118 = arith.constant 16 : i32
        %mul3A_119 = arith.muli %scan3A_115, %mul3A_118 : i32
        %swap3A = arith.index_cast %scan3A_106 : i32 to index
        %swap3A_120 = arith.index_cast %mul3A_119 : i32 to index
        %swap3A_121 = tpu.vector_load %arg9[%swap3A, %swap3A_120] {strides = array<i32>} : memref<128x128xf32, #tpu.memory_space<vmem>>, vector<1x16xf32>,
        %swap3A_122 = vector.shape_cast %swap3A_121 : vector<1x16xf32> to vector<16xf32>
        %swap3A_123 = vector.shape_cast %broadcast_in_dim3A_117 : vector<16xf32> to vector<1x16xf32>
        tpu.vector_store %arg9[%swap3A, %swap3A_120], %swap3A_123 {strides = array<i32>} : memref<128x128xf32, #tpu.memory_space<vmem>>, vector<1x16xf32>,
        %scan3A_124 = arith.constant 0 : i32
        scf.yield %scan3A_124 : i32
      }
      %scan3A_114 = arith.constant 8 : i32
      scf.yield %scan3A_113 : i32
    }
    %scan3A_11 = arith.constant 128 : i32
    %mul3A_12 = arith.constant 640 : i32
    %mul3A_13 = arith.muli %arg1, %mul3A_12 : i32
    %add3A_14 = arith.constant 0 : i32
    %add3A_15 = arith.addi %mul3A_13, %add3A_14 : i32
    "tpu.region"() ({
      %run_scoped3A = tpu.sem_alloc : memref<!tpu.dma_semaphore, #tpu.memory_space<semaphore_mem>>
      %dma_start3A_106 = arith.constant 0 : i32
      %dma_start3A_107 = tpu.memref_slice %arg11[%add3A_15, %dma_start3A_106] : memref<10240x128xf32, #tpu.memory_space<vmem_shared>> -> memref<128x128xf32, #tpu.memory_space<vmem_shared>>
      %dma_start3A_108 = arith.constant 0 : i32
      %dma_start3A_109 = tpu.memref_slice %arg11[%add3A_15, %dma_start3A_108] : memref<10240x128xf32, #tpu.memory_space<vmem_shared>> -> memref<128x128xf32, #tpu.memory_space<vmem_shared>>
      tpu.enqueue_dma source(%arg9 : memref<128x128xf32, #tpu.memory_space<vmem>>) target(%dma_start3A_109 : memref<128x128xf32, #tpu.memory_space<vmem_shared>>) target_semaphore(%run_scoped3A : memref<!tpu.dma_semaphore, #tpu.memory_space<semaphore_mem>>)
      %dma_wait3A_110 = arith.constant 0 : i32
      %dma_wait3A_111 = tpu.memref_slice %arg11[%add3A_15, %dma_wait3A_110] : memref<10240x128xf32, #tpu.memory_space<vmem_shared>> -> memref<128x128xf32, #tpu.memory_space<vmem_shared>>
      %dma_wait3A_112 = arith.constant 0 : i32
      %dma_wait3A_113 = tpu.memref_slice %arg11[%add3A_15, %dma_wait3A_112] : memref<10240x128xf32, #tpu.memory_space<vmem_shared>> -> memref<128x128xf32, #tpu.memory_space<vmem_shared>>
      tpu.wait_dma2 semaphore(%run_scoped3A : memref<!tpu.dma_semaphore, #tpu.memory_space<semaphore_mem>>) src(%arg9 : memref<128x128xf32, #tpu.memory_space<vmem>>) dst(%dma_wait3A_113 : memref<128x128xf32, #tpu.memory_space<vmem_shared>>)
      tpu.yield
    }) : () -> ()
    %mul3A_16 = arith.constant 640 : i32
    %mul3A_17 = arith.muli %arg1, %mul3A_16 : i32
    %add3A_18 = arith.constant 128 : i32
    %add3A_19 = arith.addi %mul3A_17, %add3A_18 : i32
    "tpu.region"() ({
      %run_scoped3A = tpu.sem_alloc : memref<!tpu.dma_semaphore, #tpu.memory_space<semaphore_mem>>
      %dma_start3A_106 = arith.constant 0 : i32
      %dma_start3A_107 = tpu.memref_slice %arg11[%add3A_19, %dma_start3A_106] : memref<10240x128xf32, #tpu.memory_space<vmem_shared>> -> memref<128x128xf32, #tpu.memory_space<vmem_shared>>
      %dma_start3A_108 = arith.constant 0 : i32
      %dma_start3A_109 = tpu.memref_slice %arg11[%add3A_19, %dma_start3A_108] : memref<10240x128xf32, #tpu.memory_space<vmem_shared>> -> memref<128x128xf32, #tpu.memory_space<vmem_shared>>
      tpu.enqueue_dma source(%arg9 : memref<128x128xf32, #tpu.memory_space<vmem>>) target(%dma_start3A_109 : memref<128x128xf32, #tpu.memory_space<vmem_shared>>) target_semaphore(%run_scoped3A : memref<!tpu.dma_semaphore, #tpu.memory_space<semaphore_mem>>)
      %dma_wait3A_110 = arith.constant 0 : i32
      %dma_wait3A_111 = tpu.memref_slice %arg11[%add3A_19, %dma_wait3A_110] : memref<10240x128xf32, #tpu.memory_space<vmem_shared>> -> memref<128x128xf32, #tpu.memory_space<vmem_shared>>
      %dma_wait3A_112 = arith.constant 0 : i32
      %dma_wait3A_113 = tpu.memref_slice %arg11[%add3A_19, %dma_wait3A_112] : memref<10240x128xf32, #tpu.memory_space<vmem_shared>> -> memref<128x128xf32, #tpu.memory_space<vmem_shared>>
      tpu.wait_dma2 semaphore(%run_scoped3A : memref<!tpu.dma_semaphore, #tpu.memory_space<semaphore_mem>>) src(%arg9 : memref<128x128xf32, #tpu.memory_space<vmem>>) dst(%dma_wait3A_113 : memref<128x128xf32, #tpu.memory_space<vmem_shared>>)
      tpu.yield
    }) : () -> ()
    %mul3A_20 = arith.constant 640 : i32
    %mul3A_21 = arith.muli %arg1, %mul3A_20 : i32
    %add3A_22 = arith.constant 256 : i32
    %add3A_23 = arith.addi %mul3A_21, %add3A_22 : i32
    "tpu.region"() ({
      %run_scoped3A = tpu.sem_alloc : memref<!tpu.dma_semaphore, #tpu.memory_space<semaphore_mem>>
      %dma_start3A_106 = arith.constant 0 : i32
      %dma_start3A_107 = tpu.memref_slice %arg11[%add3A_23, %dma_start3A_106] : memref<10240x128xf32, #tpu.memory_space<vmem_shared>> -> memref<128x128xf32, #tpu.memory_space<vmem_shared>>
      %dma_start3A_108 = arith.constant 0 : i32
      %dma_start3A_109 = tpu.memref_slice %arg11[%add3A_23, %dma_start3A_108] : memref<10240x128xf32, #tpu.memory_space<vmem_shared>> -> memref<128x128xf32, #tpu.memory_space<vmem_shared>>
      tpu.enqueue_dma source(%arg9 : memref<128x128xf32, #tpu.memory_space<vmem>>) target(%dma_start3A_109 : memref<128x128xf32, #tpu.memory_space<vmem_shared>>) target_semaphore(%run_scoped3A : memref<!tpu.dma_semaphore, #tpu.memory_space<semaphore_mem>>)
      %dma_wait3A_110 = arith.constant 0 : i32
      %dma_wait3A_111 = tpu.memref_slice %arg11[%add3A_23, %dma_wait3A_110] : memref<10240x128xf32, #tpu.memory_space<vmem_shared>> -> memref<128x128xf32, #tpu.memory_space<vmem_shared>>
      %dma_wait3A_112 = arith.constant 0 : i32
      %dma_wait3A_113 = tpu.memref_slice %arg11[%add3A_23, %dma_wait3A_112] : memref<10240x128xf32, #tpu.memory_space<vmem_shared>> -> memref<128x128xf32, #tpu.memory_space<vmem_shared>>
      tpu.wait_dma2 semaphore(%run_scoped3A : memref<!tpu.dma_semaphore, #tpu.memory_space<semaphore_mem>>) src(%arg9 : memref<128x128xf32, #tpu.memory_space<vmem>>) dst(%dma_wait3A_113 : memref<128x128xf32, #tpu.memory_space<vmem_shared>>)
      tpu.yield
    }) : () -> ()
    %mul3A_24 = arith.constant 640 : i32
    %mul3A_25 = arith.muli %arg1, %mul3A_24 : i32
    %add3A_26 = arith.constant 384 : i32
    %add3A_27 = arith.addi %mul3A_25, %add3A_26 : i32
    "tpu.region"() ({
      %run_scoped3A = tpu.sem_alloc : memref<!tpu.dma_semaphore, #tpu.memory_space<semaphore_mem>>
      %dma_start3A_106 = arith.constant 0 : i32
      %dma_start3A_107 = tpu.memref_slice %arg11[%add3A_27, %dma_start3A_106] : memref<10240x128xf32, #tpu.memory_space<vmem_shared>> -> memref<128x128xf32, #tpu.memory_space<vmem_shared>>
      %dma_start3A_108 = arith.constant 0 : i32
      %dma_start3A_109 = tpu.memref_slice %arg11[%add3A_27, %dma_start3A_108] : memref<10240x128xf32, #tpu.memory_space<vmem_shared>> -> memref<128x128xf32, #tpu.memory_space<vmem_shared>>
      tpu.enqueue_dma source(%arg9 : memref<128x128xf32, #tpu.memory_space<vmem>>) target(%dma_start3A_109 : memref<128x128xf32, #tpu.memory_space<vmem_shared>>) target_semaphore(%run_scoped3A : memref<!tpu.dma_semaphore, #tpu.memory_space<semaphore_mem>>)
      %dma_wait3A_110 = arith.constant 0 : i32
      %dma_wait3A_111 = tpu.memref_slice %arg11[%add3A_27, %dma_wait3A_110] : memref<10240x128xf32, #tpu.memory_space<vmem_shared>> -> memref<128x128xf32, #tpu.memory_space<vmem_shared>>
      %dma_wait3A_112 = arith.constant 0 : i32
      %dma_wait3A_113 = tpu.memref_slice %arg11[%add3A_27, %dma_wait3A_112] : memref<10240x128xf32, #tpu.memory_space<vmem_shared>> -> memref<128x128xf32, #tpu.memory_space<vmem_shared>>
      tpu.wait_dma2 semaphore(%run_scoped3A : memref<!tpu.dma_semaphore, #tpu.memory_space<semaphore_mem>>) src(%arg9 : memref<128x128xf32, #tpu.memory_space<vmem>>) dst(%dma_wait3A_113 : memref<128x128xf32, #tpu.memory_space<vmem_shared>>)
      tpu.yield
    }) : () -> ()
    %mul3A_28 = arith.constant 640 : i32
    %mul3A_29 = arith.muli %arg1, %mul3A_28 : i32
    %add3A_30 = arith.constant 512 : i32
    %add3A_31 = arith.addi %mul3A_29, %add3A_30 : i32
    "tpu.region"() ({
      %run_scoped3A = tpu.sem_alloc : memref<!tpu.dma_semaphore, #tpu.memory_space<semaphore_mem>>
      %dma_start3A_106 = arith.constant 0 : i32
      %dma_start3A_107 = tpu.memref_slice %arg11[%add3A_31, %dma_start3A_106] : memref<10240x128xf32, #tpu.memory_space<vmem_shared>> -> memref<128x128xf32, #tpu.memory_space<vmem_shared>>
      %dma_start3A_108 = arith.constant 0 : i32
      %dma_start3A_109 = tpu.memref_slice %arg11[%add3A_31, %dma_start3A_108] : memref<10240x128xf32, #tpu.memory_space<vmem_shared>> -> memref<128x128xf32, #tpu.memory_space<vmem_shared>>
      tpu.enqueue_dma source(%arg9 : memref<128x128xf32, #tpu.memory_space<vmem>>) target(%dma_start3A_109 : memref<128x128xf32, #tpu.memory_space<vmem_shared>>) target_semaphore(%run_scoped3A : memref<!tpu.dma_semaphore, #tpu.memory_space<semaphore_mem>>)
      %dma_wait3A_110 = arith.constant 0 : i32
      %dma_wait3A_111 = tpu.memref_slice %arg11[%add3A_31, %dma_wait3A_110] : memref<10240x128xf32, #tpu.memory_space<vmem_shared>> -> memref<128x128xf32, #tpu.memory_space<vmem_shared>>
      %dma_wait3A_112 = arith.constant 0 : i32
      %dma_wait3A_113 = tpu.memref_slice %arg11[%add3A_31, %dma_wait3A_112] : memref<10240x128xf32, #tpu.memory_space<vmem_shared>> -> memref<128x128xf32, #tpu.memory_space<vmem_shared>>
      tpu.wait_dma2 semaphore(%run_scoped3A : memref<!tpu.dma_semaphore, #tpu.memory_space<semaphore_mem>>) src(%arg9 : memref<128x128xf32, #tpu.memory_space<vmem>>) dst(%dma_wait3A_113 : memref<128x128xf32, #tpu.memory_space<vmem_shared>>)
      tpu.yield
    }) : () -> ()
    %dma_wait3A = arith.constant 0 : i32
    %dma_wait3A_32 = tpu.memref_slice %arg3[%mul3A_2, %dma_wait3A] : memref<2560x128xi32, #tpu.memory_space<hbm>> -> memref<80x128xi32, #tpu.memory_space<hbm>>
    %dma_wait3A_33 = arith.constant 0 : i32
    %dma_wait3A_34 = tpu.memref_slice %arg3[%mul3A_2, %dma_wait3A_33] : memref<2560x128xi32, #tpu.memory_space<hbm>> -> memref<80x128xi32, #tpu.memory_space<hbm>>
    tpu.wait_dma2 semaphore(%arg12 : memref<!tpu.dma_semaphore, #tpu.memory_space<semaphore_mem>>) src(%dma_wait3A_34 : memref<80x128xi32, #tpu.memory_space<hbm>>) dst(%arg6 : memref<80x128xi32, #tpu.memory_space<vmem>>)
    %barrier3A = arith.constant 0 : index
    tpu.barrier barrier_id(%barrier3A)
    %dma_start3A_35 = arith.constant 0 : i32
    %dma_start3A_36 = arith.constant 0 : i32
    %dma_start3A_37 = tpu.memref_slice %arg6[%dma_start3A_35, %dma_start3A_36] : memref<80x128xi32, #tpu.memory_space<vmem>> -> memref<1x128xi32, #tpu.memory_space<vmem>>
    %dma_start3A_38 = tpu.memref_squeeze %dma_start3A_37 : memref<1x128xi32, #tpu.memory_space<vmem>> -> memref<128xi32, #tpu.memory_space<vmem>>
    %dma_start3A_39 = arith.constant 0 : i32
    %dma_start3A_40 = arith.constant 0 : i32
    %dma_start3A_41 = tpu.memref_slice %arg2[%dma_start3A_39, %dma_start3A_40] : memref<10000x128xf32, #tpu.memory_space<hbm>> -> memref<10000x128xf32, #tpu.memory_space<hbm>>
    tpu.enqueue_indirect_dma source(%dma_start3A_41 : memref<10000x128xf32, #tpu.memory_space<hbm>>) target(%arg9 : memref<128x128xf32, #tpu.memory_space<vmem>>) offsets(%dma_start3A_38 : memref<128xi32, #tpu.memory_space<vmem>>) semaphore(%arg12 : memref<!tpu.dma_semaphore, #tpu.memory_space<semaphore_mem>>)
    %add3A_42 = arith.constant 0 : i32
    %add3A_43 = arith.addi %mul3A_2, %add3A_42 : i32
    %dma_start3A_44 = arith.constant 0 : i32
    %dma_start3A_45 = tpu.memref_slice %arg4[%add3A_43, %dma_start3A_44] : memref<2560x128xi32, #tpu.memory_space<hbm>> -> memref<1x128xi32, #tpu.memory_space<hbm>>
    %dma_start3A_46 = tpu.memref_squeeze %dma_start3A_45 : memref<1x128xi32, #tpu.memory_space<hbm>> -> memref<128xi32, #tpu.memory_space<hbm>>
    %dma_start3A_47 = arith.constant 0 : i32
    %dma_start3A_48 = tpu.memref_slice %arg4[%add3A_43, %dma_start3A_47] : memref<2560x128xi32, #tpu.memory_space<hbm>> -> memref<1x128xi32, #tpu.memory_space<hbm>>
    %dma_start3A_49 = tpu.memref_squeeze %dma_start3A_48 : memref<1x128xi32, #tpu.memory_space<hbm>> -> memref<128xi32, #tpu.memory_space<hbm>>
    tpu.enqueue_dma source(%dma_start3A_49 : memref<128xi32, #tpu.memory_space<hbm>>) target(%arg7 : memref<128xi32, #tpu.memory_space<vmem>>) target_semaphore(%arg13 : memref<!tpu.dma_semaphore, #tpu.memory_space<semaphore_mem>>)
    %dma_start3A_50 = arith.constant 1 : i32
    %dma_start3A_51 = arith.constant 0 : i32
    %dma_start3A_52 = tpu.memref_slice %arg6[%dma_start3A_50, %dma_start3A_51] : memref<80x128xi32, #tpu.memory_space<vmem>> -> memref<1x128xi32, #tpu.memory_space<vmem>>
    %dma_start3A_53 = tpu.memref_squeeze %dma_start3A_52 : memref<1x128xi32, #tpu.memory_space<vmem>> -> memref<128xi32, #tpu.memory_space<vmem>>
    %dma_start3A_54 = arith.constant 0 : i32
    %dma_start3A_55 = arith.constant 0 : i32
    %dma_start3A_56 = tpu.memref_slice %arg2[%dma_start3A_54, %dma_start3A_55] : memref<10000x128xf32, #tpu.memory_space<hbm>> -> memref<10000x128xf32, #tpu.memory_space<hbm>>
    tpu.enqueue_indirect_dma source(%dma_start3A_56 : memref<10000x128xf32, #tpu.memory_space<hbm>>) target(%arg10 : memref<128x128xf32, #tpu.memory_space<vmem>>) offsets(%dma_start3A_53 : memref<128xi32, #tpu.memory_space<vmem>>) semaphore(%arg12 : memref<!tpu.dma_semaphore, #tpu.memory_space<semaphore_mem>>)
    %add3A_57 = arith.constant 1 : i32
    %add3A_58 = arith.addi %mul3A_2, %add3A_57 : i32
    %dma_start3A_59 = arith.constant 0 : i32
    %dma_start3A_60 = tpu.memref_slice %arg4[%add3A_58, %dma_start3A_59] : memref<2560x128xi32, #tpu.memory_space<hbm>> -> memref<1x128xi32, #tpu.memory_space<hbm>>
    %dma_start3A_61 = tpu.memref_squeeze %dma_start3A_60 : memref<1x128xi32, #tpu.memory_space<hbm>> -> memref<128xi32, #tpu.memory_space<hbm>>
    %dma_start3A_62 = arith.constant 0 : i32
    %dma_start3A_63 = tpu.memref_slice %arg4[%add3A_58, %dma_start3A_62] : memref<2560x128xi32, #tpu.memory_space<hbm>> -> memref<1x128xi32, #tpu.memory_space<hbm>>
    %dma_start3A_64 = tpu.memref_squeeze %dma_start3A_63 : memref<1x128xi32, #tpu.memory_space<hbm>> -> memref<128xi32, #tpu.memory_space<hbm>>
    tpu.enqueue_dma source(%dma_start3A_64 : memref<128xi32, #tpu.memory_space<hbm>>) target(%arg8 : memref<128xi32, #tpu.memory_space<vmem>>) target_semaphore(%arg13 : memref<!tpu.dma_semaphore, #tpu.memory_space<semaphore_mem>>)
    %scan3A_65 = arith.constant 0 : i32
    %scan3A_66 = arith.constant 0 : i32
    %scan3A_67 = arith.constant 39 : i32
    %scan3A_68 = arith.addi %scan3A_66, %scan3A_67 : i32
    %scan3A_69 = arith.constant 1 : i32
    %scan3A_70 = scf.for %scan3A_106 = %scan3A_66 to %scan3A_68 step %scan3A_69 iter_args(%scan3A_107 = %scan3A_65) -> (i32)  : i32 {
      %mul3A_108 = arith.constant 2 : i32
      %mul3A_109 = arith.muli %mul3A_108, %scan3A_106 : i32
      %dma_wait3A_110 = arith.constant 0 : i32
      %dma_wait3A_111 = arith.constant 0 : i32
      %dma_wait3A_112 = tpu.memref_slice %arg2[%dma_wait3A_110, %dma_wait3A_111] : memref<10000x128xf32, #tpu.memory_space<hbm>> -> memref<128x128xf32, #tpu.memory_space<hbm>>
      %dma_wait3A_113 = arith.constant 0 : i32
      %dma_wait3A_114 = arith.constant 0 : i32
      %dma_wait3A_115 = tpu.memref_slice %arg2[%dma_wait3A_113, %dma_wait3A_114] : memref<10000x128xf32, #tpu.memory_space<hbm>> -> memref<128x128xf32, #tpu.memory_space<hbm>>
      tpu.wait_dma2 semaphore(%arg12 : memref<!tpu.dma_semaphore, #tpu.memory_space<semaphore_mem>>) src(%dma_wait3A_115 : memref<128x128xf32, #tpu.memory_space<hbm>>) dst(%arg9 : memref<128x128xf32, #tpu.memory_space<vmem>>)
      %dma_wait3A_116 = arith.constant 0 : i32
      %dma_wait3A_117 = arith.constant 0 : i32
      %dma_wait3A_118 = tpu.memref_slice %arg4[%dma_wait3A_116, %dma_wait3A_117] : memref<2560x128xi32, #tpu.memory_space<hbm>> -> memref<1x128xi32, #tpu.memory_space<hbm>>
      %dma_wait3A_119 = tpu.memref_squeeze %dma_wait3A_118 : memref<1x128xi32, #tpu.memory_space<hbm>> -> memref<128xi32, #tpu.memory_space<hbm>>
      %dma_wait3A_120 = arith.constant 0 : i32
      %dma_wait3A_121 = tpu.memref_slice %arg4[%dma_wait3A_116, %dma_wait3A_120] : memref<2560x128xi32, #tpu.memory_space<hbm>> -> memref<1x128xi32, #tpu.memory_space<hbm>>
      %dma_wait3A_122 = tpu.memref_squeeze %dma_wait3A_121 : memref<1x128xi32, #tpu.memory_space<hbm>> -> memref<128xi32, #tpu.memory_space<hbm>>
      tpu.wait_dma2 semaphore(%arg13 : memref<!tpu.dma_semaphore, #tpu.memory_space<semaphore_mem>>) src(%dma_wait3A_122 : memref<128xi32, #tpu.memory_space<hbm>>) dst(%arg7 : memref<128xi32, #tpu.memory_space<vmem>>)
      "tpu.region"() ({
        %run_scoped3A = tpu.sem_alloc : memref<!tpu.dma_semaphore, #tpu.memory_space<semaphore_mem>>
        %dma_start3A_171 = arith.constant 0 : i32
        %dma_start3A_172 = arith.constant 0 : i32
        %dma_start3A_173 = tpu.memref_slice %arg11[%dma_start3A_171, %dma_start3A_172] : memref<10240x128xf32, #tpu.memory_space<vmem_shared>> -> memref<10240x128xf32, #tpu.memory_space<vmem_shared>>
        tpu.enqueue_indirect_dma source(%arg9 : memref<128x128xf32, #tpu.memory_space<vmem>>) target(%dma_start3A_173 : memref<10240x128xf32, #tpu.memory_space<vmem_shared>>) offsets(%arg7 : memref<128xi32, #tpu.memory_space<vmem>>) semaphore(%run_scoped3A : memref<!tpu.dma_semaphore, #tpu.memory_space<semaphore_mem>>) {add = true}
        %dma_wait3A_174 = arith.constant 0 : i32
        %dma_wait3A_175 = arith.constant 0 : i32
        %dma_wait3A_176 = tpu.memref_slice %arg11[%dma_wait3A_174, %dma_wait3A_175] : memref<10240x128xf32, #tpu.memory_space<vmem_shared>> -> memref<10240x128xf32, #tpu.memory_space<vmem_shared>>
        tpu.wait_indirect_dma semaphore(%run_scoped3A : memref<!tpu.dma_semaphore, #tpu.memory_space<semaphore_mem>>) src(%arg9 : memref<128x128xf32, #tpu.memory_space<vmem>>) dst(%dma_wait3A_176 : memref<10240x128xf32, #tpu.memory_space<vmem_shared>>)
        tpu.yield
      }) : () -> ()
      %add3A_123 = arith.constant 2 : i32
      %add3A_124 = arith.addi %mul3A_109, %add3A_123 : i32
      %dma_start3A_125 = arith.constant 0 : i32
      %dma_start3A_126 = tpu.memref_slice %arg6[%add3A_124, %dma_start3A_125] : memref<80x128xi32, #tpu.memory_space<vmem>> -> memref<1x128xi32, #tpu.memory_space<vmem>>
      %dma_start3A_127 = tpu.memref_squeeze %dma_start3A_126 : memref<1x128xi32, #tpu.memory_space<vmem>> -> memref<128xi32, #tpu.memory_space<vmem>>
      %dma_start3A_128 = arith.constant 0 : i32
      %dma_start3A_129 = arith.constant 0 : i32
      %dma_start3A_130 = tpu.memref_slice %arg2[%dma_start3A_128, %dma_start3A_129] : memref<10000x128xf32, #tpu.memory_space<hbm>> -> memref<10000x128xf32, #tpu.memory_space<hbm>>
      tpu.enqueue_indirect_dma source(%dma_start3A_130 : memref<10000x128xf32, #tpu.memory_space<hbm>>) target(%arg9 : memref<128x128xf32, #tpu.memory_space<vmem>>) offsets(%dma_start3A_127 : memref<128xi32, #tpu.memory_space<vmem>>) semaphore(%arg12 : memref<!tpu.dma_semaphore, #tpu.memory_space<semaphore_mem>>)
      %add3A_131 = arith.constant 2 : i32
      %add3A_132 = arith.addi %mul3A_109, %add3A_131 : i32
      %add3A_133 = arith.addi %mul3A_2, %add3A_132 : i32
      %dma_start3A_134 = arith.constant 0 : i32
      %dma_start3A_135 = tpu.memref_slice %arg4[%add3A_133, %dma_start3A_134] : memref<2560x128xi32, #tpu.memory_space<hbm>> -> memref<1x128xi32, #tpu.memory_space<hbm>>
      %dma_start3A_136 = tpu.memref_squeeze %dma_start3A_135 : memref<1x128xi32, #tpu.memory_space<hbm>> -> memref<128xi32, #tpu.memory_space<hbm>>
      %dma_start3A_137 = arith.constant 0 : i32
      %dma_start3A_138 = tpu.memref_slice %arg4[%add3A_133, %dma_start3A_137] : memref<2560x128xi32, #tpu.memory_space<hbm>> -> memref<1x128xi32, #tpu.memory_space<hbm>>
      %dma_start3A_139 = tpu.memref_squeeze %dma_start3A_138 : memref<1x128xi32, #tpu.memory_space<hbm>> -> memref<128xi32, #tpu.memory_space<hbm>>
      tpu.enqueue_dma source(%dma_start3A_139 : memref<128xi32, #tpu.memory_space<hbm>>) target(%arg7 : memref<128xi32, #tpu.memory_space<vmem>>) target_semaphore(%arg13 : memref<!tpu.dma_semaphore, #tpu.memory_space<semaphore_mem>>)
      %dma_wait3A_140 = arith.constant 0 : i32
      %dma_wait3A_141 = arith.constant 0 : i32
      %dma_wait3A_142 = tpu.memref_slice %arg2[%dma_wait3A_140, %dma_wait3A_141] : memref<10000x128xf32, #tpu.memory_space<hbm>> -> memref<128x128xf32, #tpu.memory_space<hbm>>
      %dma_wait3A_143 = arith.constant 0 : i32
      %dma_wait3A_144 = arith.constant 0 : i32
      %dma_wait3A_145 = tpu.memref_slice %arg2[%dma_wait3A_143, %dma_wait3A_144] : memref<10000x128xf32, #tpu.memory_space<hbm>> -> memref<128x128xf32, #tpu.memory_space<hbm>>
      tpu.wait_dma2 semaphore(%arg12 : memref<!tpu.dma_semaphore, #tpu.memory_space<semaphore_mem>>) src(%dma_wait3A_145 : memref<128x128xf32, #tpu.memory_space<hbm>>) dst(%arg10 : memref<128x128xf32, #tpu.memory_space<vmem>>)
      %dma_wait3A_146 = arith.constant 0 : i32
      %dma_wait3A_147 = arith.constant 0 : i32
      %dma_wait3A_148 = tpu.memref_slice %arg4[%dma_wait3A_146, %dma_wait3A_147] : memref<2560x128xi32, #tpu.memory_space<hbm>> -> memref<1x128xi32, #tpu.memory_space<hbm>>
      %dma_wait3A_149 = tpu.memref_squeeze %dma_wait3A_148 : memref<1x128xi32, #tpu.memory_space<hbm>> -> memref<128xi32, #tpu.memory_space<hbm>>
      %dma_wait3A_150 = arith.constant 0 : i32
      %dma_wait3A_151 = tpu.memref_slice %arg4[%dma_wait3A_146, %dma_wait3A_150] : memref<2560x128xi32, #tpu.memory_space<hbm>> -> memref<1x128xi32, #tpu.memory_space<hbm>>
      %dma_wait3A_152 = tpu.memref_squeeze %dma_wait3A_151 : memref<1x128xi32, #tpu.memory_space<hbm>> -> memref<128xi32, #tpu.memory_space<hbm>>
      tpu.wait_dma2 semaphore(%arg13 : memref<!tpu.dma_semaphore, #tpu.memory_space<semaphore_mem>>) src(%dma_wait3A_152 : memref<128xi32, #tpu.memory_space<hbm>>) dst(%arg8 : memref<128xi32, #tpu.memory_space<vmem>>)
      "tpu.region"() ({
        %run_scoped3A = tpu.sem_alloc : memref<!tpu.dma_semaphore, #tpu.memory_space<semaphore_mem>>
        %dma_start3A_171 = arith.constant 0 : i32
        %dma_start3A_172 = arith.constant 0 : i32
        %dma_start3A_173 = tpu.memref_slice %arg11[%dma_start3A_171, %dma_start3A_172] : memref<10240x128xf32, #tpu.memory_space<vmem_shared>> -> memref<10240x128xf32, #tpu.memory_space<vmem_shared>>
        tpu.enqueue_indirect_dma source(%arg10 : memref<128x128xf32, #tpu.memory_space<vmem>>) target(%dma_start3A_173 : memref<10240x128xf32, #tpu.memory_space<vmem_shared>>) offsets(%arg8 : memref<128xi32, #tpu.memory_space<vmem>>) semaphore(%run_scoped3A : memref<!tpu.dma_semaphore, #tpu.memory_space<semaphore_mem>>) {add = true}
        %dma_wait3A_174 = arith.constant 0 : i32
        %dma_wait3A_175 = arith.constant 0 : i32
        %dma_wait3A_176 = tpu.memref_slice %arg11[%dma_wait3A_174, %dma_wait3A_175] : memref<10240x128xf32, #tpu.memory_space<vmem_shared>> -> memref<10240x128xf32, #tpu.memory_space<vmem_shared>>
        tpu.wait_indirect_dma semaphore(%run_scoped3A : memref<!tpu.dma_semaphore, #tpu.memory_space<semaphore_mem>>) src(%arg10 : memref<128x128xf32, #tpu.memory_space<vmem>>) dst(%dma_wait3A_176 : memref<10240x128xf32, #tpu.memory_space<vmem_shared>>)
        tpu.yield
      }) : () -> ()
      %add3A_153 = arith.constant 3 : i32
      %add3A_154 = arith.addi %mul3A_109, %add3A_153 : i32
      %dma_start3A_155 = arith.constant 0 : i32
      %dma_start3A_156 = tpu.memref_slice %arg6[%add3A_154, %dma_start3A_155] : memref<80x128xi32, #tpu.memory_space<vmem>> -> memref<1x128xi32, #tpu.memory_space<vmem>>
      %dma_start3A_157 = tpu.memref_squeeze %dma_start3A_156 : memref<1x128xi32, #tpu.memory_space<vmem>> -> memref<128xi32, #tpu.memory_space<vmem>>
      %dma_start3A_158 = arith.constant 0 : i32
      %dma_start3A_159 = arith.constant 0 : i32
      %dma_start3A_160 = tpu.memref_slice %arg2[%dma_start3A_158, %dma_start3A_159] : memref<10000x128xf32, #tpu.memory_space<hbm>> -> memref<10000x128xf32, #tpu.memory_space<hbm>>
      tpu.enqueue_indirect_dma source(%dma_start3A_160 : memref<10000x128xf32, #tpu.memory_space<hbm>>) target(%arg10 : memref<128x128xf32, #tpu.memory_space<vmem>>) offsets(%dma_start3A_157 : memref<128xi32, #tpu.memory_space<vmem>>) semaphore(%arg12 : memref<!tpu.dma_semaphore, #tpu.memory_space<semaphore_mem>>)
      %add3A_161 = arith.constant 3 : i32
      %add3A_162 = arith.addi %mul3A_109, %add3A_161 : i32
      %add3A_163 = arith.addi %mul3A_2, %add3A_162 : i32
      %dma_start3A_164 = arith.constant 0 : i32
      %dma_start3A_165 = tpu.memref_slice %arg4[%add3A_163, %dma_start3A_164] : memref<2560x128xi32, #tpu.memory_space<hbm>> -> memref<1x128xi32, #tpu.memory_space<hbm>>
      %dma_start3A_166 = tpu.memref_squeeze %dma_start3A_165 : memref<1x128xi32, #tpu.memory_space<hbm>> -> memref<128xi32, #tpu.memory_space<hbm>>
      %dma_start3A_167 = arith.constant 0 : i32
      %dma_start3A_168 = tpu.memref_slice %arg4[%add3A_163, %dma_start3A_167] : memref<2560x128xi32, #tpu.memory_space<hbm>> -> memref<1x128xi32, #tpu.memory_space<hbm>>
      %dma_start3A_169 = tpu.memref_squeeze %dma_start3A_168 : memref<1x128xi32, #tpu.memory_space<hbm>> -> memref<128xi32, #tpu.memory_space<hbm>>
      tpu.enqueue_dma source(%dma_start3A_169 : memref<128xi32, #tpu.memory_space<hbm>>) target(%arg8 : memref<128xi32, #tpu.memory_space<vmem>>) target_semaphore(%arg13 : memref<!tpu.dma_semaphore, #tpu.memory_space<semaphore_mem>>)
      %scan3A_170 = arith.constant 0 : i32
      scf.yield %scan3A_170 : i32
    }
    %scan3A_71 = arith.constant 39 : i32
    %dma_wait3A_72 = arith.constant 0 : i32
    %dma_wait3A_73 = arith.constant 0 : i32
    %dma_wait3A_74 = tpu.memref_slice %arg2[%dma_wait3A_72, %dma_wait3A_73] : memref<10000x128xf32, #tpu.memory_space<hbm>> -> memref<128x128xf32, #tpu.memory_space<hbm>>
    %dma_wait3A_75 = arith.constant 0 : i32
    %dma_wait3A_76 = arith.constant 0 : i32
    %dma_wait3A_77 = tpu.memref_slice %arg2[%dma_wait3A_75, %dma_wait3A_76] : memref<10000x128xf32, #tpu.memory_space<hbm>> -> memref<128x128xf32, #tpu.memory_space<hbm>>
    tpu.wait_dma2 semaphore(%arg12 : memref<!tpu.dma_semaphore, #tpu.memory_space<semaphore_mem>>) src(%dma_wait3A_77 : memref<128x128xf32, #tpu.memory_space<hbm>>) dst(%arg9 : memref<128x128xf32, #tpu.memory_space<vmem>>)
    %dma_wait3A_78 = arith.constant 0 : i32
    %dma_wait3A_79 = arith.constant 0 : i32
    %dma_wait3A_80 = tpu.memref_slice %arg4[%dma_wait3A_78, %dma_wait3A_79] : memref<2560x128xi32, #tpu.memory_space<hbm>> -> memref<1x128xi32, #tpu.memory_space<hbm>>
    %dma_wait3A_81 = tpu.memref_squeeze %dma_wait3A_80 : memref<1x128xi32, #tpu.memory_space<hbm>> -> memref<128xi32, #tpu.memory_space<hbm>>
    %dma_wait3A_82 = arith.constant 0 : i32
    %dma_wait3A_83 = tpu.memref_slice %arg4[%dma_wait3A_78, %dma_wait3A_82] : memref<2560x128xi32, #tpu.memory_space<hbm>> -> memref<1x128xi32, #tpu.memory_space<hbm>>
    %dma_wait3A_84 = tpu.memref_squeeze %dma_wait3A_83 : memref<1x128xi32, #tpu.memory_space<hbm>> -> memref<128xi32, #tpu.memory_space<hbm>>
    tpu.wait_dma2 semaphore(%arg13 : memref<!tpu.dma_semaphore, #tpu.memory_space<semaphore_mem>>) src(%dma_wait3A_84 : memref<128xi32, #tpu.memory_space<hbm>>) dst(%arg7 : memref<128xi32, #tpu.memory_space<vmem>>)
    "tpu.region"() ({
      %run_scoped3A = tpu.sem_alloc : memref<!tpu.dma_semaphore, #tpu.memory_space<semaphore_mem>>
      %dma_start3A_106 = arith.constant 0 : i32
      %dma_start3A_107 = arith.constant 0 : i32
      %dma_start3A_108 = tpu.memref_slice %arg11[%dma_start3A_106, %dma_start3A_107] : memref<10240x128xf32, #tpu.memory_space<vmem_shared>> -> memref<10240x128xf32, #tpu.memory_space<vmem_shared>>
      tpu.enqueue_indirect_dma source(%arg9 : memref<128x128xf32, #tpu.memory_space<vmem>>) target(%dma_start3A_108 : memref<10240x128xf32, #tpu.memory_space<vmem_shared>>) offsets(%arg7 : memref<128xi32, #tpu.memory_space<vmem>>) semaphore(%run_scoped3A : memref<!tpu.dma_semaphore, #tpu.memory_space<semaphore_mem>>) {add = true}
      %dma_wait3A_109 = arith.constant 0 : i32
      %dma_wait3A_110 = arith.constant 0 : i32
      %dma_wait3A_111 = tpu.memref_slice %arg11[%dma_wait3A_109, %dma_wait3A_110] : memref<10240x128xf32, #tpu.memory_space<vmem_shared>> -> memref<10240x128xf32, #tpu.memory_space<vmem_shared>>
      tpu.wait_indirect_dma semaphore(%run_scoped3A : memref<!tpu.dma_semaphore, #tpu.memory_space<semaphore_mem>>) src(%arg9 : memref<128x128xf32, #tpu.memory_space<vmem>>) dst(%dma_wait3A_111 : memref<10240x128xf32, #tpu.memory_space<vmem_shared>>)
      tpu.yield
    }) : () -> ()
    %dma_wait3A_85 = arith.constant 0 : i32
    %dma_wait3A_86 = arith.constant 0 : i32
    %dma_wait3A_87 = tpu.memref_slice %arg2[%dma_wait3A_85, %dma_wait3A_86] : memref<10000x128xf32, #tpu.memory_space<hbm>> -> memref<128x128xf32, #tpu.memory_space<hbm>>
    %dma_wait3A_88 = arith.constant 0 : i32
    %dma_wait3A_89 = arith.constant 0 : i32
    %dma_wait3A_90 = tpu.memref_slice %arg2[%dma_wait3A_88, %dma_wait3A_89] : memref<10000x128xf32, #tpu.memory_space<hbm>> -> memref<128x128xf32, #tpu.memory_space<hbm>>
    tpu.wait_dma2 semaphore(%arg12 : memref<!tpu.dma_semaphore, #tpu.memory_space<semaphore_mem>>) src(%dma_wait3A_90 : memref<128x128xf32, #tpu.memory_space<hbm>>) dst(%arg10 : memref<128x128xf32, #tpu.memory_space<vmem>>)
    %dma_wait3A_91 = arith.constant 0 : i32
    %dma_wait3A_92 = arith.constant 0 : i32
    %dma_wait3A_93 = tpu.memref_slice %arg4[%dma_wait3A_91, %dma_wait3A_92] : memref<2560x128xi32, #tpu.memory_space<hbm>> -> memref<1x128xi32, #tpu.memory_space<hbm>>
    %dma_wait3A_94 = tpu.memref_squeeze %dma_wait3A_93 : memref<1x128xi32, #tpu.memory_space<hbm>> -> memref<128xi32, #tpu.memory_space<hbm>>
    %dma_wait3A_95 = arith.constant 0 : i32
    %dma_wait3A_96 = tpu.memref_slice %arg4[%dma_wait3A_91, %dma_wait3A_95] : memref<2560x128xi32, #tpu.memory_space<hbm>> -> memref<1x128xi32, #tpu.memory_space<hbm>>
    %dma_wait3A_97 = tpu.memref_squeeze %dma_wait3A_96 : memref<1x128xi32, #tpu.memory_space<hbm>> -> memref<128xi32, #tpu.memory_space<hbm>>
    tpu.wait_dma2 semaphore(%arg13 : memref<!tpu.dma_semaphore, #tpu.memory_space<semaphore_mem>>) src(%dma_wait3A_97 : memref<128xi32, #tpu.memory_space<hbm>>) dst(%arg8 : memref<128xi32, #tpu.memory_space<vmem>>)
    "tpu.region"() ({
      %run_scoped3A = tpu.sem_alloc : memref<!tpu.dma_semaphore, #tpu.memory_space<semaphore_mem>>
      %dma_start3A_106 = arith.constant 0 : i32
      %dma_start3A_107 = arith.constant 0 : i32
      %dma_start3A_108 = tpu.memref_slice %arg11[%dma_start3A_106, %dma_start3A_107] : memref<10240x128xf32, #tpu.memory_space<vmem_shared>> -> memref<10240x128xf32, #tpu.memory_space<vmem_shared>>
      tpu.enqueue_indirect_dma source(%arg10 : memref<128x128xf32, #tpu.memory_space<vmem>>) target(%dma_start3A_108 : memref<10240x128xf32, #tpu.memory_space<vmem_shared>>) offsets(%arg8 : memref<128xi32, #tpu.memory_space<vmem>>) semaphore(%run_scoped3A : memref<!tpu.dma_semaphore, #tpu.memory_space<semaphore_mem>>) {add = true}
      %dma_wait3A_109 = arith.constant 0 : i32
      %dma_wait3A_110 = arith.constant 0 : i32
      %dma_wait3A_111 = tpu.memref_slice %arg11[%dma_wait3A_109, %dma_wait3A_110] : memref<10240x128xf32, #tpu.memory_space<vmem_shared>> -> memref<10240x128xf32, #tpu.memory_space<vmem_shared>>
      tpu.wait_indirect_dma semaphore(%run_scoped3A : memref<!tpu.dma_semaphore, #tpu.memory_space<semaphore_mem>>) src(%arg10 : memref<128x128xf32, #tpu.memory_space<vmem>>) dst(%dma_wait3A_111 : memref<10240x128xf32, #tpu.memory_space<vmem_shared>>)
      tpu.yield
    }) : () -> ()
    %barrier3A_98 = arith.constant 0 : index
    tpu.barrier barrier_id(%barrier3A_98)
    %mul3A_99 = arith.constant 640 : i32
    %mul3A_100 = arith.muli %arg1, %mul3A_99 : i32
    %mul3A_101 = arith.constant 10240 : i32
    %mul3A_102 = arith.muli %arg0, %mul3A_101 : i32
    %mul3A_103 = arith.constant 640 : i32
    %mul3A_104 = arith.muli %arg1, %mul3A_103 : i32
    %add3A_105 = arith.addi %mul3A_102, %mul3A_104 : i32
    "tpu.region"() ({
      %run_scoped3A = tpu.sem_alloc : memref<!tpu.dma_semaphore, #tpu.memory_space<semaphore_mem>>
      %dma_start3A_106 = arith.constant 0 : i32
      %dma_start3A_107 = tpu.memref_slice %arg5[%add3A_105, %dma_start3A_106] : memref<20480x128xf32, #tpu.memory_space<hbm>> -> memref<640x128xf32, #tpu.memory_space<hbm>>
      %dma_start3A_108 = arith.constant 0 : i32
      %dma_start3A_109 = tpu.memref_slice %arg11[%mul3A_100, %dma_start3A_108] : memref<10240x128xf32, #tpu.memory_space<vmem_shared>> -> memref<640x128xf32, #tpu.memory_space<vmem_shared>>
      tpu.enqueue_dma source(%dma_start3A_109 : memref<640x128xf32, #tpu.memory_space<vmem_shared>>) target(%dma_start3A_107 : memref<640x128xf32, #tpu.memory_space<hbm>>) target_semaphore(%run_scoped3A : memref<!tpu.dma_semaphore, #tpu.memory_space<semaphore_mem>>)
      %dma_wait3A_110 = arith.constant 0 : i32
      %dma_wait3A_111 = tpu.memref_slice %arg5[%add3A_105, %dma_wait3A_110] : memref<20480x128xf32, #tpu.memory_space<hbm>> -> memref<640x128xf32, #tpu.memory_space<hbm>>
      %dma_wait3A_112 = arith.constant 0 : i32
      %dma_wait3A_113 = tpu.memref_slice %arg11[%mul3A_100, %dma_wait3A_112] : memref<10240x128xf32, #tpu.memory_space<vmem_shared>> -> memref<640x128xf32, #tpu.memory_space<vmem_shared>>
      tpu.wait_dma2 semaphore(%run_scoped3A : memref<!tpu.dma_semaphore, #tpu.memory_space<semaphore_mem>>) src(%dma_wait3A_113 : memref<640x128xf32, #tpu.memory_space<vmem_shared>>) dst(%dma_wait3A_111 : memref<640x128xf32, #tpu.memory_space<hbm>>)
      tpu.yield
    }) : () -> ()
    return
  }
}

#map = affine_map<(d0, d1) -> (0, 0)>
module attributes {stable_mosaic.version = 14 : i64} {
  func.func @_agg_body(%arg0: i32, %arg1: i32, %arg2: memref<10000x128xf32, #tpu.memory_space<hbm>>, %arg3: memref<2560x128xi32, #tpu.memory_space<hbm>>, %arg4: memref<2560x128xi32, #tpu.memory_space<hbm>>, %arg5: memref<20480x128xf32, #tpu.memory_space<hbm>>, %arg6: memref<80x128xi32, #tpu.memory_space<vmem>>, %arg7: memref<128xi32, #tpu.memory_space<vmem>>, %arg8: memref<128xi32, #tpu.memory_space<vmem>>, %arg9: memref<128x128xf32, #tpu.memory_space<vmem>>, %arg10: memref<128x128xf32, #tpu.memory_space<vmem>>, %arg11: memref<10240x128xf32, #tpu.memory_space<vmem_shared>>, %arg12: memref<!tpu.dma_semaphore, #tpu.memory_space<semaphore_mem>>, %arg13: memref<!tpu.dma_semaphore, #tpu.memory_space<semaphore_mem>>) attributes {dimension_semantics = [#tpu.dimension_semantics<core_parallel>, #tpu.dimension_semantics<subcore_parallel>], iteration_bounds = array<i64: 2, 16>, scalar_prefetch = 0 : i64, scratch_operands = 8 : i64, tpu.core_type = #tpu.core_type<sc_vector_subcore>, window_params = [{transform_indices = #map}, {transform_indices = #map}, {transform_indices = #map}, {transform_indices = #map}]} {
    %mul3A = arith.constant 16 : i32
    %mul3A_0 = arith.muli %arg0, %mul3A : i32
    %add3A = arith.addi %mul3A_0, %arg1 : i32
    %mul3A_1 = arith.constant 80 : i32
    %mul3A_2 = arith.muli %add3A, %mul3A_1 : i32
    %dma_start3A = arith.constant 0 : i32
    %dma_start3A_3 = tpu.memref_slice %arg3[%mul3A_2, %dma_start3A] : memref<2560x128xi32, #tpu.memory_space<hbm>> -> memref<80x128xi32, #tpu.memory_space<hbm>>
    %dma_start3A_4 = arith.constant 0 : i32
    %dma_start3A_5 = tpu.memref_slice %arg3[%mul3A_2, %dma_start3A_4] : memref<2560x128xi32, #tpu.memory_space<hbm>> -> memref<80x128xi32, #tpu.memory_space<hbm>>
    tpu.enqueue_dma source(%dma_start3A_5 : memref<80x128xi32, #tpu.memory_space<hbm>>) target(%arg6 : memref<80x128xi32, #tpu.memory_space<vmem>>) target_semaphore(%arg12 : memref<!tpu.dma_semaphore, #tpu.memory_space<semaphore_mem>>)
    %scan3A = arith.constant 0 : i32
    %scan3A_6 = arith.constant 0 : i32
    %scan3A_7 = arith.constant 128 : i32
    %scan3A_8 = arith.addi %scan3A_6, %scan3A_7 : i32
    %scan3A_9 = arith.constant 1 : i32
    %scan3A_10 = scf.for %scan3A_106 = %scan3A_6 to %scan3A_8 step %scan3A_9 iter_args(%scan3A_107 = %scan3A) -> (i32)  : i32 {
      %scan3A_108 = arith.constant 0 : i32
      %scan3A_109 = arith.constant 0 : i32
      %scan3A_110 = arith.constant 8 : i32
      %scan3A_111 = arith.addi %scan3A_109, %scan3A_110 : i32
      %scan3A_112 = arith.constant 1 : i32
      %scan3A_113 = scf.for %scan3A_115 = %scan3A_109 to %scan3A_111 step %scan3A_112 iter_args(%scan3A_116 = %scan3A_108) -> (i32)  : i32 {
        %broadcast_in_dim3A = arith.constant 0.000000e+00 : f32
        %broadcast_in_dim3A_117 = vector.broadcast %broadcast_in_dim3A : f32 to vector<16xf32>
        %mul3A_118 = arith.constant 16 : i32
        %mul3A_119 = arith.muli %scan3A_115, %mul3A_118 : i32
        %swap3A = arith.index_cast %scan3A_106 : i32 to index
        %swap3A_120 = arith.index_cast %mul3A_119 : i32 to index
        %swap3A_121 = tpu.vector_load %arg9[%swap3A, %swap3A_120] {strides = array<i32>} : memref<128x128xf32, #tpu.memory_space<vmem>>, vector<1x16xf32>,
        %swap3A_122 = vector.shape_cast %swap3A_121 : vector<1x16xf32> to vector<16xf32>
        %swap3A_123 = vector.shape_cast %broadcast_in_dim3A_117 : vector<16xf32> to vector<1x16xf32>
        tpu.vector_store %arg9[%swap3A, %swap3A_120], %swap3A_123 {strides = array<i32>} : memref<128x128xf32, #tpu.memory_space<vmem>>, vector<1x16xf32>,
        %scan3A_124 = arith.constant 0 : i32
        scf.yield %scan3A_124 : i32
      }
      %scan3A_114 = arith.constant 8 : i32
      scf.yield %scan3A_113 : i32
    }
    %scan3A_11 = arith.constant 128 : i32
    %mul3A_12 = arith.constant 640 : i32
    %mul3A_13 = arith.muli %arg1, %mul3A_12 : i32
    %add3A_14 = arith.constant 0 : i32
    %add3A_15 = arith.addi %mul3A_13, %add3A_14 : i32
    "tpu.region"() ({
      %run_scoped3A = tpu.sem_alloc : memref<!tpu.dma_semaphore, #tpu.memory_space<semaphore_mem>>
      %dma_start3A_106 = arith.constant 0 : i32
      %dma_start3A_107 = tpu.memref_slice %arg11[%add3A_15, %dma_start3A_106] : memref<10240x128xf32, #tpu.memory_space<vmem_shared>> -> memref<128x128xf32, #tpu.memory_space<vmem_shared>>
      %dma_start3A_108 = arith.constant 0 : i32
      %dma_start3A_109 = tpu.memref_slice %arg11[%add3A_15, %dma_start3A_108] : memref<10240x128xf32, #tpu.memory_space<vmem_shared>> -> memref<128x128xf32, #tpu.memory_space<vmem_shared>>
      tpu.enqueue_dma source(%arg9 : memref<128x128xf32, #tpu.memory_space<vmem>>) target(%dma_start3A_109 : memref<128x128xf32, #tpu.memory_space<vmem_shared>>) target_semaphore(%run_scoped3A : memref<!tpu.dma_semaphore, #tpu.memory_space<semaphore_mem>>)
      %dma_wait3A_110 = arith.constant 0 : i32
      %dma_wait3A_111 = tpu.memref_slice %arg11[%add3A_15, %dma_wait3A_110] : memref<10240x128xf32, #tpu.memory_space<vmem_shared>> -> memref<128x128xf32, #tpu.memory_space<vmem_shared>>
      %dma_wait3A_112 = arith.constant 0 : i32
      %dma_wait3A_113 = tpu.memref_slice %arg11[%add3A_15, %dma_wait3A_112] : memref<10240x128xf32, #tpu.memory_space<vmem_shared>> -> memref<128x128xf32, #tpu.memory_space<vmem_shared>>
      tpu.wait_dma2 semaphore(%run_scoped3A : memref<!tpu.dma_semaphore, #tpu.memory_space<semaphore_mem>>) src(%arg9 : memref<128x128xf32, #tpu.memory_space<vmem>>) dst(%dma_wait3A_113 : memref<128x128xf32, #tpu.memory_space<vmem_shared>>)
      tpu.yield
    }) : () -> ()
    %mul3A_16 = arith.constant 640 : i32
    %mul3A_17 = arith.muli %arg1, %mul3A_16 : i32
    %add3A_18 = arith.constant 128 : i32
    %add3A_19 = arith.addi %mul3A_17, %add3A_18 : i32
    "tpu.region"() ({
      %run_scoped3A = tpu.sem_alloc : memref<!tpu.dma_semaphore, #tpu.memory_space<semaphore_mem>>
      %dma_start3A_106 = arith.constant 0 : i32
      %dma_start3A_107 = tpu.memref_slice %arg11[%add3A_19, %dma_start3A_106] : memref<10240x128xf32, #tpu.memory_space<vmem_shared>> -> memref<128x128xf32, #tpu.memory_space<vmem_shared>>
      %dma_start3A_108 = arith.constant 0 : i32
      %dma_start3A_109 = tpu.memref_slice %arg11[%add3A_19, %dma_start3A_108] : memref<10240x128xf32, #tpu.memory_space<vmem_shared>> -> memref<128x128xf32, #tpu.memory_space<vmem_shared>>
      tpu.enqueue_dma source(%arg9 : memref<128x128xf32, #tpu.memory_space<vmem>>) target(%dma_start3A_109 : memref<128x128xf32, #tpu.memory_space<vmem_shared>>) target_semaphore(%run_scoped3A : memref<!tpu.dma_semaphore, #tpu.memory_space<semaphore_mem>>)
      %dma_wait3A_110 = arith.constant 0 : i32
      %dma_wait3A_111 = tpu.memref_slice %arg11[%add3A_19, %dma_wait3A_110] : memref<10240x128xf32, #tpu.memory_space<vmem_shared>> -> memref<128x128xf32, #tpu.memory_space<vmem_shared>>
      %dma_wait3A_112 = arith.constant 0 : i32
      %dma_wait3A_113 = tpu.memref_slice %arg11[%add3A_19, %dma_wait3A_112] : memref<10240x128xf32, #tpu.memory_space<vmem_shared>> -> memref<128x128xf32, #tpu.memory_space<vmem_shared>>
      tpu.wait_dma2 semaphore(%run_scoped3A : memref<!tpu.dma_semaphore, #tpu.memory_space<semaphore_mem>>) src(%arg9 : memref<128x128xf32, #tpu.memory_space<vmem>>) dst(%dma_wait3A_113 : memref<128x128xf32, #tpu.memory_space<vmem_shared>>)
      tpu.yield
    }) : () -> ()
    %mul3A_20 = arith.constant 640 : i32
    %mul3A_21 = arith.muli %arg1, %mul3A_20 : i32
    %add3A_22 = arith.constant 256 : i32
    %add3A_23 = arith.addi %mul3A_21, %add3A_22 : i32
    "tpu.region"() ({
      %run_scoped3A = tpu.sem_alloc : memref<!tpu.dma_semaphore, #tpu.memory_space<semaphore_mem>>
      %dma_start3A_106 = arith.constant 0 : i32
      %dma_start3A_107 = tpu.memref_slice %arg11[%add3A_23, %dma_start3A_106] : memref<10240x128xf32, #tpu.memory_space<vmem_shared>> -> memref<128x128xf32, #tpu.memory_space<vmem_shared>>
      %dma_start3A_108 = arith.constant 0 : i32
      %dma_start3A_109 = tpu.memref_slice %arg11[%add3A_23, %dma_start3A_108] : memref<10240x128xf32, #tpu.memory_space<vmem_shared>> -> memref<128x128xf32, #tpu.memory_space<vmem_shared>>
      tpu.enqueue_dma source(%arg9 : memref<128x128xf32, #tpu.memory_space<vmem>>) target(%dma_start3A_109 : memref<128x128xf32, #tpu.memory_space<vmem_shared>>) target_semaphore(%run_scoped3A : memref<!tpu.dma_semaphore, #tpu.memory_space<semaphore_mem>>)
      %dma_wait3A_110 = arith.constant 0 : i32
      %dma_wait3A_111 = tpu.memref_slice %arg11[%add3A_23, %dma_wait3A_110] : memref<10240x128xf32, #tpu.memory_space<vmem_shared>> -> memref<128x128xf32, #tpu.memory_space<vmem_shared>>
      %dma_wait3A_112 = arith.constant 0 : i32
      %dma_wait3A_113 = tpu.memref_slice %arg11[%add3A_23, %dma_wait3A_112] : memref<10240x128xf32, #tpu.memory_space<vmem_shared>> -> memref<128x128xf32, #tpu.memory_space<vmem_shared>>
      tpu.wait_dma2 semaphore(%run_scoped3A : memref<!tpu.dma_semaphore, #tpu.memory_space<semaphore_mem>>) src(%arg9 : memref<128x128xf32, #tpu.memory_space<vmem>>) dst(%dma_wait3A_113 : memref<128x128xf32, #tpu.memory_space<vmem_shared>>)
      tpu.yield
    }) : () -> ()
    %mul3A_24 = arith.constant 640 : i32
    %mul3A_25 = arith.muli %arg1, %mul3A_24 : i32
    %add3A_26 = arith.constant 384 : i32
    %add3A_27 = arith.addi %mul3A_25, %add3A_26 : i32
    "tpu.region"() ({
      %run_scoped3A = tpu.sem_alloc : memref<!tpu.dma_semaphore, #tpu.memory_space<semaphore_mem>>
      %dma_start3A_106 = arith.constant 0 : i32
      %dma_start3A_107 = tpu.memref_slice %arg11[%add3A_27, %dma_start3A_106] : memref<10240x128xf32, #tpu.memory_space<vmem_shared>> -> memref<128x128xf32, #tpu.memory_space<vmem_shared>>
      %dma_start3A_108 = arith.constant 0 : i32
      %dma_start3A_109 = tpu.memref_slice %arg11[%add3A_27, %dma_start3A_108] : memref<10240x128xf32, #tpu.memory_space<vmem_shared>> -> memref<128x128xf32, #tpu.memory_space<vmem_shared>>
      tpu.enqueue_dma source(%arg9 : memref<128x128xf32, #tpu.memory_space<vmem>>) target(%dma_start3A_109 : memref<128x128xf32, #tpu.memory_space<vmem_shared>>) target_semaphore(%run_scoped3A : memref<!tpu.dma_semaphore, #tpu.memory_space<semaphore_mem>>)
      %dma_wait3A_110 = arith.constant 0 : i32
      %dma_wait3A_111 = tpu.memref_slice %arg11[%add3A_27, %dma_wait3A_110] : memref<10240x128xf32, #tpu.memory_space<vmem_shared>> -> memref<128x128xf32, #tpu.memory_space<vmem_shared>>
      %dma_wait3A_112 = arith.constant 0 : i32
      %dma_wait3A_113 = tpu.memref_slice %arg11[%add3A_27, %dma_wait3A_112] : memref<10240x128xf32, #tpu.memory_space<vmem_shared>> -> memref<128x128xf32, #tpu.memory_space<vmem_shared>>
      tpu.wait_dma2 semaphore(%run_scoped3A : memref<!tpu.dma_semaphore, #tpu.memory_space<semaphore_mem>>) src(%arg9 : memref<128x128xf32, #tpu.memory_space<vmem>>) dst(%dma_wait3A_113 : memref<128x128xf32, #tpu.memory_space<vmem_shared>>)
      tpu.yield
    }) : () -> ()
    %mul3A_28 = arith.constant 640 : i32
    %mul3A_29 = arith.muli %arg1, %mul3A_28 : i32
    %add3A_30 = arith.constant 512 : i32
    %add3A_31 = arith.addi %mul3A_29, %add3A_30 : i32
    "tpu.region"() ({
      %run_scoped3A = tpu.sem_alloc : memref<!tpu.dma_semaphore, #tpu.memory_space<semaphore_mem>>
      %dma_start3A_106 = arith.constant 0 : i32
      %dma_start3A_107 = tpu.memref_slice %arg11[%add3A_31, %dma_start3A_106] : memref<10240x128xf32, #tpu.memory_space<vmem_shared>> -> memref<128x128xf32, #tpu.memory_space<vmem_shared>>
      %dma_start3A_108 = arith.constant 0 : i32
      %dma_start3A_109 = tpu.memref_slice %arg11[%add3A_31, %dma_start3A_108] : memref<10240x128xf32, #tpu.memory_space<vmem_shared>> -> memref<128x128xf32, #tpu.memory_space<vmem_shared>>
      tpu.enqueue_dma source(%arg9 : memref<128x128xf32, #tpu.memory_space<vmem>>) target(%dma_start3A_109 : memref<128x128xf32, #tpu.memory_space<vmem_shared>>) target_semaphore(%run_scoped3A : memref<!tpu.dma_semaphore, #tpu.memory_space<semaphore_mem>>)
      %dma_wait3A_110 = arith.constant 0 : i32
      %dma_wait3A_111 = tpu.memref_slice %arg11[%add3A_31, %dma_wait3A_110] : memref<10240x128xf32, #tpu.memory_space<vmem_shared>> -> memref<128x128xf32, #tpu.memory_space<vmem_shared>>
      %dma_wait3A_112 = arith.constant 0 : i32
      %dma_wait3A_113 = tpu.memref_slice %arg11[%add3A_31, %dma_wait3A_112] : memref<10240x128xf32, #tpu.memory_space<vmem_shared>> -> memref<128x128xf32, #tpu.memory_space<vmem_shared>>
      tpu.wait_dma2 semaphore(%run_scoped3A : memref<!tpu.dma_semaphore, #tpu.memory_space<semaphore_mem>>) src(%arg9 : memref<128x128xf32, #tpu.memory_space<vmem>>) dst(%dma_wait3A_113 : memref<128x128xf32, #tpu.memory_space<vmem_shared>>)
      tpu.yield
    }) : () -> ()
    %dma_wait3A = arith.constant 0 : i32
    %dma_wait3A_32 = tpu.memref_slice %arg3[%mul3A_2, %dma_wait3A] : memref<2560x128xi32, #tpu.memory_space<hbm>> -> memref<80x128xi32, #tpu.memory_space<hbm>>
    %dma_wait3A_33 = arith.constant 0 : i32
    %dma_wait3A_34 = tpu.memref_slice %arg3[%mul3A_2, %dma_wait3A_33] : memref<2560x128xi32, #tpu.memory_space<hbm>> -> memref<80x128xi32, #tpu.memory_space<hbm>>
    tpu.wait_dma2 semaphore(%arg12 : memref<!tpu.dma_semaphore, #tpu.memory_space<semaphore_mem>>) src(%dma_wait3A_34 : memref<80x128xi32, #tpu.memory_space<hbm>>) dst(%arg6 : memref<80x128xi32, #tpu.memory_space<vmem>>)
    %barrier3A = arith.constant 0 : index
    tpu.barrier barrier_id(%barrier3A)
    %dma_start3A_35 = arith.constant 0 : i32
    %dma_start3A_36 = arith.constant 0 : i32
    %dma_start3A_37 = tpu.memref_slice %arg6[%dma_start3A_35, %dma_start3A_36] : memref<80x128xi32, #tpu.memory_space<vmem>> -> memref<1x128xi32, #tpu.memory_space<vmem>>
    %dma_start3A_38 = tpu.memref_squeeze %dma_start3A_37 : memref<1x128xi32, #tpu.memory_space<vmem>> -> memref<128xi32, #tpu.memory_space<vmem>>
    %dma_start3A_39 = arith.constant 0 : i32
    %dma_start3A_40 = arith.constant 0 : i32
    %dma_start3A_41 = tpu.memref_slice %arg2[%dma_start3A_39, %dma_start3A_40] : memref<10000x128xf32, #tpu.memory_space<hbm>> -> memref<10000x128xf32, #tpu.memory_space<hbm>>
    tpu.enqueue_indirect_dma source(%dma_start3A_41 : memref<10000x128xf32, #tpu.memory_space<hbm>>) target(%arg9 : memref<128x128xf32, #tpu.memory_space<vmem>>) offsets(%dma_start3A_38 : memref<128xi32, #tpu.memory_space<vmem>>) semaphore(%arg12 : memref<!tpu.dma_semaphore, #tpu.memory_space<semaphore_mem>>)
    %add3A_42 = arith.constant 0 : i32
    %add3A_43 = arith.addi %mul3A_2, %add3A_42 : i32
    %dma_start3A_44 = arith.constant 0 : i32
    %dma_start3A_45 = tpu.memref_slice %arg4[%add3A_43, %dma_start3A_44] : memref<2560x128xi32, #tpu.memory_space<hbm>> -> memref<1x128xi32, #tpu.memory_space<hbm>>
    %dma_start3A_46 = tpu.memref_squeeze %dma_start3A_45 : memref<1x128xi32, #tpu.memory_space<hbm>> -> memref<128xi32, #tpu.memory_space<hbm>>
    %dma_start3A_47 = arith.constant 0 : i32
    %dma_start3A_48 = tpu.memref_slice %arg4[%add3A_43, %dma_start3A_47] : memref<2560x128xi32, #tpu.memory_space<hbm>> -> memref<1x128xi32, #tpu.memory_space<hbm>>
    %dma_start3A_49 = tpu.memref_squeeze %dma_start3A_48 : memref<1x128xi32, #tpu.memory_space<hbm>> -> memref<128xi32, #tpu.memory_space<hbm>>
    tpu.enqueue_dma source(%dma_start3A_49 : memref<128xi32, #tpu.memory_space<hbm>>) target(%arg7 : memref<128xi32, #tpu.memory_space<vmem>>) target_semaphore(%arg13 : memref<!tpu.dma_semaphore, #tpu.memory_space<semaphore_mem>>)
    %dma_start3A_50 = arith.constant 1 : i32
    %dma_start3A_51 = arith.constant 0 : i32
    %dma_start3A_52 = tpu.memref_slice %arg6[%dma_start3A_50, %dma_start3A_51] : memref<80x128xi32, #tpu.memory_space<vmem>> -> memref<1x128xi32, #tpu.memory_space<vmem>>
    %dma_start3A_53 = tpu.memref_squeeze %dma_start3A_52 : memref<1x128xi32, #tpu.memory_space<vmem>> -> memref<128xi32, #tpu.memory_space<vmem>>
    %dma_start3A_54 = arith.constant 0 : i32
    %dma_start3A_55 = arith.constant 0 : i32
    %dma_start3A_56 = tpu.memref_slice %arg2[%dma_start3A_54, %dma_start3A_55] : memref<10000x128xf32, #tpu.memory_space<hbm>> -> memref<10000x128xf32, #tpu.memory_space<hbm>>
    tpu.enqueue_indirect_dma source(%dma_start3A_56 : memref<10000x128xf32, #tpu.memory_space<hbm>>) target(%arg10 : memref<128x128xf32, #tpu.memory_space<vmem>>) offsets(%dma_start3A_53 : memref<128xi32, #tpu.memory_space<vmem>>) semaphore(%arg12 : memref<!tpu.dma_semaphore, #tpu.memory_space<semaphore_mem>>)
    %add3A_57 = arith.constant 1 : i32
    %add3A_58 = arith.addi %mul3A_2, %add3A_57 : i32
    %dma_start3A_59 = arith.constant 0 : i32
    %dma_start3A_60 = tpu.memref_slice %arg4[%add3A_58, %dma_start3A_59] : memref<2560x128xi32, #tpu.memory_space<hbm>> -> memref<1x128xi32, #tpu.memory_space<hbm>>
    %dma_start3A_61 = tpu.memref_squeeze %dma_start3A_60 : memref<1x128xi32, #tpu.memory_space<hbm>> -> memref<128xi32, #tpu.memory_space<hbm>>
    %dma_start3A_62 = arith.constant 0 : i32
    %dma_start3A_63 = tpu.memref_slice %arg4[%add3A_58, %dma_start3A_62] : memref<2560x128xi32, #tpu.memory_space<hbm>> -> memref<1x128xi32, #tpu.memory_space<hbm>>
    %dma_start3A_64 = tpu.memref_squeeze %dma_start3A_63 : memref<1x128xi32, #tpu.memory_space<hbm>> -> memref<128xi32, #tpu.memory_space<hbm>>
    tpu.enqueue_dma source(%dma_start3A_64 : memref<128xi32, #tpu.memory_space<hbm>>) target(%arg8 : memref<128xi32, #tpu.memory_space<vmem>>) target_semaphore(%arg13 : memref<!tpu.dma_semaphore, #tpu.memory_space<semaphore_mem>>)
    %scan3A_65 = arith.constant 0 : i32
    %scan3A_66 = arith.constant 0 : i32
    %scan3A_67 = arith.constant 39 : i32
    %scan3A_68 = arith.addi %scan3A_66, %scan3A_67 : i32
    %scan3A_69 = arith.constant 1 : i32
    %scan3A_70 = scf.for %scan3A_106 = %scan3A_66 to %scan3A_68 step %scan3A_69 iter_args(%scan3A_107 = %scan3A_65) -> (i32)  : i32 {
      %mul3A_108 = arith.constant 2 : i32
      %mul3A_109 = arith.muli %mul3A_108, %scan3A_106 : i32
      %dma_wait3A_110 = arith.constant 0 : i32
      %dma_wait3A_111 = arith.constant 0 : i32
      %dma_wait3A_112 = tpu.memref_slice %arg2[%dma_wait3A_110, %dma_wait3A_111] : memref<10000x128xf32, #tpu.memory_space<hbm>> -> memref<128x128xf32, #tpu.memory_space<hbm>>
      %dma_wait3A_113 = arith.constant 0 : i32
      %dma_wait3A_114 = arith.constant 0 : i32
      %dma_wait3A_115 = tpu.memref_slice %arg2[%dma_wait3A_113, %dma_wait3A_114] : memref<10000x128xf32, #tpu.memory_space<hbm>> -> memref<128x128xf32, #tpu.memory_space<hbm>>
      tpu.wait_dma2 semaphore(%arg12 : memref<!tpu.dma_semaphore, #tpu.memory_space<semaphore_mem>>) src(%dma_wait3A_115 : memref<128x128xf32, #tpu.memory_space<hbm>>) dst(%arg9 : memref<128x128xf32, #tpu.memory_space<vmem>>)
      %dma_wait3A_116 = arith.constant 0 : i32
      %dma_wait3A_117 = arith.constant 0 : i32
      %dma_wait3A_118 = tpu.memref_slice %arg4[%dma_wait3A_116, %dma_wait3A_117] : memref<2560x128xi32, #tpu.memory_space<hbm>> -> memref<1x128xi32, #tpu.memory_space<hbm>>
      %dma_wait3A_119 = tpu.memref_squeeze %dma_wait3A_118 : memref<1x128xi32, #tpu.memory_space<hbm>> -> memref<128xi32, #tpu.memory_space<hbm>>
      %dma_wait3A_120 = arith.constant 0 : i32
      %dma_wait3A_121 = tpu.memref_slice %arg4[%dma_wait3A_116, %dma_wait3A_120] : memref<2560x128xi32, #tpu.memory_space<hbm>> -> memref<1x128xi32, #tpu.memory_space<hbm>>
      %dma_wait3A_122 = tpu.memref_squeeze %dma_wait3A_121 : memref<1x128xi32, #tpu.memory_space<hbm>> -> memref<128xi32, #tpu.memory_space<hbm>>
      tpu.wait_dma2 semaphore(%arg13 : memref<!tpu.dma_semaphore, #tpu.memory_space<semaphore_mem>>) src(%dma_wait3A_122 : memref<128xi32, #tpu.memory_space<hbm>>) dst(%arg7 : memref<128xi32, #tpu.memory_space<vmem>>)
      "tpu.region"() ({
        %run_scoped3A = tpu.sem_alloc : memref<!tpu.dma_semaphore, #tpu.memory_space<semaphore_mem>>
        %dma_start3A_171 = arith.constant 0 : i32
        %dma_start3A_172 = arith.constant 0 : i32
        %dma_start3A_173 = tpu.memref_slice %arg11[%dma_start3A_171, %dma_start3A_172] : memref<10240x128xf32, #tpu.memory_space<vmem_shared>> -> memref<10240x128xf32, #tpu.memory_space<vmem_shared>>
        tpu.enqueue_indirect_dma source(%arg9 : memref<128x128xf32, #tpu.memory_space<vmem>>) target(%dma_start3A_173 : memref<10240x128xf32, #tpu.memory_space<vmem_shared>>) offsets(%arg7 : memref<128xi32, #tpu.memory_space<vmem>>) semaphore(%run_scoped3A : memref<!tpu.dma_semaphore, #tpu.memory_space<semaphore_mem>>) {add = true}
        %dma_wait3A_174 = arith.constant 0 : i32
        %dma_wait3A_175 = arith.constant 0 : i32
        %dma_wait3A_176 = tpu.memref_slice %arg11[%dma_wait3A_174, %dma_wait3A_175] : memref<10240x128xf32, #tpu.memory_space<vmem_shared>> -> memref<10240x128xf32, #tpu.memory_space<vmem_shared>>
        tpu.wait_indirect_dma semaphore(%run_scoped3A : memref<!tpu.dma_semaphore, #tpu.memory_space<semaphore_mem>>) src(%arg9 : memref<128x128xf32, #tpu.memory_space<vmem>>) dst(%dma_wait3A_176 : memref<10240x128xf32, #tpu.memory_space<vmem_shared>>)
        tpu.yield
      }) : () -> ()
      %add3A_123 = arith.constant 2 : i32
      %add3A_124 = arith.addi %mul3A_109, %add3A_123 : i32
      %dma_start3A_125 = arith.constant 0 : i32
      %dma_start3A_126 = tpu.memref_slice %arg6[%add3A_124, %dma_start3A_125] : memref<80x128xi32, #tpu.memory_space<vmem>> -> memref<1x128xi32, #tpu.memory_space<vmem>>
      %dma_start3A_127 = tpu.memref_squeeze %dma_start3A_126 : memref<1x128xi32, #tpu.memory_space<vmem>> -> memref<128xi32, #tpu.memory_space<vmem>>
      %dma_start3A_128 = arith.constant 0 : i32
      %dma_start3A_129 = arith.constant 0 : i32
      %dma_start3A_130 = tpu.memref_slice %arg2[%dma_start3A_128, %dma_start3A_129] : memref<10000x128xf32, #tpu.memory_space<hbm>> -> memref<10000x128xf32, #tpu.memory_space<hbm>>
      tpu.enqueue_indirect_dma source(%dma_start3A_130 : memref<10000x128xf32, #tpu.memory_space<hbm>>) target(%arg9 : memref<128x128xf32, #tpu.memory_space<vmem>>) offsets(%dma_start3A_127 : memref<128xi32, #tpu.memory_space<vmem>>) semaphore(%arg12 : memref<!tpu.dma_semaphore, #tpu.memory_space<semaphore_mem>>)
      %add3A_131 = arith.constant 2 : i32
      %add3A_132 = arith.addi %mul3A_109, %add3A_131 : i32
      %add3A_133 = arith.addi %mul3A_2, %add3A_132 : i32
      %dma_start3A_134 = arith.constant 0 : i32
      %dma_start3A_135 = tpu.memref_slice %arg4[%add3A_133, %dma_start3A_134] : memref<2560x128xi32, #tpu.memory_space<hbm>> -> memref<1x128xi32, #tpu.memory_space<hbm>>
      %dma_start3A_136 = tpu.memref_squeeze %dma_start3A_135 : memref<1x128xi32, #tpu.memory_space<hbm>> -> memref<128xi32, #tpu.memory_space<hbm>>
      %dma_start3A_137 = arith.constant 0 : i32
      %dma_start3A_138 = tpu.memref_slice %arg4[%add3A_133, %dma_start3A_137] : memref<2560x128xi32, #tpu.memory_space<hbm>> -> memref<1x128xi32, #tpu.memory_space<hbm>>
      %dma_start3A_139 = tpu.memref_squeeze %dma_start3A_138 : memref<1x128xi32, #tpu.memory_space<hbm>> -> memref<128xi32, #tpu.memory_space<hbm>>
      tpu.enqueue_dma source(%dma_start3A_139 : memref<128xi32, #tpu.memory_space<hbm>>) target(%arg7 : memref<128xi32, #tpu.memory_space<vmem>>) target_semaphore(%arg13 : memref<!tpu.dma_semaphore, #tpu.memory_space<semaphore_mem>>)
      %dma_wait3A_140 = arith.constant 0 : i32
      %dma_wait3A_141 = arith.constant 0 : i32
      %dma_wait3A_142 = tpu.memref_slice %arg2[%dma_wait3A_140, %dma_wait3A_141] : memref<10000x128xf32, #tpu.memory_space<hbm>> -> memref<128x128xf32, #tpu.memory_space<hbm>>
      %dma_wait3A_143 = arith.constant 0 : i32
      %dma_wait3A_144 = arith.constant 0 : i32
      %dma_wait3A_145 = tpu.memref_slice %arg2[%dma_wait3A_143, %dma_wait3A_144] : memref<10000x128xf32, #tpu.memory_space<hbm>> -> memref<128x128xf32, #tpu.memory_space<hbm>>
      tpu.wait_dma2 semaphore(%arg12 : memref<!tpu.dma_semaphore, #tpu.memory_space<semaphore_mem>>) src(%dma_wait3A_145 : memref<128x128xf32, #tpu.memory_space<hbm>>) dst(%arg10 : memref<128x128xf32, #tpu.memory_space<vmem>>)
      %dma_wait3A_146 = arith.constant 0 : i32
      %dma_wait3A_147 = arith.constant 0 : i32
      %dma_wait3A_148 = tpu.memref_slice %arg4[%dma_wait3A_146, %dma_wait3A_147] : memref<2560x128xi32, #tpu.memory_space<hbm>> -> memref<1x128xi32, #tpu.memory_space<hbm>>
      %dma_wait3A_149 = tpu.memref_squeeze %dma_wait3A_148 : memref<1x128xi32, #tpu.memory_space<hbm>> -> memref<128xi32, #tpu.memory_space<hbm>>
      %dma_wait3A_150 = arith.constant 0 : i32
      %dma_wait3A_151 = tpu.memref_slice %arg4[%dma_wait3A_146, %dma_wait3A_150] : memref<2560x128xi32, #tpu.memory_space<hbm>> -> memref<1x128xi32, #tpu.memory_space<hbm>>
      %dma_wait3A_152 = tpu.memref_squeeze %dma_wait3A_151 : memref<1x128xi32, #tpu.memory_space<hbm>> -> memref<128xi32, #tpu.memory_space<hbm>>
      tpu.wait_dma2 semaphore(%arg13 : memref<!tpu.dma_semaphore, #tpu.memory_space<semaphore_mem>>) src(%dma_wait3A_152 : memref<128xi32, #tpu.memory_space<hbm>>) dst(%arg8 : memref<128xi32, #tpu.memory_space<vmem>>)
      "tpu.region"() ({
        %run_scoped3A = tpu.sem_alloc : memref<!tpu.dma_semaphore, #tpu.memory_space<semaphore_mem>>
        %dma_start3A_171 = arith.constant 0 : i32
        %dma_start3A_172 = arith.constant 0 : i32
        %dma_start3A_173 = tpu.memref_slice %arg11[%dma_start3A_171, %dma_start3A_172] : memref<10240x128xf32, #tpu.memory_space<vmem_shared>> -> memref<10240x128xf32, #tpu.memory_space<vmem_shared>>
        tpu.enqueue_indirect_dma source(%arg10 : memref<128x128xf32, #tpu.memory_space<vmem>>) target(%dma_start3A_173 : memref<10240x128xf32, #tpu.memory_space<vmem_shared>>) offsets(%arg8 : memref<128xi32, #tpu.memory_space<vmem>>) semaphore(%run_scoped3A : memref<!tpu.dma_semaphore, #tpu.memory_space<semaphore_mem>>) {add = true}
        %dma_wait3A_174 = arith.constant 0 : i32
        %dma_wait3A_175 = arith.constant 0 : i32
        %dma_wait3A_176 = tpu.memref_slice %arg11[%dma_wait3A_174, %dma_wait3A_175] : memref<10240x128xf32, #tpu.memory_space<vmem_shared>> -> memref<10240x128xf32, #tpu.memory_space<vmem_shared>>
        tpu.wait_indirect_dma semaphore(%run_scoped3A : memref<!tpu.dma_semaphore, #tpu.memory_space<semaphore_mem>>) src(%arg10 : memref<128x128xf32, #tpu.memory_space<vmem>>) dst(%dma_wait3A_176 : memref<10240x128xf32, #tpu.memory_space<vmem_shared>>)
        tpu.yield
      }) : () -> ()
      %add3A_153 = arith.constant 3 : i32
      %add3A_154 = arith.addi %mul3A_109, %add3A_153 : i32
      %dma_start3A_155 = arith.constant 0 : i32
      %dma_start3A_156 = tpu.memref_slice %arg6[%add3A_154, %dma_start3A_155] : memref<80x128xi32, #tpu.memory_space<vmem>> -> memref<1x128xi32, #tpu.memory_space<vmem>>
      %dma_start3A_157 = tpu.memref_squeeze %dma_start3A_156 : memref<1x128xi32, #tpu.memory_space<vmem>> -> memref<128xi32, #tpu.memory_space<vmem>>
      %dma_start3A_158 = arith.constant 0 : i32
      %dma_start3A_159 = arith.constant 0 : i32
      %dma_start3A_160 = tpu.memref_slice %arg2[%dma_start3A_158, %dma_start3A_159] : memref<10000x128xf32, #tpu.memory_space<hbm>> -> memref<10000x128xf32, #tpu.memory_space<hbm>>
      tpu.enqueue_indirect_dma source(%dma_start3A_160 : memref<10000x128xf32, #tpu.memory_space<hbm>>) target(%arg10 : memref<128x128xf32, #tpu.memory_space<vmem>>) offsets(%dma_start3A_157 : memref<128xi32, #tpu.memory_space<vmem>>) semaphore(%arg12 : memref<!tpu.dma_semaphore, #tpu.memory_space<semaphore_mem>>)
      %add3A_161 = arith.constant 3 : i32
      %add3A_162 = arith.addi %mul3A_109, %add3A_161 : i32
      %add3A_163 = arith.addi %mul3A_2, %add3A_162 : i32
      %dma_start3A_164 = arith.constant 0 : i32
      %dma_start3A_165 = tpu.memref_slice %arg4[%add3A_163, %dma_start3A_164] : memref<2560x128xi32, #tpu.memory_space<hbm>> -> memref<1x128xi32, #tpu.memory_space<hbm>>
      %dma_start3A_166 = tpu.memref_squeeze %dma_start3A_165 : memref<1x128xi32, #tpu.memory_space<hbm>> -> memref<128xi32, #tpu.memory_space<hbm>>
      %dma_start3A_167 = arith.constant 0 : i32
      %dma_start3A_168 = tpu.memref_slice %arg4[%add3A_163, %dma_start3A_167] : memref<2560x128xi32, #tpu.memory_space<hbm>> -> memref<1x128xi32, #tpu.memory_space<hbm>>
      %dma_start3A_169 = tpu.memref_squeeze %dma_start3A_168 : memref<1x128xi32, #tpu.memory_space<hbm>> -> memref<128xi32, #tpu.memory_space<hbm>>
      tpu.enqueue_dma source(%dma_start3A_169 : memref<128xi32, #tpu.memory_space<hbm>>) target(%arg8 : memref<128xi32, #tpu.memory_space<vmem>>) target_semaphore(%arg13 : memref<!tpu.dma_semaphore, #tpu.memory_space<semaphore_mem>>)
      %scan3A_170 = arith.constant 0 : i32
      scf.yield %scan3A_170 : i32
    }
    %scan3A_71 = arith.constant 39 : i32
    %dma_wait3A_72 = arith.constant 0 : i32
    %dma_wait3A_73 = arith.constant 0 : i32
    %dma_wait3A_74 = tpu.memref_slice %arg2[%dma_wait3A_72, %dma_wait3A_73] : memref<10000x128xf32, #tpu.memory_space<hbm>> -> memref<128x128xf32, #tpu.memory_space<hbm>>
    %dma_wait3A_75 = arith.constant 0 : i32
    %dma_wait3A_76 = arith.constant 0 : i32
    %dma_wait3A_77 = tpu.memref_slice %arg2[%dma_wait3A_75, %dma_wait3A_76] : memref<10000x128xf32, #tpu.memory_space<hbm>> -> memref<128x128xf32, #tpu.memory_space<hbm>>
    tpu.wait_dma2 semaphore(%arg12 : memref<!tpu.dma_semaphore, #tpu.memory_space<semaphore_mem>>) src(%dma_wait3A_77 : memref<128x128xf32, #tpu.memory_space<hbm>>) dst(%arg9 : memref<128x128xf32, #tpu.memory_space<vmem>>)
    %dma_wait3A_78 = arith.constant 0 : i32
    %dma_wait3A_79 = arith.constant 0 : i32
    %dma_wait3A_80 = tpu.memref_slice %arg4[%dma_wait3A_78, %dma_wait3A_79] : memref<2560x128xi32, #tpu.memory_space<hbm>> -> memref<1x128xi32, #tpu.memory_space<hbm>>
    %dma_wait3A_81 = tpu.memref_squeeze %dma_wait3A_80 : memref<1x128xi32, #tpu.memory_space<hbm>> -> memref<128xi32, #tpu.memory_space<hbm>>
    %dma_wait3A_82 = arith.constant 0 : i32
    %dma_wait3A_83 = tpu.memref_slice %arg4[%dma_wait3A_78, %dma_wait3A_82] : memref<2560x128xi32, #tpu.memory_space<hbm>> -> memref<1x128xi32, #tpu.memory_space<hbm>>
    %dma_wait3A_84 = tpu.memref_squeeze %dma_wait3A_83 : memref<1x128xi32, #tpu.memory_space<hbm>> -> memref<128xi32, #tpu.memory_space<hbm>>
    tpu.wait_dma2 semaphore(%arg13 : memref<!tpu.dma_semaphore, #tpu.memory_space<semaphore_mem>>) src(%dma_wait3A_84 : memref<128xi32, #tpu.memory_space<hbm>>) dst(%arg7 : memref<128xi32, #tpu.memory_space<vmem>>)
    "tpu.region"() ({
      %run_scoped3A = tpu.sem_alloc : memref<!tpu.dma_semaphore, #tpu.memory_space<semaphore_mem>>
      %dma_start3A_106 = arith.constant 0 : i32
      %dma_start3A_107 = arith.constant 0 : i32
      %dma_start3A_108 = tpu.memref_slice %arg11[%dma_start3A_106, %dma_start3A_107] : memref<10240x128xf32, #tpu.memory_space<vmem_shared>> -> memref<10240x128xf32, #tpu.memory_space<vmem_shared>>
      tpu.enqueue_indirect_dma source(%arg9 : memref<128x128xf32, #tpu.memory_space<vmem>>) target(%dma_start3A_108 : memref<10240x128xf32, #tpu.memory_space<vmem_shared>>) offsets(%arg7 : memref<128xi32, #tpu.memory_space<vmem>>) semaphore(%run_scoped3A : memref<!tpu.dma_semaphore, #tpu.memory_space<semaphore_mem>>) {add = true}
      %dma_wait3A_109 = arith.constant 0 : i32
      %dma_wait3A_110 = arith.constant 0 : i32
      %dma_wait3A_111 = tpu.memref_slice %arg11[%dma_wait3A_109, %dma_wait3A_110] : memref<10240x128xf32, #tpu.memory_space<vmem_shared>> -> memref<10240x128xf32, #tpu.memory_space<vmem_shared>>
      tpu.wait_indirect_dma semaphore(%run_scoped3A : memref<!tpu.dma_semaphore, #tpu.memory_space<semaphore_mem>>) src(%arg9 : memref<128x128xf32, #tpu.memory_space<vmem>>) dst(%dma_wait3A_111 : memref<10240x128xf32, #tpu.memory_space<vmem_shared>>)
      tpu.yield
    }) : () -> ()
    %dma_wait3A_85 = arith.constant 0 : i32
    %dma_wait3A_86 = arith.constant 0 : i32
    %dma_wait3A_87 = tpu.memref_slice %arg2[%dma_wait3A_85, %dma_wait3A_86] : memref<10000x128xf32, #tpu.memory_space<hbm>> -> memref<128x128xf32, #tpu.memory_space<hbm>>
    %dma_wait3A_88 = arith.constant 0 : i32
    %dma_wait3A_89 = arith.constant 0 : i32
    %dma_wait3A_90 = tpu.memref_slice %arg2[%dma_wait3A_88, %dma_wait3A_89] : memref<10000x128xf32, #tpu.memory_space<hbm>> -> memref<128x128xf32, #tpu.memory_space<hbm>>
    tpu.wait_dma2 semaphore(%arg12 : memref<!tpu.dma_semaphore, #tpu.memory_space<semaphore_mem>>) src(%dma_wait3A_90 : memref<128x128xf32, #tpu.memory_space<hbm>>) dst(%arg10 : memref<128x128xf32, #tpu.memory_space<vmem>>)
    %dma_wait3A_91 = arith.constant 0 : i32
    %dma_wait3A_92 = arith.constant 0 : i32
    %dma_wait3A_93 = tpu.memref_slice %arg4[%dma_wait3A_91, %dma_wait3A_92] : memref<2560x128xi32, #tpu.memory_space<hbm>> -> memref<1x128xi32, #tpu.memory_space<hbm>>
    %dma_wait3A_94 = tpu.memref_squeeze %dma_wait3A_93 : memref<1x128xi32, #tpu.memory_space<hbm>> -> memref<128xi32, #tpu.memory_space<hbm>>
    %dma_wait3A_95 = arith.constant 0 : i32
    %dma_wait3A_96 = tpu.memref_slice %arg4[%dma_wait3A_91, %dma_wait3A_95] : memref<2560x128xi32, #tpu.memory_space<hbm>> -> memref<1x128xi32, #tpu.memory_space<hbm>>
    %dma_wait3A_97 = tpu.memref_squeeze %dma_wait3A_96 : memref<1x128xi32, #tpu.memory_space<hbm>> -> memref<128xi32, #tpu.memory_space<hbm>>
    tpu.wait_dma2 semaphore(%arg13 : memref<!tpu.dma_semaphore, #tpu.memory_space<semaphore_mem>>) src(%dma_wait3A_97 : memref<128xi32, #tpu.memory_space<hbm>>) dst(%arg8 : memref<128xi32, #tpu.memory_space<vmem>>)
    "tpu.region"() ({
      %run_scoped3A = tpu.sem_alloc : memref<!tpu.dma_semaphore, #tpu.memory_space<semaphore_mem>>
      %dma_start3A_106 = arith.constant 0 : i32
      %dma_start3A_107 = arith.constant 0 : i32
      %dma_start3A_108 = tpu.memref_slice %arg11[%dma_start3A_106, %dma_start3A_107] : memref<10240x128xf32, #tpu.memory_space<vmem_shared>> -> memref<10240x128xf32, #tpu.memory_space<vmem_shared>>
      tpu.enqueue_indirect_dma source(%arg10 : memref<128x128xf32, #tpu.memory_space<vmem>>) target(%dma_start3A_108 : memref<10240x128xf32, #tpu.memory_space<vmem_shared>>) offsets(%arg8 : memref<128xi32, #tpu.memory_space<vmem>>) semaphore(%run_scoped3A : memref<!tpu.dma_semaphore, #tpu.memory_space<semaphore_mem>>) {add = true}
      %dma_wait3A_109 = arith.constant 0 : i32
      %dma_wait3A_110 = arith.constant 0 : i32
      %dma_wait3A_111 = tpu.memref_slice %arg11[%dma_wait3A_109, %dma_wait3A_110] : memref<10240x128xf32, #tpu.memory_space<vmem_shared>> -> memref<10240x128xf32, #tpu.memory_space<vmem_shared>>
      tpu.wait_indirect_dma semaphore(%run_scoped3A : memref<!tpu.dma_semaphore, #tpu.memory_space<semaphore_mem>>) src(%arg10 : memref<128x128xf32, #tpu.memory_space<vmem>>) dst(%dma_wait3A_111 : memref<10240x128xf32, #tpu.memory_space<vmem_shared>>)
      tpu.yield
    }) : () -> ()
    %barrier3A_98 = arith.constant 0 : index
    tpu.barrier barrier_id(%barrier3A_98)
    %mul3A_99 = arith.constant 640 : i32
    %mul3A_100 = arith.muli %arg1, %mul3A_99 : i32
    %mul3A_101 = arith.constant 10240 : i32
    %mul3A_102 = arith.muli %arg0, %mul3A_101 : i32
    %mul3A_103 = arith.constant 640 : i32
    %mul3A_104 = arith.muli %arg1, %mul3A_103 : i32
    %add3A_105 = arith.addi %mul3A_102, %mul3A_104 : i32
    "tpu.region"() ({
      %run_scoped3A = tpu.sem_alloc : memref<!tpu.dma_semaphore, #tpu.memory_space<semaphore_mem>>
      %dma_start3A_106 = arith.constant 0 : i32
      %dma_start3A_107 = tpu.memref_slice %arg5[%add3A_105, %dma_start3A_106] : memref<20480x128xf32, #tpu.memory_space<hbm>> -> memref<640x128xf32, #tpu.memory_space<hbm>>
      %dma_start3A_108 = arith.constant 0 : i32
      %dma_start3A_109 = tpu.memref_slice %arg11[%mul3A_100, %dma_start3A_108] : memref<10240x128xf32, #tpu.memory_space<vmem_shared>> -> memref<640x128xf32, #tpu.memory_space<vmem_shared>>
      tpu.enqueue_dma source(%dma_start3A_109 : memref<640x128xf32, #tpu.memory_space<vmem_shared>>) target(%dma_start3A_107 : memref<640x128xf32, #tpu.memory_space<hbm>>) target_semaphore(%run_scoped3A : memref<!tpu.dma_semaphore, #tpu.memory_space<semaphore_mem>>)
      %dma_wait3A_110 = arith.constant 0 : i32
      %dma_wait3A_111 = tpu.memref_slice %arg5[%add3A_105, %dma_wait3A_110] : memref<20480x128xf32, #tpu.memory_space<hbm>> -> memref<640x128xf32, #tpu.memory_space<hbm>>
      %dma_wait3A_112 = arith.constant 0 : i32
      %dma_wait3A_113 = tpu.memref_slice %arg11[%mul3A_100, %dma_wait3A_112] : memref<10240x128xf32, #tpu.memory_space<vmem_shared>> -> memref<640x128xf32, #tpu.memory_space<vmem_shared>>
      tpu.wait_dma2 semaphore(%run_scoped3A : memref<!tpu.dma_semaphore, #tpu.memory_space<semaphore_mem>>) src(%dma_wait3A_113 : memref<640x128xf32, #tpu.memory_space<vmem_shared>>) dst(%dma_wait3A_111 : memref<640x128xf32, #tpu.memory_space<hbm>>)
      tpu.yield
    }) : () -> ()
    return
  }
}

#map = affine_map<(d0, d1) -> (0, 0)>
module attributes {stable_mosaic.version = 14 : i64} {
  func.func @_agg_body(%arg0: i32, %arg1: i32, %arg2: memref<10000x128xf32, #tpu.memory_space<hbm>>, %arg3: memref<2560x128xi32, #tpu.memory_space<hbm>>, %arg4: memref<2560x128xi32, #tpu.memory_space<hbm>>, %arg5: memref<20480x128xf32, #tpu.memory_space<hbm>>, %arg6: memref<80x128xi32, #tpu.memory_space<vmem>>, %arg7: memref<128xi32, #tpu.memory_space<vmem>>, %arg8: memref<128xi32, #tpu.memory_space<vmem>>, %arg9: memref<128x128xf32, #tpu.memory_space<vmem>>, %arg10: memref<128x128xf32, #tpu.memory_space<vmem>>, %arg11: memref<10240x128xf32, #tpu.memory_space<vmem_shared>>, %arg12: memref<!tpu.dma_semaphore, #tpu.memory_space<semaphore_mem>>, %arg13: memref<!tpu.dma_semaphore, #tpu.memory_space<semaphore_mem>>) attributes {dimension_semantics = [#tpu.dimension_semantics<core_parallel>, #tpu.dimension_semantics<subcore_parallel>], iteration_bounds = array<i64: 2, 16>, scalar_prefetch = 0 : i64, scratch_operands = 8 : i64, tpu.core_type = #tpu.core_type<sc_vector_subcore>, window_params = [{transform_indices = #map}, {transform_indices = #map}, {transform_indices = #map}, {transform_indices = #map}]} {
    %mul3A = arith.constant 16 : i32
    %mul3A_0 = arith.muli %arg0, %mul3A : i32
    %add3A = arith.addi %mul3A_0, %arg1 : i32
    %mul3A_1 = arith.constant 80 : i32
    %mul3A_2 = arith.muli %add3A, %mul3A_1 : i32
    %dma_start3A = arith.constant 0 : i32
    %dma_start3A_3 = tpu.memref_slice %arg3[%mul3A_2, %dma_start3A] : memref<2560x128xi32, #tpu.memory_space<hbm>> -> memref<80x128xi32, #tpu.memory_space<hbm>>
    %dma_start3A_4 = arith.constant 0 : i32
    %dma_start3A_5 = tpu.memref_slice %arg3[%mul3A_2, %dma_start3A_4] : memref<2560x128xi32, #tpu.memory_space<hbm>> -> memref<80x128xi32, #tpu.memory_space<hbm>>
    tpu.enqueue_dma source(%dma_start3A_5 : memref<80x128xi32, #tpu.memory_space<hbm>>) target(%arg6 : memref<80x128xi32, #tpu.memory_space<vmem>>) target_semaphore(%arg12 : memref<!tpu.dma_semaphore, #tpu.memory_space<semaphore_mem>>)
    %scan3A = arith.constant 0 : i32
    %scan3A_6 = arith.constant 0 : i32
    %scan3A_7 = arith.constant 128 : i32
    %scan3A_8 = arith.addi %scan3A_6, %scan3A_7 : i32
    %scan3A_9 = arith.constant 1 : i32
    %scan3A_10 = scf.for %scan3A_106 = %scan3A_6 to %scan3A_8 step %scan3A_9 iter_args(%scan3A_107 = %scan3A) -> (i32)  : i32 {
      %scan3A_108 = arith.constant 0 : i32
      %scan3A_109 = arith.constant 0 : i32
      %scan3A_110 = arith.constant 8 : i32
      %scan3A_111 = arith.addi %scan3A_109, %scan3A_110 : i32
      %scan3A_112 = arith.constant 1 : i32
      %scan3A_113 = scf.for %scan3A_115 = %scan3A_109 to %scan3A_111 step %scan3A_112 iter_args(%scan3A_116 = %scan3A_108) -> (i32)  : i32 {
        %broadcast_in_dim3A = arith.constant 0.000000e+00 : f32
        %broadcast_in_dim3A_117 = vector.broadcast %broadcast_in_dim3A : f32 to vector<16xf32>
        %mul3A_118 = arith.constant 16 : i32
        %mul3A_119 = arith.muli %scan3A_115, %mul3A_118 : i32
        %swap3A = arith.index_cast %scan3A_106 : i32 to index
        %swap3A_120 = arith.index_cast %mul3A_119 : i32 to index
        %swap3A_121 = tpu.vector_load %arg9[%swap3A, %swap3A_120] {strides = array<i32>} : memref<128x128xf32, #tpu.memory_space<vmem>>, vector<1x16xf32>,
        %swap3A_122 = vector.shape_cast %swap3A_121 : vector<1x16xf32> to vector<16xf32>
        %swap3A_123 = vector.shape_cast %broadcast_in_dim3A_117 : vector<16xf32> to vector<1x16xf32>
        tpu.vector_store %arg9[%swap3A, %swap3A_120], %swap3A_123 {strides = array<i32>} : memref<128x128xf32, #tpu.memory_space<vmem>>, vector<1x16xf32>,
        %scan3A_124 = arith.constant 0 : i32
        scf.yield %scan3A_124 : i32
      }
      %scan3A_114 = arith.constant 8 : i32
      scf.yield %scan3A_113 : i32
    }
    %scan3A_11 = arith.constant 128 : i32
    %mul3A_12 = arith.constant 640 : i32
    %mul3A_13 = arith.muli %arg1, %mul3A_12 : i32
    %add3A_14 = arith.constant 0 : i32
    %add3A_15 = arith.addi %mul3A_13, %add3A_14 : i32
    "tpu.region"() ({
      %run_scoped3A = tpu.sem_alloc : memref<!tpu.dma_semaphore, #tpu.memory_space<semaphore_mem>>
      %dma_start3A_106 = arith.constant 0 : i32
      %dma_start3A_107 = tpu.memref_slice %arg11[%add3A_15, %dma_start3A_106] : memref<10240x128xf32, #tpu.memory_space<vmem_shared>> -> memref<128x128xf32, #tpu.memory_space<vmem_shared>>
      %dma_start3A_108 = arith.constant 0 : i32
      %dma_start3A_109 = tpu.memref_slice %arg11[%add3A_15, %dma_start3A_108] : memref<10240x128xf32, #tpu.memory_space<vmem_shared>> -> memref<128x128xf32, #tpu.memory_space<vmem_shared>>
      tpu.enqueue_dma source(%arg9 : memref<128x128xf32, #tpu.memory_space<vmem>>) target(%dma_start3A_109 : memref<128x128xf32, #tpu.memory_space<vmem_shared>>) target_semaphore(%run_scoped3A : memref<!tpu.dma_semaphore, #tpu.memory_space<semaphore_mem>>)
      %dma_wait3A_110 = arith.constant 0 : i32
      %dma_wait3A_111 = tpu.memref_slice %arg11[%add3A_15, %dma_wait3A_110] : memref<10240x128xf32, #tpu.memory_space<vmem_shared>> -> memref<128x128xf32, #tpu.memory_space<vmem_shared>>
      %dma_wait3A_112 = arith.constant 0 : i32
      %dma_wait3A_113 = tpu.memref_slice %arg11[%add3A_15, %dma_wait3A_112] : memref<10240x128xf32, #tpu.memory_space<vmem_shared>> -> memref<128x128xf32, #tpu.memory_space<vmem_shared>>
      tpu.wait_dma2 semaphore(%run_scoped3A : memref<!tpu.dma_semaphore, #tpu.memory_space<semaphore_mem>>) src(%arg9 : memref<128x128xf32, #tpu.memory_space<vmem>>) dst(%dma_wait3A_113 : memref<128x128xf32, #tpu.memory_space<vmem_shared>>)
      tpu.yield
    }) : () -> ()
    %mul3A_16 = arith.constant 640 : i32
    %mul3A_17 = arith.muli %arg1, %mul3A_16 : i32
    %add3A_18 = arith.constant 128 : i32
    %add3A_19 = arith.addi %mul3A_17, %add3A_18 : i32
    "tpu.region"() ({
      %run_scoped3A = tpu.sem_alloc : memref<!tpu.dma_semaphore, #tpu.memory_space<semaphore_mem>>
      %dma_start3A_106 = arith.constant 0 : i32
      %dma_start3A_107 = tpu.memref_slice %arg11[%add3A_19, %dma_start3A_106] : memref<10240x128xf32, #tpu.memory_space<vmem_shared>> -> memref<128x128xf32, #tpu.memory_space<vmem_shared>>
      %dma_start3A_108 = arith.constant 0 : i32
      %dma_start3A_109 = tpu.memref_slice %arg11[%add3A_19, %dma_start3A_108] : memref<10240x128xf32, #tpu.memory_space<vmem_shared>> -> memref<128x128xf32, #tpu.memory_space<vmem_shared>>
      tpu.enqueue_dma source(%arg9 : memref<128x128xf32, #tpu.memory_space<vmem>>) target(%dma_start3A_109 : memref<128x128xf32, #tpu.memory_space<vmem_shared>>) target_semaphore(%run_scoped3A : memref<!tpu.dma_semaphore, #tpu.memory_space<semaphore_mem>>)
      %dma_wait3A_110 = arith.constant 0 : i32
      %dma_wait3A_111 = tpu.memref_slice %arg11[%add3A_19, %dma_wait3A_110] : memref<10240x128xf32, #tpu.memory_space<vmem_shared>> -> memref<128x128xf32, #tpu.memory_space<vmem_shared>>
      %dma_wait3A_112 = arith.constant 0 : i32
      %dma_wait3A_113 = tpu.memref_slice %arg11[%add3A_19, %dma_wait3A_112] : memref<10240x128xf32, #tpu.memory_space<vmem_shared>> -> memref<128x128xf32, #tpu.memory_space<vmem_shared>>
      tpu.wait_dma2 semaphore(%run_scoped3A : memref<!tpu.dma_semaphore, #tpu.memory_space<semaphore_mem>>) src(%arg9 : memref<128x128xf32, #tpu.memory_space<vmem>>) dst(%dma_wait3A_113 : memref<128x128xf32, #tpu.memory_space<vmem_shared>>)
      tpu.yield
    }) : () -> ()
    %mul3A_20 = arith.constant 640 : i32
    %mul3A_21 = arith.muli %arg1, %mul3A_20 : i32
    %add3A_22 = arith.constant 256 : i32
    %add3A_23 = arith.addi %mul3A_21, %add3A_22 : i32
    "tpu.region"() ({
      %run_scoped3A = tpu.sem_alloc : memref<!tpu.dma_semaphore, #tpu.memory_space<semaphore_mem>>
      %dma_start3A_106 = arith.constant 0 : i32
      %dma_start3A_107 = tpu.memref_slice %arg11[%add3A_23, %dma_start3A_106] : memref<10240x128xf32, #tpu.memory_space<vmem_shared>> -> memref<128x128xf32, #tpu.memory_space<vmem_shared>>
      %dma_start3A_108 = arith.constant 0 : i32
      %dma_start3A_109 = tpu.memref_slice %arg11[%add3A_23, %dma_start3A_108] : memref<10240x128xf32, #tpu.memory_space<vmem_shared>> -> memref<128x128xf32, #tpu.memory_space<vmem_shared>>
      tpu.enqueue_dma source(%arg9 : memref<128x128xf32, #tpu.memory_space<vmem>>) target(%dma_start3A_109 : memref<128x128xf32, #tpu.memory_space<vmem_shared>>) target_semaphore(%run_scoped3A : memref<!tpu.dma_semaphore, #tpu.memory_space<semaphore_mem>>)
      %dma_wait3A_110 = arith.constant 0 : i32
      %dma_wait3A_111 = tpu.memref_slice %arg11[%add3A_23, %dma_wait3A_110] : memref<10240x128xf32, #tpu.memory_space<vmem_shared>> -> memref<128x128xf32, #tpu.memory_space<vmem_shared>>
      %dma_wait3A_112 = arith.constant 0 : i32
      %dma_wait3A_113 = tpu.memref_slice %arg11[%add3A_23, %dma_wait3A_112] : memref<10240x128xf32, #tpu.memory_space<vmem_shared>> -> memref<128x128xf32, #tpu.memory_space<vmem_shared>>
      tpu.wait_dma2 semaphore(%run_scoped3A : memref<!tpu.dma_semaphore, #tpu.memory_space<semaphore_mem>>) src(%arg9 : memref<128x128xf32, #tpu.memory_space<vmem>>) dst(%dma_wait3A_113 : memref<128x128xf32, #tpu.memory_space<vmem_shared>>)
      tpu.yield
    }) : () -> ()
    %mul3A_24 = arith.constant 640 : i32
    %mul3A_25 = arith.muli %arg1, %mul3A_24 : i32
    %add3A_26 = arith.constant 384 : i32
    %add3A_27 = arith.addi %mul3A_25, %add3A_26 : i32
    "tpu.region"() ({
      %run_scoped3A = tpu.sem_alloc : memref<!tpu.dma_semaphore, #tpu.memory_space<semaphore_mem>>
      %dma_start3A_106 = arith.constant 0 : i32
      %dma_start3A_107 = tpu.memref_slice %arg11[%add3A_27, %dma_start3A_106] : memref<10240x128xf32, #tpu.memory_space<vmem_shared>> -> memref<128x128xf32, #tpu.memory_space<vmem_shared>>
      %dma_start3A_108 = arith.constant 0 : i32
      %dma_start3A_109 = tpu.memref_slice %arg11[%add3A_27, %dma_start3A_108] : memref<10240x128xf32, #tpu.memory_space<vmem_shared>> -> memref<128x128xf32, #tpu.memory_space<vmem_shared>>
      tpu.enqueue_dma source(%arg9 : memref<128x128xf32, #tpu.memory_space<vmem>>) target(%dma_start3A_109 : memref<128x128xf32, #tpu.memory_space<vmem_shared>>) target_semaphore(%run_scoped3A : memref<!tpu.dma_semaphore, #tpu.memory_space<semaphore_mem>>)
      %dma_wait3A_110 = arith.constant 0 : i32
      %dma_wait3A_111 = tpu.memref_slice %arg11[%add3A_27, %dma_wait3A_110] : memref<10240x128xf32, #tpu.memory_space<vmem_shared>> -> memref<128x128xf32, #tpu.memory_space<vmem_shared>>
      %dma_wait3A_112 = arith.constant 0 : i32
      %dma_wait3A_113 = tpu.memref_slice %arg11[%add3A_27, %dma_wait3A_112] : memref<10240x128xf32, #tpu.memory_space<vmem_shared>> -> memref<128x128xf32, #tpu.memory_space<vmem_shared>>
      tpu.wait_dma2 semaphore(%run_scoped3A : memref<!tpu.dma_semaphore, #tpu.memory_space<semaphore_mem>>) src(%arg9 : memref<128x128xf32, #tpu.memory_space<vmem>>) dst(%dma_wait3A_113 : memref<128x128xf32, #tpu.memory_space<vmem_shared>>)
      tpu.yield
    }) : () -> ()
    %mul3A_28 = arith.constant 640 : i32
    %mul3A_29 = arith.muli %arg1, %mul3A_28 : i32
    %add3A_30 = arith.constant 512 : i32
    %add3A_31 = arith.addi %mul3A_29, %add3A_30 : i32
    "tpu.region"() ({
      %run_scoped3A = tpu.sem_alloc : memref<!tpu.dma_semaphore, #tpu.memory_space<semaphore_mem>>
      %dma_start3A_106 = arith.constant 0 : i32
      %dma_start3A_107 = tpu.memref_slice %arg11[%add3A_31, %dma_start3A_106] : memref<10240x128xf32, #tpu.memory_space<vmem_shared>> -> memref<128x128xf32, #tpu.memory_space<vmem_shared>>
      %dma_start3A_108 = arith.constant 0 : i32
      %dma_start3A_109 = tpu.memref_slice %arg11[%add3A_31, %dma_start3A_108] : memref<10240x128xf32, #tpu.memory_space<vmem_shared>> -> memref<128x128xf32, #tpu.memory_space<vmem_shared>>
      tpu.enqueue_dma source(%arg9 : memref<128x128xf32, #tpu.memory_space<vmem>>) target(%dma_start3A_109 : memref<128x128xf32, #tpu.memory_space<vmem_shared>>) target_semaphore(%run_scoped3A : memref<!tpu.dma_semaphore, #tpu.memory_space<semaphore_mem>>)
      %dma_wait3A_110 = arith.constant 0 : i32
      %dma_wait3A_111 = tpu.memref_slice %arg11[%add3A_31, %dma_wait3A_110] : memref<10240x128xf32, #tpu.memory_space<vmem_shared>> -> memref<128x128xf32, #tpu.memory_space<vmem_shared>>
      %dma_wait3A_112 = arith.constant 0 : i32
      %dma_wait3A_113 = tpu.memref_slice %arg11[%add3A_31, %dma_wait3A_112] : memref<10240x128xf32, #tpu.memory_space<vmem_shared>> -> memref<128x128xf32, #tpu.memory_space<vmem_shared>>
      tpu.wait_dma2 semaphore(%run_scoped3A : memref<!tpu.dma_semaphore, #tpu.memory_space<semaphore_mem>>) src(%arg9 : memref<128x128xf32, #tpu.memory_space<vmem>>) dst(%dma_wait3A_113 : memref<128x128xf32, #tpu.memory_space<vmem_shared>>)
      tpu.yield
    }) : () -> ()
    %dma_wait3A = arith.constant 0 : i32
    %dma_wait3A_32 = tpu.memref_slice %arg3[%mul3A_2, %dma_wait3A] : memref<2560x128xi32, #tpu.memory_space<hbm>> -> memref<80x128xi32, #tpu.memory_space<hbm>>
    %dma_wait3A_33 = arith.constant 0 : i32
    %dma_wait3A_34 = tpu.memref_slice %arg3[%mul3A_2, %dma_wait3A_33] : memref<2560x128xi32, #tpu.memory_space<hbm>> -> memref<80x128xi32, #tpu.memory_space<hbm>>
    tpu.wait_dma2 semaphore(%arg12 : memref<!tpu.dma_semaphore, #tpu.memory_space<semaphore_mem>>) src(%dma_wait3A_34 : memref<80x128xi32, #tpu.memory_space<hbm>>) dst(%arg6 : memref<80x128xi32, #tpu.memory_space<vmem>>)
    %barrier3A = arith.constant 0 : index
    tpu.barrier barrier_id(%barrier3A)
    %dma_start3A_35 = arith.constant 0 : i32
    %dma_start3A_36 = arith.constant 0 : i32
    %dma_start3A_37 = tpu.memref_slice %arg6[%dma_start3A_35, %dma_start3A_36] : memref<80x128xi32, #tpu.memory_space<vmem>> -> memref<1x128xi32, #tpu.memory_space<vmem>>
    %dma_start3A_38 = tpu.memref_squeeze %dma_start3A_37 : memref<1x128xi32, #tpu.memory_space<vmem>> -> memref<128xi32, #tpu.memory_space<vmem>>
    %dma_start3A_39 = arith.constant 0 : i32
    %dma_start3A_40 = arith.constant 0 : i32
    %dma_start3A_41 = tpu.memref_slice %arg2[%dma_start3A_39, %dma_start3A_40] : memref<10000x128xf32, #tpu.memory_space<hbm>> -> memref<10000x128xf32, #tpu.memory_space<hbm>>
    tpu.enqueue_indirect_dma source(%dma_start3A_41 : memref<10000x128xf32, #tpu.memory_space<hbm>>) target(%arg9 : memref<128x128xf32, #tpu.memory_space<vmem>>) offsets(%dma_start3A_38 : memref<128xi32, #tpu.memory_space<vmem>>) semaphore(%arg12 : memref<!tpu.dma_semaphore, #tpu.memory_space<semaphore_mem>>)
    %add3A_42 = arith.constant 0 : i32
    %add3A_43 = arith.addi %mul3A_2, %add3A_42 : i32
    %dma_start3A_44 = arith.constant 0 : i32
    %dma_start3A_45 = tpu.memref_slice %arg4[%add3A_43, %dma_start3A_44] : memref<2560x128xi32, #tpu.memory_space<hbm>> -> memref<1x128xi32, #tpu.memory_space<hbm>>
    %dma_start3A_46 = tpu.memref_squeeze %dma_start3A_45 : memref<1x128xi32, #tpu.memory_space<hbm>> -> memref<128xi32, #tpu.memory_space<hbm>>
    %dma_start3A_47 = arith.constant 0 : i32
    %dma_start3A_48 = tpu.memref_slice %arg4[%add3A_43, %dma_start3A_47] : memref<2560x128xi32, #tpu.memory_space<hbm>> -> memref<1x128xi32, #tpu.memory_space<hbm>>
    %dma_start3A_49 = tpu.memref_squeeze %dma_start3A_48 : memref<1x128xi32, #tpu.memory_space<hbm>> -> memref<128xi32, #tpu.memory_space<hbm>>
    tpu.enqueue_dma source(%dma_start3A_49 : memref<128xi32, #tpu.memory_space<hbm>>) target(%arg7 : memref<128xi32, #tpu.memory_space<vmem>>) target_semaphore(%arg13 : memref<!tpu.dma_semaphore, #tpu.memory_space<semaphore_mem>>)
    %dma_start3A_50 = arith.constant 1 : i32
    %dma_start3A_51 = arith.constant 0 : i32
    %dma_start3A_52 = tpu.memref_slice %arg6[%dma_start3A_50, %dma_start3A_51] : memref<80x128xi32, #tpu.memory_space<vmem>> -> memref<1x128xi32, #tpu.memory_space<vmem>>
    %dma_start3A_53 = tpu.memref_squeeze %dma_start3A_52 : memref<1x128xi32, #tpu.memory_space<vmem>> -> memref<128xi32, #tpu.memory_space<vmem>>
    %dma_start3A_54 = arith.constant 0 : i32
    %dma_start3A_55 = arith.constant 0 : i32
    %dma_start3A_56 = tpu.memref_slice %arg2[%dma_start3A_54, %dma_start3A_55] : memref<10000x128xf32, #tpu.memory_space<hbm>> -> memref<10000x128xf32, #tpu.memory_space<hbm>>
    tpu.enqueue_indirect_dma source(%dma_start3A_56 : memref<10000x128xf32, #tpu.memory_space<hbm>>) target(%arg10 : memref<128x128xf32, #tpu.memory_space<vmem>>) offsets(%dma_start3A_53 : memref<128xi32, #tpu.memory_space<vmem>>) semaphore(%arg12 : memref<!tpu.dma_semaphore, #tpu.memory_space<semaphore_mem>>)
    %add3A_57 = arith.constant 1 : i32
    %add3A_58 = arith.addi %mul3A_2, %add3A_57 : i32
    %dma_start3A_59 = arith.constant 0 : i32
    %dma_start3A_60 = tpu.memref_slice %arg4[%add3A_58, %dma_start3A_59] : memref<2560x128xi32, #tpu.memory_space<hbm>> -> memref<1x128xi32, #tpu.memory_space<hbm>>
    %dma_start3A_61 = tpu.memref_squeeze %dma_start3A_60 : memref<1x128xi32, #tpu.memory_space<hbm>> -> memref<128xi32, #tpu.memory_space<hbm>>
    %dma_start3A_62 = arith.constant 0 : i32
    %dma_start3A_63 = tpu.memref_slice %arg4[%add3A_58, %dma_start3A_62] : memref<2560x128xi32, #tpu.memory_space<hbm>> -> memref<1x128xi32, #tpu.memory_space<hbm>>
    %dma_start3A_64 = tpu.memref_squeeze %dma_start3A_63 : memref<1x128xi32, #tpu.memory_space<hbm>> -> memref<128xi32, #tpu.memory_space<hbm>>
    tpu.enqueue_dma source(%dma_start3A_64 : memref<128xi32, #tpu.memory_space<hbm>>) target(%arg8 : memref<128xi32, #tpu.memory_space<vmem>>) target_semaphore(%arg13 : memref<!tpu.dma_semaphore, #tpu.memory_space<semaphore_mem>>)
    %scan3A_65 = arith.constant 0 : i32
    %scan3A_66 = arith.constant 0 : i32
    %scan3A_67 = arith.constant 39 : i32
    %scan3A_68 = arith.addi %scan3A_66, %scan3A_67 : i32
    %scan3A_69 = arith.constant 1 : i32
    %scan3A_70 = scf.for %scan3A_106 = %scan3A_66 to %scan3A_68 step %scan3A_69 iter_args(%scan3A_107 = %scan3A_65) -> (i32)  : i32 {
      %mul3A_108 = arith.constant 2 : i32
      %mul3A_109 = arith.muli %mul3A_108, %scan3A_106 : i32
      %dma_wait3A_110 = arith.constant 0 : i32
      %dma_wait3A_111 = arith.constant 0 : i32
      %dma_wait3A_112 = tpu.memref_slice %arg2[%dma_wait3A_110, %dma_wait3A_111] : memref<10000x128xf32, #tpu.memory_space<hbm>> -> memref<128x128xf32, #tpu.memory_space<hbm>>
      %dma_wait3A_113 = arith.constant 0 : i32
      %dma_wait3A_114 = arith.constant 0 : i32
      %dma_wait3A_115 = tpu.memref_slice %arg2[%dma_wait3A_113, %dma_wait3A_114] : memref<10000x128xf32, #tpu.memory_space<hbm>> -> memref<128x128xf32, #tpu.memory_space<hbm>>
      tpu.wait_dma2 semaphore(%arg12 : memref<!tpu.dma_semaphore, #tpu.memory_space<semaphore_mem>>) src(%dma_wait3A_115 : memref<128x128xf32, #tpu.memory_space<hbm>>) dst(%arg9 : memref<128x128xf32, #tpu.memory_space<vmem>>)
      %dma_wait3A_116 = arith.constant 0 : i32
      %dma_wait3A_117 = arith.constant 0 : i32
      %dma_wait3A_118 = tpu.memref_slice %arg4[%dma_wait3A_116, %dma_wait3A_117] : memref<2560x128xi32, #tpu.memory_space<hbm>> -> memref<1x128xi32, #tpu.memory_space<hbm>>
      %dma_wait3A_119 = tpu.memref_squeeze %dma_wait3A_118 : memref<1x128xi32, #tpu.memory_space<hbm>> -> memref<128xi32, #tpu.memory_space<hbm>>
      %dma_wait3A_120 = arith.constant 0 : i32
      %dma_wait3A_121 = tpu.memref_slice %arg4[%dma_wait3A_116, %dma_wait3A_120] : memref<2560x128xi32, #tpu.memory_space<hbm>> -> memref<1x128xi32, #tpu.memory_space<hbm>>
      %dma_wait3A_122 = tpu.memref_squeeze %dma_wait3A_121 : memref<1x128xi32, #tpu.memory_space<hbm>> -> memref<128xi32, #tpu.memory_space<hbm>>
      tpu.wait_dma2 semaphore(%arg13 : memref<!tpu.dma_semaphore, #tpu.memory_space<semaphore_mem>>) src(%dma_wait3A_122 : memref<128xi32, #tpu.memory_space<hbm>>) dst(%arg7 : memref<128xi32, #tpu.memory_space<vmem>>)
      "tpu.region"() ({
        %run_scoped3A = tpu.sem_alloc : memref<!tpu.dma_semaphore, #tpu.memory_space<semaphore_mem>>
        %dma_start3A_171 = arith.constant 0 : i32
        %dma_start3A_172 = arith.constant 0 : i32
        %dma_start3A_173 = tpu.memref_slice %arg11[%dma_start3A_171, %dma_start3A_172] : memref<10240x128xf32, #tpu.memory_space<vmem_shared>> -> memref<10240x128xf32, #tpu.memory_space<vmem_shared>>
        tpu.enqueue_indirect_dma source(%arg9 : memref<128x128xf32, #tpu.memory_space<vmem>>) target(%dma_start3A_173 : memref<10240x128xf32, #tpu.memory_space<vmem_shared>>) offsets(%arg7 : memref<128xi32, #tpu.memory_space<vmem>>) semaphore(%run_scoped3A : memref<!tpu.dma_semaphore, #tpu.memory_space<semaphore_mem>>) {add = true}
        %dma_wait3A_174 = arith.constant 0 : i32
        %dma_wait3A_175 = arith.constant 0 : i32
        %dma_wait3A_176 = tpu.memref_slice %arg11[%dma_wait3A_174, %dma_wait3A_175] : memref<10240x128xf32, #tpu.memory_space<vmem_shared>> -> memref<10240x128xf32, #tpu.memory_space<vmem_shared>>
        tpu.wait_indirect_dma semaphore(%run_scoped3A : memref<!tpu.dma_semaphore, #tpu.memory_space<semaphore_mem>>) src(%arg9 : memref<128x128xf32, #tpu.memory_space<vmem>>) dst(%dma_wait3A_176 : memref<10240x128xf32, #tpu.memory_space<vmem_shared>>)
        tpu.yield
      }) : () -> ()
      %add3A_123 = arith.constant 2 : i32
      %add3A_124 = arith.addi %mul3A_109, %add3A_123 : i32
      %dma_start3A_125 = arith.constant 0 : i32
      %dma_start3A_126 = tpu.memref_slice %arg6[%add3A_124, %dma_start3A_125] : memref<80x128xi32, #tpu.memory_space<vmem>> -> memref<1x128xi32, #tpu.memory_space<vmem>>
      %dma_start3A_127 = tpu.memref_squeeze %dma_start3A_126 : memref<1x128xi32, #tpu.memory_space<vmem>> -> memref<128xi32, #tpu.memory_space<vmem>>
      %dma_start3A_128 = arith.constant 0 : i32
      %dma_start3A_129 = arith.constant 0 : i32
      %dma_start3A_130 = tpu.memref_slice %arg2[%dma_start3A_128, %dma_start3A_129] : memref<10000x128xf32, #tpu.memory_space<hbm>> -> memref<10000x128xf32, #tpu.memory_space<hbm>>
      tpu.enqueue_indirect_dma source(%dma_start3A_130 : memref<10000x128xf32, #tpu.memory_space<hbm>>) target(%arg9 : memref<128x128xf32, #tpu.memory_space<vmem>>) offsets(%dma_start3A_127 : memref<128xi32, #tpu.memory_space<vmem>>) semaphore(%arg12 : memref<!tpu.dma_semaphore, #tpu.memory_space<semaphore_mem>>)
      %add3A_131 = arith.constant 2 : i32
      %add3A_132 = arith.addi %mul3A_109, %add3A_131 : i32
      %add3A_133 = arith.addi %mul3A_2, %add3A_132 : i32
      %dma_start3A_134 = arith.constant 0 : i32
      %dma_start3A_135 = tpu.memref_slice %arg4[%add3A_133, %dma_start3A_134] : memref<2560x128xi32, #tpu.memory_space<hbm>> -> memref<1x128xi32, #tpu.memory_space<hbm>>
      %dma_start3A_136 = tpu.memref_squeeze %dma_start3A_135 : memref<1x128xi32, #tpu.memory_space<hbm>> -> memref<128xi32, #tpu.memory_space<hbm>>
      %dma_start3A_137 = arith.constant 0 : i32
      %dma_start3A_138 = tpu.memref_slice %arg4[%add3A_133, %dma_start3A_137] : memref<2560x128xi32, #tpu.memory_space<hbm>> -> memref<1x128xi32, #tpu.memory_space<hbm>>
      %dma_start3A_139 = tpu.memref_squeeze %dma_start3A_138 : memref<1x128xi32, #tpu.memory_space<hbm>> -> memref<128xi32, #tpu.memory_space<hbm>>
      tpu.enqueue_dma source(%dma_start3A_139 : memref<128xi32, #tpu.memory_space<hbm>>) target(%arg7 : memref<128xi32, #tpu.memory_space<vmem>>) target_semaphore(%arg13 : memref<!tpu.dma_semaphore, #tpu.memory_space<semaphore_mem>>)
      %dma_wait3A_140 = arith.constant 0 : i32
      %dma_wait3A_141 = arith.constant 0 : i32
      %dma_wait3A_142 = tpu.memref_slice %arg2[%dma_wait3A_140, %dma_wait3A_141] : memref<10000x128xf32, #tpu.memory_space<hbm>> -> memref<128x128xf32, #tpu.memory_space<hbm>>
      %dma_wait3A_143 = arith.constant 0 : i32
      %dma_wait3A_144 = arith.constant 0 : i32
      %dma_wait3A_145 = tpu.memref_slice %arg2[%dma_wait3A_143, %dma_wait3A_144] : memref<10000x128xf32, #tpu.memory_space<hbm>> -> memref<128x128xf32, #tpu.memory_space<hbm>>
      tpu.wait_dma2 semaphore(%arg12 : memref<!tpu.dma_semaphore, #tpu.memory_space<semaphore_mem>>) src(%dma_wait3A_145 : memref<128x128xf32, #tpu.memory_space<hbm>>) dst(%arg10 : memref<128x128xf32, #tpu.memory_space<vmem>>)
      %dma_wait3A_146 = arith.constant 0 : i32
      %dma_wait3A_147 = arith.constant 0 : i32
      %dma_wait3A_148 = tpu.memref_slice %arg4[%dma_wait3A_146, %dma_wait3A_147] : memref<2560x128xi32, #tpu.memory_space<hbm>> -> memref<1x128xi32, #tpu.memory_space<hbm>>
      %dma_wait3A_149 = tpu.memref_squeeze %dma_wait3A_148 : memref<1x128xi32, #tpu.memory_space<hbm>> -> memref<128xi32, #tpu.memory_space<hbm>>
      %dma_wait3A_150 = arith.constant 0 : i32
      %dma_wait3A_151 = tpu.memref_slice %arg4[%dma_wait3A_146, %dma_wait3A_150] : memref<2560x128xi32, #tpu.memory_space<hbm>> -> memref<1x128xi32, #tpu.memory_space<hbm>>
      %dma_wait3A_152 = tpu.memref_squeeze %dma_wait3A_151 : memref<1x128xi32, #tpu.memory_space<hbm>> -> memref<128xi32, #tpu.memory_space<hbm>>
      tpu.wait_dma2 semaphore(%arg13 : memref<!tpu.dma_semaphore, #tpu.memory_space<semaphore_mem>>) src(%dma_wait3A_152 : memref<128xi32, #tpu.memory_space<hbm>>) dst(%arg8 : memref<128xi32, #tpu.memory_space<vmem>>)
      "tpu.region"() ({
        %run_scoped3A = tpu.sem_alloc : memref<!tpu.dma_semaphore, #tpu.memory_space<semaphore_mem>>
        %dma_start3A_171 = arith.constant 0 : i32
        %dma_start3A_172 = arith.constant 0 : i32
        %dma_start3A_173 = tpu.memref_slice %arg11[%dma_start3A_171, %dma_start3A_172] : memref<10240x128xf32, #tpu.memory_space<vmem_shared>> -> memref<10240x128xf32, #tpu.memory_space<vmem_shared>>
        tpu.enqueue_indirect_dma source(%arg10 : memref<128x128xf32, #tpu.memory_space<vmem>>) target(%dma_start3A_173 : memref<10240x128xf32, #tpu.memory_space<vmem_shared>>) offsets(%arg8 : memref<128xi32, #tpu.memory_space<vmem>>) semaphore(%run_scoped3A : memref<!tpu.dma_semaphore, #tpu.memory_space<semaphore_mem>>) {add = true}
        %dma_wait3A_174 = arith.constant 0 : i32
        %dma_wait3A_175 = arith.constant 0 : i32
        %dma_wait3A_176 = tpu.memref_slice %arg11[%dma_wait3A_174, %dma_wait3A_175] : memref<10240x128xf32, #tpu.memory_space<vmem_shared>> -> memref<10240x128xf32, #tpu.memory_space<vmem_shared>>
        tpu.wait_indirect_dma semaphore(%run_scoped3A : memref<!tpu.dma_semaphore, #tpu.memory_space<semaphore_mem>>) src(%arg10 : memref<128x128xf32, #tpu.memory_space<vmem>>) dst(%dma_wait3A_176 : memref<10240x128xf32, #tpu.memory_space<vmem_shared>>)
        tpu.yield
      }) : () -> ()
      %add3A_153 = arith.constant 3 : i32
      %add3A_154 = arith.addi %mul3A_109, %add3A_153 : i32
      %dma_start3A_155 = arith.constant 0 : i32
      %dma_start3A_156 = tpu.memref_slice %arg6[%add3A_154, %dma_start3A_155] : memref<80x128xi32, #tpu.memory_space<vmem>> -> memref<1x128xi32, #tpu.memory_space<vmem>>
      %dma_start3A_157 = tpu.memref_squeeze %dma_start3A_156 : memref<1x128xi32, #tpu.memory_space<vmem>> -> memref<128xi32, #tpu.memory_space<vmem>>
      %dma_start3A_158 = arith.constant 0 : i32
      %dma_start3A_159 = arith.constant 0 : i32
      %dma_start3A_160 = tpu.memref_slice %arg2[%dma_start3A_158, %dma_start3A_159] : memref<10000x128xf32, #tpu.memory_space<hbm>> -> memref<10000x128xf32, #tpu.memory_space<hbm>>
      tpu.enqueue_indirect_dma source(%dma_start3A_160 : memref<10000x128xf32, #tpu.memory_space<hbm>>) target(%arg10 : memref<128x128xf32, #tpu.memory_space<vmem>>) offsets(%dma_start3A_157 : memref<128xi32, #tpu.memory_space<vmem>>) semaphore(%arg12 : memref<!tpu.dma_semaphore, #tpu.memory_space<semaphore_mem>>)
      %add3A_161 = arith.constant 3 : i32
      %add3A_162 = arith.addi %mul3A_109, %add3A_161 : i32
      %add3A_163 = arith.addi %mul3A_2, %add3A_162 : i32
      %dma_start3A_164 = arith.constant 0 : i32
      %dma_start3A_165 = tpu.memref_slice %arg4[%add3A_163, %dma_start3A_164] : memref<2560x128xi32, #tpu.memory_space<hbm>> -> memref<1x128xi32, #tpu.memory_space<hbm>>
      %dma_start3A_166 = tpu.memref_squeeze %dma_start3A_165 : memref<1x128xi32, #tpu.memory_space<hbm>> -> memref<128xi32, #tpu.memory_space<hbm>>
      %dma_start3A_167 = arith.constant 0 : i32
      %dma_start3A_168 = tpu.memref_slice %arg4[%add3A_163, %dma_start3A_167] : memref<2560x128xi32, #tpu.memory_space<hbm>> -> memref<1x128xi32, #tpu.memory_space<hbm>>
      %dma_start3A_169 = tpu.memref_squeeze %dma_start3A_168 : memref<1x128xi32, #tpu.memory_space<hbm>> -> memref<128xi32, #tpu.memory_space<hbm>>
      tpu.enqueue_dma source(%dma_start3A_169 : memref<128xi32, #tpu.memory_space<hbm>>) target(%arg8 : memref<128xi32, #tpu.memory_space<vmem>>) target_semaphore(%arg13 : memref<!tpu.dma_semaphore, #tpu.memory_space<semaphore_mem>>)
      %scan3A_170 = arith.constant 0 : i32
      scf.yield %scan3A_170 : i32
    }
    %scan3A_71 = arith.constant 39 : i32
    %dma_wait3A_72 = arith.constant 0 : i32
    %dma_wait3A_73 = arith.constant 0 : i32
    %dma_wait3A_74 = tpu.memref_slice %arg2[%dma_wait3A_72, %dma_wait3A_73] : memref<10000x128xf32, #tpu.memory_space<hbm>> -> memref<128x128xf32, #tpu.memory_space<hbm>>
    %dma_wait3A_75 = arith.constant 0 : i32
    %dma_wait3A_76 = arith.constant 0 : i32
    %dma_wait3A_77 = tpu.memref_slice %arg2[%dma_wait3A_75, %dma_wait3A_76] : memref<10000x128xf32, #tpu.memory_space<hbm>> -> memref<128x128xf32, #tpu.memory_space<hbm>>
    tpu.wait_dma2 semaphore(%arg12 : memref<!tpu.dma_semaphore, #tpu.memory_space<semaphore_mem>>) src(%dma_wait3A_77 : memref<128x128xf32, #tpu.memory_space<hbm>>) dst(%arg9 : memref<128x128xf32, #tpu.memory_space<vmem>>)
    %dma_wait3A_78 = arith.constant 0 : i32
    %dma_wait3A_79 = arith.constant 0 : i32
    %dma_wait3A_80 = tpu.memref_slice %arg4[%dma_wait3A_78, %dma_wait3A_79] : memref<2560x128xi32, #tpu.memory_space<hbm>> -> memref<1x128xi32, #tpu.memory_space<hbm>>
    %dma_wait3A_81 = tpu.memref_squeeze %dma_wait3A_80 : memref<1x128xi32, #tpu.memory_space<hbm>> -> memref<128xi32, #tpu.memory_space<hbm>>
    %dma_wait3A_82 = arith.constant 0 : i32
    %dma_wait3A_83 = tpu.memref_slice %arg4[%dma_wait3A_78, %dma_wait3A_82] : memref<2560x128xi32, #tpu.memory_space<hbm>> -> memref<1x128xi32, #tpu.memory_space<hbm>>
    %dma_wait3A_84 = tpu.memref_squeeze %dma_wait3A_83 : memref<1x128xi32, #tpu.memory_space<hbm>> -> memref<128xi32, #tpu.memory_space<hbm>>
    tpu.wait_dma2 semaphore(%arg13 : memref<!tpu.dma_semaphore, #tpu.memory_space<semaphore_mem>>) src(%dma_wait3A_84 : memref<128xi32, #tpu.memory_space<hbm>>) dst(%arg7 : memref<128xi32, #tpu.memory_space<vmem>>)
    "tpu.region"() ({
      %run_scoped3A = tpu.sem_alloc : memref<!tpu.dma_semaphore, #tpu.memory_space<semaphore_mem>>
      %dma_start3A_106 = arith.constant 0 : i32
      %dma_start3A_107 = arith.constant 0 : i32
      %dma_start3A_108 = tpu.memref_slice %arg11[%dma_start3A_106, %dma_start3A_107] : memref<10240x128xf32, #tpu.memory_space<vmem_shared>> -> memref<10240x128xf32, #tpu.memory_space<vmem_shared>>
      tpu.enqueue_indirect_dma source(%arg9 : memref<128x128xf32, #tpu.memory_space<vmem>>) target(%dma_start3A_108 : memref<10240x128xf32, #tpu.memory_space<vmem_shared>>) offsets(%arg7 : memref<128xi32, #tpu.memory_space<vmem>>) semaphore(%run_scoped3A : memref<!tpu.dma_semaphore, #tpu.memory_space<semaphore_mem>>) {add = true}
      %dma_wait3A_109 = arith.constant 0 : i32
      %dma_wait3A_110 = arith.constant 0 : i32
      %dma_wait3A_111 = tpu.memref_slice %arg11[%dma_wait3A_109, %dma_wait3A_110] : memref<10240x128xf32, #tpu.memory_space<vmem_shared>> -> memref<10240x128xf32, #tpu.memory_space<vmem_shared>>
      tpu.wait_indirect_dma semaphore(%run_scoped3A : memref<!tpu.dma_semaphore, #tpu.memory_space<semaphore_mem>>) src(%arg9 : memref<128x128xf32, #tpu.memory_space<vmem>>) dst(%dma_wait3A_111 : memref<10240x128xf32, #tpu.memory_space<vmem_shared>>)
      tpu.yield
    }) : () -> ()
    %dma_wait3A_85 = arith.constant 0 : i32
    %dma_wait3A_86 = arith.constant 0 : i32
    %dma_wait3A_87 = tpu.memref_slice %arg2[%dma_wait3A_85, %dma_wait3A_86] : memref<10000x128xf32, #tpu.memory_space<hbm>> -> memref<128x128xf32, #tpu.memory_space<hbm>>
    %dma_wait3A_88 = arith.constant 0 : i32
    %dma_wait3A_89 = arith.constant 0 : i32
    %dma_wait3A_90 = tpu.memref_slice %arg2[%dma_wait3A_88, %dma_wait3A_89] : memref<10000x128xf32, #tpu.memory_space<hbm>> -> memref<128x128xf32, #tpu.memory_space<hbm>>
    tpu.wait_dma2 semaphore(%arg12 : memref<!tpu.dma_semaphore, #tpu.memory_space<semaphore_mem>>) src(%dma_wait3A_90 : memref<128x128xf32, #tpu.memory_space<hbm>>) dst(%arg10 : memref<128x128xf32, #tpu.memory_space<vmem>>)
    %dma_wait3A_91 = arith.constant 0 : i32
    %dma_wait3A_92 = arith.constant 0 : i32
    %dma_wait3A_93 = tpu.memref_slice %arg4[%dma_wait3A_91, %dma_wait3A_92] : memref<2560x128xi32, #tpu.memory_space<hbm>> -> memref<1x128xi32, #tpu.memory_space<hbm>>
    %dma_wait3A_94 = tpu.memref_squeeze %dma_wait3A_93 : memref<1x128xi32, #tpu.memory_space<hbm>> -> memref<128xi32, #tpu.memory_space<hbm>>
    %dma_wait3A_95 = arith.constant 0 : i32
    %dma_wait3A_96 = tpu.memref_slice %arg4[%dma_wait3A_91, %dma_wait3A_95] : memref<2560x128xi32, #tpu.memory_space<hbm>> -> memref<1x128xi32, #tpu.memory_space<hbm>>
    %dma_wait3A_97 = tpu.memref_squeeze %dma_wait3A_96 : memref<1x128xi32, #tpu.memory_space<hbm>> -> memref<128xi32, #tpu.memory_space<hbm>>
    tpu.wait_dma2 semaphore(%arg13 : memref<!tpu.dma_semaphore, #tpu.memory_space<semaphore_mem>>) src(%dma_wait3A_97 : memref<128xi32, #tpu.memory_space<hbm>>) dst(%arg8 : memref<128xi32, #tpu.memory_space<vmem>>)
    "tpu.region"() ({
      %run_scoped3A = tpu.sem_alloc : memref<!tpu.dma_semaphore, #tpu.memory_space<semaphore_mem>>
      %dma_start3A_106 = arith.constant 0 : i32
      %dma_start3A_107 = arith.constant 0 : i32
      %dma_start3A_108 = tpu.memref_slice %arg11[%dma_start3A_106, %dma_start3A_107] : memref<10240x128xf32, #tpu.memory_space<vmem_shared>> -> memref<10240x128xf32, #tpu.memory_space<vmem_shared>>
      tpu.enqueue_indirect_dma source(%arg10 : memref<128x128xf32, #tpu.memory_space<vmem>>) target(%dma_start3A_108 : memref<10240x128xf32, #tpu.memory_space<vmem_shared>>) offsets(%arg8 : memref<128xi32, #tpu.memory_space<vmem>>) semaphore(%run_scoped3A : memref<!tpu.dma_semaphore, #tpu.memory_space<semaphore_mem>>) {add = true}
      %dma_wait3A_109 = arith.constant 0 : i32
      %dma_wait3A_110 = arith.constant 0 : i32
      %dma_wait3A_111 = tpu.memref_slice %arg11[%dma_wait3A_109, %dma_wait3A_110] : memref<10240x128xf32, #tpu.memory_space<vmem_shared>> -> memref<10240x128xf32, #tpu.memory_space<vmem_shared>>
      tpu.wait_indirect_dma semaphore(%run_scoped3A : memref<!tpu.dma_semaphore, #tpu.memory_space<semaphore_mem>>) src(%arg10 : memref<128x128xf32, #tpu.memory_space<vmem>>) dst(%dma_wait3A_111 : memref<10240x128xf32, #tpu.memory_space<vmem_shared>>)
      tpu.yield
    }) : () -> ()
    %barrier3A_98 = arith.constant 0 : index
    tpu.barrier barrier_id(%barrier3A_98)
    %mul3A_99 = arith.constant 640 : i32
    %mul3A_100 = arith.muli %arg1, %mul3A_99 : i32
    %mul3A_101 = arith.constant 10240 : i32
    %mul3A_102 = arith.muli %arg0, %mul3A_101 : i32
    %mul3A_103 = arith.constant 640 : i32
    %mul3A_104 = arith.muli %arg1, %mul3A_103 : i32
    %add3A_105 = arith.addi %mul3A_102, %mul3A_104 : i32
    "tpu.region"() ({
      %run_scoped3A = tpu.sem_alloc : memref<!tpu.dma_semaphore, #tpu.memory_space<semaphore_mem>>
      %dma_start3A_106 = arith.constant 0 : i32
      %dma_start3A_107 = tpu.memref_slice %arg5[%add3A_105, %dma_start3A_106] : memref<20480x128xf32, #tpu.memory_space<hbm>> -> memref<640x128xf32, #tpu.memory_space<hbm>>
      %dma_start3A_108 = arith.constant 0 : i32
      %dma_start3A_109 = tpu.memref_slice %arg11[%mul3A_100, %dma_start3A_108] : memref<10240x128xf32, #tpu.memory_space<vmem_shared>> -> memref<640x128xf32, #tpu.memory_space<vmem_shared>>
      tpu.enqueue_dma source(%dma_start3A_109 : memref<640x128xf32, #tpu.memory_space<vmem_shared>>) target(%dma_start3A_107 : memref<640x128xf32, #tpu.memory_space<hbm>>) target_semaphore(%run_scoped3A : memref<!tpu.dma_semaphore, #tpu.memory_space<semaphore_mem>>)
      %dma_wait3A_110 = arith.constant 0 : i32
      %dma_wait3A_111 = tpu.memref_slice %arg5[%add3A_105, %dma_wait3A_110] : memref<20480x128xf32, #tpu.memory_space<hbm>> -> memref<640x128xf32, #tpu.memory_space<hbm>>
      %dma_wait3A_112 = arith.constant 0 : i32
      %dma_wait3A_113 = tpu.memref_slice %arg11[%mul3A_100, %dma_wait3A_112] : memref<10240x128xf32, #tpu.memory_space<vmem_shared>> -> memref<640x128xf32, #tpu.memory_space<vmem_shared>>
      tpu.wait_dma2 semaphore(%run_scoped3A : memref<!tpu.dma_semaphore, #tpu.memory_space<semaphore_mem>>) src(%dma_wait3A_113 : memref<640x128xf32, #tpu.memory_space<vmem_shared>>) dst(%dma_wait3A_111 : memref<640x128xf32, #tpu.memory_space<hbm>>)
      tpu.yield
    }) : () -> ()
    return
  }
}

module attributes {stable_mosaic.version = 14 : i64} {
  func.func @_mlp_body(%arg0: memref<10000x128xf32, #tpu.memory_space<vmem>>, %arg1: memref<20480x128xf32, #tpu.memory_space<vmem>>, %arg2: memref<128x128xf32, #tpu.memory_space<vmem>>, %arg3: memref<1x128xf32, #tpu.memory_space<vmem>>, %arg4: memref<1x128xf32, #tpu.memory_space<vmem>>, %arg5: memref<1x128xf32, #tpu.memory_space<vmem>>, %arg6: memref<128x128xf32, #tpu.memory_space<vmem>>, %arg7: memref<1x128xf32, #tpu.memory_space<vmem>>, %arg8: memref<10000x128xf32, #tpu.memory_space<vmem>>) attributes {dimension_semantics = [], scalar_prefetch = 0 : i64, scratch_operands = 0 : i64, tpu.core_type = #tpu.core_type<tc>} {
    %get3A = arith.constant 0 : index
    %get3A_0 = arith.constant 0 : index
    %get3A_1 = vector.load %arg0[%get3A, %get3A_0] : memref<10000x128xf32, #tpu.memory_space<vmem>>, vector<10000x128xf32>
    %get3A_2 = arith.constant 0 : index
    %get3A_3 = arith.constant 0 : index
    %get3A_4 = vector.load %arg1[%get3A_2, %get3A_3] : memref<20480x128xf32, #tpu.memory_space<vmem>>, vector<10000x128xf32>
    %add3A = arith.addf %get3A_1, %get3A_4 : vector<10000x128xf32>
    %get3A_5 = arith.constant 10240 : index
    %get3A_6 = arith.constant 0 : index
    %get3A_7 = vector.load %arg1[%get3A_5, %get3A_6] : memref<20480x128xf32, #tpu.memory_space<vmem>>, vector<10000x128xf32>
    %add3A_8 = arith.addf %add3A, %get3A_7 : vector<10000x128xf32>
    %get3A_9 = arith.constant 0 : index
    %get3A_10 = arith.constant 0 : index
    %get3A_11 = vector.load %arg2[%get3A_9, %get3A_10] : memref<128x128xf32, #tpu.memory_space<vmem>>, vector<128x128xf32>
    %dot_general3A = arith.constant dense<0.000000e+00> : vector<10000x128xf32>
    %dot_general3A_12 = tpu.matmul %add3A_8, %get3A_11, %dot_general3A {dimension_numbers = #tpu.dot_dimension_numbers<[1], [0], [0], [1], [0, 0, 1, 1], [], []>, precision = #tpu.contract_precision<fp32>, transpose_lhs_hint = false} : vector<10000x128xf32>, vector<128x128xf32>, vector<10000x128xf32> -> vector<10000x128xf32>
    %get3A_13 = arith.constant 0 : index
    %get3A_14 = arith.constant 0 : index
    %get3A_15 = vector.load %arg3[%get3A_13, %get3A_14] : memref<1x128xf32, #tpu.memory_space<vmem>>, vector<1x128xf32>
    %add3A_16 = vector.broadcast %get3A_15 : vector<1x128xf32> to vector<10000x128xf32>
    %add3A_17 = arith.addf %dot_general3A_12, %add3A_16 : vector<10000x128xf32>
    %reduce_sum3A = arith.constant dense<0.000000e+00> : vector<128xf32>
    %reduce_sum3A_18 = vector.multi_reduction <add>, %add3A_17, %reduce_sum3A [0] : vector<10000x128xf32> to vector<128xf32>
    %broadcast_in_dim3A = vector.shape_cast %reduce_sum3A_18 : vector<128xf32> to vector<1x128xf32>
    %div3A = arith.constant 1.000000e+04 : f32
    %div3A_19 = vector.broadcast %div3A : f32 to vector<1x128xf32>
    %div3A_20 = arith.divf %broadcast_in_dim3A, %div3A_19 : vector<1x128xf32>
    %sub3A = vector.broadcast %div3A_20 : vector<1x128xf32> to vector<10000x128xf32>
    %sub3A_21 = arith.subf %add3A_17, %sub3A : vector<10000x128xf32>
    %mul3A = arith.mulf %sub3A_21, %sub3A_21 : vector<10000x128xf32>
    %reduce_sum3A_22 = arith.constant dense<0.000000e+00> : vector<128xf32>
    %reduce_sum3A_23 = vector.multi_reduction <add>, %mul3A, %reduce_sum3A_22 [0] : vector<10000x128xf32> to vector<128xf32>
    %broadcast_in_dim3A_24 = vector.shape_cast %reduce_sum3A_23 : vector<128xf32> to vector<1x128xf32>
    %div3A_25 = arith.constant 1.000000e+04 : f32
    %div3A_26 = vector.broadcast %div3A_25 : f32 to vector<1x128xf32>
    %div3A_27 = arith.divf %broadcast_in_dim3A_24, %div3A_26 : vector<1x128xf32>
    %add3A_28 = arith.constant 9.99999974E-6 : f32
    %add3A_29 = vector.broadcast %add3A_28 : f32 to vector<1x128xf32>
    %add3A_30 = arith.addf %div3A_27, %add3A_29 : vector<1x128xf32>
    %rsqrt3A = math.rsqrt %add3A_30 : vector<1x128xf32>
    %mul3A_31 = vector.broadcast %rsqrt3A : vector<1x128xf32> to vector<10000x128xf32>
    %mul3A_32 = arith.mulf %sub3A_21, %mul3A_31 : vector<10000x128xf32>
    %get3A_33 = arith.constant 0 : index
    %get3A_34 = arith.constant 0 : index
    %get3A_35 = vector.load %arg4[%get3A_33, %get3A_34] : memref<1x128xf32, #tpu.memory_space<vmem>>, vector<1x128xf32>
    %mul3A_36 = vector.broadcast %get3A_35 : vector<1x128xf32> to vector<10000x128xf32>
    %mul3A_37 = arith.mulf %mul3A_32, %mul3A_36 : vector<10000x128xf32>
    %get3A_38 = arith.constant 0 : index
    %get3A_39 = arith.constant 0 : index
    %get3A_40 = vector.load %arg5[%get3A_38, %get3A_39] : memref<1x128xf32, #tpu.memory_space<vmem>>, vector<1x128xf32>
    %add3A_41 = vector.broadcast %get3A_40 : vector<1x128xf32> to vector<10000x128xf32>
    %add3A_42 = arith.addf %mul3A_37, %add3A_41 : vector<10000x128xf32>
    %max3A = arith.constant 0.000000e+00 : f32
    %max3A_43 = vector.broadcast %max3A : f32 to vector<10000x128xf32>
    %max3A_44 = arith.maximumf %add3A_42, %max3A_43 : vector<10000x128xf32>
    %get3A_45 = arith.constant 0 : index
    %get3A_46 = arith.constant 0 : index
    %get3A_47 = vector.load %arg6[%get3A_45, %get3A_46] : memref<128x128xf32, #tpu.memory_space<vmem>>, vector<128x128xf32>
    %dot_general3A_48 = arith.constant dense<0.000000e+00> : vector<10000x128xf32>
    %dot_general3A_49 = tpu.matmul %max3A_44, %get3A_47, %dot_general3A_48 {dimension_numbers = #tpu.dot_dimension_numbers<[1], [0], [0], [1], [0, 0, 1, 1], [], []>, precision = #tpu.contract_precision<fp32>, transpose_lhs_hint = false} : vector<10000x128xf32>, vector<128x128xf32>, vector<10000x128xf32> -> vector<10000x128xf32>
    %get3A_50 = arith.constant 0 : index
    %get3A_51 = arith.constant 0 : index
    %get3A_52 = vector.load %arg7[%get3A_50, %get3A_51] : memref<1x128xf32, #tpu.memory_space<vmem>>, vector<1x128xf32>
    %add3A_53 = vector.broadcast %get3A_52 : vector<1x128xf32> to vector<10000x128xf32>
    %add3A_54 = arith.addf %dot_general3A_49, %add3A_53 : vector<10000x128xf32>
    %max3A_55 = arith.constant 0.000000e+00 : f32
    %max3A_56 = vector.broadcast %max3A_55 : f32 to vector<10000x128xf32>
    %max3A_57 = arith.maximumf %add3A_54, %max3A_56 : vector<10000x128xf32>
    %swap3A = arith.constant 0 : index
    %swap3A_58 = arith.constant 0 : index
    %swap3A_59 = vector.load %arg8[%swap3A, %swap3A_58] : memref<10000x128xf32, #tpu.memory_space<vmem>>, vector<10000x128xf32>
    tpu.vector_store %arg8[%swap3A, %swap3A_58], %max3A_57 {strides = array<i32>} : memref<10000x128xf32, #tpu.memory_space<vmem>>, vector<10000x128xf32>,
    return
  }
}

module attributes {stable_mosaic.version = 14 : i64} {
  func.func @_pool_body(%arg0: i32, %arg1: memref<65xi32, #tpu.memory_space<smem>>, %arg2: memref<10000x128xf32, #tpu.memory_space<vmem>>, %arg3: memref<1x1x128xf32, #tpu.memory_space<vmem>>, %arg4: memref<1x1x128xf32, #tpu.memory_space<vmem>>) attributes {dimension_semantics = [#tpu.dimension_semantics<arbitrary>], iteration_bounds = array<i64: 64>, scalar_prefetch = 0 : i64, scratch_operands = 0 : i64, tpu.core_type = #tpu.core_type<tc>, window_params = [{transform_indices = @transform_0, window_bounds = array<i64: 65>}, {pipeline_mode = #tpu.pipeline_mode<synchronous>, transform_indices = @transform_1, window_bounds = array<i64: 10000, 128>}, {transform_indices = @transform_2, window_bounds = array<i64: 1, 1, 128>}, {transform_indices = @transform_3, window_bounds = array<i64: 1, 1, 128>}]} {
    %get3A = arith.index_cast %arg0 : i32 to index
    %get3A_0 = memref.load %arg1[%get3A] : memref<65xi32, #tpu.memory_space<smem>>
    %add3A = arith.constant 1 : i32
    %add3A_1 = arith.addi %arg0, %add3A : i32
    %get3A_2 = arith.index_cast %add3A_1 : i32 to index
    %get3A_3 = memref.load %arg1[%get3A_2] : memref<65xi32, #tpu.memory_space<smem>>
    %sub3A = arith.subi %get3A_3, %get3A_0 : i32
    %add3A_4 = arith.constant 64 : i32
    %add3A_5 = arith.addi %sub3A, %add3A_4 : i32
    %sub3A_6 = arith.constant 1 : i32
    %sub3A_7 = arith.subi %add3A_5, %sub3A_6 : i32
    %jit3A = arith.constant 64 : i32
    %div3A = arith.divsi %sub3A_7, %jit3A : i32
    %sign3A = arith.constant 0 : i32
    %sign3A_8 = arith.cmpi sgt, %sub3A_7, %sign3A : i32
    %sign3A_9 = arith.extui %sign3A_8 : i1 to i32
    %sign3A_10 = arith.constant 0 : i32
    %sign3A_11 = arith.cmpi slt, %sub3A_7, %sign3A_10 : i32
    %sign3A_12 = arith.extui %sign3A_11 : i1 to i32
    %sign3A_13 = arith.subi %sign3A_9, %sign3A_12 : i32
    %sign3A_14 = arith.constant 0 : i32
    %sign3A_15 = arith.cmpi sgt, %jit3A, %sign3A_14 : i32
    %sign3A_16 = arith.extui %sign3A_15 : i1 to i32
    %sign3A_17 = arith.constant 0 : i32
    %sign3A_18 = arith.cmpi slt, %jit3A, %sign3A_17 : i32
    %sign3A_19 = arith.extui %sign3A_18 : i1 to i32
    %sign3A_20 = arith.subi %sign3A_16, %sign3A_19 : i32
    %ne3A = arith.cmpi ne, %sign3A_13, %sign3A_20 : i32
    %rem3A = arith.remsi %sub3A_7, %jit3A : i32
    %ne3A_21 = arith.constant 0 : i32
    %ne3A_22 = arith.cmpi ne, %rem3A, %ne3A_21 : i32
    %and3A = arith.andi %ne3A, %ne3A_22 : i1
    %sub3A_23 = arith.constant 1 : i32
    %sub3A_24 = arith.subi %div3A, %sub3A_23 : i32
    %select_n3A = arith.select %and3A, %sub3A_24, %div3A : i32
    %broadcast_in_dim3A = arith.constant 0.000000e+00 : f32
    %broadcast_in_dim3A_25 = vector.broadcast %broadcast_in_dim3A : f32 to vector<1x128xf32>
    %broadcast_in_dim3A_26 = arith.constant 0xFF800000 : f32
    %broadcast_in_dim3A_27 = vector.broadcast %broadcast_in_dim3A_26 : f32 to vector<1x128xf32>
    %while3A = arith.constant 0 : i32
    %while3A_28 = arith.subi %select_n3A, %while3A : i32
    %while3A_29 = arith.addi %while3A, %while3A_28 : i32
    %while3A_30 = arith.constant 1 : i32
    %while3A_31 = arith.divsi %while3A_28, %while3A_30 : i32
    %while3A_32 = arith.muli %while3A_31, %while3A_30 : i32
    %while3A_33 = arith.addi %while3A, %while3A_32 : i32
    %while3A_34 = arith.constant 1 : i32
    %while3A_35:2 = scf.for %while3A_49 = %while3A to %while3A_33 step %while3A_34 iter_args(%while3A_50 = %broadcast_in_dim3A_25, %while3A_51 = %broadcast_in_dim3A_27) -> (vector<1x128xf32>, vector<1x128xf32>)  : i32 {
      %mul3A = arith.constant 64 : i32
      %mul3A_52 = arith.muli %while3A_49, %mul3A : i32
      %add3A_53 = arith.addi %get3A_0, %mul3A_52 : i32
      %min3A = arith.constant 9936 : i32
      %min3A_54 = arith.minsi %add3A_53, %min3A : i32
      %get3A_55 = arith.index_cast %min3A_54 : i32 to index
      %get3A_56 = arith.constant 0 : index
      %get3A_57 = vector.load %arg2[%get3A_55, %get3A_56] : memref<10000x128xf32, #tpu.memory_space<vmem>>, vector<64x128xf32>
      %iota3A = tpu.iota {dimensions = array<i32: 0>} : vector<64x1xi32>
      %add3A_58 = vector.broadcast %min3A_54 : i32 to vector<64x1xi32>
      %add3A_59 = arith.addi %add3A_58, %iota3A : vector<64x1xi32>
      %mul3A_60 = arith.constant 64 : i32
      %mul3A_61 = arith.muli %while3A_49, %mul3A_60 : i32
      %add3A_62 = arith.addi %get3A_0, %mul3A_61 : i32
      %ge3A = vector.broadcast %add3A_62 : i32 to vector<64x1xi32>
      %ge3A_63 = arith.cmpi sge, %add3A_59, %ge3A : vector<64x1xi32>
      %lt3A = vector.broadcast %get3A_3 : i32 to vector<64x1xi32>
      %lt3A_64 = arith.cmpi slt, %add3A_59, %lt3A : vector<64x1xi32>
      %and3A_65 = arith.andi %ge3A_63, %lt3A_64 : vector<64x1xi1>
      %jit3A_66 = arith.constant 0.000000e+00 : f32
      %broadcast_in_dim3A_67 = vector.shape_cast %and3A_65 : vector<64x1xi1> to vector<64x1xi1>
      %broadcast_in_dim3A_68 = vector.broadcast %broadcast_in_dim3A_67 : vector<64x1xi1> to vector<64x128xi1>
      %broadcast_in_dim3A_69 = vector.broadcast %jit3A_66 : f32 to vector<64x128xf32>
      %select_n3A_70 = arith.select %broadcast_in_dim3A_68, %get3A_57, %broadcast_in_dim3A_69 : vector<64x128xi1>, vector<64x128xf32>
      %reduce_sum3A = arith.constant dense<0.000000e+00> : vector<128xf32>
      %reduce_sum3A_71 = vector.multi_reduction <add>, %select_n3A_70, %reduce_sum3A [0] : vector<64x128xf32> to vector<128xf32>
      %broadcast_in_dim3A_72 = vector.shape_cast %reduce_sum3A_71 : vector<128xf32> to vector<1x128xf32>
      %add3A_73 = arith.addf %while3A_50, %broadcast_in_dim3A_72 : vector<1x128xf32>
      %jit3A_74 = arith.constant 0xFF800000 : f32
      %broadcast_in_dim3A_75 = vector.shape_cast %and3A_65 : vector<64x1xi1> to vector<64x1xi1>
      %broadcast_in_dim3A_76 = vector.broadcast %broadcast_in_dim3A_75 : vector<64x1xi1> to vector<64x128xi1>
      %broadcast_in_dim3A_77 = vector.broadcast %jit3A_74 : f32 to vector<64x128xf32>
      %select_n3A_78 = arith.select %broadcast_in_dim3A_76, %get3A_57, %broadcast_in_dim3A_77 : vector<64x128xi1>, vector<64x128xf32>
      %reduce_max3A = arith.constant dense<0xFF800000> : vector<128xf32>
      %reduce_max3A_79 = vector.multi_reduction <maximumf>, %select_n3A_78, %reduce_max3A [0] : vector<64x128xf32> to vector<128xf32>
      %broadcast_in_dim3A_80 = vector.shape_cast %reduce_max3A_79 : vector<128xf32> to vector<1x128xf32>
      %max3A = arith.maximumf %while3A_51, %broadcast_in_dim3A_80 : vector<1x128xf32>
      scf.yield %add3A_73, %max3A : vector<1x128xf32>, vector<1x128xf32>
    }
    %while3A_36 = arith.constant 1 : i32
    %while3A_37:2 = scf.for %while3A_49 = %while3A_33 to %while3A_29 step %while3A_36 iter_args(%while3A_50 = %while3A_35#0, %while3A_51 = %while3A_35#1) -> (vector<1x128xf32>, vector<1x128xf32>)  : i32 {
      %mul3A = arith.constant 64 : i32
      %mul3A_52 = arith.muli %while3A_49, %mul3A : i32
      %add3A_53 = arith.addi %get3A_0, %mul3A_52 : i32
      %min3A = arith.constant 9936 : i32
      %min3A_54 = arith.minsi %add3A_53, %min3A : i32
      %get3A_55 = arith.index_cast %min3A_54 : i32 to index
      %get3A_56 = arith.constant 0 : index
      %get3A_57 = vector.load %arg2[%get3A_55, %get3A_56] : memref<10000x128xf32, #tpu.memory_space<vmem>>, vector<64x128xf32>
      %iota3A = tpu.iota {dimensions = array<i32: 0>} : vector<64x1xi32>
      %add3A_58 = vector.broadcast %min3A_54 : i32 to vector<64x1xi32>
      %add3A_59 = arith.addi %add3A_58, %iota3A : vector<64x1xi32>
      %mul3A_60 = arith.constant 64 : i32
      %mul3A_61 = arith.muli %while3A_49, %mul3A_60 : i32
      %add3A_62 = arith.addi %get3A_0, %mul3A_61 : i32
      %ge3A = vector.broadcast %add3A_62 : i32 to vector<64x1xi32>
      %ge3A_63 = arith.cmpi sge, %add3A_59, %ge3A : vector<64x1xi32>
      %lt3A = vector.broadcast %get3A_3 : i32 to vector<64x1xi32>
      %lt3A_64 = arith.cmpi slt, %add3A_59, %lt3A : vector<64x1xi32>
      %and3A_65 = arith.andi %ge3A_63, %lt3A_64 : vector<64x1xi1>
      %jit3A_66 = arith.constant 0.000000e+00 : f32
      %broadcast_in_dim3A_67 = vector.shape_cast %and3A_65 : vector<64x1xi1> to vector<64x1xi1>
      %broadcast_in_dim3A_68 = vector.broadcast %broadcast_in_dim3A_67 : vector<64x1xi1> to vector<64x128xi1>
      %broadcast_in_dim3A_69 = vector.broadcast %jit3A_66 : f32 to vector<64x128xf32>
      %select_n3A_70 = arith.select %broadcast_in_dim3A_68, %get3A_57, %broadcast_in_dim3A_69 : vector<64x128xi1>, vector<64x128xf32>
      %reduce_sum3A = arith.constant dense<0.000000e+00> : vector<128xf32>
      %reduce_sum3A_71 = vector.multi_reduction <add>, %select_n3A_70, %reduce_sum3A [0] : vector<64x128xf32> to vector<128xf32>
      %broadcast_in_dim3A_72 = vector.shape_cast %reduce_sum3A_71 : vector<128xf32> to vector<1x128xf32>
      %add3A_73 = arith.addf %while3A_50, %broadcast_in_dim3A_72 : vector<1x128xf32>
      %jit3A_74 = arith.constant 0xFF800000 : f32
      %broadcast_in_dim3A_75 = vector.shape_cast %and3A_65 : vector<64x1xi1> to vector<64x1xi1>
      %broadcast_in_dim3A_76 = vector.broadcast %broadcast_in_dim3A_75 : vector<64x1xi1> to vector<64x128xi1>
      %broadcast_in_dim3A_77 = vector.broadcast %jit3A_74 : f32 to vector<64x128xf32>
      %select_n3A_78 = arith.select %broadcast_in_dim3A_76, %get3A_57, %broadcast_in_dim3A_77 : vector<64x128xi1>, vector<64x128xf32>
      %reduce_max3A = arith.constant dense<0xFF800000> : vector<128xf32>
      %reduce_max3A_79 = vector.multi_reduction <maximumf>, %select_n3A_78, %reduce_max3A [0] : vector<64x128xf32> to vector<128xf32>
      %broadcast_in_dim3A_80 = vector.shape_cast %reduce_max3A_79 : vector<128xf32> to vector<1x128xf32>
      %max3A = arith.maximumf %while3A_51, %broadcast_in_dim3A_80 : vector<1x128xf32>
      scf.yield %add3A_73, %max3A : vector<1x128xf32>, vector<1x128xf32>
    }
    %swap3A = arith.constant 0 : index
    %swap3A_38 = arith.constant 0 : index
    %swap3A_39 = arith.constant 0 : index
    %swap3A_40 = vector.load %arg3[%swap3A, %swap3A_38, %swap3A_39] : memref<1x1x128xf32, #tpu.memory_space<vmem>>, vector<1x1x128xf32>
    %swap3A_41 = vector.shape_cast %swap3A_40 : vector<1x1x128xf32> to vector<1x128xf32>
    %swap3A_42 = vector.shape_cast %while3A_37#0 : vector<1x128xf32> to vector<1x1x128xf32>
    tpu.vector_store %arg3[%swap3A, %swap3A_38, %swap3A_39], %swap3A_42 {strides = array<i32>} : memref<1x1x128xf32, #tpu.memory_space<vmem>>, vector<1x1x128xf32>,
    %swap3A_43 = arith.constant 0 : index
    %swap3A_44 = arith.constant 0 : index
    %swap3A_45 = arith.constant 0 : index
    %swap3A_46 = vector.load %arg4[%swap3A_43, %swap3A_44, %swap3A_45] : memref<1x1x128xf32, #tpu.memory_space<vmem>>, vector<1x1x128xf32>
    %swap3A_47 = vector.shape_cast %swap3A_46 : vector<1x1x128xf32> to vector<1x128xf32>
    %swap3A_48 = vector.shape_cast %while3A_37#1 : vector<1x128xf32> to vector<1x1x128xf32>
    tpu.vector_store %arg4[%swap3A_43, %swap3A_44, %swap3A_45], %swap3A_48 {strides = array<i32>} : memref<1x1x128xf32, #tpu.memory_space<vmem>>, vector<1x1x128xf32>,
    return
  }
  func.func @transform_0(%arg0: i32) -> i32 {
    %c0_i32 = arith.constant 0 : i32
    %c0_i32_0 = arith.constant 0 : i32
    return %c0_i32 : i32
  }
  func.func @transform_1(%arg0: i32) -> (i32, i32) {
    %c0_i32 = arith.constant 0 : i32
    %c0_i32_0 = arith.constant 0 : i32
    %c0_i32_1 = arith.constant 0 : i32
    return %c0_i32, %c0_i32_0 : i32, i32
  }
  func.func @transform_2(%arg0: i32) -> (i32, i32, i32) {
    %c0_i32 = arith.constant 0 : i32
    %c0_i32_0 = arith.constant 0 : i32
    %c0_i32_1 = arith.constant 0 : i32
    return %arg0, %c0_i32, %c0_i32_0 : i32, i32, i32
  }
  func.func @transform_3(%arg0: i32) -> (i32, i32, i32) {
    %c0_i32 = arith.constant 0 : i32
    %c0_i32_0 = arith.constant 0 : i32
    %c0_i32_1 = arith.constant 0 : i32
    return %arg0, %c0_i32, %c0_i32_0 : i32, i32, i32
  }
}

module attributes {stable_mosaic.version = 14 : i64} {
  func.func @_head_body(%arg0: memref<64x1792xf32, #tpu.memory_space<vmem>>, %arg1: memref<1792x1792xf32, #tpu.memory_space<vmem>>, %arg2: memref<1x1792xf32, #tpu.memory_space<vmem>>, %arg3: memref<1792x1xf32, #tpu.memory_space<vmem>>, %arg4: memref<1x1xf32, #tpu.memory_space<vmem>>, %arg5: memref<64x1xf32, #tpu.memory_space<vmem>>, %arg6: memref<64x1xf32, #tpu.memory_space<vmem>>) attributes {dimension_semantics = [], scalar_prefetch = 0 : i64, scratch_operands = 0 : i64, tpu.core_type = #tpu.core_type<tc>} {
    %get3A = arith.constant 0 : index
    %get3A_0 = arith.constant 0 : index
    %get3A_1 = vector.load %arg0[%get3A, %get3A_0] : memref<64x1792xf32, #tpu.memory_space<vmem>>, vector<64x1792xf32>
    %get3A_2 = arith.constant 0 : index
    %get3A_3 = arith.constant 0 : index
    %get3A_4 = vector.load %arg1[%get3A_2, %get3A_3] : memref<1792x1792xf32, #tpu.memory_space<vmem>>, vector<1792x1792xf32>
    %dot_general3A = arith.constant dense<0.000000e+00> : vector<64x1792xf32>
    %dot_general3A_5 = tpu.matmul %get3A_1, %get3A_4, %dot_general3A {dimension_numbers = #tpu.dot_dimension_numbers<[1], [0], [0], [1], [0, 0, 1, 1], [], []>, precision = #tpu.contract_precision<fp32>, transpose_lhs_hint = false} : vector<64x1792xf32>, vector<1792x1792xf32>, vector<64x1792xf32> -> vector<64x1792xf32>
    %get3A_6 = arith.constant 0 : index
    %get3A_7 = arith.constant 0 : index
    %get3A_8 = vector.load %arg2[%get3A_6, %get3A_7] : memref<1x1792xf32, #tpu.memory_space<vmem>>, vector<1x1792xf32>
    %add3A = vector.broadcast %get3A_8 : vector<1x1792xf32> to vector<64x1792xf32>
    %add3A_9 = arith.addf %dot_general3A_5, %add3A : vector<64x1792xf32>
    %max3A = arith.constant 0.000000e+00 : f32
    %max3A_10 = vector.broadcast %max3A : f32 to vector<64x1792xf32>
    %max3A_11 = arith.maximumf %add3A_9, %max3A_10 : vector<64x1792xf32>
    %get3A_12 = arith.constant 0 : index
    %get3A_13 = arith.constant 0 : index
    %get3A_14 = vector.load %arg3[%get3A_12, %get3A_13] : memref<1792x1xf32, #tpu.memory_space<vmem>>, vector<1792x1xf32>
    %dot_general3A_15 = arith.constant dense<0.000000e+00> : vector<64x1xf32>
    %dot_general3A_16 = tpu.matmul %max3A_11, %get3A_14, %dot_general3A_15 {dimension_numbers = #tpu.dot_dimension_numbers<[1], [0], [0], [1], [0, 0, 1, 1], [], []>, precision = #tpu.contract_precision<fp32>, transpose_lhs_hint = false} : vector<64x1792xf32>, vector<1792x1xf32>, vector<64x1xf32> -> vector<64x1xf32>
    %get3A_17 = arith.constant 0 : index
    %get3A_18 = arith.constant 0 : index
    %get3A_19 = vector.load %arg4[%get3A_17, %get3A_18] : memref<1x1xf32, #tpu.memory_space<vmem>>, vector<1x1xf32>
    %add3A_20 = vector.broadcast %get3A_19 : vector<1x1xf32> to vector<64x1xf32>
    %add3A_21 = arith.addf %dot_general3A_16, %add3A_20 : vector<64x1xf32>
    %swap3A = arith.constant 0 : index
    %swap3A_22 = arith.constant 0 : index
    %swap3A_23 = vector.load %arg6[%swap3A, %swap3A_22] : memref<64x1xf32, #tpu.memory_space<vmem>>, vector<64x1xf32>
    tpu.vector_store %arg6[%swap3A, %swap3A_22], %add3A_21 {strides = array<i32>} : memref<64x1xf32, #tpu.memory_space<vmem>>, vector<64x1xf32>,
    %neg3A = arith.constant 0.000000e+00 : f32
    %neg3A_24 = vector.broadcast %neg3A : f32 to vector<64x1xf32>
    %neg3A_25 = arith.subf %neg3A_24, %add3A_21 : vector<64x1xf32>
    %exp3A = math.exp %neg3A_25 : vector<64x1xf32>
    %add3A_26 = arith.constant 1.000000e+00 : f32
    %add3A_27 = vector.broadcast %add3A_26 : f32 to vector<64x1xf32>
    %add3A_28 = arith.addf %add3A_27, %exp3A : vector<64x1xf32>
    %div3A = arith.constant 1.000000e+00 : f32
    %div3A_29 = vector.broadcast %div3A : f32 to vector<64x1xf32>
    %div3A_30 = arith.divf %div3A_29, %add3A_28 : vector<64x1xf32>
    %swap3A_31 = arith.constant 0 : index
    %swap3A_32 = arith.constant 0 : index
    %swap3A_33 = vector.load %arg5[%swap3A_31, %swap3A_32] : memref<64x1xf32, #tpu.memory_space<vmem>>, vector<64x1xf32>
    tpu.vector_store %arg5[%swap3A_31, %swap3A_32], %div3A_30 {strides = array<i32>} : memref<64x1xf32, #tpu.memory_space<vmem>>, vector<64x1xf32>,
    return
  }
}

</mosaic_0001>

<sc_bundles>
// kernel: kernel.24.cloned.1.call-start
scs
__scs_entry_jumppad:
0x0: {  	(pc) =	sbr.rel $0x88, $3  }
0x1: {  	(tag) =	ssettag $0x0;
	lr =	simm.s32 $0x1  }
0x2: {  	[smem:$0x3F70] =	sst lr;
	_ =	strace $0xD0000000  }
0x3: {  	_ = 	snop  }
0x4: {  	_ = 	snop  }
0x5: {  	_ = 	snop  }
0x6: {  	_ = 	snop  }
0x7: {  	_ = 	snop  }
__scs_overlays_trampoline_lowered:
0x8: {  	[smem:$0x3F7F] =	sst s0  }
0x9: {  	[smem:$0x3F80] =	sst s1  }
0xa: {  	[smem:$0x3F81] =	sst s2  }
0xb: {  	[smem:$0x3F82] =	sst s3  }
0xc: {  	[smem:$0x3F83] =	sst s4  }
0xd: {  	[smem:$0x3F84] =	sst s5  }
0xe: {  	[smem:$0x3F85] =	sst s6  }
0xf: {  	[smem:$0x3F86] =	sst s7  }
0x10: {  	[smem:$0x3F87] =	sst s8  }
0x11: {  	[smem:$0x3F88] =	sst s9;
	s0 =	simm.s32 @!p0 $0x0  }
0x12: {  	s1 =	sld [smem:$0x3F6E];
	s0 =	simm.s32 @p0 $0x1  }
0x13: {  	[smem:$0x3F89] =	sst s0;
	s0 =	simm.s32 @!p1 $0x0  }
0x14: {  	s2 =	sld [smem:$0x3F6D];
	s0 =	simm.s32 @p1 $0x1  }
0x15: {  	[smem:$0x3F8A] =	sst s0;
	s0 =	simm.s32 @!p2 $0x0  }
0x16: {  	s3 =	sld [smem:$0x3FDB];
	s0 =	simm.s32 @p2 $0x1  }
0x17: {  	s4 =	simm.s32 $0x1BF5;
	[smem:$0x3F8C] =	sst s0  }
0x18: {  	s0 =	sld [smem:$0x3F6F];
	_ =	swait.ge [sflag:s4], $0x0  }
0x19: {  	s7 =	sld [smem:$0x3F70]  }
0x1a: {  	s8 =	sadd.s32 $0xFFFFE003, lr  }
0x1b: {  	s9 =	sadd.s32 $0xFFFFFEF7, lr;
	s5 =	simm.s32 $0xFFFFFFFF;
	p2 =	slt.u32 s8, $0xFFFFF086  }
0x1c: {  	p1 =	slt.u32 s9, $0xF7A;
	s5 =	simm.s32 @!p2 $0x0  }
0x1d: {  	s5 =	simm.s32 @p1 $0x1;
	p0 =	seq.s32 s7, s2  }
0x1e: {  	s7 =	smul.u32 @!p0 $0xF7A, s2;
	p2 =	seq.s32 @!p0 s5, $0x0  }
0x1f: {  	s9 =	smul.u32 $0xF7A, s1;
	s8 =	simm.s32 @!p0 $0x1BF5;
	p2 =	por !p2, p0  }
0x20: {  	[sflag:s8] =	ssyncset.s32 @!p0 $0xFFFFF086;
	s6 =	sadd.s32 @!p0 s3, s7;
	s7 =	simm.s32 @!p0 $0x108  }
0x21: {  	s3 =	sadd.s32 s3, s9;
	s6 =	sadd.s32 @!p0 $0x88, s6;
	s7 =	simm.s32 @p2 $0x1082  }
0x22: {  	[simem:s7], [sflag:s8] =	dma.local @!p0 [hbm:s6], $0xF7A  }
0x23: {  	s9 =	sor.u32 $0xD0000000, s2;
	s6 =	simm.s32 $0x108;
	_ =	swait.ge @!p0 [sflag:s8], $0x0  }
0x24: {  	s3 =	sadd.s32 $0x88, s3;
	s6 =	simm.s32 @!p1 $0x1082;
	[sflag:s4] =	ssyncset.s32 $0xFFFFF086  }
0x25: {  	[simem:s6], [sflag:s4] =	dma.local [hbm:s3], $0xF7A  }
0x26: {  	[smem:$0x3F70] =	sst s1;
	(tag) =	ssettag s2;
	_ =	strace s9  }
0x27: {  	s1 =	sld [smem:$0x3F80]  }
0x28: {  	s2 =	sld [smem:$0x3F81]  }
0x29: {  	s4 =	sld [smem:$0x3F83]  }
0x2a: {  	p0 =	seq.s32 s5, $0x0;
	s5 =	sld [smem:$0x3F84]  }
0x2b: {  	s6 =	sld [smem:$0x3F85]  }
0x2c: {  	s7 =	sld [smem:$0x3F86]  }
0x2d: {  	s3 =	simm.s32 $0x108;
	s8 =	sld [smem:$0x3F87]  }
0x2e: {  	s3 =	simm.s32 @!p0 $0x1082;
	s9 =	sld [smem:$0x3F88]  }
0x2f: {  	lr =	sadd.s32 s0, s3;
	s0 =	sld [smem:$0x3F7F]  }
0x30: {  	s3 =	sld [smem:$0x3F82]  }
0x31: {  	[smem:$0x3F8B] =	sst s10  }
0x32: {  	s10 =	sld [smem:$0x3F89];
	_ =	sdelay $0x3  }
0x33: {  	p0 =	seq.s32 s10, $0x1;
	s10 =	sld [smem:$0x3F8B];
	_ =	sdelay $0x3  }
0x34: {  	[smem:$0x3F8B] =	sst s10  }
0x35: {  	s10 =	sld [smem:$0x3F8A];
	_ =	sdelay $0x3  }
0x36: {  	p1 =	seq.s32 s10, $0x1;
	s10 =	sld [smem:$0x3F8B];
	_ =	sdelay $0x3  }
0x37: {  	[smem:$0x3F8B] =	sst s10  }
0x38: {  	s10 =	sld [smem:$0x3F8C]  }
0x39: {  	_ = 	snop;
	(pc) =	sbr.ind lr, $3  }
0x3a: {  	_ = 	snop  }
0x3b: {  	_ = 	snop  }
0x3c: {  	p2 =	seq.s32 s10, $0x1;
	s10 =	sld [smem:$0x3F8B]  }
0x3d: {  	_ =	shalt  }
0x3e: {  	_ =	shalt  }
0x3f: {  	_ =	shalt  }
0x40: {  	_ =	shalt  }
0x41: {  	_ =	shalt  }
0x42: {  	_ =	shalt  }
0x43: {  	_ =	shalt  }
0x44: {  	_ =	shalt  }
0x45: {  	_ =	shalt  }
0x46: {  	_ =	shalt  }
0x47: {  	_ =	shalt  }
0x48: {  	_ =	shalt  }
0x49: {  	_ =	shalt  }
0x4a: {  	_ =	shalt  }
0x4b: {  	_ =	shalt  }
0x4c: {  	_ =	shalt  }
0x4d: {  	_ =	shalt  }
0x4e: {  	_ =	shalt  }
0x4f: {  	_ =	shalt  }
0x50: {  	_ =	shalt  }
0x51: {  	_ =	shalt  }
0x52: {  	_ =	shalt  }
0x53: {  	_ =	shalt  }
0x54: {  	_ =	shalt  }
0x55: {  	_ =	shalt  }
0x56: {  	_ =	shalt  }
0x57: {  	_ =	shalt  }
0x58: {  	_ =	shalt  }
0x59: {  	_ =	shalt  }
0x5a: {  	_ =	shalt  }
0x5b: {  	_ =	shalt  }
0x5c: {  	_ =	shalt  }
0x5d: {  	_ =	shalt  }
0x5e: {  	_ =	shalt  }
0x5f: {  	_ =	shalt  }
0x60: {  	_ =	shalt  }
0x61: {  	_ =	shalt  }
0x62: {  	_ =	shalt  }
0x63: {  	_ =	shalt  }
0x64: {  	_ =	shalt  }
0x65: {  	_ =	shalt  }
0x66: {  	_ =	shalt  }
0x67: {  	_ =	shalt  }
0x68: {  	_ =	shalt  }
0x69: {  	_ =	shalt  }
0x6a: {  	_ =	shalt  }
0x6b: {  	_ =	shalt  }
0x6c: {  	_ =	shalt  }
0x6d: {  	_ =	shalt  }
0x6e: {  	_ =	shalt  }
0x6f: {  	_ =	shalt  }
0x70: {  	_ =	shalt  }
0x71: {  	_ =	shalt  }
0x72: {  	_ =	shalt  }
0x73: {  	_ =	shalt  }
0x74: {  	_ =	shalt  }
0x75: {  	_ =	shalt  }
0x76: {  	_ =	shalt  }
0x77: {  	_ =	shalt  }
0x78: {  	_ =	shalt  }
0x79: {  	_ =	shalt  }
0x7a: {  	_ =	shalt  }
0x7b: {  	_ =	shalt  }
0x7c: {  	_ =	shalt  }
0x7d: {  	_ =	shalt  }
0x7e: {  	_ =	shalt  }
0x7f: {  	_ =	shalt  }
0x80: {  	_ =	shalt  }
0x81: {  	_ =	shalt  }
0x82: {  	_ =	shalt  }
0x83: {  	_ =	shalt  }
0x84: {  	_ =	shalt  }
0x85: {  	_ =	shalt  }
0x86: {  	_ =	shalt  }
0x87: {  	_ =	shalt  }
.Lfunc_end0:
.L_simem_size_0:
called_computation_lowered:
.L_overlay_start_0:
0x88: {  	s2 =	sld [smem:$0x3FD9]  }
0x89: {  	s3 =	sld [smem:$0x3FFE];
	_ =	sdelay $0x1  }
0x8a: {  	s1 =	srdreg.scid  }
0x8b: {  	s0 =	sand.u32 $0x1, s1  }
0x8c: {  	s17 =	sshll.u32 s0, $0xA;
	s2 =	sadd.s32 s3, s2  }
0x8d: {  	s2 =	sadd.s32 s2, s17  }
0x8e: {  	[smem:$0x3F97] =	sst s2  }
0x8f: {  	_ = 	snop  }
0x90: {  	s2 =	sld [smem:$0x3FC9];
	(tm) =	ssettm $0x1  }
0x91: {  	s18 =	sld [smem:$0x3FFB];
	_ =	sdelay $0x3  }
0x92: {  	_ =	strace s18  }
0x93: {  	s3 =	sld [smem:$0x3FFC];
	_ =	sdelay $0x3  }
0x94: {  	_ =	strace s3  }
0x95: {  	s3 =	sld [smem:$0x3FFD];
	_ =	sdelay $0x3  }
0x96: {  	_ =	strace s3  }
0x97: {  	_ =	strace $0x8FFFFFFF  }
0x98: {  	s19 =	sld [smem:$0x3FDB];
	_ =	sdelay $0x1  }
0x99: {  	s4 =	simm.s32 $_scs_section_size  }
0x9a: {  	s5 =	simm.s32 $_size__tile_overlayer_lowered;
	s6 =	simm.s32 $_tile_overlayer_lowered  }
0x9b: {  	s22 =	simm.s32 $0x1BFF;
	s21 =	sshll.u32 s6, $0x1;
	s3 =	sadd.s32 s4, s19  }
0x9c: {  	s7 =	simm.s32 $0x0;
	s20 =	sshll.u32 s5, $0x1;
	s5 =	sadd.s32 s21, s3  }
0x9d: {  	[timem:s7], [sflag:s22] =	dma.local [hbm:s5], s20  }
0x9e: {  	_ =	swait.ge [sflag:s22], s20  }
0x9f: {  	s4 =	ssub.s32 $0x0, s20;
	[sflag:s22] =	ssyncset.done $0x0  }
0xa0: {  	[sflag:s22] =	ssyncadd.s32 s4;
	_ =	sdelay $0x1  }
0xa1: {  	s23 =	simm.s32 $0x1B8B  }
0xa2: {  	_ =	swait.ge [sflag:s23], $0x1  }
0xa3: {  	[sflag:s23] =	ssyncset.done $0x0  }
0xa4: {  	s25 =	simm.s32 $0x1B8E;
	s24 =	sld [smem:$0x3FFE];
	[sflag:s23] =	ssyncadd.s32 $0xFFFFFFFF  }
0xa5: {  	s26 =	simm.s32 $execute0_lowered;
	[smem:$0x3FD2] =	sst s25  }
0xa6: {  	s5 =	sshll.u32 s26, $0x1;
	_ =	strace $0x80000046;
	[dreg:$0x1] =	wrdreg $0xFFFFFFFF  }
0xa7: {  	s28 =	simm.s32 $_size_execute0_lowered;
	s3 =	sadd.s32 s3, s5;
	[dreg:$0x0] =	wrdreg $0x0  }
0xa8: {  	s5 =	sshll.u32 s28, $0x1;
	[dreg:$0x2] =	wrdreg s3  }
0xa9: {  	[dreg:$0x3] =	wrdreg s5  }
0xaa: {  	[dreg:$0x4] =	wrdreg $0xC0  }
0xab: {  	_ =	task [dreg:s7], $0x5FFFF  }
0xac: {  	[dreg:$0x1] =	wrdreg $0xFFFFFFFF  }
0xad: {  	[dreg:$0x0] =	wrdreg $0x60  }
0xae: {  	[dreg:$0x2] =	wrdreg s2  }
0xaf: {  	[dreg:$0x3] =	wrdreg s24  }
0xb0: {  	[dreg:$0x4] =	wrdreg $0xA9000  }
0xb1: {  	[dreg:$0x5] =	wrdreg $0x9  }
0xb2: {  	_ =	task.clear_ibuf [dreg:s7], $0x6FFFF;
	_ =	strace $0x90000046  }
0xb3: {  	s29 =	simm.s32 $0x9;
	_ =	strace $0x80000048  }
0xb4: {  	_ =	swait.ge [sflag:s29], $0x1  }
0xb5: {  	[sflag:s29] =	ssyncadd.s32 $0xFFFFFFFF  }
0xb6: {  	_ =	strace $0x90000048  }
0xb7: {  	_ =	sfence  }
0xb8: {  	s30 =	sld [smem:$0x0];
	_ =	sdelay $0x2  }
0xb9: {  	s31 =	sshll.u32 s1, $0xD;
	s1 =	sshrl.u32 s1, $0x2  }
0xba: {  	s3 =	sand.u32 $0x4000, s31;
	s1 =	sadd.s32 s1, s30  }
0xbb: {  	s0 =	sor.u32 s3, s0;
	s1 =	sshll.u32 s1, $0x11  }
0xbc: {  	s0 =	sor.u32 s1, s0  }
0xbd: {  	s0 =	sadd.s32 $0x8F2B, s0  }
0xbe: {  	[sflag:s0] =	ssyncadd.remote.s32 $0x1  }
0xbf: {  	_ =	sfence.sel $0xFFFF  }
0xc0: {  	[dreg:$0x0] =	wrdreg $0xFFFFFFFF;
	(pc) =	sbr.abs _section_cstart, $3  }
0xc1: {  	[dreg:$0x1] =	wrdreg $0xFFFFFFFF  }
0xc2: {  	_ =	task.clear_ibuf [dreg:s7], $0x2FFFF;
	_ =	strace $0x9FFFFFFF  }
0xc3: {  	(tm) =	ssettm $0x7FFFFFFF  }
tec
execute0_lowered:
.L_overlay_start_1:
0x0: {  	(tag) =	ssettag $0x1  }
0x1: {  	s1 =	rddreg [dreg:$0x0]  }
0x2: {  	s0 =	srdreg.scid;
	s6 =	rddreg [dreg:$0x1]  }
0x3: {  	s3 =	rddreg [dreg:$0x2];
	s4 =	simm.s32 $0x0;
	s18 =	simm.s32 $0x3  }
0x4: {  	s19 =	simm.s32 $0x1;
	s20 =	simm.s32 $0x80;
	s21 =	simm.s32 $0x2800  }
0x5: {  	s22 =	simm.s32 $0x6900;
	s9 =	sand.u32 $0x1, s0;
	s0 =	stileid.u32  }
0x6: {  	s23 =	simm.s32 $0x2880;
	s24 =	simm.s32 $0x2;
	s7 =	smul.u32 $0x2800, s0  }
0x7: {  	s25 =	simm.s32 $0x0;
	[smem:$0x7FF] =	sst s4;
	s8 =	smul.u32 $0x28000, s9  }
0x8: {  	s5 =	sadd.s32 $0xCC00, s6;
	s2 =	sshll.u32 s9, $0x4;
	s11 =	smul.u32 $0x50000, s0  }
0x9: {  	_ =	strace $0x80000047;
	s13 =	ssub.s32 $0x2, s9;
	s16 =	smul.u32 $0x5000, s9  }
0xa: {  	s17 =	smul.u32 $0x500, s0;
	s2 =	sor.u32 s0, s2;
	s31 =	sshrl.u32 s13, $0x1  }
0xb: {  	s10 =	smul.u32 $0x500, s2;
	s7 =	sadd.s32 s7, s8;
	s11 =	sshrl.u32 s11, $0x2  }
0xc: {  	s15 =	ssub.s32 s13, s31;
	s16 =	sadd.s32 s17, s16;
	s17 =	simm.s32 $0x2900  }
0xd: {  	s14 =	sadd.s32 s7, s6;
	s15 =	smax.u32 s15, $0x1;
	s12 =	sadd.s32 s10, s6  }
0xe: {  	s6 =	sadd.s32 s11, s3;
	s10 =	sadd.s32 s5, s10;
	s14 =	sadd.s32 $0x20C00, s14  }
0xf: {  	s7 =	sadd.s32 $0x16C00, s12;
	s8 =	sadd.s32 $0x4000, s6;
	s9 =	sadd.s32 $0x8000, s6  }
0x10: {  	v0 =	vimm.f32 $0.0e+00;
	s11 =	sadd.s32 $0xC000, s6;
	s12 =	sadd.s32 $0x10000, s6;
	s13 =	sadd.s32 $0x10, s10  }
.LBB2_1:
0x11: {  	[tilespmem:s4], [sflag:$0x1] =	stream.linear.gather [hbm4b:s7+s4], $0x2800, $0x38;
	[tilespmem:$0x1E900] =	vst v63  }
0x12: {  	s26 =	simm.s32 $0x0;
	s28 =	simm.s32 $0x200  }
.LBB2_2:
0x13: {  	p0 =	sne.s32 s28, $0xFE00;
	[tilespmem:s26+$0x2970] =	vst v0  }
0x14: {  	[tilespmem:s26+$0x2900] =	vst v0  }
0x15: {  	[tilespmem:s26+$0x2910] =	vst v0  }
.Ltmp0:
0x16: {  	[tilespmem:s26+$0x2920] =	vst v0;
	(pc) =	sbr.rel @p0 .LBB2_2-.Ltmp0, $4  }
0x17: {  	[tilespmem:s26+$0x2930] =	vst v0  }
0x18: {  	[tilespmem:s26+$0x2940] =	vst v0  }
0x19: {  	[tilespmem:s26+$0x2950] =	vst v0  }
0x1a: {  	[tilespmem:s26+$0x2960] =	vst v0;
	s26 =	sshra.s32 s28, $0x2;
	s28 =	sadd.s32 $0x200, s28  }
0x1b: {  	[tilespmem:s26+$0x2970] =	vst v0  }
0x1c: {  	[tilespmem:s26+$0x2900] =	vst v0  }
0x1d: {  	[tilespmem:s26+$0x2910] =	vst v0  }
0x1e: {  	[tilespmem:s26+$0x2920] =	vst v0  }
0x1f: {  	[tilespmem:s26+$0x2930] =	vst v0  }
0x20: {  	[tilespmem:s26+$0x2940] =	vst v0  }
0x21: {  	[tilespmem:s26+$0x2950] =	vst v0  }
0x22: {  	[tilespmem:s26+$0x2960] =	vst v0  }
0x23: {  	[spmem:s6] =	stream.linear.scatter [tilespmem:s17], [sflag:$0x3], $0x4000, $0x38;
	[tilespmem:$0x1E900] =	vst v63  }
0x24: {  	_ =	swait.ge [sflag:s18], $0x4000  }
0x25: {  	[sflag:s18] =	ssyncset.done $0x0  }
0x26: {  	[sflag:s18] =	ssyncadd.s32 $0xFFFFC000  }
0x27: {  	[spmem:s8] =	stream.linear.scatter [tilespmem:s17], [sflag:$0x3], $0x4000, $0x38;
	[tilespmem:$0x1E900] =	vst v63  }
0x28: {  	_ =	swait.ge [sflag:s18], $0x4000  }
0x29: {  	[sflag:s18] =	ssyncset.done $0x0  }
0x2a: {  	[sflag:s18] =	ssyncadd.s32 $0xFFFFC000  }
0x2b: {  	[spmem:s9] =	stream.linear.scatter [tilespmem:s17], [sflag:$0x3], $0x4000, $0x38;
	[tilespmem:$0x1E900] =	vst v63  }
0x2c: {  	_ =	swait.ge [sflag:s18], $0x4000  }
0x2d: {  	[sflag:s18] =	ssyncset.done $0x0  }
0x2e: {  	[sflag:s18] =	ssyncadd.s32 $0xFFFFC000  }
0x2f: {  	[spmem:s11] =	stream.linear.scatter [tilespmem:s17], [sflag:$0x3], $0x4000, $0x38;
	[tilespmem:$0x1E900] =	vst v63  }
0x30: {  	_ =	swait.ge [sflag:s18], $0x4000  }
0x31: {  	[sflag:s18] =	ssyncset.done $0x0  }
0x32: {  	[sflag:s18] =	ssyncadd.s32 $0xFFFFC000  }
0x33: {  	[spmem:s12] =	stream.linear.scatter [tilespmem:s17], [sflag:$0x3], $0x4000, $0x38;
	[tilespmem:$0x1E900] =	vst v63  }
0x34: {  	_ =	swait.ge [sflag:s18], $0x4000  }
0x35: {  	[sflag:s18] =	ssyncset.done $0x0  }
0x36: {  	[sflag:s18] =	ssyncadd.s32 $0xFFFFC000  }
0x37: {  	_ =	swait.ge [sflag:s19], $0x2800  }
0x38: {  	[sflag:s19] =	ssyncset.done $0x0  }
0x39: {  	[sflag:s19] =	ssyncadd.s32 $0xFFFFD800  }
0x3a: {  	[bflag:$0x0] =	sbarrier.arrive $0xFFFF  }
0x3b: {  	[tilespmem:s17], [sflag:$0x1] =	stream.indirect.gather [hbm4b:s1+s20], $0x80, s4, s20, $0xb8;
	[tilespmem:$0x1E900] =	vst v63  }
0x3c: {  	_ = 	snop  }
0x3d: {  	[tilespmem:s21], [sflag:$0x2] =	stream.linear.gather [hbm4b:s10+s4], $0x80, $0x38;
	[tilespmem:$0x1E900] =	vst v63  }
0x3e: {  	_ = 	snop  }
0x3f: {  	[tilespmem:s22], [sflag:$0x1] =	stream.indirect.gather [hbm4b:s1+s20], $0x80, s20, s20, $0xb8;
	[tilespmem:$0x1E900] =	vst v63  }
0x40: {  	_ = 	snop  }
0x41: {  	[tilespmem:s23], [sflag:$0x2] =	stream.linear.gather [hbm4b:s13+s4], $0x80, $0x38;
	[tilespmem:$0x1E900] =	vst v63  }
0x42: {  	_ =	swait.ge [sflag:s19], $0x4000  }
0x43: {  	[sflag:s19] =	ssyncset.done $0x0  }
0x44: {  	[sflag:s19] =	ssyncadd.s32 $0xFFFFC000  }
0x45: {  	_ =	swait.ge [sflag:s24], $0x80  }
0x46: {  	[sflag:s24] =	ssyncset.done $0x0  }
0x47: {  	s26 =	simm.s32 $0x100;
	[sflag:s24] =	ssyncadd.s32 $0xFFFFFF80  }
0x48: {  	[spmem:s3] =	stream.indirect.scatter.add.f32 [tilespmem:s17], [sflag:$0x3], $0x80, s21, s20, $0xb8;
	[tilespmem:$0x1E900] =	vst v63  }
0x49: {  	s28 =	sadd.s32 $0x30, s16;
	s29 =	simm.s32 $0x20;
	_ =	swait.ge [sflag:s18], $0x4000  }
0x4a: {  	s30 =	sadd.s32 $0xFFFFFFF0, s28;
	s29 =	sand.u32 $0x60, s29;
	[sflag:s18] =	ssyncset.done $0x0  }
0x4b: {  	s30 =	sand.u32 $0xFFFFF80, s30;
	s29 =	sadd.s32 s5, s29;
	[sflag:s18] =	ssyncadd.s32 $0xFFFFC000  }
0x4c: {  	[tilespmem:s17], [sflag:$0x1] =	stream.indirect.gather [hbm4b:s1+s20], $0x80, s26, s20, $0xb8;
	[tilespmem:$0x1E900] =	vst v63  }
0x4d: {  	s29 =	sadd.s32 s30, s29  }
0x4e: {  	[tilespmem:s21], [sflag:$0x2] =	stream.linear.gather [hbm4b:s29+s4], $0x80, $0x38;
	[tilespmem:$0x1E900] =	vst v63  }
0x4f: {  	_ =	swait.ge [sflag:s19], $0x4000  }
0x50: {  	[sflag:s19] =	ssyncset.done $0x0  }
0x51: {  	[sflag:s19] =	ssyncadd.s32 $0xFFFFC000  }
0x52: {  	_ =	swait.ge [sflag:s24], $0x80  }
0x53: {  	[sflag:s24] =	ssyncset.done $0x0  }
0x54: {  	s29 =	simm.s32 $0x30;
	[sflag:s24] =	ssyncadd.s32 $0xFFFFFF80  }
0x55: {  	[spmem:s3] =	stream.indirect.scatter.add.f32 [tilespmem:s22], [sflag:$0x3], $0x80, s23, s20, $0xb8;
	[tilespmem:$0x1E900] =	vst v63  }
0x56: {  	s2 =	simm.s32 $0x180;
	s29 =	sand.u32 $0x70, s29;
	_ =	swait.ge [sflag:s18], $0x4000  }
0x57: {  	s31 =	sand.u32 $0xFFFFF80, s28;
	s29 =	sadd.s32 s5, s29;
	[sflag:s18] =	ssyncset.done $0x0  }
0x58: {  	s28 =	simm.s32 $0x50;
	s29 =	sadd.s32 s31, s29;
	[sflag:s18] =	ssyncadd.s32 $0xFFFFC000  }
0x59: {  	[tilespmem:s22], [sflag:$0x1] =	stream.indirect.gather [hbm4b:s1+s20], $0x80, s2, s20, $0xb8;
	[tilespmem:$0x1E900] =	vst v63  }
.LBB2_4:
0x5a: {  	p0 =	sne.s32 s28, $0x4F0  }
0x5b: {  	s26 =	sadd.s32 $0x100, s26;
	s30 =	smov.u32 s28;
	s28 =	sadd.s32 $0x20, s28  }
0x5c: {  	[tilespmem:s23], [sflag:$0x2] =	stream.linear.gather [hbm4b:s29+s4], $0x80, $0x38;
	[tilespmem:$0x1E900] =	vst v63  }
0x5d: {  	_ =	swait.ge [sflag:s19], $0x4000  }
0x5e: {  	[sflag:s19] =	ssyncset.done $0x0  }
0x5f: {  	[sflag:s19] =	ssyncadd.s32 $0xFFFFC000  }
0x60: {  	_ =	swait.ge [sflag:s24], $0x80  }
0x61: {  	[sflag:s24] =	ssyncset.done $0x0  }
0x62: {  	[sflag:s24] =	ssyncadd.s32 $0xFFFFFF80  }
0x63: {  	[spmem:s3] =	stream.indirect.scatter.add.f32 [tilespmem:s17], [sflag:$0x3], $0x80, s21, s20, $0xb8;
	[tilespmem:$0x1E900] =	vst v63  }
0x64: {  	_ =	swait.ge [sflag:s18], $0x4000  }
0x65: {  	s29 =	sadd.s32 s30, s16;
	s31 =	sadd.s32 $0xFFFFFFF0, s30;
	[sflag:s18] =	ssyncset.done $0x0  }
0x66: {  	s2 =	sadd.s32 $0xFFFFFFF0, s29;
	s31 =	sand.u32 $0x60, s31;
	[sflag:s18] =	ssyncadd.s32 $0xFFFFC000  }
0x67: {  	s29 =	sand.u32 $0xFFFFF80, s29;
	s2 =	sand.u32 $0xFFFFF80, s2;
	s31 =	sadd.s32 s5, s31  }
0x68: {  	[tilespmem:s17], [sflag:$0x1] =	stream.indirect.gather [hbm4b:s1+s20], $0x80, s26, s20, $0xb8;
	[tilespmem:$0x1E900] =	vst v63  }
0x69: {  	s2 =	sadd.s32 s2, s31  }
0x6a: {  	[tilespmem:s21], [sflag:$0x2] =	stream.linear.gather [hbm4b:s2+s4], $0x80, $0x38;
	[tilespmem:$0x1E900] =	vst v63  }
0x6b: {  	_ =	swait.ge [sflag:s19], $0x4000  }
0x6c: {  	[sflag:s19] =	ssyncset.done $0x0  }
0x6d: {  	[sflag:s19] =	ssyncadd.s32 $0xFFFFC000  }
0x6e: {  	_ =	swait.ge [sflag:s24], $0x80  }
0x6f: {  	[sflag:s24] =	ssyncset.done $0x0  }
0x70: {  	[sflag:s24] =	ssyncadd.s32 $0xFFFFFF80  }
0x71: {  	[spmem:s3] =	stream.indirect.scatter.add.f32 [tilespmem:s22], [sflag:$0x3], $0x80, s23, s20, $0xb8;
	[tilespmem:$0x1E900] =	vst v63  }
.Ltmp1:
0x72: {  	_ = 	snop;
	(pc) =	sbr.rel @p0 .LBB2_4-.Ltmp1, $4  }
0x73: {  	s2 =	sand.u32 $0x70, s30;
	_ =	swait.ge [sflag:s18], $0x4000  }
0x74: {  	s30 =	sadd.s32 $0x80, s26;
	s2 =	sadd.s32 s5, s2;
	[sflag:s18] =	ssyncset.done $0x0  }
0x75: {  	s29 =	sadd.s32 s29, s2;
	[sflag:s18] =	ssyncadd.s32 $0xFFFFC000  }
0x76: {  	[tilespmem:s22], [sflag:$0x1] =	stream.indirect.gather [hbm4b:s1+s20], $0x80, s30, s20, $0xb8;
	[tilespmem:$0x1E900] =	vst v63  }
0x77: {  	[tilespmem:s23], [sflag:$0x2] =	stream.linear.gather [hbm4b:s29+s4], $0x80, $0x38;
	[tilespmem:$0x1E900] =	vst v63  }
0x78: {  	_ =	swait.ge [sflag:s19], $0x4000  }
0x79: {  	[sflag:s19] =	ssyncset.done $0x0  }
0x7a: {  	[sflag:s19] =	ssyncadd.s32 $0xFFFFC000  }
0x7b: {  	_ =	swait.ge [sflag:s24], $0x80  }
0x7c: {  	[sflag:s24] =	ssyncset.done $0x0  }
0x7d: {  	[sflag:s24] =	ssyncadd.s32 $0xFFFFFF80  }
0x7e: {  	[spmem:s3] =	stream.indirect.scatter.add.f32 [tilespmem:s17], [sflag:$0x3], $0x80, s21, s20, $0xb8;
	[tilespmem:$0x1E900] =	vst v63  }
0x7f: {  	_ =	swait.ge [sflag:s18], $0x4000  }
0x80: {  	[sflag:s18] =	ssyncset.done $0x0  }
0x81: {  	[sflag:s18] =	ssyncadd.s32 $0xFFFFC000  }
0x82: {  	_ =	swait.ge [sflag:s19], $0x4000  }
0x83: {  	[sflag:s19] =	ssyncset.done $0x0  }
0x84: {  	[sflag:s19] =	ssyncadd.s32 $0xFFFFC000  }
0x85: {  	_ =	swait.ge [sflag:s24], $0x80  }
0x86: {  	[sflag:s24] =	ssyncset.done $0x0  }
0x87: {  	[sflag:s24] =	ssyncadd.s32 $0xFFFFFF80  }
0x88: {  	[spmem:s3] =	stream.indirect.scatter.add.f32 [tilespmem:s22], [sflag:$0x3], $0x80, s23, s20, $0xb8;
	[tilespmem:$0x1E900] =	vst v63  }
0x89: {  	_ =	swait.ge [sflag:s18], $0x4000  }
0x8a: {  	s2 =	sshll.u32 s0, $0x6;
	s25 =	sadd.s32 $0x1, s25;
	[sflag:s18] =	ssyncset.done $0x0  }
0x8b: {  	s26 =	sshrl.u32 s6, $0x3;
	p0 =	sne.s32 s25, s15;
	[sflag:s18] =	ssyncadd.s32 $0xFFFFC000  }
.Ltmp2:
0x8c: {  	s2 =	sor.u32 $0x1C03, s2;
	[bflag:$0x0] =	sbarrier.arrive $0xFFFF;
	(pc) =	sbr.rel @p0 .LBB2_1-.Ltmp2, $4  }
0x8d: {  	[hbm:s14], [sflag:s2] =	dma.local [spmem:s26], $0x2800  }
0x8e: {  	_ =	swait.ge [sflag:s18], $0x2800  }
0x8f: {  	[sflag:s18] =	ssyncset.done $0x0  }
0x90: {  	[sflag:s18] =	ssyncadd.s32 $0xFFFFD800  }
0x91: {  	_ =	sfence.sel $0x180000  }
0x92: {  	[bflag:$0x0] =	sbarrier.arrive $0xFFFF  }
0x93: {  	_ =	strace $0x90000047  }
0x94: {  	[bflag:$0x2] =	sbarrier.arrive $0xFFFF  }
0x95: {  	p0 =	sne.s32 s0, $0x0;
	s0 =	rddreg [dreg:$0x3]  }
0x96: {  	s0 =	sadd.s32 @!p0 $0x100000, s0  }
0x97: {  	[sflag:s0] =	ssyncadd.tile.s32 @!p0 $0x1;
	_ =	shalt  }
.Lfunc_end2:
_tile_overlayer_lowered:
.L_overlay_start_2:
0x98: {  	(tag) =	ssettag $0x2  }
0x99: {  	s0 =	rddreg [dreg:$0x0];
	s2 =	stileid.u32  }
0x9a: {  	s1 =	rddreg [dreg:$0x1];
	p0 =	sne.s32 s2, $0x0  }
0x9b: {  	s3 =	rddreg [dreg:$0x2];
	[bflag:$0x3] =	sbarrier.arrive $0xFFFF;
	s2 =	simm.s32 @!p0 $0x1C03  }
0x9c: {  	[timem:s3], [sflag:s2] =	dma.local @!p0 [hbm:s0], s1  }
0x9d: {  	s0 =	simm.s32 @!p0 $0x3  }
0x9e: {  	_ =	swait.ge @!p0 [sflag:s0], s1  }
0x9f: {  	s1 =	ssub.s32 @!p0 $0x0, s1;
	[sflag:s0] =	ssyncset.done @!p0 $0x0  }
0xa0: {  	[sflag:s0] =	ssyncadd.s32 @!p0 s1  }
0xa1: {  	[bflag:$0x3] =	sbarrier.arrive $0xFFFF  }
0xa2: {  	_ =	shalt  }

// kernel: kernel.27.cloned.1.call-start
scs
__scs_entry_jumppad:
0x0: {  	(pc) =	sbr.rel $0x88, $3  }
0x1: {  	(tag) =	ssettag $0x0;
	lr =	simm.s32 $0x1  }
0x2: {  	[smem:$0x3F70] =	sst lr;
	_ =	strace $0xD0000000  }
0x3: {  	_ = 	snop  }
0x4: {  	_ = 	snop  }
0x5: {  	_ = 	snop  }
0x6: {  	_ = 	snop  }
0x7: {  	_ = 	snop  }
__scs_overlays_trampoline_lowered:
0x8: {  	[smem:$0x3F7F] =	sst s0  }
0x9: {  	[smem:$0x3F80] =	sst s1  }
0xa: {  	[smem:$0x3F81] =	sst s2  }
0xb: {  	[smem:$0x3F82] =	sst s3  }
0xc: {  	[smem:$0x3F83] =	sst s4  }
0xd: {  	[smem:$0x3F84] =	sst s5  }
0xe: {  	[smem:$0x3F85] =	sst s6  }
0xf: {  	[smem:$0x3F86] =	sst s7  }
0x10: {  	[smem:$0x3F87] =	sst s8  }
0x11: {  	[smem:$0x3F88] =	sst s9;
	s0 =	simm.s32 @!p0 $0x0  }
0x12: {  	s1 =	sld [smem:$0x3F6E];
	s0 =	simm.s32 @p0 $0x1  }
0x13: {  	[smem:$0x3F89] =	sst s0;
	s0 =	simm.s32 @!p1 $0x0  }
0x14: {  	s2 =	sld [smem:$0x3F6D];
	s0 =	simm.s32 @p1 $0x1  }
0x15: {  	[smem:$0x3F8A] =	sst s0;
	s0 =	simm.s32 @!p2 $0x0  }
0x16: {  	s3 =	sld [smem:$0x3FDB];
	s0 =	simm.s32 @p2 $0x1  }
0x17: {  	s4 =	simm.s32 $0x1BF5;
	[smem:$0x3F8C] =	sst s0  }
0x18: {  	s0 =	sld [smem:$0x3F6F];
	_ =	swait.ge [sflag:s4], $0x0  }
0x19: {  	s7 =	sld [smem:$0x3F70]  }
0x1a: {  	s8 =	sadd.s32 $0xFFFFE003, lr  }
0x1b: {  	s9 =	sadd.s32 $0xFFFFFEF7, lr;
	s5 =	simm.s32 $0xFFFFFFFF;
	p2 =	slt.u32 s8, $0xFFFFF086  }
0x1c: {  	p1 =	slt.u32 s9, $0xF7A;
	s5 =	simm.s32 @!p2 $0x0  }
0x1d: {  	s5 =	simm.s32 @p1 $0x1;
	p0 =	seq.s32 s7, s2  }
0x1e: {  	s7 =	smul.u32 @!p0 $0xF7A, s2;
	p2 =	seq.s32 @!p0 s5, $0x0  }
0x1f: {  	s9 =	smul.u32 $0xF7A, s1;
	s8 =	simm.s32 @!p0 $0x1BF5;
	p2 =	por !p2, p0  }
0x20: {  	[sflag:s8] =	ssyncset.s32 @!p0 $0xFFFFF086;
	s6 =	sadd.s32 @!p0 s3, s7;
	s7 =	simm.s32 @!p0 $0x108  }
0x21: {  	s3 =	sadd.s32 s3, s9;
	s6 =	sadd.s32 @!p0 $0x88, s6;
	s7 =	simm.s32 @p2 $0x1082  }
0x22: {  	[simem:s7], [sflag:s8] =	dma.local @!p0 [hbm:s6], $0xF7A  }
0x23: {  	s9 =	sor.u32 $0xD0000000, s2;
	s6 =	simm.s32 $0x108;
	_ =	swait.ge @!p0 [sflag:s8], $0x0  }
0x24: {  	s3 =	sadd.s32 $0x88, s3;
	s6 =	simm.s32 @!p1 $0x1082;
	[sflag:s4] =	ssyncset.s32 $0xFFFFF086  }
0x25: {  	[simem:s6], [sflag:s4] =	dma.local [hbm:s3], $0xF7A  }
0x26: {  	[smem:$0x3F70] =	sst s1;
	(tag) =	ssettag s2;
	_ =	strace s9  }
0x27: {  	s1 =	sld [smem:$0x3F80]  }
0x28: {  	s2 =	sld [smem:$0x3F81]  }
0x29: {  	s4 =	sld [smem:$0x3F83]  }
0x2a: {  	p0 =	seq.s32 s5, $0x0;
	s5 =	sld [smem:$0x3F84]  }
0x2b: {  	s6 =	sld [smem:$0x3F85]  }
0x2c: {  	s7 =	sld [smem:$0x3F86]  }
0x2d: {  	s3 =	simm.s32 $0x108;
	s8 =	sld [smem:$0x3F87]  }
0x2e: {  	s3 =	simm.s32 @!p0 $0x1082;
	s9 =	sld [smem:$0x3F88]  }
0x2f: {  	lr =	sadd.s32 s0, s3;
	s0 =	sld [smem:$0x3F7F]  }
0x30: {  	s3 =	sld [smem:$0x3F82]  }
0x31: {  	[smem:$0x3F8B] =	sst s10  }
0x32: {  	s10 =	sld [smem:$0x3F89];
	_ =	sdelay $0x3  }
0x33: {  	p0 =	seq.s32 s10, $0x1;
	s10 =	sld [smem:$0x3F8B];
	_ =	sdelay $0x3  }
0x34: {  	[smem:$0x3F8B] =	sst s10  }
0x35: {  	s10 =	sld [smem:$0x3F8A];
	_ =	sdelay $0x3  }
0x36: {  	p1 =	seq.s32 s10, $0x1;
	s10 =	sld [smem:$0x3F8B];
	_ =	sdelay $0x3  }
0x37: {  	[smem:$0x3F8B] =	sst s10  }
0x38: {  	s10 =	sld [smem:$0x3F8C]  }
0x39: {  	_ = 	snop;
	(pc) =	sbr.ind lr, $3  }
0x3a: {  	_ = 	snop  }
0x3b: {  	_ = 	snop  }
0x3c: {  	p2 =	seq.s32 s10, $0x1;
	s10 =	sld [smem:$0x3F8B]  }
0x3d: {  	_ =	shalt  }
0x3e: {  	_ =	shalt  }
0x3f: {  	_ =	shalt  }
0x40: {  	_ =	shalt  }
0x41: {  	_ =	shalt  }
0x42: {  	_ =	shalt  }
0x43: {  	_ =	shalt  }
0x44: {  	_ =	shalt  }
0x45: {  	_ =	shalt  }
0x46: {  	_ =	shalt  }
0x47: {  	_ =	shalt  }
0x48: {  	_ =	shalt  }
0x49: {  	_ =	shalt  }
0x4a: {  	_ =	shalt  }
0x4b: {  	_ =	shalt  }
0x4c: {  	_ =	shalt  }
0x4d: {  	_ =	shalt  }
0x4e: {  	_ =	shalt  }
0x4f: {  	_ =	shalt  }
0x50: {  	_ =	shalt  }
0x51: {  	_ =	shalt  }
0x52: {  	_ =	shalt  }
0x53: {  	_ =	shalt  }
0x54: {  	_ =	shalt  }
0x55: {  	_ =	shalt  }
0x56: {  	_ =	shalt  }
0x57: {  	_ =	shalt  }
0x58: {  	_ =	shalt  }
0x59: {  	_ =	shalt  }
0x5a: {  	_ =	shalt  }
0x5b: {  	_ =	shalt  }
0x5c: {  	_ =	shalt  }
0x5d: {  	_ =	shalt  }
0x5e: {  	_ =	shalt  }
0x5f: {  	_ =	shalt  }
0x60: {  	_ =	shalt  }
0x61: {  	_ =	shalt  }
0x62: {  	_ =	shalt  }
0x63: {  	_ =	shalt  }
0x64: {  	_ =	shalt  }
0x65: {  	_ =	shalt  }
0x66: {  	_ =	shalt  }
0x67: {  	_ =	shalt  }
0x68: {  	_ =	shalt  }
0x69: {  	_ =	shalt  }
0x6a: {  	_ =	shalt  }
0x6b: {  	_ =	shalt  }
0x6c: {  	_ =	shalt  }
0x6d: {  	_ =	shalt  }
0x6e: {  	_ =	shalt  }
0x6f: {  	_ =	shalt  }
0x70: {  	_ =	shalt  }
0x71: {  	_ =	shalt  }
0x72: {  	_ =	shalt  }
0x73: {  	_ =	shalt  }
0x74: {  	_ =	shalt  }
0x75: {  	_ =	shalt  }
0x76: {  	_ =	shalt  }
0x77: {  	_ =	shalt  }
0x78: {  	_ =	shalt  }
0x79: {  	_ =	shalt  }
0x7a: {  	_ =	shalt  }
0x7b: {  	_ =	shalt  }
0x7c: {  	_ =	shalt  }
0x7d: {  	_ =	shalt  }
0x7e: {  	_ =	shalt  }
0x7f: {  	_ =	shalt  }
0x80: {  	_ =	shalt  }
0x81: {  	_ =	shalt  }
0x82: {  	_ =	shalt  }
0x83: {  	_ =	shalt  }
0x84: {  	_ =	shalt  }
0x85: {  	_ =	shalt  }
0x86: {  	_ =	shalt  }
0x87: {  	_ =	shalt  }
.Lfunc_end0:
.L_simem_size_0:
called_computation.1_lowered:
.L_overlay_start_0:
0x88: {  	s2 =	sld [smem:$0x3FD9]  }
0x89: {  	s3 =	sld [smem:$0x3FFE];
	_ =	sdelay $0x1  }
0x8a: {  	s1 =	srdreg.scid  }
0x8b: {  	s0 =	sand.u32 $0x1, s1  }
0x8c: {  	s16 =	sshll.u32 s0, $0xA;
	s2 =	sadd.s32 s3, s2  }
0x8d: {  	s2 =	sadd.s32 s2, s16  }
0x8e: {  	[smem:$0x3F97] =	sst s2  }
0x8f: {  	_ = 	snop  }
0x90: {  	(tm) =	ssettm $0x1  }
0x91: {  	s17 =	sld [smem:$0x3FFB];
	_ =	sdelay $0x3  }
0x92: {  	_ =	strace s17  }
0x93: {  	s2 =	sld [smem:$0x3FFC];
	_ =	sdelay $0x3  }
0x94: {  	_ =	strace s2  }
0x95: {  	s2 =	sld [smem:$0x3FFD];
	_ =	sdelay $0x3  }
0x96: {  	_ =	strace s2  }
0x97: {  	_ =	strace $0x8FFFFFFF  }
0x98: {  	s18 =	sld [smem:$0x3FDB];
	_ =	sdelay $0x1  }
0x99: {  	s19 =	simm.s32 $_scs_section_size  }
0x9a: {  	s4 =	simm.s32 $_size__tile_overlayer_lowered;
	s5 =	simm.s32 $_tile_overlayer_lowered  }
0x9b: {  	s22 =	simm.s32 $0x1BFF;
	s21 =	sshll.u32 s5, $0x1;
	s2 =	sadd.s32 s19, s18  }
0x9c: {  	s6 =	simm.s32 $0x0;
	s20 =	sshll.u32 s4, $0x1;
	s4 =	sadd.s32 s21, s2  }
0x9d: {  	[timem:s6], [sflag:s22] =	dma.local [hbm:s4], s20  }
0x9e: {  	_ =	swait.ge [sflag:s22], s20  }
0x9f: {  	s3 =	ssub.s32 $0x0, s20;
	[sflag:s22] =	ssyncset.done $0x0  }
0xa0: {  	[sflag:s22] =	ssyncadd.s32 s3;
	_ =	sdelay $0x1  }
0xa1: {  	s23 =	simm.s32 $0x1B8B  }
0xa2: {  	_ =	swait.ge [sflag:s23], $0x1  }
0xa3: {  	[sflag:s23] =	ssyncset.done $0x0  }
0xa4: {  	s25 =	simm.s32 $0x1B8E;
	s24 =	sld [smem:$0x3FFE];
	[sflag:s23] =	ssyncadd.s32 $0xFFFFFFFF  }
0xa5: {  	s26 =	simm.s32 $execute0_lowered;
	[smem:$0x3FD2] =	sst s25  }
0xa6: {  	s4 =	sshll.u32 s26, $0x1;
	_ =	strace $0x80000049;
	[dreg:$0x1] =	wrdreg $0xFFFFFFFF  }
0xa7: {  	s28 =	simm.s32 $_size_execute0_lowered;
	s2 =	sadd.s32 s2, s4;
	[dreg:$0x0] =	wrdreg $0x0  }
0xa8: {  	s4 =	sshll.u32 s28, $0x1;
	[dreg:$0x2] =	wrdreg s2  }
0xa9: {  	[dreg:$0x3] =	wrdreg s4  }
0xaa: {  	[dreg:$0x4] =	wrdreg $0xC0  }
0xab: {  	_ =	task [dreg:s6], $0x5FFFF  }
0xac: {  	[dreg:$0x1] =	wrdreg $0xFFFFFFFF  }
0xad: {  	[dreg:$0x0] =	wrdreg $0x60  }
0xae: {  	[dreg:$0x2] =	wrdreg s24  }
0xaf: {  	[dreg:$0x3] =	wrdreg $0xA9000  }
0xb0: {  	[dreg:$0x4] =	wrdreg $0x9  }
0xb1: {  	_ =	task.clear_ibuf [dreg:s6], $0x5FFFF;
	_ =	strace $0x90000049  }
0xb2: {  	s29 =	simm.s32 $0x9;
	_ =	strace $0x8000004B  }
0xb3: {  	_ =	swait.ge [sflag:s29], $0x1  }
0xb4: {  	[sflag:s29] =	ssyncadd.s32 $0xFFFFFFFF  }
0xb5: {  	_ =	strace $0x9000004B  }
0xb6: {  	_ =	sfence  }
0xb7: {  	s30 =	sld [smem:$0x0];
	_ =	sdelay $0x2  }
0xb8: {  	s31 =	sshll.u32 s1, $0xD;
	s1 =	sshrl.u32 s1, $0x2  }
0xb9: {  	s3 =	sand.u32 $0x4000, s31;
	s1 =	sadd.s32 s1, s30  }
0xba: {  	s0 =	sor.u32 s3, s0;
	s1 =	sshll.u32 s1, $0x11  }
0xbb: {  	s0 =	sor.u32 s1, s0  }
0xbc: {  	s0 =	sadd.s32 $0x8F2B, s0  }
0xbd: {  	[sflag:s0] =	ssyncadd.remote.s32 $0x1  }
0xbe: {  	_ =	sfence.sel $0xFFFF  }
0xbf: {  	[dreg:$0x0] =	wrdreg $0xFFFFFFFF;
	(pc) =	sbr.abs _section_cstart, $3  }
0xc0: {  	[dreg:$0x1] =	wrdreg $0xFFFFFFFF  }
0xc1: {  	_ =	task.clear_ibuf [dreg:s6], $0x2FFFF;
	_ =	strace $0x9FFFFFFF  }
0xc2: {  	(tm) =	ssettm $0x7FFFFFFF  }
0xc3: {  	_ =	shalt  }
tec
execute0_lowered:
.L_overlay_start_1:
0x0: {  	(tag) =	ssettag $0x1  }
0x1: {  	s6 =	rddreg [dreg:$0x0]  }
0x2: {  	s0 =	srdreg.scid;
	s2 =	rddreg [dreg:$0x1]  }
0x3: {  	s3 =	simm.s32 $0x0;
	s18 =	simm.s32 $0x3;
	s19 =	simm.s32 $0x1  }
0x4: {  	s20 =	simm.s32 $0x80;
	s21 =	simm.s32 $0x2800;
	s22 =	simm.s32 $0x6900  }
0x5: {  	s23 =	simm.s32 $0x2880;
	s9 =	sand.u32 $0x1, s0;
	s0 =	stileid.u32  }
0x6: {  	s24 =	simm.s32 $0x2;
	s25 =	simm.s32 $0x0;
	s7 =	smul.u32 $0x2800, s0  }
0x7: {  	[smem:$0x7FF] =	sst s3;
	s4 =	sadd.s32 $0x20C00, s6;
	s8 =	smul.u32 $0x28000, s9  }
0x8: {  	s5 =	sadd.s32 $0xCC00, s6;
	s1 =	sshll.u32 s9, $0x4;
	s11 =	smul.u32 $0x50000, s0  }
0x9: {  	_ =	strace $0x8000004A;
	s13 =	ssub.s32 $0x2, s9;
	s16 =	smul.u32 $0x5000, s9  }
0xa: {  	s17 =	smul.u32 $0x500, s0;
	s1 =	sor.u32 s0, s1;
	s31 =	sshrl.u32 s13, $0x1  }
0xb: {  	s10 =	smul.u32 $0x500, s1;
	s7 =	sadd.s32 s7, s8;
	s11 =	sshrl.u32 s11, $0x2  }
0xc: {  	s15 =	ssub.s32 s13, s31;
	s16 =	sadd.s32 s17, s16;
	s17 =	simm.s32 $0x2900  }
0xd: {  	s14 =	sadd.s32 s7, s6;
	s15 =	smax.u32 s15, $0x1;
	s12 =	sadd.s32 s10, s6  }
0xe: {  	s6 =	sadd.s32 s11, s2;
	s10 =	sadd.s32 s5, s10;
	s14 =	sadd.s32 $0x47E00, s14  }
0xf: {  	s7 =	sadd.s32 $0x16C00, s12;
	s8 =	sadd.s32 $0x4000, s6;
	s9 =	sadd.s32 $0x8000, s6  }
0x10: {  	v0 =	vimm.f32 $0.0e+00;
	s11 =	sadd.s32 $0xC000, s6;
	s12 =	sadd.s32 $0x10000, s6;
	s13 =	sadd.s32 $0x10, s10  }
.LBB2_1:
0x11: {  	[tilespmem:s3], [sflag:$0x1] =	stream.linear.gather [hbm4b:s7+s3], $0x2800, $0x38;
	[tilespmem:$0x1E900] =	vst v63  }
0x12: {  	s26 =	simm.s32 $0x0;
	s28 =	simm.s32 $0x200  }
.LBB2_2:
0x13: {  	p0 =	sne.s32 s28, $0xFE00;
	[tilespmem:s26+$0x2970] =	vst v0  }
0x14: {  	[tilespmem:s26+$0x2900] =	vst v0  }
0x15: {  	[tilespmem:s26+$0x2910] =	vst v0  }
.Ltmp0:
0x16: {  	[tilespmem:s26+$0x2920] =	vst v0;
	(pc) =	sbr.rel @p0 .LBB2_2-.Ltmp0, $4  }
0x17: {  	[tilespmem:s26+$0x2930] =	vst v0  }
0x18: {  	[tilespmem:s26+$0x2940] =	vst v0  }
0x19: {  	[tilespmem:s26+$0x2950] =	vst v0  }
0x1a: {  	[tilespmem:s26+$0x2960] =	vst v0;
	s26 =	sshra.s32 s28, $0x2;
	s28 =	sadd.s32 $0x200, s28  }
0x1b: {  	[tilespmem:s26+$0x2970] =	vst v0  }
0x1c: {  	[tilespmem:s26+$0x2900] =	vst v0  }
0x1d: {  	[tilespmem:s26+$0x2910] =	vst v0  }
0x1e: {  	[tilespmem:s26+$0x2920] =	vst v0  }
0x1f: {  	[tilespmem:s26+$0x2930] =	vst v0  }
0x20: {  	[tilespmem:s26+$0x2940] =	vst v0  }
0x21: {  	[tilespmem:s26+$0x2950] =	vst v0  }
0x22: {  	[tilespmem:s26+$0x2960] =	vst v0  }
0x23: {  	[spmem:s6] =	stream.linear.scatter [tilespmem:s17], [sflag:$0x3], $0x4000, $0x38;
	[tilespmem:$0x1E900] =	vst v63  }
0x24: {  	_ =	swait.ge [sflag:s18], $0x4000  }
0x25: {  	[sflag:s18] =	ssyncset.done $0x0  }
0x26: {  	[sflag:s18] =	ssyncadd.s32 $0xFFFFC000  }
0x27: {  	[spmem:s8] =	stream.linear.scatter [tilespmem:s17], [sflag:$0x3], $0x4000, $0x38;
	[tilespmem:$0x1E900] =	vst v63  }
0x28: {  	_ =	swait.ge [sflag:s18], $0x4000  }
0x29: {  	[sflag:s18] =	ssyncset.done $0x0  }
0x2a: {  	[sflag:s18] =	ssyncadd.s32 $0xFFFFC000  }
0x2b: {  	[spmem:s9] =	stream.linear.scatter [tilespmem:s17], [sflag:$0x3], $0x4000, $0x38;
	[tilespmem:$0x1E900] =	vst v63  }
0x2c: {  	_ =	swait.ge [sflag:s18], $0x4000  }
0x2d: {  	[sflag:s18] =	ssyncset.done $0x0  }
0x2e: {  	[sflag:s18] =	ssyncadd.s32 $0xFFFFC000  }
0x2f: {  	[spmem:s11] =	stream.linear.scatter [tilespmem:s17], [sflag:$0x3], $0x4000, $0x38;
	[tilespmem:$0x1E900] =	vst v63  }
0x30: {  	_ =	swait.ge [sflag:s18], $0x4000  }
0x31: {  	[sflag:s18] =	ssyncset.done $0x0  }
0x32: {  	[sflag:s18] =	ssyncadd.s32 $0xFFFFC000  }
0x33: {  	[spmem:s12] =	stream.linear.scatter [tilespmem:s17], [sflag:$0x3], $0x4000, $0x38;
	[tilespmem:$0x1E900] =	vst v63  }
0x34: {  	_ =	swait.ge [sflag:s18], $0x4000  }
0x35: {  	[sflag:s18] =	ssyncset.done $0x0  }
0x36: {  	[sflag:s18] =	ssyncadd.s32 $0xFFFFC000  }
0x37: {  	_ =	swait.ge [sflag:s19], $0x2800  }
0x38: {  	[sflag:s19] =	ssyncset.done $0x0  }
0x39: {  	[sflag:s19] =	ssyncadd.s32 $0xFFFFD800  }
0x3a: {  	[bflag:$0x0] =	sbarrier.arrive $0xFFFF  }
0x3b: {  	[tilespmem:s17], [sflag:$0x1] =	stream.indirect.gather [hbm4b:s4+s20], $0x80, s3, s20, $0xb8;
	[tilespmem:$0x1E900] =	vst v63  }
0x3c: {  	_ = 	snop  }
0x3d: {  	[tilespmem:s21], [sflag:$0x2] =	stream.linear.gather [hbm4b:s10+s3], $0x80, $0x38;
	[tilespmem:$0x1E900] =	vst v63  }
0x3e: {  	_ = 	snop  }
0x3f: {  	[tilespmem:s22], [sflag:$0x1] =	stream.indirect.gather [hbm4b:s4+s20], $0x80, s20, s20, $0xb8;
	[tilespmem:$0x1E900] =	vst v63  }
0x40: {  	_ = 	snop  }
0x41: {  	[tilespmem:s23], [sflag:$0x2] =	stream.linear.gather [hbm4b:s13+s3], $0x80, $0x38;
	[tilespmem:$0x1E900] =	vst v63  }
0x42: {  	_ =	swait.ge [sflag:s19], $0x4000  }
0x43: {  	[sflag:s19] =	ssyncset.done $0x0  }
0x44: {  	[sflag:s19] =	ssyncadd.s32 $0xFFFFC000  }
0x45: {  	_ =	swait.ge [sflag:s24], $0x80  }
0x46: {  	[sflag:s24] =	ssyncset.done $0x0  }
0x47: {  	s26 =	simm.s32 $0x100;
	[sflag:s24] =	ssyncadd.s32 $0xFFFFFF80  }
0x48: {  	[spmem:s2] =	stream.indirect.scatter.add.f32 [tilespmem:s17], [sflag:$0x3], $0x80, s21, s20, $0xb8;
	[tilespmem:$0x1E900] =	vst v63  }
0x49: {  	s28 =	sadd.s32 $0x30, s16;
	s29 =	simm.s32 $0x20;
	_ =	swait.ge [sflag:s18], $0x4000  }
0x4a: {  	s30 =	sadd.s32 $0xFFFFFFF0, s28;
	s29 =	sand.u32 $0x60, s29;
	[sflag:s18] =	ssyncset.done $0x0  }
0x4b: {  	s30 =	sand.u32 $0xFFFFF80, s30;
	s29 =	sadd.s32 s5, s29;
	[sflag:s18] =	ssyncadd.s32 $0xFFFFC000  }
0x4c: {  	[tilespmem:s17], [sflag:$0x1] =	stream.indirect.gather [hbm4b:s4+s20], $0x80, s26, s20, $0xb8;
	[tilespmem:$0x1E900] =	vst v63  }
0x4d: {  	s29 =	sadd.s32 s30, s29  }
0x4e: {  	[tilespmem:s21], [sflag:$0x2] =	stream.linear.gather [hbm4b:s29+s3], $0x80, $0x38;
	[tilespmem:$0x1E900] =	vst v63  }
0x4f: {  	_ =	swait.ge [sflag:s19], $0x4000  }
0x50: {  	[sflag:s19] =	ssyncset.done $0x0  }
0x51: {  	[sflag:s19] =	ssyncadd.s32 $0xFFFFC000  }
0x52: {  	_ =	swait.ge [sflag:s24], $0x80  }
0x53: {  	[sflag:s24] =	ssyncset.done $0x0  }
0x54: {  	s29 =	simm.s32 $0x30;
	[sflag:s24] =	ssyncadd.s32 $0xFFFFFF80  }
0x55: {  	[spmem:s2] =	stream.indirect.scatter.add.f32 [tilespmem:s22], [sflag:$0x3], $0x80, s23, s20, $0xb8;
	[tilespmem:$0x1E900] =	vst v63  }
0x56: {  	s1 =	simm.s32 $0x180;
	s29 =	sand.u32 $0x70, s29;
	_ =	swait.ge [sflag:s18], $0x4000  }
0x57: {  	s31 =	sand.u32 $0xFFFFF80, s28;
	s29 =	sadd.s32 s5, s29;
	[sflag:s18] =	ssyncset.done $0x0  }
0x58: {  	s28 =	simm.s32 $0x50;
	s29 =	sadd.s32 s31, s29;
	[sflag:s18] =	ssyncadd.s32 $0xFFFFC000  }
0x59: {  	[tilespmem:s22], [sflag:$0x1] =	stream.indirect.gather [hbm4b:s4+s20], $0x80, s1, s20, $0xb8;
	[tilespmem:$0x1E900] =	vst v63  }
.LBB2_4:
0x5a: {  	p0 =	sne.s32 s28, $0x4F0  }
0x5b: {  	s26 =	sadd.s32 $0x100, s26;
	s30 =	smov.u32 s28;
	s28 =	sadd.s32 $0x20, s28  }
0x5c: {  	[tilespmem:s23], [sflag:$0x2] =	stream.linear.gather [hbm4b:s29+s3], $0x80, $0x38;
	[tilespmem:$0x1E900] =	vst v63  }
0x5d: {  	_ =	swait.ge [sflag:s19], $0x4000  }
0x5e: {  	[sflag:s19] =	ssyncset.done $0x0  }
0x5f: {  	[sflag:s19] =	ssyncadd.s32 $0xFFFFC000  }
0x60: {  	_ =	swait.ge [sflag:s24], $0x80  }
0x61: {  	[sflag:s24] =	ssyncset.done $0x0  }
0x62: {  	[sflag:s24] =	ssyncadd.s32 $0xFFFFFF80  }
0x63: {  	[spmem:s2] =	stream.indirect.scatter.add.f32 [tilespmem:s17], [sflag:$0x3], $0x80, s21, s20, $0xb8;
	[tilespmem:$0x1E900] =	vst v63  }
0x64: {  	_ =	swait.ge [sflag:s18], $0x4000  }
0x65: {  	s29 =	sadd.s32 s30, s16;
	s31 =	sadd.s32 $0xFFFFFFF0, s30;
	[sflag:s18] =	ssyncset.done $0x0  }
0x66: {  	s1 =	sadd.s32 $0xFFFFFFF0, s29;
	s31 =	sand.u32 $0x60, s31;
	[sflag:s18] =	ssyncadd.s32 $0xFFFFC000  }
0x67: {  	s29 =	sand.u32 $0xFFFFF80, s29;
	s1 =	sand.u32 $0xFFFFF80, s1;
	s31 =	sadd.s32 s5, s31  }
0x68: {  	[tilespmem:s17], [sflag:$0x1] =	stream.indirect.gather [hbm4b:s4+s20], $0x80, s26, s20, $0xb8;
	[tilespmem:$0x1E900] =	vst v63  }
0x69: {  	s1 =	sadd.s32 s1, s31  }
0x6a: {  	[tilespmem:s21], [sflag:$0x2] =	stream.linear.gather [hbm4b:s1+s3], $0x80, $0x38;
	[tilespmem:$0x1E900] =	vst v63  }
0x6b: {  	_ =	swait.ge [sflag:s19], $0x4000  }
0x6c: {  	[sflag:s19] =	ssyncset.done $0x0  }
0x6d: {  	[sflag:s19] =	ssyncadd.s32 $0xFFFFC000  }
0x6e: {  	_ =	swait.ge [sflag:s24], $0x80  }
0x6f: {  	[sflag:s24] =	ssyncset.done $0x0  }
0x70: {  	[sflag:s24] =	ssyncadd.s32 $0xFFFFFF80  }
0x71: {  	[spmem:s2] =	stream.indirect.scatter.add.f32 [tilespmem:s22], [sflag:$0x3], $0x80, s23, s20, $0xb8;
	[tilespmem:$0x1E900] =	vst v63  }
.Ltmp1:
0x72: {  	_ = 	snop;
	(pc) =	sbr.rel @p0 .LBB2_4-.Ltmp1, $4  }
0x73: {  	s1 =	sand.u32 $0x70, s30;
	_ =	swait.ge [sflag:s18], $0x4000  }
0x74: {  	s30 =	sadd.s32 $0x80, s26;
	s1 =	sadd.s32 s5, s1;
	[sflag:s18] =	ssyncset.done $0x0  }
0x75: {  	s29 =	sadd.s32 s29, s1;
	[sflag:s18] =	ssyncadd.s32 $0xFFFFC000  }
0x76: {  	[tilespmem:s22], [sflag:$0x1] =	stream.indirect.gather [hbm4b:s4+s20], $0x80, s30, s20, $0xb8;
	[tilespmem:$0x1E900] =	vst v63  }
0x77: {  	[tilespmem:s23], [sflag:$0x2] =	stream.linear.gather [hbm4b:s29+s3], $0x80, $0x38;
	[tilespmem:$0x1E900] =	vst v63  }
0x78: {  	_ =	swait.ge [sflag:s19], $0x4000  }
0x79: {  	[sflag:s19] =	ssyncset.done $0x0  }
0x7a: {  	[sflag:s19] =	ssyncadd.s32 $0xFFFFC000  }
0x7b: {  	_ =	swait.ge [sflag:s24], $0x80  }
0x7c: {  	[sflag:s24] =	ssyncset.done $0x0  }
0x7d: {  	[sflag:s24] =	ssyncadd.s32 $0xFFFFFF80  }
0x7e: {  	[spmem:s2] =	stream.indirect.scatter.add.f32 [tilespmem:s17], [sflag:$0x3], $0x80, s21, s20, $0xb8;
	[tilespmem:$0x1E900] =	vst v63  }
0x7f: {  	_ =	swait.ge [sflag:s18], $0x4000  }
0x80: {  	[sflag:s18] =	ssyncset.done $0x0  }
0x81: {  	[sflag:s18] =	ssyncadd.s32 $0xFFFFC000  }
0x82: {  	_ =	swait.ge [sflag:s19], $0x4000  }
0x83: {  	[sflag:s19] =	ssyncset.done $0x0  }
0x84: {  	[sflag:s19] =	ssyncadd.s32 $0xFFFFC000  }
0x85: {  	_ =	swait.ge [sflag:s24], $0x80  }
0x86: {  	[sflag:s24] =	ssyncset.done $0x0  }
0x87: {  	[sflag:s24] =	ssyncadd.s32 $0xFFFFFF80  }
0x88: {  	[spmem:s2] =	stream.indirect.scatter.add.f32 [tilespmem:s22], [sflag:$0x3], $0x80, s23, s20, $0xb8;
	[tilespmem:$0x1E900] =	vst v63  }
0x89: {  	_ =	swait.ge [sflag:s18], $0x4000  }
0x8a: {  	s1 =	sshll.u32 s0, $0x6;
	s25 =	sadd.s32 $0x1, s25;
	[sflag:s18] =	ssyncset.done $0x0  }
0x8b: {  	s26 =	sshrl.u32 s6, $0x3;
	p0 =	sne.s32 s25, s15;
	[sflag:s18] =	ssyncadd.s32 $0xFFFFC000  }
.Ltmp2:
0x8c: {  	s1 =	sor.u32 $0x1C03, s1;
	[bflag:$0x0] =	sbarrier.arrive $0xFFFF;
	(pc) =	sbr.rel @p0 .LBB2_1-.Ltmp2, $4  }
0x8d: {  	[hbm:s14], [sflag:s1] =	dma.local [spmem:s26], $0x2800  }
0x8e: {  	_ =	swait.ge [sflag:s18], $0x2800  }
0x8f: {  	[sflag:s18] =	ssyncset.done $0x0  }
0x90: {  	[sflag:s18] =	ssyncadd.s32 $0xFFFFD800  }
0x91: {  	_ =	sfence.sel $0x180000  }
0x92: {  	[bflag:$0x0] =	sbarrier.arrive $0xFFFF  }
0x93: {  	_ =	strace $0x9000004A  }
0x94: {  	[bflag:$0x2] =	sbarrier.arrive $0xFFFF  }
0x95: {  	p0 =	sne.s32 s0, $0x0;
	s0 =	rddreg [dreg:$0x2]  }
0x96: {  	s0 =	sadd.s32 @!p0 $0x100000, s0  }
0x97: {  	[sflag:s0] =	ssyncadd.tile.s32 @!p0 $0x1;
	_ =	shalt  }
.Lfunc_end2:
_tile_overlayer_lowered:
.L_overlay_start_2:
0x98: {  	(tag) =	ssettag $0x2  }
0x99: {  	s0 =	rddreg [dreg:$0x0];
	s2 =	stileid.u32  }
0x9a: {  	s1 =	rddreg [dreg:$0x1];
	p0 =	sne.s32 s2, $0x0  }
0x9b: {  	s3 =	rddreg [dreg:$0x2];
	[bflag:$0x3] =	sbarrier.arrive $0xFFFF;
	s2 =	simm.s32 @!p0 $0x1C03  }
0x9c: {  	[timem:s3], [sflag:s2] =	dma.local @!p0 [hbm:s0], s1  }
0x9d: {  	s0 =	simm.s32 @!p0 $0x3  }
0x9e: {  	_ =	swait.ge @!p0 [sflag:s0], s1  }
0x9f: {  	s1 =	ssub.s32 @!p0 $0x0, s1;
	[sflag:s0] =	ssyncset.done @!p0 $0x0  }
0xa0: {  	[sflag:s0] =	ssyncadd.s32 @!p0 s1  }
0xa1: {  	[bflag:$0x3] =	sbarrier.arrive $0xFFFF  }
0xa2: {  	_ =	shalt  }

// kernel: kernel.30.cloned.1.call-start
scs
__scs_entry_jumppad:
0x0: {  	(pc) =	sbr.rel $0x88, $3  }
0x1: {  	(tag) =	ssettag $0x0;
	lr =	simm.s32 $0x1  }
0x2: {  	[smem:$0x3F70] =	sst lr;
	_ =	strace $0xD0000000  }
0x3: {  	_ = 	snop  }
0x4: {  	_ = 	snop  }
0x5: {  	_ = 	snop  }
0x6: {  	_ = 	snop  }
0x7: {  	_ = 	snop  }
__scs_overlays_trampoline_lowered:
0x8: {  	[smem:$0x3F7F] =	sst s0  }
0x9: {  	[smem:$0x3F80] =	sst s1  }
0xa: {  	[smem:$0x3F81] =	sst s2  }
0xb: {  	[smem:$0x3F82] =	sst s3  }
0xc: {  	[smem:$0x3F83] =	sst s4  }
0xd: {  	[smem:$0x3F84] =	sst s5  }
0xe: {  	[smem:$0x3F85] =	sst s6  }
0xf: {  	[smem:$0x3F86] =	sst s7  }
0x10: {  	[smem:$0x3F87] =	sst s8  }
0x11: {  	[smem:$0x3F88] =	sst s9;
	s0 =	simm.s32 @!p0 $0x0  }
0x12: {  	s1 =	sld [smem:$0x3F6E];
	s0 =	simm.s32 @p0 $0x1  }
0x13: {  	[smem:$0x3F89] =	sst s0;
	s0 =	simm.s32 @!p1 $0x0  }
0x14: {  	s2 =	sld [smem:$0x3F6D];
	s0 =	simm.s32 @p1 $0x1  }
0x15: {  	[smem:$0x3F8A] =	sst s0;
	s0 =	simm.s32 @!p2 $0x0  }
0x16: {  	s3 =	sld [smem:$0x3FDB];
	s0 =	simm.s32 @p2 $0x1  }
0x17: {  	s4 =	simm.s32 $0x1BF5;
	[smem:$0x3F8C] =	sst s0  }
0x18: {  	s0 =	sld [smem:$0x3F6F];
	_ =	swait.ge [sflag:s4], $0x0  }
0x19: {  	s7 =	sld [smem:$0x3F70]  }
0x1a: {  	s8 =	sadd.s32 $0xFFFFE003, lr  }
0x1b: {  	s9 =	sadd.s32 $0xFFFFFEF7, lr;
	s5 =	simm.s32 $0xFFFFFFFF;
	p2 =	slt.u32 s8, $0xFFFFF086  }
0x1c: {  	p1 =	slt.u32 s9, $0xF7A;
	s5 =	simm.s32 @!p2 $0x0  }
0x1d: {  	s5 =	simm.s32 @p1 $0x1;
	p0 =	seq.s32 s7, s2  }
0x1e: {  	s7 =	smul.u32 @!p0 $0xF7A, s2;
	p2 =	seq.s32 @!p0 s5, $0x0  }
0x1f: {  	s9 =	smul.u32 $0xF7A, s1;
	s8 =	simm.s32 @!p0 $0x1BF5;
	p2 =	por !p2, p0  }
0x20: {  	[sflag:s8] =	ssyncset.s32 @!p0 $0xFFFFF086;
	s6 =	sadd.s32 @!p0 s3, s7;
	s7 =	simm.s32 @!p0 $0x108  }
0x21: {  	s3 =	sadd.s32 s3, s9;
	s6 =	sadd.s32 @!p0 $0x88, s6;
	s7 =	simm.s32 @p2 $0x1082  }
0x22: {  	[simem:s7], [sflag:s8] =	dma.local @!p0 [hbm:s6], $0xF7A  }
0x23: {  	s9 =	sor.u32 $0xD0000000, s2;
	s6 =	simm.s32 $0x108;
	_ =	swait.ge @!p0 [sflag:s8], $0x0  }
0x24: {  	s3 =	sadd.s32 $0x88, s3;
	s6 =	simm.s32 @!p1 $0x1082;
	[sflag:s4] =	ssyncset.s32 $0xFFFFF086  }
0x25: {  	[simem:s6], [sflag:s4] =	dma.local [hbm:s3], $0xF7A  }
0x26: {  	[smem:$0x3F70] =	sst s1;
	(tag) =	ssettag s2;
	_ =	strace s9  }
0x27: {  	s1 =	sld [smem:$0x3F80]  }
0x28: {  	s2 =	sld [smem:$0x3F81]  }
0x29: {  	s4 =	sld [smem:$0x3F83]  }
0x2a: {  	p0 =	seq.s32 s5, $0x0;
	s5 =	sld [smem:$0x3F84]  }
0x2b: {  	s6 =	sld [smem:$0x3F85]  }
0x2c: {  	s7 =	sld [smem:$0x3F86]  }
0x2d: {  	s3 =	simm.s32 $0x108;
	s8 =	sld [smem:$0x3F87]  }
0x2e: {  	s3 =	simm.s32 @!p0 $0x1082;
	s9 =	sld [smem:$0x3F88]  }
0x2f: {  	lr =	sadd.s32 s0, s3;
	s0 =	sld [smem:$0x3F7F]  }
0x30: {  	s3 =	sld [smem:$0x3F82]  }
0x31: {  	[smem:$0x3F8B] =	sst s10  }
0x32: {  	s10 =	sld [smem:$0x3F89];
	_ =	sdelay $0x3  }
0x33: {  	p0 =	seq.s32 s10, $0x1;
	s10 =	sld [smem:$0x3F8B];
	_ =	sdelay $0x3  }
0x34: {  	[smem:$0x3F8B] =	sst s10  }
0x35: {  	s10 =	sld [smem:$0x3F8A];
	_ =	sdelay $0x3  }
0x36: {  	p1 =	seq.s32 s10, $0x1;
	s10 =	sld [smem:$0x3F8B];
	_ =	sdelay $0x3  }
0x37: {  	[smem:$0x3F8B] =	sst s10  }
0x38: {  	s10 =	sld [smem:$0x3F8C]  }
0x39: {  	_ = 	snop;
	(pc) =	sbr.ind lr, $3  }
0x3a: {  	_ = 	snop  }
0x3b: {  	_ = 	snop  }
0x3c: {  	p2 =	seq.s32 s10, $0x1;
	s10 =	sld [smem:$0x3F8B]  }
0x3d: {  	_ =	shalt  }
0x3e: {  	_ =	shalt  }
0x3f: {  	_ =	shalt  }
0x40: {  	_ =	shalt  }
0x41: {  	_ =	shalt  }
0x42: {  	_ =	shalt  }
0x43: {  	_ =	shalt  }
0x44: {  	_ =	shalt  }
0x45: {  	_ =	shalt  }
0x46: {  	_ =	shalt  }
0x47: {  	_ =	shalt  }
0x48: {  	_ =	shalt  }
0x49: {  	_ =	shalt  }
0x4a: {  	_ =	shalt  }
0x4b: {  	_ =	shalt  }
0x4c: {  	_ =	shalt  }
0x4d: {  	_ =	shalt  }
0x4e: {  	_ =	shalt  }
0x4f: {  	_ =	shalt  }
0x50: {  	_ =	shalt  }
0x51: {  	_ =	shalt  }
0x52: {  	_ =	shalt  }
0x53: {  	_ =	shalt  }
0x54: {  	_ =	shalt  }
0x55: {  	_ =	shalt  }
0x56: {  	_ =	shalt  }
0x57: {  	_ =	shalt  }
0x58: {  	_ =	shalt  }
0x59: {  	_ =	shalt  }
0x5a: {  	_ =	shalt  }
0x5b: {  	_ =	shalt  }
0x5c: {  	_ =	shalt  }
0x5d: {  	_ =	shalt  }
0x5e: {  	_ =	shalt  }
0x5f: {  	_ =	shalt  }
0x60: {  	_ =	shalt  }
0x61: {  	_ =	shalt  }
0x62: {  	_ =	shalt  }
0x63: {  	_ =	shalt  }
0x64: {  	_ =	shalt  }
0x65: {  	_ =	shalt  }
0x66: {  	_ =	shalt  }
0x67: {  	_ =	shalt  }
0x68: {  	_ =	shalt  }
0x69: {  	_ =	shalt  }
0x6a: {  	_ =	shalt  }
0x6b: {  	_ =	shalt  }
0x6c: {  	_ =	shalt  }
0x6d: {  	_ =	shalt  }
0x6e: {  	_ =	shalt  }
0x6f: {  	_ =	shalt  }
0x70: {  	_ =	shalt  }
0x71: {  	_ =	shalt  }
0x72: {  	_ =	shalt  }
0x73: {  	_ =	shalt  }
0x74: {  	_ =	shalt  }
0x75: {  	_ =	shalt  }
0x76: {  	_ =	shalt  }
0x77: {  	_ =	shalt  }
0x78: {  	_ =	shalt  }
0x79: {  	_ =	shalt  }
0x7a: {  	_ =	shalt  }
0x7b: {  	_ =	shalt  }
0x7c: {  	_ =	shalt  }
0x7d: {  	_ =	shalt  }
0x7e: {  	_ =	shalt  }
0x7f: {  	_ =	shalt  }
0x80: {  	_ =	shalt  }
0x81: {  	_ =	shalt  }
0x82: {  	_ =	shalt  }
0x83: {  	_ =	shalt  }
0x84: {  	_ =	shalt  }
0x85: {  	_ =	shalt  }
0x86: {  	_ =	shalt  }
0x87: {  	_ =	shalt  }
.Lfunc_end0:
.L_simem_size_0:
called_computation.2_lowered:
.L_overlay_start_0:
0x88: {  	s2 =	sld [smem:$0x3FD9]  }
0x89: {  	s3 =	sld [smem:$0x3FFE];
	_ =	sdelay $0x1  }
0x8a: {  	s1 =	srdreg.scid  }
0x8b: {  	s0 =	sand.u32 $0x1, s1  }
0x8c: {  	s16 =	sshll.u32 s0, $0xA;
	s2 =	sadd.s32 s3, s2  }
0x8d: {  	s2 =	sadd.s32 s2, s16  }
0x8e: {  	[smem:$0x3F97] =	sst s2  }
0x8f: {  	_ = 	snop  }
0x90: {  	(tm) =	ssettm $0x1  }
0x91: {  	s17 =	sld [smem:$0x3FFB];
	_ =	sdelay $0x3  }
0x92: {  	_ =	strace s17  }
0x93: {  	s2 =	sld [smem:$0x3FFC];
	_ =	sdelay $0x3  }
0x94: {  	_ =	strace s2  }
0x95: {  	s2 =	sld [smem:$0x3FFD];
	_ =	sdelay $0x3  }
0x96: {  	_ =	strace s2  }
0x97: {  	_ =	strace $0x8FFFFFFF  }
0x98: {  	s18 =	sld [smem:$0x3FDB];
	_ =	sdelay $0x1  }
0x99: {  	s19 =	simm.s32 $_scs_section_size  }
0x9a: {  	s4 =	simm.s32 $_size__tile_overlayer_lowered;
	s5 =	simm.s32 $_tile_overlayer_lowered  }
0x9b: {  	s22 =	simm.s32 $0x1BFF;
	s21 =	sshll.u32 s5, $0x1;
	s2 =	sadd.s32 s19, s18  }
0x9c: {  	s6 =	simm.s32 $0x0;
	s20 =	sshll.u32 s4, $0x1;
	s4 =	sadd.s32 s21, s2  }
0x9d: {  	[timem:s6], [sflag:s22] =	dma.local [hbm:s4], s20  }
0x9e: {  	_ =	swait.ge [sflag:s22], s20  }
0x9f: {  	s3 =	ssub.s32 $0x0, s20;
	[sflag:s22] =	ssyncset.done $0x0  }
0xa0: {  	[sflag:s22] =	ssyncadd.s32 s3;
	_ =	sdelay $0x1  }
0xa1: {  	s23 =	simm.s32 $0x1B8B  }
0xa2: {  	_ =	swait.ge [sflag:s23], $0x1  }
0xa3: {  	[sflag:s23] =	ssyncset.done $0x0  }
0xa4: {  	s25 =	simm.s32 $0x1B8E;
	s24 =	sld [smem:$0x3FFE];
	[sflag:s23] =	ssyncadd.s32 $0xFFFFFFFF  }
0xa5: {  	s26 =	simm.s32 $execute0_lowered;
	[smem:$0x3FD2] =	sst s25  }
0xa6: {  	s4 =	sshll.u32 s26, $0x1;
	_ =	strace $0x8000004C;
	[dreg:$0x1] =	wrdreg $0xFFFFFFFF  }
0xa7: {  	s28 =	simm.s32 $_size_execute0_lowered;
	s2 =	sadd.s32 s2, s4;
	[dreg:$0x0] =	wrdreg $0x0  }
0xa8: {  	s4 =	sshll.u32 s28, $0x1;
	[dreg:$0x2] =	wrdreg s2  }
0xa9: {  	[dreg:$0x3] =	wrdreg s4  }
0xaa: {  	[dreg:$0x4] =	wrdreg $0xC0  }
0xab: {  	_ =	task [dreg:s6], $0x5FFFF  }
0xac: {  	[dreg:$0x1] =	wrdreg $0xFFFFFFFF  }
0xad: {  	[dreg:$0x0] =	wrdreg $0x60  }
0xae: {  	[dreg:$0x2] =	wrdreg s24  }
0xaf: {  	[dreg:$0x3] =	wrdreg $0xA9000  }
0xb0: {  	[dreg:$0x4] =	wrdreg $0x9  }
0xb1: {  	_ =	task.clear_ibuf [dreg:s6], $0x5FFFF;
	_ =	strace $0x9000004C  }
0xb2: {  	s29 =	simm.s32 $0x9;
	_ =	strace $0x8000004E  }
0xb3: {  	_ =	swait.ge [sflag:s29], $0x1  }
0xb4: {  	[sflag:s29] =	ssyncadd.s32 $0xFFFFFFFF  }
0xb5: {  	_ =	strace $0x9000004E  }
0xb6: {  	_ =	sfence  }
0xb7: {  	s30 =	sld [smem:$0x0];
	_ =	sdelay $0x2  }
0xb8: {  	s31 =	sshll.u32 s1, $0xD;
	s1 =	sshrl.u32 s1, $0x2  }
0xb9: {  	s3 =	sand.u32 $0x4000, s31;
	s1 =	sadd.s32 s1, s30  }
0xba: {  	s0 =	sor.u32 s3, s0;
	s1 =	sshll.u32 s1, $0x11  }
0xbb: {  	s0 =	sor.u32 s1, s0  }
0xbc: {  	s0 =	sadd.s32 $0x8F2B, s0  }
0xbd: {  	[sflag:s0] =	ssyncadd.remote.s32 $0x1  }
0xbe: {  	_ =	sfence.sel $0xFFFF  }
0xbf: {  	[dreg:$0x0] =	wrdreg $0xFFFFFFFF;
	(pc) =	sbr.abs _section_cstart, $3  }
0xc0: {  	[dreg:$0x1] =	wrdreg $0xFFFFFFFF  }
0xc1: {  	_ =	task.clear_ibuf [dreg:s6], $0x2FFFF;
	_ =	strace $0x9FFFFFFF  }
0xc2: {  	(tm) =	ssettm $0x7FFFFFFF  }
0xc3: {  	_ =	shalt  }
tec
execute0_lowered:
.L_overlay_start_1:
0x0: {  	(tag) =	ssettag $0x1  }
0x1: {  	s6 =	rddreg [dreg:$0x0]  }
0x2: {  	s0 =	srdreg.scid;
	s2 =	rddreg [dreg:$0x1]  }
0x3: {  	s3 =	simm.s32 $0x0;
	s18 =	simm.s32 $0x3;
	s19 =	simm.s32 $0x1  }
0x4: {  	s20 =	simm.s32 $0x80;
	s21 =	simm.s32 $0x2800;
	s22 =	simm.s32 $0x6900  }
0x5: {  	s23 =	simm.s32 $0x2880;
	s9 =	sand.u32 $0x1, s0;
	s0 =	stileid.u32  }
0x6: {  	s24 =	simm.s32 $0x2;
	s25 =	simm.s32 $0x0;
	s7 =	smul.u32 $0x2800, s0  }
0x7: {  	[smem:$0x7FF] =	sst s3;
	s4 =	sadd.s32 $0x20C00, s6;
	s8 =	smul.u32 $0x28000, s9  }
0x8: {  	s5 =	sadd.s32 $0xCC00, s6;
	s1 =	sshll.u32 s9, $0x4;
	s11 =	smul.u32 $0x50000, s0  }
0x9: {  	_ =	strace $0x8000004D;
	s13 =	ssub.s32 $0x2, s9;
	s16 =	smul.u32 $0x5000, s9  }
0xa: {  	s17 =	smul.u32 $0x500, s0;
	s1 =	sor.u32 s0, s1;
	s31 =	sshrl.u32 s13, $0x1  }
0xb: {  	s10 =	smul.u32 $0x500, s1;
	s7 =	sadd.s32 s7, s8;
	s11 =	sshrl.u32 s11, $0x2  }
0xc: {  	s15 =	ssub.s32 s13, s31;
	s16 =	sadd.s32 s17, s16;
	s17 =	simm.s32 $0x2900  }
0xd: {  	s14 =	sadd.s32 s7, s6;
	s15 =	smax.u32 s15, $0x1;
	s12 =	sadd.s32 s10, s6  }
0xe: {  	s6 =	sadd.s32 s11, s2;
	s10 =	sadd.s32 s5, s10;
	s14 =	sadd.s32 $0x47E00, s14  }
0xf: {  	s7 =	sadd.s32 $0x16C00, s12;
	s8 =	sadd.s32 $0x4000, s6;
	s9 =	sadd.s32 $0x8000, s6  }
0x10: {  	v0 =	vimm.f32 $0.0e+00;
	s11 =	sadd.s32 $0xC000, s6;
	s12 =	sadd.s32 $0x10000, s6;
	s13 =	sadd.s32 $0x10, s10  }
.LBB2_1:
0x11: {  	[tilespmem:s3], [sflag:$0x1] =	stream.linear.gather [hbm4b:s7+s3], $0x2800, $0x38;
	[tilespmem:$0x1E900] =	vst v63  }
0x12: {  	s26 =	simm.s32 $0x0;
	s28 =	simm.s32 $0x200  }
.LBB2_2:
0x13: {  	p0 =	sne.s32 s28, $0xFE00;
	[tilespmem:s26+$0x2970] =	vst v0  }
0x14: {  	[tilespmem:s26+$0x2900] =	vst v0  }
0x15: {  	[tilespmem:s26+$0x2910] =	vst v0  }
.Ltmp0:
0x16: {  	[tilespmem:s26+$0x2920] =	vst v0;
	(pc) =	sbr.rel @p0 .LBB2_2-.Ltmp0, $4  }
0x17: {  	[tilespmem:s26+$0x2930] =	vst v0  }
0x18: {  	[tilespmem:s26+$0x2940] =	vst v0  }
0x19: {  	[tilespmem:s26+$0x2950] =	vst v0  }
0x1a: {  	[tilespmem:s26+$0x2960] =	vst v0;
	s26 =	sshra.s32 s28, $0x2;
	s28 =	sadd.s32 $0x200, s28  }
0x1b: {  	[tilespmem:s26+$0x2970] =	vst v0  }
0x1c: {  	[tilespmem:s26+$0x2900] =	vst v0  }
0x1d: {  	[tilespmem:s26+$0x2910] =	vst v0  }
0x1e: {  	[tilespmem:s26+$0x2920] =	vst v0  }
0x1f: {  	[tilespmem:s26+$0x2930] =	vst v0  }
0x20: {  	[tilespmem:s26+$0x2940] =	vst v0  }
0x21: {  	[tilespmem:s26+$0x2950] =	vst v0  }
0x22: {  	[tilespmem:s26+$0x2960] =	vst v0  }
0x23: {  	[spmem:s6] =	stream.linear.scatter [tilespmem:s17], [sflag:$0x3], $0x4000, $0x38;
	[tilespmem:$0x1E900] =	vst v63  }
0x24: {  	_ =	swait.ge [sflag:s18], $0x4000  }
0x25: {  	[sflag:s18] =	ssyncset.done $0x0  }
0x26: {  	[sflag:s18] =	ssyncadd.s32 $0xFFFFC000  }
0x27: {  	[spmem:s8] =	stream.linear.scatter [tilespmem:s17], [sflag:$0x3], $0x4000, $0x38;
	[tilespmem:$0x1E900] =	vst v63  }
0x28: {  	_ =	swait.ge [sflag:s18], $0x4000  }
0x29: {  	[sflag:s18] =	ssyncset.done $0x0  }
0x2a: {  	[sflag:s18] =	ssyncadd.s32 $0xFFFFC000  }
0x2b: {  	[spmem:s9] =	stream.linear.scatter [tilespmem:s17], [sflag:$0x3], $0x4000, $0x38;
	[tilespmem:$0x1E900] =	vst v63  }
0x2c: {  	_ =	swait.ge [sflag:s18], $0x4000  }
0x2d: {  	[sflag:s18] =	ssyncset.done $0x0  }
0x2e: {  	[sflag:s18] =	ssyncadd.s32 $0xFFFFC000  }
0x2f: {  	[spmem:s11] =	stream.linear.scatter [tilespmem:s17], [sflag:$0x3], $0x4000, $0x38;
	[tilespmem:$0x1E900] =	vst v63  }
0x30: {  	_ =	swait.ge [sflag:s18], $0x4000  }
0x31: {  	[sflag:s18] =	ssyncset.done $0x0  }
0x32: {  	[sflag:s18] =	ssyncadd.s32 $0xFFFFC000  }
0x33: {  	[spmem:s12] =	stream.linear.scatter [tilespmem:s17], [sflag:$0x3], $0x4000, $0x38;
	[tilespmem:$0x1E900] =	vst v63  }
0x34: {  	_ =	swait.ge [sflag:s18], $0x4000  }
0x35: {  	[sflag:s18] =	ssyncset.done $0x0  }
0x36: {  	[sflag:s18] =	ssyncadd.s32 $0xFFFFC000  }
0x37: {  	_ =	swait.ge [sflag:s19], $0x2800  }
0x38: {  	[sflag:s19] =	ssyncset.done $0x0  }
0x39: {  	[sflag:s19] =	ssyncadd.s32 $0xFFFFD800  }
0x3a: {  	[bflag:$0x0] =	sbarrier.arrive $0xFFFF  }
0x3b: {  	[tilespmem:s17], [sflag:$0x1] =	stream.indirect.gather [hbm4b:s4+s20], $0x80, s3, s20, $0xb8;
	[tilespmem:$0x1E900] =	vst v63  }
0x3c: {  	_ = 	snop  }
0x3d: {  	[tilespmem:s21], [sflag:$0x2] =	stream.linear.gather [hbm4b:s10+s3], $0x80, $0x38;
	[tilespmem:$0x1E900] =	vst v63  }
0x3e: {  	_ = 	snop  }
0x3f: {  	[tilespmem:s22], [sflag:$0x1] =	stream.indirect.gather [hbm4b:s4+s20], $0x80, s20, s20, $0xb8;
	[tilespmem:$0x1E900] =	vst v63  }
0x40: {  	_ = 	snop  }
0x41: {  	[tilespmem:s23], [sflag:$0x2] =	stream.linear.gather [hbm4b:s13+s3], $0x80, $0x38;
	[tilespmem:$0x1E900] =	vst v63  }
0x42: {  	_ =	swait.ge [sflag:s19], $0x4000  }
0x43: {  	[sflag:s19] =	ssyncset.done $0x0  }
0x44: {  	[sflag:s19] =	ssyncadd.s32 $0xFFFFC000  }
0x45: {  	_ =	swait.ge [sflag:s24], $0x80  }
0x46: {  	[sflag:s24] =	ssyncset.done $0x0  }
0x47: {  	s26 =	simm.s32 $0x100;
	[sflag:s24] =	ssyncadd.s32 $0xFFFFFF80  }
0x48: {  	[spmem:s2] =	stream.indirect.scatter.add.f32 [tilespmem:s17], [sflag:$0x3], $0x80, s21, s20, $0xb8;
	[tilespmem:$0x1E900] =	vst v63  }
0x49: {  	s28 =	sadd.s32 $0x30, s16;
	s29 =	simm.s32 $0x20;
	_ =	swait.ge [sflag:s18], $0x4000  }
0x4a: {  	s30 =	sadd.s32 $0xFFFFFFF0, s28;
	s29 =	sand.u32 $0x60, s29;
	[sflag:s18] =	ssyncset.done $0x0  }
0x4b: {  	s30 =	sand.u32 $0xFFFFF80, s30;
	s29 =	sadd.s32 s5, s29;
	[sflag:s18] =	ssyncadd.s32 $0xFFFFC000  }
0x4c: {  	[tilespmem:s17], [sflag:$0x1] =	stream.indirect.gather [hbm4b:s4+s20], $0x80, s26, s20, $0xb8;
	[tilespmem:$0x1E900] =	vst v63  }
0x4d: {  	s29 =	sadd.s32 s30, s29  }
0x4e: {  	[tilespmem:s21], [sflag:$0x2] =	stream.linear.gather [hbm4b:s29+s3], $0x80, $0x38;
	[tilespmem:$0x1E900] =	vst v63  }
0x4f: {  	_ =	swait.ge [sflag:s19], $0x4000  }
0x50: {  	[sflag:s19] =	ssyncset.done $0x0  }
0x51: {  	[sflag:s19] =	ssyncadd.s32 $0xFFFFC000  }
0x52: {  	_ =	swait.ge [sflag:s24], $0x80  }
0x53: {  	[sflag:s24] =	ssyncset.done $0x0  }
0x54: {  	s29 =	simm.s32 $0x30;
	[sflag:s24] =	ssyncadd.s32 $0xFFFFFF80  }
0x55: {  	[spmem:s2] =	stream.indirect.scatter.add.f32 [tilespmem:s22], [sflag:$0x3], $0x80, s23, s20, $0xb8;
	[tilespmem:$0x1E900] =	vst v63  }
0x56: {  	s1 =	simm.s32 $0x180;
	s29 =	sand.u32 $0x70, s29;
	_ =	swait.ge [sflag:s18], $0x4000  }
0x57: {  	s31 =	sand.u32 $0xFFFFF80, s28;
	s29 =	sadd.s32 s5, s29;
	[sflag:s18] =	ssyncset.done $0x0  }
0x58: {  	s28 =	simm.s32 $0x50;
	s29 =	sadd.s32 s31, s29;
	[sflag:s18] =	ssyncadd.s32 $0xFFFFC000  }
0x59: {  	[tilespmem:s22], [sflag:$0x1] =	stream.indirect.gather [hbm4b:s4+s20], $0x80, s1, s20, $0xb8;
	[tilespmem:$0x1E900] =	vst v63  }
.LBB2_4:
0x5a: {  	p0 =	sne.s32 s28, $0x4F0  }
0x5b: {  	s26 =	sadd.s32 $0x100, s26;
	s30 =	smov.u32 s28;
	s28 =	sadd.s32 $0x20, s28  }
0x5c: {  	[tilespmem:s23], [sflag:$0x2] =	stream.linear.gather [hbm4b:s29+s3], $0x80, $0x38;
	[tilespmem:$0x1E900] =	vst v63  }
0x5d: {  	_ =	swait.ge [sflag:s19], $0x4000  }
0x5e: {  	[sflag:s19] =	ssyncset.done $0x0  }
0x5f: {  	[sflag:s19] =	ssyncadd.s32 $0xFFFFC000  }
0x60: {  	_ =	swait.ge [sflag:s24], $0x80  }
0x61: {  	[sflag:s24] =	ssyncset.done $0x0  }
0x62: {  	[sflag:s24] =	ssyncadd.s32 $0xFFFFFF80  }
0x63: {  	[spmem:s2] =	stream.indirect.scatter.add.f32 [tilespmem:s17], [sflag:$0x3], $0x80, s21, s20, $0xb8;
	[tilespmem:$0x1E900] =	vst v63  }
0x64: {  	_ =	swait.ge [sflag:s18], $0x4000  }
0x65: {  	s29 =	sadd.s32 s30, s16;
	s31 =	sadd.s32 $0xFFFFFFF0, s30;
	[sflag:s18] =	ssyncset.done $0x0  }
0x66: {  	s1 =	sadd.s32 $0xFFFFFFF0, s29;
	s31 =	sand.u32 $0x60, s31;
	[sflag:s18] =	ssyncadd.s32 $0xFFFFC000  }
0x67: {  	s29 =	sand.u32 $0xFFFFF80, s29;
	s1 =	sand.u32 $0xFFFFF80, s1;
	s31 =	sadd.s32 s5, s31  }
0x68: {  	[tilespmem:s17], [sflag:$0x1] =	stream.indirect.gather [hbm4b:s4+s20], $0x80, s26, s20, $0xb8;
	[tilespmem:$0x1E900] =	vst v63  }
0x69: {  	s1 =	sadd.s32 s1, s31  }
0x6a: {  	[tilespmem:s21], [sflag:$0x2] =	stream.linear.gather [hbm4b:s1+s3], $0x80, $0x38;
	[tilespmem:$0x1E900] =	vst v63  }
0x6b: {  	_ =	swait.ge [sflag:s19], $0x4000  }
0x6c: {  	[sflag:s19] =	ssyncset.done $0x0  }
0x6d: {  	[sflag:s19] =	ssyncadd.s32 $0xFFFFC000  }
0x6e: {  	_ =	swait.ge [sflag:s24], $0x80  }
0x6f: {  	[sflag:s24] =	ssyncset.done $0x0  }
0x70: {  	[sflag:s24] =	ssyncadd.s32 $0xFFFFFF80  }
0x71: {  	[spmem:s2] =	stream.indirect.scatter.add.f32 [tilespmem:s22], [sflag:$0x3], $0x80, s23, s20, $0xb8;
	[tilespmem:$0x1E900] =	vst v63  }
.Ltmp1:
0x72: {  	_ = 	snop;
	(pc) =	sbr.rel @p0 .LBB2_4-.Ltmp1, $4  }
0x73: {  	s1 =	sand.u32 $0x70, s30;
	_ =	swait.ge [sflag:s18], $0x4000  }
0x74: {  	s30 =	sadd.s32 $0x80, s26;
	s1 =	sadd.s32 s5, s1;
	[sflag:s18] =	ssyncset.done $0x0  }
0x75: {  	s29 =	sadd.s32 s29, s1;
	[sflag:s18] =	ssyncadd.s32 $0xFFFFC000  }
0x76: {  	[tilespmem:s22], [sflag:$0x1] =	stream.indirect.gather [hbm4b:s4+s20], $0x80, s30, s20, $0xb8;
	[tilespmem:$0x1E900] =	vst v63  }
0x77: {  	[tilespmem:s23], [sflag:$0x2] =	stream.linear.gather [hbm4b:s29+s3], $0x80, $0x38;
	[tilespmem:$0x1E900] =	vst v63  }
0x78: {  	_ =	swait.ge [sflag:s19], $0x4000  }
0x79: {  	[sflag:s19] =	ssyncset.done $0x0  }
0x7a: {  	[sflag:s19] =	ssyncadd.s32 $0xFFFFC000  }
0x7b: {  	_ =	swait.ge [sflag:s24], $0x80  }
0x7c: {  	[sflag:s24] =	ssyncset.done $0x0  }
0x7d: {  	[sflag:s24] =	ssyncadd.s32 $0xFFFFFF80  }
0x7e: {  	[spmem:s2] =	stream.indirect.scatter.add.f32 [tilespmem:s17], [sflag:$0x3], $0x80, s21, s20, $0xb8;
	[tilespmem:$0x1E900] =	vst v63  }
0x7f: {  	_ =	swait.ge [sflag:s18], $0x4000  }
0x80: {  	[sflag:s18] =	ssyncset.done $0x0  }
0x81: {  	[sflag:s18] =	ssyncadd.s32 $0xFFFFC000  }
0x82: {  	_ =	swait.ge [sflag:s19], $0x4000  }
0x83: {  	[sflag:s19] =	ssyncset.done $0x0  }
0x84: {  	[sflag:s19] =	ssyncadd.s32 $0xFFFFC000  }
0x85: {  	_ =	swait.ge [sflag:s24], $0x80  }
0x86: {  	[sflag:s24] =	ssyncset.done $0x0  }
0x87: {  	[sflag:s24] =	ssyncadd.s32 $0xFFFFFF80  }
0x88: {  	[spmem:s2] =	stream.indirect.scatter.add.f32 [tilespmem:s22], [sflag:$0x3], $0x80, s23, s20, $0xb8;
	[tilespmem:$0x1E900] =	vst v63  }
0x89: {  	_ =	swait.ge [sflag:s18], $0x4000  }
0x8a: {  	s1 =	sshll.u32 s0, $0x6;
	s25 =	sadd.s32 $0x1, s25;
	[sflag:s18] =	ssyncset.done $0x0  }
0x8b: {  	s26 =	sshrl.u32 s6, $0x3;
	p0 =	sne.s32 s25, s15;
	[sflag:s18] =	ssyncadd.s32 $0xFFFFC000  }
.Ltmp2:
0x8c: {  	s1 =	sor.u32 $0x1C03, s1;
	[bflag:$0x0] =	sbarrier.arrive $0xFFFF;
	(pc) =	sbr.rel @p0 .LBB2_1-.Ltmp2, $4  }
0x8d: {  	[hbm:s14], [sflag:s1] =	dma.local [spmem:s26], $0x2800  }
0x8e: {  	_ =	swait.ge [sflag:s18], $0x2800  }
0x8f: {  	[sflag:s18] =	ssyncset.done $0x0  }
0x90: {  	[sflag:s18] =	ssyncadd.s32 $0xFFFFD800  }
0x91: {  	_ =	sfence.sel $0x180000  }
0x92: {  	[bflag:$0x0] =	sbarrier.arrive $0xFFFF  }
0x93: {  	_ =	strace $0x9000004D  }
0x94: {  	[bflag:$0x2] =	sbarrier.arrive $0xFFFF  }
0x95: {  	p0 =	sne.s32 s0, $0x0;
	s0 =	rddreg [dreg:$0x2]  }
0x96: {  	s0 =	sadd.s32 @!p0 $0x100000, s0  }
0x97: {  	[sflag:s0] =	ssyncadd.tile.s32 @!p0 $0x1;
	_ =	shalt  }
.Lfunc_end2:
_tile_overlayer_lowered:
.L_overlay_start_2:
0x98: {  	(tag) =	ssettag $0x2  }
0x99: {  	s0 =	rddreg [dreg:$0x0];
	s2 =	stileid.u32  }
0x9a: {  	s1 =	rddreg [dreg:$0x1];
	p0 =	sne.s32 s2, $0x0  }
0x9b: {  	s3 =	rddreg [dreg:$0x2];
	[bflag:$0x3] =	sbarrier.arrive $0xFFFF;
	s2 =	simm.s32 @!p0 $0x1C03  }
0x9c: {  	[timem:s3], [sflag:s2] =	dma.local @!p0 [hbm:s0], s1  }
0x9d: {  	s0 =	simm.s32 @!p0 $0x3  }
0x9e: {  	_ =	swait.ge @!p0 [sflag:s0], s1  }
0x9f: {  	s1 =	ssub.s32 @!p0 $0x0, s1;
	[sflag:s0] =	ssyncset.done @!p0 $0x0  }
0xa0: {  	[sflag:s0] =	ssyncadd.s32 @!p0 s1  }
0xa1: {  	[bflag:$0x3] =	sbarrier.arrive $0xFFFF  }
0xa2: {  	_ =	shalt  }

// kernel: kernel.33.cloned.1.call-start
scs
__scs_entry_jumppad:
0x0: {  	(pc) =	sbr.rel $0x88, $3  }
0x1: {  	(tag) =	ssettag $0x0;
	lr =	simm.s32 $0x1  }
0x2: {  	[smem:$0x3F70] =	sst lr;
	_ =	strace $0xD0000000  }
0x3: {  	_ = 	snop  }
0x4: {  	_ = 	snop  }
0x5: {  	_ = 	snop  }
0x6: {  	_ = 	snop  }
0x7: {  	_ = 	snop  }
__scs_overlays_trampoline_lowered:
0x8: {  	[smem:$0x3F7F] =	sst s0  }
0x9: {  	[smem:$0x3F80] =	sst s1  }
0xa: {  	[smem:$0x3F81] =	sst s2  }
0xb: {  	[smem:$0x3F82] =	sst s3  }
0xc: {  	[smem:$0x3F83] =	sst s4  }
0xd: {  	[smem:$0x3F84] =	sst s5  }
0xe: {  	[smem:$0x3F85] =	sst s6  }
0xf: {  	[smem:$0x3F86] =	sst s7  }
0x10: {  	[smem:$0x3F87] =	sst s8  }
0x11: {  	[smem:$0x3F88] =	sst s9;
	s0 =	simm.s32 @!p0 $0x0  }
0x12: {  	s1 =	sld [smem:$0x3F6E];
	s0 =	simm.s32 @p0 $0x1  }
0x13: {  	[smem:$0x3F89] =	sst s0;
	s0 =	simm.s32 @!p1 $0x0  }
0x14: {  	s2 =	sld [smem:$0x3F6D];
	s0 =	simm.s32 @p1 $0x1  }
0x15: {  	[smem:$0x3F8A] =	sst s0;
	s0 =	simm.s32 @!p2 $0x0  }
0x16: {  	s3 =	sld [smem:$0x3FDB];
	s0 =	simm.s32 @p2 $0x1  }
0x17: {  	s4 =	simm.s32 $0x1BF5;
	[smem:$0x3F8C] =	sst s0  }
0x18: {  	s0 =	sld [smem:$0x3F6F];
	_ =	swait.ge [sflag:s4], $0x0  }
0x19: {  	s7 =	sld [smem:$0x3F70]  }
0x1a: {  	s8 =	sadd.s32 $0xFFFFE003, lr  }
0x1b: {  	s9 =	sadd.s32 $0xFFFFFEF7, lr;
	s5 =	simm.s32 $0xFFFFFFFF;
	p2 =	slt.u32 s8, $0xFFFFF086  }
0x1c: {  	p1 =	slt.u32 s9, $0xF7A;
	s5 =	simm.s32 @!p2 $0x0  }
0x1d: {  	s5 =	simm.s32 @p1 $0x1;
	p0 =	seq.s32 s7, s2  }
0x1e: {  	s7 =	smul.u32 @!p0 $0xF7A, s2;
	p2 =	seq.s32 @!p0 s5, $0x0  }
0x1f: {  	s9 =	smul.u32 $0xF7A, s1;
	s8 =	simm.s32 @!p0 $0x1BF5;
	p2 =	por !p2, p0  }
0x20: {  	[sflag:s8] =	ssyncset.s32 @!p0 $0xFFFFF086;
	s6 =	sadd.s32 @!p0 s3, s7;
	s7 =	simm.s32 @!p0 $0x108  }
0x21: {  	s3 =	sadd.s32 s3, s9;
	s6 =	sadd.s32 @!p0 $0x88, s6;
	s7 =	simm.s32 @p2 $0x1082  }
0x22: {  	[simem:s7], [sflag:s8] =	dma.local @!p0 [hbm:s6], $0xF7A  }
0x23: {  	s9 =	sor.u32 $0xD0000000, s2;
	s6 =	simm.s32 $0x108;
	_ =	swait.ge @!p0 [sflag:s8], $0x0  }
0x24: {  	s3 =	sadd.s32 $0x88, s3;
	s6 =	simm.s32 @!p1 $0x1082;
	[sflag:s4] =	ssyncset.s32 $0xFFFFF086  }
0x25: {  	[simem:s6], [sflag:s4] =	dma.local [hbm:s3], $0xF7A  }
0x26: {  	[smem:$0x3F70] =	sst s1;
	(tag) =	ssettag s2;
	_ =	strace s9  }
0x27: {  	s1 =	sld [smem:$0x3F80]  }
0x28: {  	s2 =	sld [smem:$0x3F81]  }
0x29: {  	s4 =	sld [smem:$0x3F83]  }
0x2a: {  	p0 =	seq.s32 s5, $0x0;
	s5 =	sld [smem:$0x3F84]  }
0x2b: {  	s6 =	sld [smem:$0x3F85]  }
0x2c: {  	s7 =	sld [smem:$0x3F86]  }
0x2d: {  	s3 =	simm.s32 $0x108;
	s8 =	sld [smem:$0x3F87]  }
0x2e: {  	s3 =	simm.s32 @!p0 $0x1082;
	s9 =	sld [smem:$0x3F88]  }
0x2f: {  	lr =	sadd.s32 s0, s3;
	s0 =	sld [smem:$0x3F7F]  }
0x30: {  	s3 =	sld [smem:$0x3F82]  }
0x31: {  	[smem:$0x3F8B] =	sst s10  }
0x32: {  	s10 =	sld [smem:$0x3F89];
	_ =	sdelay $0x3  }
0x33: {  	p0 =	seq.s32 s10, $0x1;
	s10 =	sld [smem:$0x3F8B];
	_ =	sdelay $0x3  }
0x34: {  	[smem:$0x3F8B] =	sst s10  }
0x35: {  	s10 =	sld [smem:$0x3F8A];
	_ =	sdelay $0x3  }
0x36: {  	p1 =	seq.s32 s10, $0x1;
	s10 =	sld [smem:$0x3F8B];
	_ =	sdelay $0x3  }
0x37: {  	[smem:$0x3F8B] =	sst s10  }
0x38: {  	s10 =	sld [smem:$0x3F8C]  }
0x39: {  	_ = 	snop;
	(pc) =	sbr.ind lr, $3  }
0x3a: {  	_ = 	snop  }
0x3b: {  	_ = 	snop  }
0x3c: {  	p2 =	seq.s32 s10, $0x1;
	s10 =	sld [smem:$0x3F8B]  }
0x3d: {  	_ =	shalt  }
0x3e: {  	_ =	shalt  }
0x3f: {  	_ =	shalt  }
0x40: {  	_ =	shalt  }
0x41: {  	_ =	shalt  }
0x42: {  	_ =	shalt  }
0x43: {  	_ =	shalt  }
0x44: {  	_ =	shalt  }
0x45: {  	_ =	shalt  }
0x46: {  	_ =	shalt  }
0x47: {  	_ =	shalt  }
0x48: {  	_ =	shalt  }
0x49: {  	_ =	shalt  }
0x4a: {  	_ =	shalt  }
0x4b: {  	_ =	shalt  }
0x4c: {  	_ =	shalt  }
0x4d: {  	_ =	shalt  }
0x4e: {  	_ =	shalt  }
0x4f: {  	_ =	shalt  }
0x50: {  	_ =	shalt  }
0x51: {  	_ =	shalt  }
0x52: {  	_ =	shalt  }
0x53: {  	_ =	shalt  }
0x54: {  	_ =	shalt  }
0x55: {  	_ =	shalt  }
0x56: {  	_ =	shalt  }
0x57: {  	_ =	shalt  }
0x58: {  	_ =	shalt  }
0x59: {  	_ =	shalt  }
0x5a: {  	_ =	shalt  }
0x5b: {  	_ =	shalt  }
0x5c: {  	_ =	shalt  }
0x5d: {  	_ =	shalt  }
0x5e: {  	_ =	shalt  }
0x5f: {  	_ =	shalt  }
0x60: {  	_ =	shalt  }
0x61: {  	_ =	shalt  }
0x62: {  	_ =	shalt  }
0x63: {  	_ =	shalt  }
0x64: {  	_ =	shalt  }
0x65: {  	_ =	shalt  }
0x66: {  	_ =	shalt  }
0x67: {  	_ =	shalt  }
0x68: {  	_ =	shalt  }
0x69: {  	_ =	shalt  }
0x6a: {  	_ =	shalt  }
0x6b: {  	_ =	shalt  }
0x6c: {  	_ =	shalt  }
0x6d: {  	_ =	shalt  }
0x6e: {  	_ =	shalt  }
0x6f: {  	_ =	shalt  }
0x70: {  	_ =	shalt  }
0x71: {  	_ =	shalt  }
0x72: {  	_ =	shalt  }
0x73: {  	_ =	shalt  }
0x74: {  	_ =	shalt  }
0x75: {  	_ =	shalt  }
0x76: {  	_ =	shalt  }
0x77: {  	_ =	shalt  }
0x78: {  	_ =	shalt  }
0x79: {  	_ =	shalt  }
0x7a: {  	_ =	shalt  }
0x7b: {  	_ =	shalt  }
0x7c: {  	_ =	shalt  }
0x7d: {  	_ =	shalt  }
0x7e: {  	_ =	shalt  }
0x7f: {  	_ =	shalt  }
0x80: {  	_ =	shalt  }
0x81: {  	_ =	shalt  }
0x82: {  	_ =	shalt  }
0x83: {  	_ =	shalt  }
0x84: {  	_ =	shalt  }
0x85: {  	_ =	shalt  }
0x86: {  	_ =	shalt  }
0x87: {  	_ =	shalt  }
.Lfunc_end0:
.L_simem_size_0:
called_computation.3_lowered:
.L_overlay_start_0:
0x88: {  	s2 =	sld [smem:$0x3FD9]  }
0x89: {  	s3 =	sld [smem:$0x3FFE];
	_ =	sdelay $0x1  }
0x8a: {  	s1 =	srdreg.scid  }
0x8b: {  	s0 =	sand.u32 $0x1, s1  }
0x8c: {  	s16 =	sshll.u32 s0, $0xA;
	s2 =	sadd.s32 s3, s2  }
0x8d: {  	s2 =	sadd.s32 s2, s16  }
0x8e: {  	[smem:$0x3F97] =	sst s2  }
0x8f: {  	_ = 	snop  }
0x90: {  	(tm) =	ssettm $0x1  }
0x91: {  	s17 =	sld [smem:$0x3FFB];
	_ =	sdelay $0x3  }
0x92: {  	_ =	strace s17  }
0x93: {  	s2 =	sld [smem:$0x3FFC];
	_ =	sdelay $0x3  }
0x94: {  	_ =	strace s2  }
0x95: {  	s2 =	sld [smem:$0x3FFD];
	_ =	sdelay $0x3  }
0x96: {  	_ =	strace s2  }
0x97: {  	_ =	strace $0x8FFFFFFF  }
0x98: {  	s18 =	sld [smem:$0x3FDB];
	_ =	sdelay $0x1  }
0x99: {  	s19 =	simm.s32 $_scs_section_size  }
0x9a: {  	s4 =	simm.s32 $_size__tile_overlayer_lowered;
	s5 =	simm.s32 $_tile_overlayer_lowered  }
0x9b: {  	s22 =	simm.s32 $0x1BFF;
	s21 =	sshll.u32 s5, $0x1;
	s2 =	sadd.s32 s19, s18  }
0x9c: {  	s6 =	simm.s32 $0x0;
	s20 =	sshll.u32 s4, $0x1;
	s4 =	sadd.s32 s21, s2  }
0x9d: {  	[timem:s6], [sflag:s22] =	dma.local [hbm:s4], s20  }
0x9e: {  	_ =	swait.ge [sflag:s22], s20  }
0x9f: {  	s3 =	ssub.s32 $0x0, s20;
	[sflag:s22] =	ssyncset.done $0x0  }
0xa0: {  	[sflag:s22] =	ssyncadd.s32 s3;
	_ =	sdelay $0x1  }
0xa1: {  	s23 =	simm.s32 $0x1B8B  }
0xa2: {  	_ =	swait.ge [sflag:s23], $0x1  }
0xa3: {  	[sflag:s23] =	ssyncset.done $0x0  }
0xa4: {  	s25 =	simm.s32 $0x1B8E;
	s24 =	sld [smem:$0x3FFE];
	[sflag:s23] =	ssyncadd.s32 $0xFFFFFFFF  }
0xa5: {  	s26 =	simm.s32 $execute0_lowered;
	[smem:$0x3FD2] =	sst s25  }
0xa6: {  	s4 =	sshll.u32 s26, $0x1;
	_ =	strace $0x8000004F;
	[dreg:$0x1] =	wrdreg $0xFFFFFFFF  }
0xa7: {  	s28 =	simm.s32 $_size_execute0_lowered;
	s2 =	sadd.s32 s2, s4;
	[dreg:$0x0] =	wrdreg $0x0  }
0xa8: {  	s4 =	sshll.u32 s28, $0x1;
	[dreg:$0x2] =	wrdreg s2  }
0xa9: {  	[dreg:$0x3] =	wrdreg s4  }
0xaa: {  	[dreg:$0x4] =	wrdreg $0xC0  }
0xab: {  	_ =	task [dreg:s6], $0x5FFFF  }
0xac: {  	[dreg:$0x1] =	wrdreg $0xFFFFFFFF  }
0xad: {  	[dreg:$0x0] =	wrdreg $0x60  }
0xae: {  	[dreg:$0x2] =	wrdreg s24  }
0xaf: {  	[dreg:$0x3] =	wrdreg $0xA9000  }
0xb0: {  	[dreg:$0x4] =	wrdreg $0x9  }
0xb1: {  	_ =	task.clear_ibuf [dreg:s6], $0x5FFFF;
	_ =	strace $0x9000004F  }
0xb2: {  	s29 =	simm.s32 $0x9;
	_ =	strace $0x80000051  }
0xb3: {  	_ =	swait.ge [sflag:s29], $0x1  }
0xb4: {  	[sflag:s29] =	ssyncadd.s32 $0xFFFFFFFF  }
0xb5: {  	_ =	strace $0x90000051  }
0xb6: {  	_ =	sfence  }
0xb7: {  	s30 =	sld [smem:$0x0];
	_ =	sdelay $0x2  }
0xb8: {  	s31 =	sshll.u32 s1, $0xD;
	s1 =	sshrl.u32 s1, $0x2  }
0xb9: {  	s3 =	sand.u32 $0x4000, s31;
	s1 =	sadd.s32 s1, s30  }
0xba: {  	s0 =	sor.u32 s3, s0;
	s1 =	sshll.u32 s1, $0x11  }
0xbb: {  	s0 =	sor.u32 s1, s0  }
0xbc: {  	s0 =	sadd.s32 $0x8F2B, s0  }
0xbd: {  	[sflag:s0] =	ssyncadd.remote.s32 $0x1  }
0xbe: {  	_ =	sfence.sel $0xFFFF  }
0xbf: {  	[dreg:$0x0] =	wrdreg $0xFFFFFFFF;
	(pc) =	sbr.abs _section_cstart, $3  }
0xc0: {  	[dreg:$0x1] =	wrdreg $0xFFFFFFFF  }
0xc1: {  	_ =	task.clear_ibuf [dreg:s6], $0x2FFFF;
	_ =	strace $0x9FFFFFFF  }
0xc2: {  	(tm) =	ssettm $0x7FFFFFFF  }
0xc3: {  	_ =	shalt  }
tec
execute0_lowered:
.L_overlay_start_1:
0x0: {  	(tag) =	ssettag $0x1  }
0x1: {  	s6 =	rddreg [dreg:$0x0]  }
0x2: {  	s0 =	srdreg.scid;
	s2 =	rddreg [dreg:$0x1]  }
0x3: {  	s3 =	simm.s32 $0x0;
	s18 =	simm.s32 $0x3;
	s19 =	simm.s32 $0x1  }
0x4: {  	s20 =	simm.s32 $0x80;
	s21 =	simm.s32 $0x2800;
	s22 =	simm.s32 $0x6900  }
0x5: {  	s23 =	simm.s32 $0x2880;
	s9 =	sand.u32 $0x1, s0;
	s0 =	stileid.u32  }
0x6: {  	s24 =	simm.s32 $0x2;
	s25 =	simm.s32 $0x0;
	s7 =	smul.u32 $0x2800, s0  }
0x7: {  	[smem:$0x7FF] =	sst s3;
	s4 =	sadd.s32 $0x20C00, s6;
	s8 =	smul.u32 $0x28000, s9  }
0x8: {  	s5 =	sadd.s32 $0xCC00, s6;
	s1 =	sshll.u32 s9, $0x4;
	s11 =	smul.u32 $0x50000, s0  }
0x9: {  	_ =	strace $0x80000050;
	s13 =	ssub.s32 $0x2, s9;
	s16 =	smul.u32 $0x5000, s9  }
0xa: {  	s17 =	smul.u32 $0x500, s0;
	s1 =	sor.u32 s0, s1;
	s31 =	sshrl.u32 s13, $0x1  }
0xb: {  	s10 =	smul.u32 $0x500, s1;
	s7 =	sadd.s32 s7, s8;
	s11 =	sshrl.u32 s11, $0x2  }
0xc: {  	s15 =	ssub.s32 s13, s31;
	s16 =	sadd.s32 s17, s16;
	s17 =	simm.s32 $0x2900  }
0xd: {  	s14 =	sadd.s32 s7, s6;
	s15 =	smax.u32 s15, $0x1;
	s12 =	sadd.s32 s10, s6  }
0xe: {  	s6 =	sadd.s32 s11, s2;
	s10 =	sadd.s32 s5, s10;
	s14 =	sadd.s32 $0x47E00, s14  }
0xf: {  	s7 =	sadd.s32 $0x16C00, s12;
	s8 =	sadd.s32 $0x4000, s6;
	s9 =	sadd.s32 $0x8000, s6  }
0x10: {  	v0 =	vimm.f32 $0.0e+00;
	s11 =	sadd.s32 $0xC000, s6;
	s12 =	sadd.s32 $0x10000, s6;
	s13 =	sadd.s32 $0x10, s10  }
.LBB2_1:
0x11: {  	[tilespmem:s3], [sflag:$0x1] =	stream.linear.gather [hbm4b:s7+s3], $0x2800, $0x38;
	[tilespmem:$0x1E900] =	vst v63  }
0x12: {  	s26 =	simm.s32 $0x0;
	s28 =	simm.s32 $0x200  }
.LBB2_2:
0x13: {  	p0 =	sne.s32 s28, $0xFE00;
	[tilespmem:s26+$0x2970] =	vst v0  }
0x14: {  	[tilespmem:s26+$0x2900] =	vst v0  }
0x15: {  	[tilespmem:s26+$0x2910] =	vst v0  }
.Ltmp0:
0x16: {  	[tilespmem:s26+$0x2920] =	vst v0;
	(pc) =	sbr.rel @p0 .LBB2_2-.Ltmp0, $4  }
0x17: {  	[tilespmem:s26+$0x2930] =	vst v0  }
0x18: {  	[tilespmem:s26+$0x2940] =	vst v0  }
0x19: {  	[tilespmem:s26+$0x2950] =	vst v0  }
0x1a: {  	[tilespmem:s26+$0x2960] =	vst v0;
	s26 =	sshra.s32 s28, $0x2;
	s28 =	sadd.s32 $0x200, s28  }
0x1b: {  	[tilespmem:s26+$0x2970] =	vst v0  }
0x1c: {  	[tilespmem:s26+$0x2900] =	vst v0  }
0x1d: {  	[tilespmem:s26+$0x2910] =	vst v0  }
0x1e: {  	[tilespmem:s26+$0x2920] =	vst v0  }
0x1f: {  	[tilespmem:s26+$0x2930] =	vst v0  }
0x20: {  	[tilespmem:s26+$0x2940] =	vst v0  }
0x21: {  	[tilespmem:s26+$0x2950] =	vst v0  }
0x22: {  	[tilespmem:s26+$0x2960] =	vst v0  }
0x23: {  	[spmem:s6] =	stream.linear.scatter [tilespmem:s17], [sflag:$0x3], $0x4000, $0x38;
	[tilespmem:$0x1E900] =	vst v63  }
0x24: {  	_ =	swait.ge [sflag:s18], $0x4000  }
0x25: {  	[sflag:s18] =	ssyncset.done $0x0  }
0x26: {  	[sflag:s18] =	ssyncadd.s32 $0xFFFFC000  }
0x27: {  	[spmem:s8] =	stream.linear.scatter [tilespmem:s17], [sflag:$0x3], $0x4000, $0x38;
	[tilespmem:$0x1E900] =	vst v63  }
0x28: {  	_ =	swait.ge [sflag:s18], $0x4000  }
0x29: {  	[sflag:s18] =	ssyncset.done $0x0  }
0x2a: {  	[sflag:s18] =	ssyncadd.s32 $0xFFFFC000  }
0x2b: {  	[spmem:s9] =	stream.linear.scatter [tilespmem:s17], [sflag:$0x3], $0x4000, $0x38;
	[tilespmem:$0x1E900] =	vst v63  }
0x2c: {  	_ =	swait.ge [sflag:s18], $0x4000  }
0x2d: {  	[sflag:s18] =	ssyncset.done $0x0  }
0x2e: {  	[sflag:s18] =	ssyncadd.s32 $0xFFFFC000  }
0x2f: {  	[spmem:s11] =	stream.linear.scatter [tilespmem:s17], [sflag:$0x3], $0x4000, $0x38;
	[tilespmem:$0x1E900] =	vst v63  }
0x30: {  	_ =	swait.ge [sflag:s18], $0x4000  }
0x31: {  	[sflag:s18] =	ssyncset.done $0x0  }
0x32: {  	[sflag:s18] =	ssyncadd.s32 $0xFFFFC000  }
0x33: {  	[spmem:s12] =	stream.linear.scatter [tilespmem:s17], [sflag:$0x3], $0x4000, $0x38;
	[tilespmem:$0x1E900] =	vst v63  }
0x34: {  	_ =	swait.ge [sflag:s18], $0x4000  }
0x35: {  	[sflag:s18] =	ssyncset.done $0x0  }
0x36: {  	[sflag:s18] =	ssyncadd.s32 $0xFFFFC000  }
0x37: {  	_ =	swait.ge [sflag:s19], $0x2800  }
0x38: {  	[sflag:s19] =	ssyncset.done $0x0  }
0x39: {  	[sflag:s19] =	ssyncadd.s32 $0xFFFFD800  }
0x3a: {  	[bflag:$0x0] =	sbarrier.arrive $0xFFFF  }
0x3b: {  	[tilespmem:s17], [sflag:$0x1] =	stream.indirect.gather [hbm4b:s4+s20], $0x80, s3, s20, $0xb8;
	[tilespmem:$0x1E900] =	vst v63  }
0x3c: {  	_ = 	snop  }
0x3d: {  	[tilespmem:s21], [sflag:$0x2] =	stream.linear.gather [hbm4b:s10+s3], $0x80, $0x38;
	[tilespmem:$0x1E900] =	vst v63  }
0x3e: {  	_ = 	snop  }
0x3f: {  	[tilespmem:s22], [sflag:$0x1] =	stream.indirect.gather [hbm4b:s4+s20], $0x80, s20, s20, $0xb8;
	[tilespmem:$0x1E900] =	vst v63  }
0x40: {  	_ = 	snop  }
0x41: {  	[tilespmem:s23], [sflag:$0x2] =	stream.linear.gather [hbm4b:s13+s3], $0x80, $0x38;
	[tilespmem:$0x1E900] =	vst v63  }
0x42: {  	_ =	swait.ge [sflag:s19], $0x4000  }
0x43: {  	[sflag:s19] =	ssyncset.done $0x0  }
0x44: {  	[sflag:s19] =	ssyncadd.s32 $0xFFFFC000  }
0x45: {  	_ =	swait.ge [sflag:s24], $0x80  }
0x46: {  	[sflag:s24] =	ssyncset.done $0x0  }
0x47: {  	s26 =	simm.s32 $0x100;
	[sflag:s24] =	ssyncadd.s32 $0xFFFFFF80  }
0x48: {  	[spmem:s2] =	stream.indirect.scatter.add.f32 [tilespmem:s17], [sflag:$0x3], $0x80, s21, s20, $0xb8;
	[tilespmem:$0x1E900] =	vst v63  }
0x49: {  	s28 =	sadd.s32 $0x30, s16;
	s29 =	simm.s32 $0x20;
	_ =	swait.ge [sflag:s18], $0x4000  }
0x4a: {  	s30 =	sadd.s32 $0xFFFFFFF0, s28;
	s29 =	sand.u32 $0x60, s29;
	[sflag:s18] =	ssyncset.done $0x0  }
0x4b: {  	s30 =	sand.u32 $0xFFFFF80, s30;
	s29 =	sadd.s32 s5, s29;
	[sflag:s18] =	ssyncadd.s32 $0xFFFFC000  }
0x4c: {  	[tilespmem:s17], [sflag:$0x1] =	stream.indirect.gather [hbm4b:s4+s20], $0x80, s26, s20, $0xb8;
	[tilespmem:$0x1E900] =	vst v63  }
0x4d: {  	s29 =	sadd.s32 s30, s29  }
0x4e: {  	[tilespmem:s21], [sflag:$0x2] =	stream.linear.gather [hbm4b:s29+s3], $0x80, $0x38;
	[tilespmem:$0x1E900] =	vst v63  }
0x4f: {  	_ =	swait.ge [sflag:s19], $0x4000  }
0x50: {  	[sflag:s19] =	ssyncset.done $0x0  }
0x51: {  	[sflag:s19] =	ssyncadd.s32 $0xFFFFC000  }
0x52: {  	_ =	swait.ge [sflag:s24], $0x80  }
0x53: {  	[sflag:s24] =	ssyncset.done $0x0  }
0x54: {  	s29 =	simm.s32 $0x30;
	[sflag:s24] =	ssyncadd.s32 $0xFFFFFF80  }
0x55: {  	[spmem:s2] =	stream.indirect.scatter.add.f32 [tilespmem:s22], [sflag:$0x3], $0x80, s23, s20, $0xb8;
	[tilespmem:$0x1E900] =	vst v63  }
0x56: {  	s1 =	simm.s32 $0x180;
	s29 =	sand.u32 $0x70, s29;
	_ =	swait.ge [sflag:s18], $0x4000  }
0x57: {  	s31 =	sand.u32 $0xFFFFF80, s28;
	s29 =	sadd.s32 s5, s29;
	[sflag:s18] =	ssyncset.done $0x0  }
0x58: {  	s28 =	simm.s32 $0x50;
	s29 =	sadd.s32 s31, s29;
	[sflag:s18] =	ssyncadd.s32 $0xFFFFC000  }
0x59: {  	[tilespmem:s22], [sflag:$0x1] =	stream.indirect.gather [hbm4b:s4+s20], $0x80, s1, s20, $0xb8;
	[tilespmem:$0x1E900] =	vst v63  }
.LBB2_4:
0x5a: {  	p0 =	sne.s32 s28, $0x4F0  }
0x5b: {  	s26 =	sadd.s32 $0x100, s26;
	s30 =	smov.u32 s28;
	s28 =	sadd.s32 $0x20, s28  }
0x5c: {  	[tilespmem:s23], [sflag:$0x2] =	stream.linear.gather [hbm4b:s29+s3], $0x80, $0x38;
	[tilespmem:$0x1E900] =	vst v63  }
0x5d: {  	_ =	swait.ge [sflag:s19], $0x4000  }
0x5e: {  	[sflag:s19] =	ssyncset.done $0x0  }
0x5f: {  	[sflag:s19] =	ssyncadd.s32 $0xFFFFC000  }
0x60: {  	_ =	swait.ge [sflag:s24], $0x80  }
0x61: {  	[sflag:s24] =	ssyncset.done $0x0  }
0x62: {  	[sflag:s24] =	ssyncadd.s32 $0xFFFFFF80  }
0x63: {  	[spmem:s2] =	stream.indirect.scatter.add.f32 [tilespmem:s17], [sflag:$0x3], $0x80, s21, s20, $0xb8;
	[tilespmem:$0x1E900] =	vst v63  }
0x64: {  	_ =	swait.ge [sflag:s18], $0x4000  }
0x65: {  	s29 =	sadd.s32 s30, s16;
	s31 =	sadd.s32 $0xFFFFFFF0, s30;
	[sflag:s18] =	ssyncset.done $0x0  }
0x66: {  	s1 =	sadd.s32 $0xFFFFFFF0, s29;
	s31 =	sand.u32 $0x60, s31;
	[sflag:s18] =	ssyncadd.s32 $0xFFFFC000  }
0x67: {  	s29 =	sand.u32 $0xFFFFF80, s29;
	s1 =	sand.u32 $0xFFFFF80, s1;
	s31 =	sadd.s32 s5, s31  }
0x68: {  	[tilespmem:s17], [sflag:$0x1] =	stream.indirect.gather [hbm4b:s4+s20], $0x80, s26, s20, $0xb8;
	[tilespmem:$0x1E900] =	vst v63  }
0x69: {  	s1 =	sadd.s32 s1, s31  }
0x6a: {  	[tilespmem:s21], [sflag:$0x2] =	stream.linear.gather [hbm4b:s1+s3], $0x80, $0x38;
	[tilespmem:$0x1E900] =	vst v63  }
0x6b: {  	_ =	swait.ge [sflag:s19], $0x4000  }
0x6c: {  	[sflag:s19] =	ssyncset.done $0x0  }
0x6d: {  	[sflag:s19] =	ssyncadd.s32 $0xFFFFC000  }
0x6e: {  	_ =	swait.ge [sflag:s24], $0x80  }
0x6f: {  	[sflag:s24] =	ssyncset.done $0x0  }
0x70: {  	[sflag:s24] =	ssyncadd.s32 $0xFFFFFF80  }
0x71: {  	[spmem:s2] =	stream.indirect.scatter.add.f32 [tilespmem:s22], [sflag:$0x3], $0x80, s23, s20, $0xb8;
	[tilespmem:$0x1E900] =	vst v63  }
.Ltmp1:
0x72: {  	_ = 	snop;
	(pc) =	sbr.rel @p0 .LBB2_4-.Ltmp1, $4  }
0x73: {  	s1 =	sand.u32 $0x70, s30;
	_ =	swait.ge [sflag:s18], $0x4000  }
0x74: {  	s30 =	sadd.s32 $0x80, s26;
	s1 =	sadd.s32 s5, s1;
	[sflag:s18] =	ssyncset.done $0x0  }
0x75: {  	s29 =	sadd.s32 s29, s1;
	[sflag:s18] =	ssyncadd.s32 $0xFFFFC000  }
0x76: {  	[tilespmem:s22], [sflag:$0x1] =	stream.indirect.gather [hbm4b:s4+s20], $0x80, s30, s20, $0xb8;
	[tilespmem:$0x1E900] =	vst v63  }
0x77: {  	[tilespmem:s23], [sflag:$0x2] =	stream.linear.gather [hbm4b:s29+s3], $0x80, $0x38;
	[tilespmem:$0x1E900] =	vst v63  }
0x78: {  	_ =	swait.ge [sflag:s19], $0x4000  }
0x79: {  	[sflag:s19] =	ssyncset.done $0x0  }
0x7a: {  	[sflag:s19] =	ssyncadd.s32 $0xFFFFC000  }
0x7b: {  	_ =	swait.ge [sflag:s24], $0x80  }
0x7c: {  	[sflag:s24] =	ssyncset.done $0x0  }
0x7d: {  	[sflag:s24] =	ssyncadd.s32 $0xFFFFFF80  }
0x7e: {  	[spmem:s2] =	stream.indirect.scatter.add.f32 [tilespmem:s17], [sflag:$0x3], $0x80, s21, s20, $0xb8;
	[tilespmem:$0x1E900] =	vst v63  }
0x7f: {  	_ =	swait.ge [sflag:s18], $0x4000  }
0x80: {  	[sflag:s18] =	ssyncset.done $0x0  }
0x81: {  	[sflag:s18] =	ssyncadd.s32 $0xFFFFC000  }
0x82: {  	_ =	swait.ge [sflag:s19], $0x4000  }
0x83: {  	[sflag:s19] =	ssyncset.done $0x0  }
0x84: {  	[sflag:s19] =	ssyncadd.s32 $0xFFFFC000  }
0x85: {  	_ =	swait.ge [sflag:s24], $0x80  }
0x86: {  	[sflag:s24] =	ssyncset.done $0x0  }
0x87: {  	[sflag:s24] =	ssyncadd.s32 $0xFFFFFF80  }
0x88: {  	[spmem:s2] =	stream.indirect.scatter.add.f32 [tilespmem:s22], [sflag:$0x3], $0x80, s23, s20, $0xb8;
	[tilespmem:$0x1E900] =	vst v63  }
0x89: {  	_ =	swait.ge [sflag:s18], $0x4000  }
0x8a: {  	s1 =	sshll.u32 s0, $0x6;
	s25 =	sadd.s32 $0x1, s25;
	[sflag:s18] =	ssyncset.done $0x0  }
0x8b: {  	s26 =	sshrl.u32 s6, $0x3;
	p0 =	sne.s32 s25, s15;
	[sflag:s18] =	ssyncadd.s32 $0xFFFFC000  }
.Ltmp2:
0x8c: {  	s1 =	sor.u32 $0x1C03, s1;
	[bflag:$0x0] =	sbarrier.arrive $0xFFFF;
	(pc) =	sbr.rel @p0 .LBB2_1-.Ltmp2, $4  }
0x8d: {  	[hbm:s14], [sflag:s1] =	dma.local [spmem:s26], $0x2800  }
0x8e: {  	_ =	swait.ge [sflag:s18], $0x2800  }
0x8f: {  	[sflag:s18] =	ssyncset.done $0x0  }
0x90: {  	[sflag:s18] =	ssyncadd.s32 $0xFFFFD800  }
0x91: {  	_ =	sfence.sel $0x180000  }
0x92: {  	[bflag:$0x0] =	sbarrier.arrive $0xFFFF  }
0x93: {  	_ =	strace $0x90000050  }
0x94: {  	[bflag:$0x2] =	sbarrier.arrive $0xFFFF  }
0x95: {  	p0 =	sne.s32 s0, $0x0;
	s0 =	rddreg [dreg:$0x2]  }
0x96: {  	s0 =	sadd.s32 @!p0 $0x100000, s0  }
0x97: {  	[sflag:s0] =	ssyncadd.tile.s32 @!p0 $0x1;
	_ =	shalt  }
.Lfunc_end2:
_tile_overlayer_lowered:
.L_overlay_start_2:
0x98: {  	(tag) =	ssettag $0x2  }
0x99: {  	s0 =	rddreg [dreg:$0x0];
	s2 =	stileid.u32  }
0x9a: {  	s1 =	rddreg [dreg:$0x1];
	p0 =	sne.s32 s2, $0x0  }
0x9b: {  	s3 =	rddreg [dreg:$0x2];
	[bflag:$0x3] =	sbarrier.arrive $0xFFFF;
	s2 =	simm.s32 @!p0 $0x1C03  }
0x9c: {  	[timem:s3], [sflag:s2] =	dma.local @!p0 [hbm:s0], s1  }
0x9d: {  	s0 =	simm.s32 @!p0 $0x3  }
0x9e: {  	_ =	swait.ge @!p0 [sflag:s0], s1  }
0x9f: {  	s1 =	ssub.s32 @!p0 $0x0, s1;
	[sflag:s0] =	ssyncset.done @!p0 $0x0  }
0xa0: {  	[sflag:s0] =	ssyncadd.s32 @!p0 s1  }
0xa1: {  	[bflag:$0x3] =	sbarrier.arrive $0xFFFF  }
0xa2: {  	_ =	shalt  }

// kernel: kernel.36.cloned.1.call-start
scs
__scs_entry_jumppad:
0x0: {  	(pc) =	sbr.rel $0x88, $3  }
0x1: {  	(tag) =	ssettag $0x0;
	lr =	simm.s32 $0x1  }
0x2: {  	[smem:$0x3F70] =	sst lr;
	_ =	strace $0xD0000000  }
0x3: {  	_ = 	snop  }
0x4: {  	_ = 	snop  }
0x5: {  	_ = 	snop  }
0x6: {  	_ = 	snop  }
0x7: {  	_ = 	snop  }
__scs_overlays_trampoline_lowered:
0x8: {  	[smem:$0x3F7F] =	sst s0  }
0x9: {  	[smem:$0x3F80] =	sst s1  }
0xa: {  	[smem:$0x3F81] =	sst s2  }
0xb: {  	[smem:$0x3F82] =	sst s3  }
0xc: {  	[smem:$0x3F83] =	sst s4  }
0xd: {  	[smem:$0x3F84] =	sst s5  }
0xe: {  	[smem:$0x3F85] =	sst s6  }
0xf: {  	[smem:$0x3F86] =	sst s7  }
0x10: {  	[smem:$0x3F87] =	sst s8  }
0x11: {  	[smem:$0x3F88] =	sst s9;
	s0 =	simm.s32 @!p0 $0x0  }
0x12: {  	s1 =	sld [smem:$0x3F6E];
	s0 =	simm.s32 @p0 $0x1  }
0x13: {  	[smem:$0x3F89] =	sst s0;
	s0 =	simm.s32 @!p1 $0x0  }
0x14: {  	s2 =	sld [smem:$0x3F6D];
	s0 =	simm.s32 @p1 $0x1  }
0x15: {  	[smem:$0x3F8A] =	sst s0;
	s0 =	simm.s32 @!p2 $0x0  }
0x16: {  	s3 =	sld [smem:$0x3FDB];
	s0 =	simm.s32 @p2 $0x1  }
0x17: {  	s4 =	simm.s32 $0x1BF5;
	[smem:$0x3F8C] =	sst s0  }
0x18: {  	s0 =	sld [smem:$0x3F6F];
	_ =	swait.ge [sflag:s4], $0x0  }
0x19: {  	s7 =	sld [smem:$0x3F70]  }
0x1a: {  	s8 =	sadd.s32 $0xFFFFE003, lr  }
0x1b: {  	s9 =	sadd.s32 $0xFFFFFEF7, lr;
	s5 =	simm.s32 $0xFFFFFFFF;
	p2 =	slt.u32 s8, $0xFFFFF086  }
0x1c: {  	p1 =	slt.u32 s9, $0xF7A;
	s5 =	simm.s32 @!p2 $0x0  }
0x1d: {  	s5 =	simm.s32 @p1 $0x1;
	p0 =	seq.s32 s7, s2  }
0x1e: {  	s7 =	smul.u32 @!p0 $0xF7A, s2;
	p2 =	seq.s32 @!p0 s5, $0x0  }
0x1f: {  	s9 =	smul.u32 $0xF7A, s1;
	s8 =	simm.s32 @!p0 $0x1BF5;
	p2 =	por !p2, p0  }
0x20: {  	[sflag:s8] =	ssyncset.s32 @!p0 $0xFFFFF086;
	s6 =	sadd.s32 @!p0 s3, s7;
	s7 =	simm.s32 @!p0 $0x108  }
0x21: {  	s3 =	sadd.s32 s3, s9;
	s6 =	sadd.s32 @!p0 $0x88, s6;
	s7 =	simm.s32 @p2 $0x1082  }
0x22: {  	[simem:s7], [sflag:s8] =	dma.local @!p0 [hbm:s6], $0xF7A  }
0x23: {  	s9 =	sor.u32 $0xD0000000, s2;
	s6 =	simm.s32 $0x108;
	_ =	swait.ge @!p0 [sflag:s8], $0x0  }
0x24: {  	s3 =	sadd.s32 $0x88, s3;
	s6 =	simm.s32 @!p1 $0x1082;
	[sflag:s4] =	ssyncset.s32 $0xFFFFF086  }
0x25: {  	[simem:s6], [sflag:s4] =	dma.local [hbm:s3], $0xF7A  }
0x26: {  	[smem:$0x3F70] =	sst s1;
	(tag) =	ssettag s2;
	_ =	strace s9  }
0x27: {  	s1 =	sld [smem:$0x3F80]  }
0x28: {  	s2 =	sld [smem:$0x3F81]  }
0x29: {  	s4 =	sld [smem:$0x3F83]  }
0x2a: {  	p0 =	seq.s32 s5, $0x0;
	s5 =	sld [smem:$0x3F84]  }
0x2b: {  	s6 =	sld [smem:$0x3F85]  }
0x2c: {  	s7 =	sld [smem:$0x3F86]  }
0x2d: {  	s3 =	simm.s32 $0x108;
	s8 =	sld [smem:$0x3F87]  }
0x2e: {  	s3 =	simm.s32 @!p0 $0x1082;
	s9 =	sld [smem:$0x3F88]  }
0x2f: {  	lr =	sadd.s32 s0, s3;
	s0 =	sld [smem:$0x3F7F]  }
0x30: {  	s3 =	sld [smem:$0x3F82]  }
0x31: {  	[smem:$0x3F8B] =	sst s10  }
0x32: {  	s10 =	sld [smem:$0x3F89];
	_ =	sdelay $0x3  }
0x33: {  	p0 =	seq.s32 s10, $0x1;
	s10 =	sld [smem:$0x3F8B];
	_ =	sdelay $0x3  }
0x34: {  	[smem:$0x3F8B] =	sst s10  }
0x35: {  	s10 =	sld [smem:$0x3F8A];
	_ =	sdelay $0x3  }
0x36: {  	p1 =	seq.s32 s10, $0x1;
	s10 =	sld [smem:$0x3F8B];
	_ =	sdelay $0x3  }
0x37: {  	[smem:$0x3F8B] =	sst s10  }
0x38: {  	s10 =	sld [smem:$0x3F8C]  }
0x39: {  	_ = 	snop;
	(pc) =	sbr.ind lr, $3  }
0x3a: {  	_ = 	snop  }
0x3b: {  	_ = 	snop  }
0x3c: {  	p2 =	seq.s32 s10, $0x1;
	s10 =	sld [smem:$0x3F8B]  }
0x3d: {  	_ =	shalt  }
0x3e: {  	_ =	shalt  }
0x3f: {  	_ =	shalt  }
0x40: {  	_ =	shalt  }
0x41: {  	_ =	shalt  }
0x42: {  	_ =	shalt  }
0x43: {  	_ =	shalt  }
0x44: {  	_ =	shalt  }
0x45: {  	_ =	shalt  }
0x46: {  	_ =	shalt  }
0x47: {  	_ =	shalt  }
0x48: {  	_ =	shalt  }
0x49: {  	_ =	shalt  }
0x4a: {  	_ =	shalt  }
0x4b: {  	_ =	shalt  }
0x4c: {  	_ =	shalt  }
0x4d: {  	_ =	shalt  }
0x4e: {  	_ =	shalt  }
0x4f: {  	_ =	shalt  }
0x50: {  	_ =	shalt  }
0x51: {  	_ =	shalt  }
0x52: {  	_ =	shalt  }
0x53: {  	_ =	shalt  }
0x54: {  	_ =	shalt  }
0x55: {  	_ =	shalt  }
0x56: {  	_ =	shalt  }
0x57: {  	_ =	shalt  }
0x58: {  	_ =	shalt  }
0x59: {  	_ =	shalt  }
0x5a: {  	_ =	shalt  }
0x5b: {  	_ =	shalt  }
0x5c: {  	_ =	shalt  }
0x5d: {  	_ =	shalt  }
0x5e: {  	_ =	shalt  }
0x5f: {  	_ =	shalt  }
0x60: {  	_ =	shalt  }
0x61: {  	_ =	shalt  }
0x62: {  	_ =	shalt  }
0x63: {  	_ =	shalt  }
0x64: {  	_ =	shalt  }
0x65: {  	_ =	shalt  }
0x66: {  	_ =	shalt  }
0x67: {  	_ =	shalt  }
0x68: {  	_ =	shalt  }
0x69: {  	_ =	shalt  }
0x6a: {  	_ =	shalt  }
0x6b: {  	_ =	shalt  }
0x6c: {  	_ =	shalt  }
0x6d: {  	_ =	shalt  }
0x6e: {  	_ =	shalt  }
0x6f: {  	_ =	shalt  }
0x70: {  	_ =	shalt  }
0x71: {  	_ =	shalt  }
0x72: {  	_ =	shalt  }
0x73: {  	_ =	shalt  }
0x74: {  	_ =	shalt  }
0x75: {  	_ =	shalt  }
0x76: {  	_ =	shalt  }
0x77: {  	_ =	shalt  }
0x78: {  	_ =	shalt  }
0x79: {  	_ =	shalt  }
0x7a: {  	_ =	shalt  }
0x7b: {  	_ =	shalt  }
0x7c: {  	_ =	shalt  }
0x7d: {  	_ =	shalt  }
0x7e: {  	_ =	shalt  }
0x7f: {  	_ =	shalt  }
0x80: {  	_ =	shalt  }
0x81: {  	_ =	shalt  }
0x82: {  	_ =	shalt  }
0x83: {  	_ =	shalt  }
0x84: {  	_ =	shalt  }
0x85: {  	_ =	shalt  }
0x86: {  	_ =	shalt  }
0x87: {  	_ =	shalt  }
.Lfunc_end0:
.L_simem_size_0:
called_computation.4_lowered:
.L_overlay_start_0:
0x88: {  	s2 =	sld [smem:$0x3FD9]  }
0x89: {  	s3 =	sld [smem:$0x3FFE];
	_ =	sdelay $0x1  }
0x8a: {  	s1 =	srdreg.scid  }
0x8b: {  	s0 =	sand.u32 $0x1, s1  }
0x8c: {  	s16 =	sshll.u32 s0, $0xA;
	s2 =	sadd.s32 s3, s2  }
0x8d: {  	s2 =	sadd.s32 s2, s16  }
0x8e: {  	[smem:$0x3F97] =	sst s2  }
0x8f: {  	_ = 	snop  }
0x90: {  	(tm) =	ssettm $0x1  }
0x91: {  	s17 =	sld [smem:$0x3FFB];
	_ =	sdelay $0x3  }
0x92: {  	_ =	strace s17  }
0x93: {  	s2 =	sld [smem:$0x3FFC];
	_ =	sdelay $0x3  }
0x94: {  	_ =	strace s2  }
0x95: {  	s2 =	sld [smem:$0x3FFD];
	_ =	sdelay $0x3  }
0x96: {  	_ =	strace s2  }
0x97: {  	_ =	strace $0x8FFFFFFF  }
0x98: {  	s18 =	sld [smem:$0x3FDB];
	_ =	sdelay $0x1  }
0x99: {  	s19 =	simm.s32 $_scs_section_size  }
0x9a: {  	s4 =	simm.s32 $_size__tile_overlayer_lowered;
	s5 =	simm.s32 $_tile_overlayer_lowered  }
0x9b: {  	s22 =	simm.s32 $0x1BFF;
	s21 =	sshll.u32 s5, $0x1;
	s2 =	sadd.s32 s19, s18  }
0x9c: {  	s6 =	simm.s32 $0x0;
	s20 =	sshll.u32 s4, $0x1;
	s4 =	sadd.s32 s21, s2  }
0x9d: {  	[timem:s6], [sflag:s22] =	dma.local [hbm:s4], s20  }
0x9e: {  	_ =	swait.ge [sflag:s22], s20  }
0x9f: {  	s3 =	ssub.s32 $0x0, s20;
	[sflag:s22] =	ssyncset.done $0x0  }
0xa0: {  	[sflag:s22] =	ssyncadd.s32 s3;
	_ =	sdelay $0x1  }
0xa1: {  	s23 =	simm.s32 $0x1B8B  }
0xa2: {  	_ =	swait.ge [sflag:s23], $0x1  }
0xa3: {  	[sflag:s23] =	ssyncset.done $0x0  }
0xa4: {  	s25 =	simm.s32 $0x1B8E;
	s24 =	sld [smem:$0x3FFE];
	[sflag:s23] =	ssyncadd.s32 $0xFFFFFFFF  }
0xa5: {  	s26 =	simm.s32 $execute0_lowered;
	[smem:$0x3FD2] =	sst s25  }
0xa6: {  	s4 =	sshll.u32 s26, $0x1;
	_ =	strace $0x80000052;
	[dreg:$0x1] =	wrdreg $0xFFFFFFFF  }
0xa7: {  	s28 =	simm.s32 $_size_execute0_lowered;
	s2 =	sadd.s32 s2, s4;
	[dreg:$0x0] =	wrdreg $0x0  }
0xa8: {  	s4 =	sshll.u32 s28, $0x1;
	[dreg:$0x2] =	wrdreg s2  }
0xa9: {  	[dreg:$0x3] =	wrdreg s4  }
0xaa: {  	[dreg:$0x4] =	wrdreg $0xC0  }
0xab: {  	_ =	task [dreg:s6], $0x5FFFF  }
0xac: {  	[dreg:$0x1] =	wrdreg $0xFFFFFFFF  }
0xad: {  	[dreg:$0x0] =	wrdreg $0x60  }
0xae: {  	[dreg:$0x2] =	wrdreg s24  }
0xaf: {  	[dreg:$0x3] =	wrdreg $0xA9000  }
0xb0: {  	[dreg:$0x4] =	wrdreg $0x9  }
0xb1: {  	_ =	task.clear_ibuf [dreg:s6], $0x5FFFF;
	_ =	strace $0x90000052  }
0xb2: {  	s29 =	simm.s32 $0x9;
	_ =	strace $0x80000054  }
0xb3: {  	_ =	swait.ge [sflag:s29], $0x1  }
0xb4: {  	[sflag:s29] =	ssyncadd.s32 $0xFFFFFFFF  }
0xb5: {  	_ =	strace $0x90000054  }
0xb6: {  	_ =	sfence  }
0xb7: {  	s30 =	sld [smem:$0x0];
	_ =	sdelay $0x2  }
0xb8: {  	s31 =	sshll.u32 s1, $0xD;
	s1 =	sshrl.u32 s1, $0x2  }
0xb9: {  	s3 =	sand.u32 $0x4000, s31;
	s1 =	sadd.s32 s1, s30  }
0xba: {  	s0 =	sor.u32 s3, s0;
	s1 =	sshll.u32 s1, $0x11  }
0xbb: {  	s0 =	sor.u32 s1, s0  }
0xbc: {  	s0 =	sadd.s32 $0x8F2B, s0  }
0xbd: {  	[sflag:s0] =	ssyncadd.remote.s32 $0x1  }
0xbe: {  	_ =	sfence.sel $0xFFFF  }
0xbf: {  	[dreg:$0x0] =	wrdreg $0xFFFFFFFF;
	(pc) =	sbr.abs _section_cstart, $3  }
0xc0: {  	[dreg:$0x1] =	wrdreg $0xFFFFFFFF  }
0xc1: {  	_ =	task.clear_ibuf [dreg:s6], $0x2FFFF;
	_ =	strace $0x9FFFFFFF  }
0xc2: {  	(tm) =	ssettm $0x7FFFFFFF  }
0xc3: {  	_ =	shalt  }
tec
execute0_lowered:
.L_overlay_start_1:
0x0: {  	(tag) =	ssettag $0x1  }
0x1: {  	s6 =	rddreg [dreg:$0x0]  }
0x2: {  	s0 =	srdreg.scid;
	s2 =	rddreg [dreg:$0x1]  }
0x3: {  	s3 =	simm.s32 $0x0;
	s18 =	simm.s32 $0x3;
	s19 =	simm.s32 $0x1  }
0x4: {  	s20 =	simm.s32 $0x80;
	s21 =	simm.s32 $0x2800;
	s22 =	simm.s32 $0x6900  }
0x5: {  	s23 =	simm.s32 $0x2880;
	s9 =	sand.u32 $0x1, s0;
	s0 =	stileid.u32  }
0x6: {  	s24 =	simm.s32 $0x2;
	s25 =	simm.s32 $0x0;
	s7 =	smul.u32 $0x2800, s0  }
0x7: {  	[smem:$0x7FF] =	sst s3;
	s4 =	sadd.s32 $0x47E00, s6;
	s8 =	smul.u32 $0x28000, s9  }
0x8: {  	s5 =	sadd.s32 $0xCC00, s6;
	s1 =	sshll.u32 s9, $0x4;
	s11 =	smul.u32 $0x50000, s0  }
0x9: {  	_ =	strace $0x80000053;
	s13 =	ssub.s32 $0x2, s9;
	s16 =	smul.u32 $0x5000, s9  }
0xa: {  	s17 =	smul.u32 $0x500, s0;
	s1 =	sor.u32 s0, s1;
	s31 =	sshrl.u32 s13, $0x1  }
0xb: {  	s10 =	smul.u32 $0x500, s1;
	s7 =	sadd.s32 s7, s8;
	s11 =	sshrl.u32 s11, $0x2  }
0xc: {  	s15 =	ssub.s32 s13, s31;
	s16 =	sadd.s32 s17, s16;
	s17 =	simm.s32 $0x2900  }
0xd: {  	s14 =	sadd.s32 s7, s6;
	s15 =	smax.u32 s15, $0x1;
	s12 =	sadd.s32 s10, s6  }
0xe: {  	s6 =	sadd.s32 s11, s2;
	s10 =	sadd.s32 s5, s10;
	s14 =	sadd.s32 $0x6F000, s14  }
0xf: {  	s7 =	sadd.s32 $0x16C00, s12;
	s8 =	sadd.s32 $0x4000, s6;
	s9 =	sadd.s32 $0x8000, s6  }
0x10: {  	v0 =	vimm.f32 $0.0e+00;
	s11 =	sadd.s32 $0xC000, s6;
	s12 =	sadd.s32 $0x10000, s6;
	s13 =	sadd.s32 $0x10, s10  }
.LBB2_1:
0x11: {  	[tilespmem:s3], [sflag:$0x1] =	stream.linear.gather [hbm4b:s7+s3], $0x2800, $0x38;
	[tilespmem:$0x1E900] =	vst v63  }
0x12: {  	s26 =	simm.s32 $0x0;
	s28 =	simm.s32 $0x200  }
.LBB2_2:
0x13: {  	p0 =	sne.s32 s28, $0xFE00;
	[tilespmem:s26+$0x2970] =	vst v0  }
0x14: {  	[tilespmem:s26+$0x2900] =	vst v0  }
0x15: {  	[tilespmem:s26+$0x2910] =	vst v0  }
.Ltmp0:
0x16: {  	[tilespmem:s26+$0x2920] =	vst v0;
	(pc) =	sbr.rel @p0 .LBB2_2-.Ltmp0, $4  }
0x17: {  	[tilespmem:s26+$0x2930] =	vst v0  }
0x18: {  	[tilespmem:s26+$0x2940] =	vst v0  }
0x19: {  	[tilespmem:s26+$0x2950] =	vst v0  }
0x1a: {  	[tilespmem:s26+$0x2960] =	vst v0;
	s26 =	sshra.s32 s28, $0x2;
	s28 =	sadd.s32 $0x200, s28  }
0x1b: {  	[tilespmem:s26+$0x2970] =	vst v0  }
0x1c: {  	[tilespmem:s26+$0x2900] =	vst v0  }
0x1d: {  	[tilespmem:s26+$0x2910] =	vst v0  }
0x1e: {  	[tilespmem:s26+$0x2920] =	vst v0  }
0x1f: {  	[tilespmem:s26+$0x2930] =	vst v0  }
0x20: {  	[tilespmem:s26+$0x2940] =	vst v0  }
0x21: {  	[tilespmem:s26+$0x2950] =	vst v0  }
0x22: {  	[tilespmem:s26+$0x2960] =	vst v0  }
0x23: {  	[spmem:s6] =	stream.linear.scatter [tilespmem:s17], [sflag:$0x3], $0x4000, $0x38;
	[tilespmem:$0x1E900] =	vst v63  }
0x24: {  	_ =	swait.ge [sflag:s18], $0x4000  }
0x25: {  	[sflag:s18] =	ssyncset.done $0x0  }
0x26: {  	[sflag:s18] =	ssyncadd.s32 $0xFFFFC000  }
0x27: {  	[spmem:s8] =	stream.linear.scatter [tilespmem:s17], [sflag:$0x3], $0x4000, $0x38;
	[tilespmem:$0x1E900] =	vst v63  }
0x28: {  	_ =	swait.ge [sflag:s18], $0x4000  }
0x29: {  	[sflag:s18] =	ssyncset.done $0x0  }
0x2a: {  	[sflag:s18] =	ssyncadd.s32 $0xFFFFC000  }
0x2b: {  	[spmem:s9] =	stream.linear.scatter [tilespmem:s17], [sflag:$0x3], $0x4000, $0x38;
	[tilespmem:$0x1E900] =	vst v63  }
0x2c: {  	_ =	swait.ge [sflag:s18], $0x4000  }
0x2d: {  	[sflag:s18] =	ssyncset.done $0x0  }
0x2e: {  	[sflag:s18] =	ssyncadd.s32 $0xFFFFC000  }
0x2f: {  	[spmem:s11] =	stream.linear.scatter [tilespmem:s17], [sflag:$0x3], $0x4000, $0x38;
	[tilespmem:$0x1E900] =	vst v63  }
0x30: {  	_ =	swait.ge [sflag:s18], $0x4000  }
0x31: {  	[sflag:s18] =	ssyncset.done $0x0  }
0x32: {  	[sflag:s18] =	ssyncadd.s32 $0xFFFFC000  }
0x33: {  	[spmem:s12] =	stream.linear.scatter [tilespmem:s17], [sflag:$0x3], $0x4000, $0x38;
	[tilespmem:$0x1E900] =	vst v63  }
0x34: {  	_ =	swait.ge [sflag:s18], $0x4000  }
0x35: {  	[sflag:s18] =	ssyncset.done $0x0  }
0x36: {  	[sflag:s18] =	ssyncadd.s32 $0xFFFFC000  }
0x37: {  	_ =	swait.ge [sflag:s19], $0x2800  }
0x38: {  	[sflag:s19] =	ssyncset.done $0x0  }
0x39: {  	[sflag:s19] =	ssyncadd.s32 $0xFFFFD800  }
0x3a: {  	[bflag:$0x0] =	sbarrier.arrive $0xFFFF  }
0x3b: {  	[tilespmem:s17], [sflag:$0x1] =	stream.indirect.gather [hbm4b:s4+s20], $0x80, s3, s20, $0xb8;
	[tilespmem:$0x1E900] =	vst v63  }
0x3c: {  	_ = 	snop  }
0x3d: {  	[tilespmem:s21], [sflag:$0x2] =	stream.linear.gather [hbm4b:s10+s3], $0x80, $0x38;
	[tilespmem:$0x1E900] =	vst v63  }
0x3e: {  	_ = 	snop  }
0x3f: {  	[tilespmem:s22], [sflag:$0x1] =	stream.indirect.gather [hbm4b:s4+s20], $0x80, s20, s20, $0xb8;
	[tilespmem:$0x1E900] =	vst v63  }
0x40: {  	_ = 	snop  }
0x41: {  	[tilespmem:s23], [sflag:$0x2] =	stream.linear.gather [hbm4b:s13+s3], $0x80, $0x38;
	[tilespmem:$0x1E900] =	vst v63  }
0x42: {  	_ =	swait.ge [sflag:s19], $0x4000  }
0x43: {  	[sflag:s19] =	ssyncset.done $0x0  }
0x44: {  	[sflag:s19] =	ssyncadd.s32 $0xFFFFC000  }
0x45: {  	_ =	swait.ge [sflag:s24], $0x80  }
0x46: {  	[sflag:s24] =	ssyncset.done $0x0  }
0x47: {  	s26 =	simm.s32 $0x100;
	[sflag:s24] =	ssyncadd.s32 $0xFFFFFF80  }
0x48: {  	[spmem:s2] =	stream.indirect.scatter.add.f32 [tilespmem:s17], [sflag:$0x3], $0x80, s21, s20, $0xb8;
	[tilespmem:$0x1E900] =	vst v63  }
0x49: {  	s28 =	sadd.s32 $0x30, s16;
	s29 =	simm.s32 $0x20;
	_ =	swait.ge [sflag:s18], $0x4000  }
0x4a: {  	s30 =	sadd.s32 $0xFFFFFFF0, s28;
	s29 =	sand.u32 $0x60, s29;
	[sflag:s18] =	ssyncset.done $0x0  }
0x4b: {  	s30 =	sand.u32 $0xFFFFF80, s30;
	s29 =	sadd.s32 s5, s29;
	[sflag:s18] =	ssyncadd.s32 $0xFFFFC000  }
0x4c: {  	[tilespmem:s17], [sflag:$0x1] =	stream.indirect.gather [hbm4b:s4+s20], $0x80, s26, s20, $0xb8;
	[tilespmem:$0x1E900] =	vst v63  }
0x4d: {  	s29 =	sadd.s32 s30, s29  }
0x4e: {  	[tilespmem:s21], [sflag:$0x2] =	stream.linear.gather [hbm4b:s29+s3], $0x80, $0x38;
	[tilespmem:$0x1E900] =	vst v63  }
0x4f: {  	_ =	swait.ge [sflag:s19], $0x4000  }
0x50: {  	[sflag:s19] =	ssyncset.done $0x0  }
0x51: {  	[sflag:s19] =	ssyncadd.s32 $0xFFFFC000  }
0x52: {  	_ =	swait.ge [sflag:s24], $0x80  }
0x53: {  	[sflag:s24] =	ssyncset.done $0x0  }
0x54: {  	s29 =	simm.s32 $0x30;
	[sflag:s24] =	ssyncadd.s32 $0xFFFFFF80  }
0x55: {  	[spmem:s2] =	stream.indirect.scatter.add.f32 [tilespmem:s22], [sflag:$0x3], $0x80, s23, s20, $0xb8;
	[tilespmem:$0x1E900] =	vst v63  }
0x56: {  	s1 =	simm.s32 $0x180;
	s29 =	sand.u32 $0x70, s29;
	_ =	swait.ge [sflag:s18], $0x4000  }
0x57: {  	s31 =	sand.u32 $0xFFFFF80, s28;
	s29 =	sadd.s32 s5, s29;
	[sflag:s18] =	ssyncset.done $0x0  }
0x58: {  	s28 =	simm.s32 $0x50;
	s29 =	sadd.s32 s31, s29;
	[sflag:s18] =	ssyncadd.s32 $0xFFFFC000  }
0x59: {  	[tilespmem:s22], [sflag:$0x1] =	stream.indirect.gather [hbm4b:s4+s20], $0x80, s1, s20, $0xb8;
	[tilespmem:$0x1E900] =	vst v63  }
.LBB2_4:
0x5a: {  	p0 =	sne.s32 s28, $0x4F0  }
0x5b: {  	s26 =	sadd.s32 $0x100, s26;
	s30 =	smov.u32 s28;
	s28 =	sadd.s32 $0x20, s28  }
0x5c: {  	[tilespmem:s23], [sflag:$0x2] =	stream.linear.gather [hbm4b:s29+s3], $0x80, $0x38;
	[tilespmem:$0x1E900] =	vst v63  }
0x5d: {  	_ =	swait.ge [sflag:s19], $0x4000  }
0x5e: {  	[sflag:s19] =	ssyncset.done $0x0  }
0x5f: {  	[sflag:s19] =	ssyncadd.s32 $0xFFFFC000  }
0x60: {  	_ =	swait.ge [sflag:s24], $0x80  }
0x61: {  	[sflag:s24] =	ssyncset.done $0x0  }
0x62: {  	[sflag:s24] =	ssyncadd.s32 $0xFFFFFF80  }
0x63: {  	[spmem:s2] =	stream.indirect.scatter.add.f32 [tilespmem:s17], [sflag:$0x3], $0x80, s21, s20, $0xb8;
	[tilespmem:$0x1E900] =	vst v63  }
0x64: {  	_ =	swait.ge [sflag:s18], $0x4000  }
0x65: {  	s29 =	sadd.s32 s30, s16;
	s31 =	sadd.s32 $0xFFFFFFF0, s30;
	[sflag:s18] =	ssyncset.done $0x0  }
0x66: {  	s1 =	sadd.s32 $0xFFFFFFF0, s29;
	s31 =	sand.u32 $0x60, s31;
	[sflag:s18] =	ssyncadd.s32 $0xFFFFC000  }
0x67: {  	s29 =	sand.u32 $0xFFFFF80, s29;
	s1 =	sand.u32 $0xFFFFF80, s1;
	s31 =	sadd.s32 s5, s31  }
0x68: {  	[tilespmem:s17], [sflag:$0x1] =	stream.indirect.gather [hbm4b:s4+s20], $0x80, s26, s20, $0xb8;
	[tilespmem:$0x1E900] =	vst v63  }
0x69: {  	s1 =	sadd.s32 s1, s31  }
0x6a: {  	[tilespmem:s21], [sflag:$0x2] =	stream.linear.gather [hbm4b:s1+s3], $0x80, $0x38;
	[tilespmem:$0x1E900] =	vst v63  }
0x6b: {  	_ =	swait.ge [sflag:s19], $0x4000  }
0x6c: {  	[sflag:s19] =	ssyncset.done $0x0  }
0x6d: {  	[sflag:s19] =	ssyncadd.s32 $0xFFFFC000  }
0x6e: {  	_ =	swait.ge [sflag:s24], $0x80  }
0x6f: {  	[sflag:s24] =	ssyncset.done $0x0  }
0x70: {  	[sflag:s24] =	ssyncadd.s32 $0xFFFFFF80  }
0x71: {  	[spmem:s2] =	stream.indirect.scatter.add.f32 [tilespmem:s22], [sflag:$0x3], $0x80, s23, s20, $0xb8;
	[tilespmem:$0x1E900] =	vst v63  }
.Ltmp1:
0x72: {  	_ = 	snop;
	(pc) =	sbr.rel @p0 .LBB2_4-.Ltmp1, $4  }
0x73: {  	s1 =	sand.u32 $0x70, s30;
	_ =	swait.ge [sflag:s18], $0x4000  }
0x74: {  	s30 =	sadd.s32 $0x80, s26;
	s1 =	sadd.s32 s5, s1;
	[sflag:s18] =	ssyncset.done $0x0  }
0x75: {  	s29 =	sadd.s32 s29, s1;
	[sflag:s18] =	ssyncadd.s32 $0xFFFFC000  }
0x76: {  	[tilespmem:s22], [sflag:$0x1] =	stream.indirect.gather [hbm4b:s4+s20], $0x80, s30, s20, $0xb8;
	[tilespmem:$0x1E900] =	vst v63  }
0x77: {  	[tilespmem:s23], [sflag:$0x2] =	stream.linear.gather [hbm4b:s29+s3], $0x80, $0x38;
	[tilespmem:$0x1E900] =	vst v63  }
0x78: {  	_ =	swait.ge [sflag:s19], $0x4000  }
0x79: {  	[sflag:s19] =	ssyncset.done $0x0  }
0x7a: {  	[sflag:s19] =	ssyncadd.s32 $0xFFFFC000  }
0x7b: {  	_ =	swait.ge [sflag:s24], $0x80  }
0x7c: {  	[sflag:s24] =	ssyncset.done $0x0  }
0x7d: {  	[sflag:s24] =	ssyncadd.s32 $0xFFFFFF80  }
0x7e: {  	[spmem:s2] =	stream.indirect.scatter.add.f32 [tilespmem:s17], [sflag:$0x3], $0x80, s21, s20, $0xb8;
	[tilespmem:$0x1E900] =	vst v63  }
0x7f: {  	_ =	swait.ge [sflag:s18], $0x4000  }
0x80: {  	[sflag:s18] =	ssyncset.done $0x0  }
0x81: {  	[sflag:s18] =	ssyncadd.s32 $0xFFFFC000  }
0x82: {  	_ =	swait.ge [sflag:s19], $0x4000  }
0x83: {  	[sflag:s19] =	ssyncset.done $0x0  }
0x84: {  	[sflag:s19] =	ssyncadd.s32 $0xFFFFC000  }
0x85: {  	_ =	swait.ge [sflag:s24], $0x80  }
0x86: {  	[sflag:s24] =	ssyncset.done $0x0  }
0x87: {  	[sflag:s24] =	ssyncadd.s32 $0xFFFFFF80  }
0x88: {  	[spmem:s2] =	stream.indirect.scatter.add.f32 [tilespmem:s22], [sflag:$0x3], $0x80, s23, s20, $0xb8;
	[tilespmem:$0x1E900] =	vst v63  }
0x89: {  	_ =	swait.ge [sflag:s18], $0x4000  }
0x8a: {  	s1 =	sshll.u32 s0, $0x6;
	s25 =	sadd.s32 $0x1, s25;
	[sflag:s18] =	ssyncset.done $0x0  }
0x8b: {  	s26 =	sshrl.u32 s6, $0x3;
	p0 =	sne.s32 s25, s15;
	[sflag:s18] =	ssyncadd.s32 $0xFFFFC000  }
.Ltmp2:
0x8c: {  	s1 =	sor.u32 $0x1C03, s1;
	[bflag:$0x0] =	sbarrier.arrive $0xFFFF;
	(pc) =	sbr.rel @p0 .LBB2_1-.Ltmp2, $4  }
0x8d: {  	[hbm:s14], [sflag:s1] =	dma.local [spmem:s26], $0x2800  }
0x8e: {  	_ =	swait.ge [sflag:s18], $0x2800  }
0x8f: {  	[sflag:s18] =	ssyncset.done $0x0  }
0x90: {  	[sflag:s18] =	ssyncadd.s32 $0xFFFFD800  }
0x91: {  	_ =	sfence.sel $0x180000  }
0x92: {  	[bflag:$0x0] =	sbarrier.arrive $0xFFFF  }
0x93: {  	_ =	strace $0x90000053  }
0x94: {  	[bflag:$0x2] =	sbarrier.arrive $0xFFFF  }
0x95: {  	p0 =	sne.s32 s0, $0x0;
	s0 =	rddreg [dreg:$0x2]  }
0x96: {  	s0 =	sadd.s32 @!p0 $0x100000, s0  }
0x97: {  	[sflag:s0] =	ssyncadd.tile.s32 @!p0 $0x1;
	_ =	shalt  }
.Lfunc_end2:
_tile_overlayer_lowered:
.L_overlay_start_2:
0x98: {  	(tag) =	ssettag $0x2  }
0x99: {  	s0 =	rddreg [dreg:$0x0];
	s2 =	stileid.u32  }
0x9a: {  	s1 =	rddreg [dreg:$0x1];
	p0 =	sne.s32 s2, $0x0  }
0x9b: {  	s3 =	rddreg [dreg:$0x2];
	[bflag:$0x3] =	sbarrier.arrive $0xFFFF;
	s2 =	simm.s32 @!p0 $0x1C03  }
0x9c: {  	[timem:s3], [sflag:s2] =	dma.local @!p0 [hbm:s0], s1  }
0x9d: {  	s0 =	simm.s32 @!p0 $0x3  }
0x9e: {  	_ =	swait.ge @!p0 [sflag:s0], s1  }
0x9f: {  	s1 =	ssub.s32 @!p0 $0x0, s1;
	[sflag:s0] =	ssyncset.done @!p0 $0x0  }
0xa0: {  	[sflag:s0] =	ssyncadd.s32 @!p0 s1  }
0xa1: {  	[bflag:$0x3] =	sbarrier.arrive $0xFFFF  }
0xa2: {  	_ =	shalt  }

// kernel: kernel.39.cloned.1.call-start
scs
__scs_entry_jumppad:
0x0: {  	(pc) =	sbr.rel $0x88, $3  }
0x1: {  	(tag) =	ssettag $0x0;
	lr =	simm.s32 $0x1  }
0x2: {  	[smem:$0x3F70] =	sst lr;
	_ =	strace $0xD0000000  }
0x3: {  	_ = 	snop  }
0x4: {  	_ = 	snop  }
0x5: {  	_ = 	snop  }
0x6: {  	_ = 	snop  }
0x7: {  	_ = 	snop  }
__scs_overlays_trampoline_lowered:
0x8: {  	[smem:$0x3F7F] =	sst s0  }
0x9: {  	[smem:$0x3F80] =	sst s1  }
0xa: {  	[smem:$0x3F81] =	sst s2  }
0xb: {  	[smem:$0x3F82] =	sst s3  }
0xc: {  	[smem:$0x3F83] =	sst s4  }
0xd: {  	[smem:$0x3F84] =	sst s5  }
0xe: {  	[smem:$0x3F85] =	sst s6  }
0xf: {  	[smem:$0x3F86] =	sst s7  }
0x10: {  	[smem:$0x3F87] =	sst s8  }
0x11: {  	[smem:$0x3F88] =	sst s9;
	s0 =	simm.s32 @!p0 $0x0  }
0x12: {  	s1 =	sld [smem:$0x3F6E];
	s0 =	simm.s32 @p0 $0x1  }
0x13: {  	[smem:$0x3F89] =	sst s0;
	s0 =	simm.s32 @!p1 $0x0  }
0x14: {  	s2 =	sld [smem:$0x3F6D];
	s0 =	simm.s32 @p1 $0x1  }
0x15: {  	[smem:$0x3F8A] =	sst s0;
	s0 =	simm.s32 @!p2 $0x0  }
0x16: {  	s3 =	sld [smem:$0x3FDB];
	s0 =	simm.s32 @p2 $0x1  }
0x17: {  	s4 =	simm.s32 $0x1BF5;
	[smem:$0x3F8C] =	sst s0  }
0x18: {  	s0 =	sld [smem:$0x3F6F];
	_ =	swait.ge [sflag:s4], $0x0  }
0x19: {  	s7 =	sld [smem:$0x3F70]  }
0x1a: {  	s8 =	sadd.s32 $0xFFFFE003, lr  }
0x1b: {  	s9 =	sadd.s32 $0xFFFFFEF7, lr;
	s5 =	simm.s32 $0xFFFFFFFF;
	p2 =	slt.u32 s8, $0xFFFFF086  }
0x1c: {  	p1 =	slt.u32 s9, $0xF7A;
	s5 =	simm.s32 @!p2 $0x0  }
0x1d: {  	s5 =	simm.s32 @p1 $0x1;
	p0 =	seq.s32 s7, s2  }
0x1e: {  	s7 =	smul.u32 @!p0 $0xF7A, s2;
	p2 =	seq.s32 @!p0 s5, $0x0  }
0x1f: {  	s9 =	smul.u32 $0xF7A, s1;
	s8 =	simm.s32 @!p0 $0x1BF5;
	p2 =	por !p2, p0  }
0x20: {  	[sflag:s8] =	ssyncset.s32 @!p0 $0xFFFFF086;
	s6 =	sadd.s32 @!p0 s3, s7;
	s7 =	simm.s32 @!p0 $0x108  }
0x21: {  	s3 =	sadd.s32 s3, s9;
	s6 =	sadd.s32 @!p0 $0x88, s6;
	s7 =	simm.s32 @p2 $0x1082  }
0x22: {  	[simem:s7], [sflag:s8] =	dma.local @!p0 [hbm:s6], $0xF7A  }
0x23: {  	s9 =	sor.u32 $0xD0000000, s2;
	s6 =	simm.s32 $0x108;
	_ =	swait.ge @!p0 [sflag:s8], $0x0  }
0x24: {  	s3 =	sadd.s32 $0x88, s3;
	s6 =	simm.s32 @!p1 $0x1082;
	[sflag:s4] =	ssyncset.s32 $0xFFFFF086  }
0x25: {  	[simem:s6], [sflag:s4] =	dma.local [hbm:s3], $0xF7A  }
0x26: {  	[smem:$0x3F70] =	sst s1;
	(tag) =	ssettag s2;
	_ =	strace s9  }
0x27: {  	s1 =	sld [smem:$0x3F80]  }
0x28: {  	s2 =	sld [smem:$0x3F81]  }
0x29: {  	s4 =	sld [smem:$0x3F83]  }
0x2a: {  	p0 =	seq.s32 s5, $0x0;
	s5 =	sld [smem:$0x3F84]  }
0x2b: {  	s6 =	sld [smem:$0x3F85]  }
0x2c: {  	s7 =	sld [smem:$0x3F86]  }
0x2d: {  	s3 =	simm.s32 $0x108;
	s8 =	sld [smem:$0x3F87]  }
0x2e: {  	s3 =	simm.s32 @!p0 $0x1082;
	s9 =	sld [smem:$0x3F88]  }
0x2f: {  	lr =	sadd.s32 s0, s3;
	s0 =	sld [smem:$0x3F7F]  }
0x30: {  	s3 =	sld [smem:$0x3F82]  }
0x31: {  	[smem:$0x3F8B] =	sst s10  }
0x32: {  	s10 =	sld [smem:$0x3F89];
	_ =	sdelay $0x3  }
0x33: {  	p0 =	seq.s32 s10, $0x1;
	s10 =	sld [smem:$0x3F8B];
	_ =	sdelay $0x3  }
0x34: {  	[smem:$0x3F8B] =	sst s10  }
0x35: {  	s10 =	sld [smem:$0x3F8A];
	_ =	sdelay $0x3  }
0x36: {  	p1 =	seq.s32 s10, $0x1;
	s10 =	sld [smem:$0x3F8B];
	_ =	sdelay $0x3  }
0x37: {  	[smem:$0x3F8B] =	sst s10  }
0x38: {  	s10 =	sld [smem:$0x3F8C]  }
0x39: {  	_ = 	snop;
	(pc) =	sbr.ind lr, $3  }
0x3a: {  	_ = 	snop  }
0x3b: {  	_ = 	snop  }
0x3c: {  	p2 =	seq.s32 s10, $0x1;
	s10 =	sld [smem:$0x3F8B]  }
0x3d: {  	_ =	shalt  }
0x3e: {  	_ =	shalt  }
0x3f: {  	_ =	shalt  }
0x40: {  	_ =	shalt  }
0x41: {  	_ =	shalt  }
0x42: {  	_ =	shalt  }
0x43: {  	_ =	shalt  }
0x44: {  	_ =	shalt  }
0x45: {  	_ =	shalt  }
0x46: {  	_ =	shalt  }
0x47: {  	_ =	shalt  }
0x48: {  	_ =	shalt  }
0x49: {  	_ =	shalt  }
0x4a: {  	_ =	shalt  }
0x4b: {  	_ =	shalt  }
0x4c: {  	_ =	shalt  }
0x4d: {  	_ =	shalt  }
0x4e: {  	_ =	shalt  }
0x4f: {  	_ =	shalt  }
0x50: {  	_ =	shalt  }
0x51: {  	_ =	shalt  }
0x52: {  	_ =	shalt  }
0x53: {  	_ =	shalt  }
0x54: {  	_ =	shalt  }
0x55: {  	_ =	shalt  }
0x56: {  	_ =	shalt  }
0x57: {  	_ =	shalt  }
0x58: {  	_ =	shalt  }
0x59: {  	_ =	shalt  }
0x5a: {  	_ =	shalt  }
0x5b: {  	_ =	shalt  }
0x5c: {  	_ =	shalt  }
0x5d: {  	_ =	shalt  }
0x5e: {  	_ =	shalt  }
0x5f: {  	_ =	shalt  }
0x60: {  	_ =	shalt  }
0x61: {  	_ =	shalt  }
0x62: {  	_ =	shalt  }
0x63: {  	_ =	shalt  }
0x64: {  	_ =	shalt  }
0x65: {  	_ =	shalt  }
0x66: {  	_ =	shalt  }
0x67: {  	_ =	shalt  }
0x68: {  	_ =	shalt  }
0x69: {  	_ =	shalt  }
0x6a: {  	_ =	shalt  }
0x6b: {  	_ =	shalt  }
0x6c: {  	_ =	shalt  }
0x6d: {  	_ =	shalt  }
0x6e: {  	_ =	shalt  }
0x6f: {  	_ =	shalt  }
0x70: {  	_ =	shalt  }
0x71: {  	_ =	shalt  }
0x72: {  	_ =	shalt  }
0x73: {  	_ =	shalt  }
0x74: {  	_ =	shalt  }
0x75: {  	_ =	shalt  }
0x76: {  	_ =	shalt  }
0x77: {  	_ =	shalt  }
0x78: {  	_ =	shalt  }
0x79: {  	_ =	shalt  }
0x7a: {  	_ =	shalt  }
0x7b: {  	_ =	shalt  }
0x7c: {  	_ =	shalt  }
0x7d: {  	_ =	shalt  }
0x7e: {  	_ =	shalt  }
0x7f: {  	_ =	shalt  }
0x80: {  	_ =	shalt  }
0x81: {  	_ =	shalt  }
0x82: {  	_ =	shalt  }
0x83: {  	_ =	shalt  }
0x84: {  	_ =	shalt  }
0x85: {  	_ =	shalt  }
0x86: {  	_ =	shalt  }
0x87: {  	_ =	shalt  }
.Lfunc_end0:
.L_simem_size_0:
called_computation.5_lowered:
.L_overlay_start_0:
0x88: {  	s2 =	sld [smem:$0x3FD9]  }
0x89: {  	s3 =	sld [smem:$0x3FFE];
	_ =	sdelay $0x1  }
0x8a: {  	s1 =	srdreg.scid  }
0x8b: {  	s0 =	sand.u32 $0x1, s1  }
0x8c: {  	s16 =	sshll.u32 s0, $0xA;
	s2 =	sadd.s32 s3, s2  }
0x8d: {  	s2 =	sadd.s32 s2, s16  }
0x8e: {  	[smem:$0x3F97] =	sst s2  }
0x8f: {  	_ = 	snop  }
0x90: {  	(tm) =	ssettm $0x1  }
0x91: {  	s17 =	sld [smem:$0x3FFB];
	_ =	sdelay $0x3  }
0x92: {  	_ =	strace s17  }
0x93: {  	s2 =	sld [smem:$0x3FFC];
	_ =	sdelay $0x3  }
0x94: {  	_ =	strace s2  }
0x95: {  	s2 =	sld [smem:$0x3FFD];
	_ =	sdelay $0x3  }
0x96: {  	_ =	strace s2  }
0x97: {  	_ =	strace $0x8FFFFFFF  }
0x98: {  	s18 =	sld [smem:$0x3FDB];
	_ =	sdelay $0x1  }
0x99: {  	s19 =	simm.s32 $_scs_section_size  }
0x9a: {  	s4 =	simm.s32 $_size__tile_overlayer_lowered;
	s5 =	simm.s32 $_tile_overlayer_lowered  }
0x9b: {  	s22 =	simm.s32 $0x1BFF;
	s21 =	sshll.u32 s5, $0x1;
	s2 =	sadd.s32 s19, s18  }
0x9c: {  	s6 =	simm.s32 $0x0;
	s20 =	sshll.u32 s4, $0x1;
	s4 =	sadd.s32 s21, s2  }
0x9d: {  	[timem:s6], [sflag:s22] =	dma.local [hbm:s4], s20  }
0x9e: {  	_ =	swait.ge [sflag:s22], s20  }
0x9f: {  	s3 =	ssub.s32 $0x0, s20;
	[sflag:s22] =	ssyncset.done $0x0  }
0xa0: {  	[sflag:s22] =	ssyncadd.s32 s3;
	_ =	sdelay $0x1  }
0xa1: {  	s23 =	simm.s32 $0x1B8B  }
0xa2: {  	_ =	swait.ge [sflag:s23], $0x1  }
0xa3: {  	[sflag:s23] =	ssyncset.done $0x0  }
0xa4: {  	s25 =	simm.s32 $0x1B8E;
	s24 =	sld [smem:$0x3FFE];
	[sflag:s23] =	ssyncadd.s32 $0xFFFFFFFF  }
0xa5: {  	s26 =	simm.s32 $execute0_lowered;
	[smem:$0x3FD2] =	sst s25  }
0xa6: {  	s4 =	sshll.u32 s26, $0x1;
	_ =	strace $0x80000055;
	[dreg:$0x1] =	wrdreg $0xFFFFFFFF  }
0xa7: {  	s28 =	simm.s32 $_size_execute0_lowered;
	s2 =	sadd.s32 s2, s4;
	[dreg:$0x0] =	wrdreg $0x0  }
0xa8: {  	s4 =	sshll.u32 s28, $0x1;
	[dreg:$0x2] =	wrdreg s2  }
0xa9: {  	[dreg:$0x3] =	wrdreg s4  }
0xaa: {  	[dreg:$0x4] =	wrdreg $0xC0  }
0xab: {  	_ =	task [dreg:s6], $0x5FFFF  }
0xac: {  	[dreg:$0x1] =	wrdreg $0xFFFFFFFF  }
0xad: {  	[dreg:$0x0] =	wrdreg $0x60  }
0xae: {  	[dreg:$0x2] =	wrdreg s24  }
0xaf: {  	[dreg:$0x3] =	wrdreg $0xA9000  }
0xb0: {  	[dreg:$0x4] =	wrdreg $0x9  }
0xb1: {  	_ =	task.clear_ibuf [dreg:s6], $0x5FFFF;
	_ =	strace $0x90000055  }
0xb2: {  	s29 =	simm.s32 $0x9;
	_ =	strace $0x80000057  }
0xb3: {  	_ =	swait.ge [sflag:s29], $0x1  }
0xb4: {  	[sflag:s29] =	ssyncadd.s32 $0xFFFFFFFF  }
0xb5: {  	_ =	strace $0x90000057  }
0xb6: {  	_ =	sfence  }
0xb7: {  	s30 =	sld [smem:$0x0];
	_ =	sdelay $0x2  }
0xb8: {  	s31 =	sshll.u32 s1, $0xD;
	s1 =	sshrl.u32 s1, $0x2  }
0xb9: {  	s3 =	sand.u32 $0x4000, s31;
	s1 =	sadd.s32 s1, s30  }
0xba: {  	s0 =	sor.u32 s3, s0;
	s1 =	sshll.u32 s1, $0x11  }
0xbb: {  	s0 =	sor.u32 s1, s0  }
0xbc: {  	s0 =	sadd.s32 $0x8F2B, s0  }
0xbd: {  	[sflag:s0] =	ssyncadd.remote.s32 $0x1  }
0xbe: {  	_ =	sfence.sel $0xFFFF  }
0xbf: {  	[dreg:$0x0] =	wrdreg $0xFFFFFFFF;
	(pc) =	sbr.abs _section_cstart, $3  }
0xc0: {  	[dreg:$0x1] =	wrdreg $0xFFFFFFFF  }
0xc1: {  	_ =	task.clear_ibuf [dreg:s6], $0x2FFFF;
	_ =	strace $0x9FFFFFFF  }
0xc2: {  	(tm) =	ssettm $0x7FFFFFFF  }
0xc3: {  	_ =	shalt  }
tec
execute0_lowered:
.L_overlay_start_1:
0x0: {  	(tag) =	ssettag $0x1  }
0x1: {  	s6 =	rddreg [dreg:$0x0]  }
0x2: {  	s0 =	srdreg.scid;
	s2 =	rddreg [dreg:$0x1]  }
0x3: {  	s3 =	simm.s32 $0x0;
	s18 =	simm.s32 $0x3;
	s19 =	simm.s32 $0x1  }
0x4: {  	s20 =	simm.s32 $0x80;
	s21 =	simm.s32 $0x2800;
	s22 =	simm.s32 $0x6900  }
0x5: {  	s23 =	simm.s32 $0x2880;
	s9 =	sand.u32 $0x1, s0;
	s0 =	stileid.u32  }
0x6: {  	s24 =	simm.s32 $0x2;
	s25 =	simm.s32 $0x0;
	s7 =	smul.u32 $0x2800, s0  }
0x7: {  	[smem:$0x7FF] =	sst s3;
	s4 =	sadd.s32 $0x6F000, s6;
	s8 =	smul.u32 $0x28000, s9  }
0x8: {  	s5 =	sadd.s32 $0xCC00, s6;
	s1 =	sshll.u32 s9, $0x4;
	s11 =	smul.u32 $0x50000, s0  }
0x9: {  	_ =	strace $0x80000056;
	s13 =	ssub.s32 $0x2, s9;
	s16 =	smul.u32 $0x5000, s9  }
0xa: {  	s17 =	smul.u32 $0x500, s0;
	s1 =	sor.u32 s0, s1;
	s31 =	sshrl.u32 s13, $0x1  }
0xb: {  	s10 =	smul.u32 $0x500, s1;
	s7 =	sadd.s32 s7, s8;
	s11 =	sshrl.u32 s11, $0x2  }
0xc: {  	s15 =	ssub.s32 s13, s31;
	s16 =	sadd.s32 s17, s16;
	s17 =	simm.s32 $0x2900  }
0xd: {  	s14 =	sadd.s32 s7, s6;
	s15 =	smax.u32 s15, $0x1;
	s12 =	sadd.s32 s10, s6  }
0xe: {  	s6 =	sadd.s32 s11, s2;
	s10 =	sadd.s32 s5, s10;
	s14 =	sadd.s32 $0x96200, s14  }
0xf: {  	s7 =	sadd.s32 $0x16C00, s12;
	s8 =	sadd.s32 $0x4000, s6;
	s9 =	sadd.s32 $0x8000, s6  }
0x10: {  	v0 =	vimm.f32 $0.0e+00;
	s11 =	sadd.s32 $0xC000, s6;
	s12 =	sadd.s32 $0x10000, s6;
	s13 =	sadd.s32 $0x10, s10  }
.LBB2_1:
0x11: {  	[tilespmem:s3], [sflag:$0x1] =	stream.linear.gather [hbm4b:s7+s3], $0x2800, $0x38;
	[tilespmem:$0x1E900] =	vst v63  }
0x12: {  	s26 =	simm.s32 $0x0;
	s28 =	simm.s32 $0x200  }
.LBB2_2:
0x13: {  	p0 =	sne.s32 s28, $0xFE00;
	[tilespmem:s26+$0x2970] =	vst v0  }
0x14: {  	[tilespmem:s26+$0x2900] =	vst v0  }
0x15: {  	[tilespmem:s26+$0x2910] =	vst v0  }
.Ltmp0:
0x16: {  	[tilespmem:s26+$0x2920] =	vst v0;
	(pc) =	sbr.rel @p0 .LBB2_2-.Ltmp0, $4  }
0x17: {  	[tilespmem:s26+$0x2930] =	vst v0  }
0x18: {  	[tilespmem:s26+$0x2940] =	vst v0  }
0x19: {  	[tilespmem:s26+$0x2950] =	vst v0  }
0x1a: {  	[tilespmem:s26+$0x2960] =	vst v0;
	s26 =	sshra.s32 s28, $0x2;
	s28 =	sadd.s32 $0x200, s28  }
0x1b: {  	[tilespmem:s26+$0x2970] =	vst v0  }
0x1c: {  	[tilespmem:s26+$0x2900] =	vst v0  }
0x1d: {  	[tilespmem:s26+$0x2910] =	vst v0  }
0x1e: {  	[tilespmem:s26+$0x2920] =	vst v0  }
0x1f: {  	[tilespmem:s26+$0x2930] =	vst v0  }
0x20: {  	[tilespmem:s26+$0x2940] =	vst v0  }
0x21: {  	[tilespmem:s26+$0x2950] =	vst v0  }
0x22: {  	[tilespmem:s26+$0x2960] =	vst v0  }
0x23: {  	[spmem:s6] =	stream.linear.scatter [tilespmem:s17], [sflag:$0x3], $0x4000, $0x38;
	[tilespmem:$0x1E900] =	vst v63  }
0x24: {  	_ =	swait.ge [sflag:s18], $0x4000  }
0x25: {  	[sflag:s18] =	ssyncset.done $0x0  }
0x26: {  	[sflag:s18] =	ssyncadd.s32 $0xFFFFC000  }
0x27: {  	[spmem:s8] =	stream.linear.scatter [tilespmem:s17], [sflag:$0x3], $0x4000, $0x38;
	[tilespmem:$0x1E900] =	vst v63  }
0x28: {  	_ =	swait.ge [sflag:s18], $0x4000  }
0x29: {  	[sflag:s18] =	ssyncset.done $0x0  }
0x2a: {  	[sflag:s18] =	ssyncadd.s32 $0xFFFFC000  }
0x2b: {  	[spmem:s9] =	stream.linear.scatter [tilespmem:s17], [sflag:$0x3], $0x4000, $0x38;
	[tilespmem:$0x1E900] =	vst v63  }
0x2c: {  	_ =	swait.ge [sflag:s18], $0x4000  }
0x2d: {  	[sflag:s18] =	ssyncset.done $0x0  }
0x2e: {  	[sflag:s18] =	ssyncadd.s32 $0xFFFFC000  }
0x2f: {  	[spmem:s11] =	stream.linear.scatter [tilespmem:s17], [sflag:$0x3], $0x4000, $0x38;
	[tilespmem:$0x1E900] =	vst v63  }
0x30: {  	_ =	swait.ge [sflag:s18], $0x4000  }
0x31: {  	[sflag:s18] =	ssyncset.done $0x0  }
0x32: {  	[sflag:s18] =	ssyncadd.s32 $0xFFFFC000  }
0x33: {  	[spmem:s12] =	stream.linear.scatter [tilespmem:s17], [sflag:$0x3], $0x4000, $0x38;
	[tilespmem:$0x1E900] =	vst v63  }
0x34: {  	_ =	swait.ge [sflag:s18], $0x4000  }
0x35: {  	[sflag:s18] =	ssyncset.done $0x0  }
0x36: {  	[sflag:s18] =	ssyncadd.s32 $0xFFFFC000  }
0x37: {  	_ =	swait.ge [sflag:s19], $0x2800  }
0x38: {  	[sflag:s19] =	ssyncset.done $0x0  }
0x39: {  	[sflag:s19] =	ssyncadd.s32 $0xFFFFD800  }
0x3a: {  	[bflag:$0x0] =	sbarrier.arrive $0xFFFF  }
0x3b: {  	[tilespmem:s17], [sflag:$0x1] =	stream.indirect.gather [hbm4b:s4+s20], $0x80, s3, s20, $0xb8;
	[tilespmem:$0x1E900] =	vst v63  }
0x3c: {  	_ = 	snop  }
0x3d: {  	[tilespmem:s21], [sflag:$0x2] =	stream.linear.gather [hbm4b:s10+s3], $0x80, $0x38;
	[tilespmem:$0x1E900] =	vst v63  }
0x3e: {  	_ = 	snop  }
0x3f: {  	[tilespmem:s22], [sflag:$0x1] =	stream.indirect.gather [hbm4b:s4+s20], $0x80, s20, s20, $0xb8;
	[tilespmem:$0x1E900] =	vst v63  }
0x40: {  	_ = 	snop  }
0x41: {  	[tilespmem:s23], [sflag:$0x2] =	stream.linear.gather [hbm4b:s13+s3], $0x80, $0x38;
	[tilespmem:$0x1E900] =	vst v63  }
0x42: {  	_ =	swait.ge [sflag:s19], $0x4000  }
0x43: {  	[sflag:s19] =	ssyncset.done $0x0  }
0x44: {  	[sflag:s19] =	ssyncadd.s32 $0xFFFFC000  }
0x45: {  	_ =	swait.ge [sflag:s24], $0x80  }
0x46: {  	[sflag:s24] =	ssyncset.done $0x0  }
0x47: {  	s26 =	simm.s32 $0x100;
	[sflag:s24] =	ssyncadd.s32 $0xFFFFFF80  }
0x48: {  	[spmem:s2] =	stream.indirect.scatter.add.f32 [tilespmem:s17], [sflag:$0x3], $0x80, s21, s20, $0xb8;
	[tilespmem:$0x1E900] =	vst v63  }
0x49: {  	s28 =	sadd.s32 $0x30, s16;
	s29 =	simm.s32 $0x20;
	_ =	swait.ge [sflag:s18], $0x4000  }
0x4a: {  	s30 =	sadd.s32 $0xFFFFFFF0, s28;
	s29 =	sand.u32 $0x60, s29;
	[sflag:s18] =	ssyncset.done $0x0  }
0x4b: {  	s30 =	sand.u32 $0xFFFFF80, s30;
	s29 =	sadd.s32 s5, s29;
	[sflag:s18] =	ssyncadd.s32 $0xFFFFC000  }
0x4c: {  	[tilespmem:s17], [sflag:$0x1] =	stream.indirect.gather [hbm4b:s4+s20], $0x80, s26, s20, $0xb8;
	[tilespmem:$0x1E900] =	vst v63  }
0x4d: {  	s29 =	sadd.s32 s30, s29  }
0x4e: {  	[tilespmem:s21], [sflag:$0x2] =	stream.linear.gather [hbm4b:s29+s3], $0x80, $0x38;
	[tilespmem:$0x1E900] =	vst v63  }
0x4f: {  	_ =	swait.ge [sflag:s19], $0x4000  }
0x50: {  	[sflag:s19] =	ssyncset.done $0x0  }
0x51: {  	[sflag:s19] =	ssyncadd.s32 $0xFFFFC000  }
0x52: {  	_ =	swait.ge [sflag:s24], $0x80  }
0x53: {  	[sflag:s24] =	ssyncset.done $0x0  }
0x54: {  	s29 =	simm.s32 $0x30;
	[sflag:s24] =	ssyncadd.s32 $0xFFFFFF80  }
0x55: {  	[spmem:s2] =	stream.indirect.scatter.add.f32 [tilespmem:s22], [sflag:$0x3], $0x80, s23, s20, $0xb8;
	[tilespmem:$0x1E900] =	vst v63  }
0x56: {  	s1 =	simm.s32 $0x180;
	s29 =	sand.u32 $0x70, s29;
	_ =	swait.ge [sflag:s18], $0x4000  }
0x57: {  	s31 =	sand.u32 $0xFFFFF80, s28;
	s29 =	sadd.s32 s5, s29;
	[sflag:s18] =	ssyncset.done $0x0  }
0x58: {  	s28 =	simm.s32 $0x50;
	s29 =	sadd.s32 s31, s29;
	[sflag:s18] =	ssyncadd.s32 $0xFFFFC000  }
0x59: {  	[tilespmem:s22], [sflag:$0x1] =	stream.indirect.gather [hbm4b:s4+s20], $0x80, s1, s20, $0xb8;
	[tilespmem:$0x1E900] =	vst v63  }
.LBB2_4:
0x5a: {  	p0 =	sne.s32 s28, $0x4F0  }
0x5b: {  	s26 =	sadd.s32 $0x100, s26;
	s30 =	smov.u32 s28;
	s28 =	sadd.s32 $0x20, s28  }
0x5c: {  	[tilespmem:s23], [sflag:$0x2] =	stream.linear.gather [hbm4b:s29+s3], $0x80, $0x38;
	[tilespmem:$0x1E900] =	vst v63  }
0x5d: {  	_ =	swait.ge [sflag:s19], $0x4000  }
0x5e: {  	[sflag:s19] =	ssyncset.done $0x0  }
0x5f: {  	[sflag:s19] =	ssyncadd.s32 $0xFFFFC000  }
0x60: {  	_ =	swait.ge [sflag:s24], $0x80  }
0x61: {  	[sflag:s24] =	ssyncset.done $0x0  }
0x62: {  	[sflag:s24] =	ssyncadd.s32 $0xFFFFFF80  }
0x63: {  	[spmem:s2] =	stream.indirect.scatter.add.f32 [tilespmem:s17], [sflag:$0x3], $0x80, s21, s20, $0xb8;
	[tilespmem:$0x1E900] =	vst v63  }
0x64: {  	_ =	swait.ge [sflag:s18], $0x4000  }
0x65: {  	s29 =	sadd.s32 s30, s16;
	s31 =	sadd.s32 $0xFFFFFFF0, s30;
	[sflag:s18] =	ssyncset.done $0x0  }
0x66: {  	s1 =	sadd.s32 $0xFFFFFFF0, s29;
	s31 =	sand.u32 $0x60, s31;
	[sflag:s18] =	ssyncadd.s32 $0xFFFFC000  }
0x67: {  	s29 =	sand.u32 $0xFFFFF80, s29;
	s1 =	sand.u32 $0xFFFFF80, s1;
	s31 =	sadd.s32 s5, s31  }
0x68: {  	[tilespmem:s17], [sflag:$0x1] =	stream.indirect.gather [hbm4b:s4+s20], $0x80, s26, s20, $0xb8;
	[tilespmem:$0x1E900] =	vst v63  }
0x69: {  	s1 =	sadd.s32 s1, s31  }
0x6a: {  	[tilespmem:s21], [sflag:$0x2] =	stream.linear.gather [hbm4b:s1+s3], $0x80, $0x38;
	[tilespmem:$0x1E900] =	vst v63  }
0x6b: {  	_ =	swait.ge [sflag:s19], $0x4000  }
0x6c: {  	[sflag:s19] =	ssyncset.done $0x0  }
0x6d: {  	[sflag:s19] =	ssyncadd.s32 $0xFFFFC000  }
0x6e: {  	_ =	swait.ge [sflag:s24], $0x80  }
0x6f: {  	[sflag:s24] =	ssyncset.done $0x0  }
0x70: {  	[sflag:s24] =	ssyncadd.s32 $0xFFFFFF80  }
0x71: {  	[spmem:s2] =	stream.indirect.scatter.add.f32 [tilespmem:s22], [sflag:$0x3], $0x80, s23, s20, $0xb8;
	[tilespmem:$0x1E900] =	vst v63  }
.Ltmp1:
0x72: {  	_ = 	snop;
	(pc) =	sbr.rel @p0 .LBB2_4-.Ltmp1, $4  }
0x73: {  	s1 =	sand.u32 $0x70, s30;
	_ =	swait.ge [sflag:s18], $0x4000  }
0x74: {  	s30 =	sadd.s32 $0x80, s26;
	s1 =	sadd.s32 s5, s1;
	[sflag:s18] =	ssyncset.done $0x0  }
0x75: {  	s29 =	sadd.s32 s29, s1;
	[sflag:s18] =	ssyncadd.s32 $0xFFFFC000  }
0x76: {  	[tilespmem:s22], [sflag:$0x1] =	stream.indirect.gather [hbm4b:s4+s20], $0x80, s30, s20, $0xb8;
	[tilespmem:$0x1E900] =	vst v63  }
0x77: {  	[tilespmem:s23], [sflag:$0x2] =	stream.linear.gather [hbm4b:s29+s3], $0x80, $0x38;
	[tilespmem:$0x1E900] =	vst v63  }
0x78: {  	_ =	swait.ge [sflag:s19], $0x4000  }
0x79: {  	[sflag:s19] =	ssyncset.done $0x0  }
0x7a: {  	[sflag:s19] =	ssyncadd.s32 $0xFFFFC000  }
0x7b: {  	_ =	swait.ge [sflag:s24], $0x80  }
0x7c: {  	[sflag:s24] =	ssyncset.done $0x0  }
0x7d: {  	[sflag:s24] =	ssyncadd.s32 $0xFFFFFF80  }
0x7e: {  	[spmem:s2] =	stream.indirect.scatter.add.f32 [tilespmem:s17], [sflag:$0x3], $0x80, s21, s20, $0xb8;
	[tilespmem:$0x1E900] =	vst v63  }
0x7f: {  	_ =	swait.ge [sflag:s18], $0x4000  }
0x80: {  	[sflag:s18] =	ssyncset.done $0x0  }
0x81: {  	[sflag:s18] =	ssyncadd.s32 $0xFFFFC000  }
0x82: {  	_ =	swait.ge [sflag:s19], $0x4000  }
0x83: {  	[sflag:s19] =	ssyncset.done $0x0  }
0x84: {  	[sflag:s19] =	ssyncadd.s32 $0xFFFFC000  }
0x85: {  	_ =	swait.ge [sflag:s24], $0x80  }
0x86: {  	[sflag:s24] =	ssyncset.done $0x0  }
0x87: {  	[sflag:s24] =	ssyncadd.s32 $0xFFFFFF80  }
0x88: {  	[spmem:s2] =	stream.indirect.scatter.add.f32 [tilespmem:s22], [sflag:$0x3], $0x80, s23, s20, $0xb8;
	[tilespmem:$0x1E900] =	vst v63  }
0x89: {  	_ =	swait.ge [sflag:s18], $0x4000  }
0x8a: {  	s1 =	sshll.u32 s0, $0x6;
	s25 =	sadd.s32 $0x1, s25;
	[sflag:s18] =	ssyncset.done $0x0  }
0x8b: {  	s26 =	sshrl.u32 s6, $0x3;
	p0 =	sne.s32 s25, s15;
	[sflag:s18] =	ssyncadd.s32 $0xFFFFC000  }
.Ltmp2:
0x8c: {  	s1 =	sor.u32 $0x1C03, s1;
	[bflag:$0x0] =	sbarrier.arrive $0xFFFF;
	(pc) =	sbr.rel @p0 .LBB2_1-.Ltmp2, $4  }
0x8d: {  	[hbm:s14], [sflag:s1] =	dma.local [spmem:s26], $0x2800  }
0x8e: {  	_ =	swait.ge [sflag:s18], $0x2800  }
0x8f: {  	[sflag:s18] =	ssyncset.done $0x0  }
0x90: {  	[sflag:s18] =	ssyncadd.s32 $0xFFFFD800  }
0x91: {  	_ =	sfence.sel $0x180000  }
0x92: {  	[bflag:$0x0] =	sbarrier.arrive $0xFFFF  }
0x93: {  	_ =	strace $0x90000056  }
0x94: {  	[bflag:$0x2] =	sbarrier.arrive $0xFFFF  }
0x95: {  	p0 =	sne.s32 s0, $0x0;
	s0 =	rddreg [dreg:$0x2]  }
0x96: {  	s0 =	sadd.s32 @!p0 $0x100000, s0  }
0x97: {  	[sflag:s0] =	ssyncadd.tile.s32 @!p0 $0x1;
	_ =	shalt  }
.Lfunc_end2:
_tile_overlayer_lowered:
.L_overlay_start_2:
0x98: {  	(tag) =	ssettag $0x2  }
0x99: {  	s0 =	rddreg [dreg:$0x0];
	s2 =	stileid.u32  }
0x9a: {  	s1 =	rddreg [dreg:$0x1];
	p0 =	sne.s32 s2, $0x0  }
0x9b: {  	s3 =	rddreg [dreg:$0x2];
	[bflag:$0x3] =	sbarrier.arrive $0xFFFF;
	s2 =	simm.s32 @!p0 $0x1C03  }
0x9c: {  	[timem:s3], [sflag:s2] =	dma.local @!p0 [hbm:s0], s1  }
0x9d: {  	s0 =	simm.s32 @!p0 $0x3  }
0x9e: {  	_ =	swait.ge @!p0 [sflag:s0], s1  }
0x9f: {  	s1 =	ssub.s32 @!p0 $0x0, s1;
	[sflag:s0] =	ssyncset.done @!p0 $0x0  }
0xa0: {  	[sflag:s0] =	ssyncadd.s32 @!p0 s1  }
0xa1: {  	[bflag:$0x3] =	sbarrier.arrive $0xFFFF  }
0xa2: {  	_ =	shalt  }

// kernel: kernel.42.cloned.1.call-start
scs
__scs_entry_jumppad:
0x0: {  	(pc) =	sbr.rel $0x88, $3  }
0x1: {  	(tag) =	ssettag $0x0;
	lr =	simm.s32 $0x1  }
0x2: {  	[smem:$0x3F70] =	sst lr;
	_ =	strace $0xD0000000  }
0x3: {  	_ = 	snop  }
0x4: {  	_ = 	snop  }
0x5: {  	_ = 	snop  }
0x6: {  	_ = 	snop  }
0x7: {  	_ = 	snop  }
__scs_overlays_trampoline_lowered:
0x8: {  	[smem:$0x3F7F] =	sst s0  }
0x9: {  	[smem:$0x3F80] =	sst s1  }
0xa: {  	[smem:$0x3F81] =	sst s2  }
0xb: {  	[smem:$0x3F82] =	sst s3  }
0xc: {  	[smem:$0x3F83] =	sst s4  }
0xd: {  	[smem:$0x3F84] =	sst s5  }
0xe: {  	[smem:$0x3F85] =	sst s6  }
0xf: {  	[smem:$0x3F86] =	sst s7  }
0x10: {  	[smem:$0x3F87] =	sst s8  }
0x11: {  	[smem:$0x3F88] =	sst s9;
	s0 =	simm.s32 @!p0 $0x0  }
0x12: {  	s1 =	sld [smem:$0x3F6E];
	s0 =	simm.s32 @p0 $0x1  }
0x13: {  	[smem:$0x3F89] =	sst s0;
	s0 =	simm.s32 @!p1 $0x0  }
0x14: {  	s2 =	sld [smem:$0x3F6D];
	s0 =	simm.s32 @p1 $0x1  }
0x15: {  	[smem:$0x3F8A] =	sst s0;
	s0 =	simm.s32 @!p2 $0x0  }
0x16: {  	s3 =	sld [smem:$0x3FDB];
	s0 =	simm.s32 @p2 $0x1  }
0x17: {  	s4 =	simm.s32 $0x1BF5;
	[smem:$0x3F8C] =	sst s0  }
0x18: {  	s0 =	sld [smem:$0x3F6F];
	_ =	swait.ge [sflag:s4], $0x0  }
0x19: {  	s7 =	sld [smem:$0x3F70]  }
0x1a: {  	s8 =	sadd.s32 $0xFFFFE003, lr  }
0x1b: {  	s9 =	sadd.s32 $0xFFFFFEF7, lr;
	s5 =	simm.s32 $0xFFFFFFFF;
	p2 =	slt.u32 s8, $0xFFFFF086  }
0x1c: {  	p1 =	slt.u32 s9, $0xF7A;
	s5 =	simm.s32 @!p2 $0x0  }
0x1d: {  	s5 =	simm.s32 @p1 $0x1;
	p0 =	seq.s32 s7, s2  }
0x1e: {  	s7 =	smul.u32 @!p0 $0xF7A, s2;
	p2 =	seq.s32 @!p0 s5, $0x0  }
0x1f: {  	s9 =	smul.u32 $0xF7A, s1;
	s8 =	simm.s32 @!p0 $0x1BF5;
	p2 =	por !p2, p0  }
0x20: {  	[sflag:s8] =	ssyncset.s32 @!p0 $0xFFFFF086;
	s6 =	sadd.s32 @!p0 s3, s7;
	s7 =	simm.s32 @!p0 $0x108  }
0x21: {  	s3 =	sadd.s32 s3, s9;
	s6 =	sadd.s32 @!p0 $0x88, s6;
	s7 =	simm.s32 @p2 $0x1082  }
0x22: {  	[simem:s7], [sflag:s8] =	dma.local @!p0 [hbm:s6], $0xF7A  }
0x23: {  	s9 =	sor.u32 $0xD0000000, s2;
	s6 =	simm.s32 $0x108;
	_ =	swait.ge @!p0 [sflag:s8], $0x0  }
0x24: {  	s3 =	sadd.s32 $0x88, s3;
	s6 =	simm.s32 @!p1 $0x1082;
	[sflag:s4] =	ssyncset.s32 $0xFFFFF086  }
0x25: {  	[simem:s6], [sflag:s4] =	dma.local [hbm:s3], $0xF7A  }
0x26: {  	[smem:$0x3F70] =	sst s1;
	(tag) =	ssettag s2;
	_ =	strace s9  }
0x27: {  	s1 =	sld [smem:$0x3F80]  }
0x28: {  	s2 =	sld [smem:$0x3F81]  }
0x29: {  	s4 =	sld [smem:$0x3F83]  }
0x2a: {  	p0 =	seq.s32 s5, $0x0;
	s5 =	sld [smem:$0x3F84]  }
0x2b: {  	s6 =	sld [smem:$0x3F85]  }
0x2c: {  	s7 =	sld [smem:$0x3F86]  }
0x2d: {  	s3 =	simm.s32 $0x108;
	s8 =	sld [smem:$0x3F87]  }
0x2e: {  	s3 =	simm.s32 @!p0 $0x1082;
	s9 =	sld [smem:$0x3F88]  }
0x2f: {  	lr =	sadd.s32 s0, s3;
	s0 =	sld [smem:$0x3F7F]  }
0x30: {  	s3 =	sld [smem:$0x3F82]  }
0x31: {  	[smem:$0x3F8B] =	sst s10  }
0x32: {  	s10 =	sld [smem:$0x3F89];
	_ =	sdelay $0x3  }
0x33: {  	p0 =	seq.s32 s10, $0x1;
	s10 =	sld [smem:$0x3F8B];
	_ =	sdelay $0x3  }
0x34: {  	[smem:$0x3F8B] =	sst s10  }
0x35: {  	s10 =	sld [smem:$0x3F8A];
	_ =	sdelay $0x3  }
0x36: {  	p1 =	seq.s32 s10, $0x1;
	s10 =	sld [smem:$0x3F8B];
	_ =	sdelay $0x3  }
0x37: {  	[smem:$0x3F8B] =	sst s10  }
0x38: {  	s10 =	sld [smem:$0x3F8C]  }
0x39: {  	_ = 	snop;
	(pc) =	sbr.ind lr, $3  }
0x3a: {  	_ = 	snop  }
0x3b: {  	_ = 	snop  }
0x3c: {  	p2 =	seq.s32 s10, $0x1;
	s10 =	sld [smem:$0x3F8B]  }
0x3d: {  	_ =	shalt  }
0x3e: {  	_ =	shalt  }
0x3f: {  	_ =	shalt  }
0x40: {  	_ =	shalt  }
0x41: {  	_ =	shalt  }
0x42: {  	_ =	shalt  }
0x43: {  	_ =	shalt  }
0x44: {  	_ =	shalt  }
0x45: {  	_ =	shalt  }
0x46: {  	_ =	shalt  }
0x47: {  	_ =	shalt  }
0x48: {  	_ =	shalt  }
0x49: {  	_ =	shalt  }
0x4a: {  	_ =	shalt  }
0x4b: {  	_ =	shalt  }
0x4c: {  	_ =	shalt  }
0x4d: {  	_ =	shalt  }
0x4e: {  	_ =	shalt  }
0x4f: {  	_ =	shalt  }
0x50: {  	_ =	shalt  }
0x51: {  	_ =	shalt  }
0x52: {  	_ =	shalt  }
0x53: {  	_ =	shalt  }
0x54: {  	_ =	shalt  }
0x55: {  	_ =	shalt  }
0x56: {  	_ =	shalt  }
0x57: {  	_ =	shalt  }
0x58: {  	_ =	shalt  }
0x59: {  	_ =	shalt  }
0x5a: {  	_ =	shalt  }
0x5b: {  	_ =	shalt  }
0x5c: {  	_ =	shalt  }
0x5d: {  	_ =	shalt  }
0x5e: {  	_ =	shalt  }
0x5f: {  	_ =	shalt  }
0x60: {  	_ =	shalt  }
0x61: {  	_ =	shalt  }
0x62: {  	_ =	shalt  }
0x63: {  	_ =	shalt  }
0x64: {  	_ =	shalt  }
0x65: {  	_ =	shalt  }
0x66: {  	_ =	shalt  }
0x67: {  	_ =	shalt  }
0x68: {  	_ =	shalt  }
0x69: {  	_ =	shalt  }
0x6a: {  	_ =	shalt  }
0x6b: {  	_ =	shalt  }
0x6c: {  	_ =	shalt  }
0x6d: {  	_ =	shalt  }
0x6e: {  	_ =	shalt  }
0x6f: {  	_ =	shalt  }
0x70: {  	_ =	shalt  }
0x71: {  	_ =	shalt  }
0x72: {  	_ =	shalt  }
0x73: {  	_ =	shalt  }
0x74: {  	_ =	shalt  }
0x75: {  	_ =	shalt  }
0x76: {  	_ =	shalt  }
0x77: {  	_ =	shalt  }
0x78: {  	_ =	shalt  }
0x79: {  	_ =	shalt  }
0x7a: {  	_ =	shalt  }
0x7b: {  	_ =	shalt  }
0x7c: {  	_ =	shalt  }
0x7d: {  	_ =	shalt  }
0x7e: {  	_ =	shalt  }
0x7f: {  	_ =	shalt  }
0x80: {  	_ =	shalt  }
0x81: {  	_ =	shalt  }
0x82: {  	_ =	shalt  }
0x83: {  	_ =	shalt  }
0x84: {  	_ =	shalt  }
0x85: {  	_ =	shalt  }
0x86: {  	_ =	shalt  }
0x87: {  	_ =	shalt  }
.Lfunc_end0:
.L_simem_size_0:
called_computation.6_lowered:
.L_overlay_start_0:
0x88: {  	s2 =	sld [smem:$0x3FD9]  }
0x89: {  	s3 =	sld [smem:$0x3FFE];
	_ =	sdelay $0x1  }
0x8a: {  	s1 =	srdreg.scid  }
0x8b: {  	s0 =	sand.u32 $0x1, s1  }
0x8c: {  	s16 =	sshll.u32 s0, $0xA;
	s2 =	sadd.s32 s3, s2  }
0x8d: {  	s2 =	sadd.s32 s2, s16  }
0x8e: {  	[smem:$0x3F97] =	sst s2  }
0x8f: {  	_ = 	snop  }
0x90: {  	(tm) =	ssettm $0x1  }
0x91: {  	s17 =	sld [smem:$0x3FFB];
	_ =	sdelay $0x3  }
0x92: {  	_ =	strace s17  }
0x93: {  	s2 =	sld [smem:$0x3FFC];
	_ =	sdelay $0x3  }
0x94: {  	_ =	strace s2  }
0x95: {  	s2 =	sld [smem:$0x3FFD];
	_ =	sdelay $0x3  }
0x96: {  	_ =	strace s2  }
0x97: {  	_ =	strace $0x8FFFFFFF  }
0x98: {  	s18 =	sld [smem:$0x3FDB];
	_ =	sdelay $0x1  }
0x99: {  	s19 =	simm.s32 $_scs_section_size  }
0x9a: {  	s4 =	simm.s32 $_size__tile_overlayer_lowered;
	s5 =	simm.s32 $_tile_overlayer_lowered  }
0x9b: {  	s22 =	simm.s32 $0x1BFF;
	s21 =	sshll.u32 s5, $0x1;
	s2 =	sadd.s32 s19, s18  }
0x9c: {  	s6 =	simm.s32 $0x0;
	s20 =	sshll.u32 s4, $0x1;
	s4 =	sadd.s32 s21, s2  }
0x9d: {  	[timem:s6], [sflag:s22] =	dma.local [hbm:s4], s20  }
0x9e: {  	_ =	swait.ge [sflag:s22], s20  }
0x9f: {  	s3 =	ssub.s32 $0x0, s20;
	[sflag:s22] =	ssyncset.done $0x0  }
0xa0: {  	[sflag:s22] =	ssyncadd.s32 s3;
	_ =	sdelay $0x1  }
0xa1: {  	s23 =	simm.s32 $0x1B8B  }
0xa2: {  	_ =	swait.ge [sflag:s23], $0x1  }
0xa3: {  	[sflag:s23] =	ssyncset.done $0x0  }
0xa4: {  	s25 =	simm.s32 $0x1B8E;
	s24 =	sld [smem:$0x3FFE];
	[sflag:s23] =	ssyncadd.s32 $0xFFFFFFFF  }
0xa5: {  	s26 =	simm.s32 $execute0_lowered;
	[smem:$0x3FD2] =	sst s25  }
0xa6: {  	s4 =	sshll.u32 s26, $0x1;
	_ =	strace $0x80000058;
	[dreg:$0x1] =	wrdreg $0xFFFFFFFF  }
0xa7: {  	s28 =	simm.s32 $_size_execute0_lowered;
	s2 =	sadd.s32 s2, s4;
	[dreg:$0x0] =	wrdreg $0x0  }
0xa8: {  	s4 =	sshll.u32 s28, $0x1;
	[dreg:$0x2] =	wrdreg s2  }
0xa9: {  	[dreg:$0x3] =	wrdreg s4  }
0xaa: {  	[dreg:$0x4] =	wrdreg $0xC0  }
0xab: {  	_ =	task [dreg:s6], $0x5FFFF  }
0xac: {  	[dreg:$0x1] =	wrdreg $0xFFFFFFFF  }
0xad: {  	[dreg:$0x0] =	wrdreg $0x60  }
0xae: {  	[dreg:$0x2] =	wrdreg s24  }
0xaf: {  	[dreg:$0x3] =	wrdreg $0xA9000  }
0xb0: {  	[dreg:$0x4] =	wrdreg $0x9  }
0xb1: {  	_ =	task.clear_ibuf [dreg:s6], $0x5FFFF;
	_ =	strace $0x90000058  }
0xb2: {  	s29 =	simm.s32 $0x9;
	_ =	strace $0x8000005A  }
0xb3: {  	_ =	swait.ge [sflag:s29], $0x1  }
0xb4: {  	[sflag:s29] =	ssyncadd.s32 $0xFFFFFFFF  }
0xb5: {  	_ =	strace $0x9000005A  }
0xb6: {  	_ =	sfence  }
0xb7: {  	s30 =	sld [smem:$0x0];
	_ =	sdelay $0x2  }
0xb8: {  	s31 =	sshll.u32 s1, $0xD;
	s1 =	sshrl.u32 s1, $0x2  }
0xb9: {  	s3 =	sand.u32 $0x4000, s31;
	s1 =	sadd.s32 s1, s30  }
0xba: {  	s0 =	sor.u32 s3, s0;
	s1 =	sshll.u32 s1, $0x11  }
0xbb: {  	s0 =	sor.u32 s1, s0  }
0xbc: {  	s0 =	sadd.s32 $0x8F2B, s0  }
0xbd: {  	[sflag:s0] =	ssyncadd.remote.s32 $0x1  }
0xbe: {  	_ =	sfence.sel $0xFFFF  }
0xbf: {  	[dreg:$0x0] =	wrdreg $0xFFFFFFFF;
	(pc) =	sbr.abs _section_cstart, $3  }
0xc0: {  	[dreg:$0x1] =	wrdreg $0xFFFFFFFF  }
0xc1: {  	_ =	task.clear_ibuf [dreg:s6], $0x2FFFF;
	_ =	strace $0x9FFFFFFF  }
0xc2: {  	(tm) =	ssettm $0x7FFFFFFF  }
0xc3: {  	_ =	shalt  }
tec
execute0_lowered:
.L_overlay_start_1:
0x0: {  	(tag) =	ssettag $0x1  }
0x1: {  	s6 =	rddreg [dreg:$0x0]  }
0x2: {  	s0 =	srdreg.scid;
	s2 =	rddreg [dreg:$0x1]  }
0x3: {  	s3 =	simm.s32 $0x0;
	s18 =	simm.s32 $0x3;
	s19 =	simm.s32 $0x1  }
0x4: {  	s20 =	simm.s32 $0x80;
	s21 =	simm.s32 $0x2800;
	s22 =	simm.s32 $0x6900  }
0x5: {  	s23 =	simm.s32 $0x2880;
	s9 =	sand.u32 $0x1, s0;
	s0 =	stileid.u32  }
0x6: {  	s24 =	simm.s32 $0x2;
	s25 =	simm.s32 $0x0;
	s7 =	smul.u32 $0x2800, s0  }
0x7: {  	[smem:$0x7FF] =	sst s3;
	s4 =	sadd.s32 $0x96200, s6;
	s8 =	smul.u32 $0x28000, s9  }
0x8: {  	s5 =	sadd.s32 $0xCC00, s6;
	s1 =	sshll.u32 s9, $0x4;
	s11 =	smul.u32 $0x50000, s0  }
0x9: {  	_ =	strace $0x80000059;
	s13 =	ssub.s32 $0x2, s9;
	s16 =	smul.u32 $0x5000, s9  }
0xa: {  	s17 =	smul.u32 $0x500, s0;
	s1 =	sor.u32 s0, s1;
	s31 =	sshrl.u32 s13, $0x1  }
0xb: {  	s10 =	smul.u32 $0x500, s1;
	s7 =	sadd.s32 s7, s8;
	s11 =	sshrl.u32 s11, $0x2  }
0xc: {  	s15 =	ssub.s32 s13, s31;
	s16 =	sadd.s32 s17, s16;
	s17 =	simm.s32 $0x2900  }
0xd: {  	s14 =	sadd.s32 s7, s6;
	s15 =	smax.u32 s15, $0x1;
	s12 =	sadd.s32 s10, s6  }
0xe: {  	s6 =	sadd.s32 s11, s2;
	s10 =	sadd.s32 s5, s10;
	s14 =	sadd.s32 $0xBD400, s14  }
0xf: {  	s7 =	sadd.s32 $0x16C00, s12;
	s8 =	sadd.s32 $0x4000, s6;
	s9 =	sadd.s32 $0x8000, s6  }
0x10: {  	v0 =	vimm.f32 $0.0e+00;
	s11 =	sadd.s32 $0xC000, s6;
	s12 =	sadd.s32 $0x10000, s6;
	s13 =	sadd.s32 $0x10, s10  }
.LBB2_1:
0x11: {  	[tilespmem:s3], [sflag:$0x1] =	stream.linear.gather [hbm4b:s7+s3], $0x2800, $0x38;
	[tilespmem:$0x1E900] =	vst v63  }
0x12: {  	s26 =	simm.s32 $0x0;
	s28 =	simm.s32 $0x200  }
.LBB2_2:
0x13: {  	p0 =	sne.s32 s28, $0xFE00;
	[tilespmem:s26+$0x2970] =	vst v0  }
0x14: {  	[tilespmem:s26+$0x2900] =	vst v0  }
0x15: {  	[tilespmem:s26+$0x2910] =	vst v0  }
.Ltmp0:
0x16: {  	[tilespmem:s26+$0x2920] =	vst v0;
	(pc) =	sbr.rel @p0 .LBB2_2-.Ltmp0, $4  }
0x17: {  	[tilespmem:s26+$0x2930] =	vst v0  }
0x18: {  	[tilespmem:s26+$0x2940] =	vst v0  }
0x19: {  	[tilespmem:s26+$0x2950] =	vst v0  }
0x1a: {  	[tilespmem:s26+$0x2960] =	vst v0;
	s26 =	sshra.s32 s28, $0x2;
	s28 =	sadd.s32 $0x200, s28  }
0x1b: {  	[tilespmem:s26+$0x2970] =	vst v0  }
0x1c: {  	[tilespmem:s26+$0x2900] =	vst v0  }
0x1d: {  	[tilespmem:s26+$0x2910] =	vst v0  }
0x1e: {  	[tilespmem:s26+$0x2920] =	vst v0  }
0x1f: {  	[tilespmem:s26+$0x2930] =	vst v0  }
0x20: {  	[tilespmem:s26+$0x2940] =	vst v0  }
0x21: {  	[tilespmem:s26+$0x2950] =	vst v0  }
0x22: {  	[tilespmem:s26+$0x2960] =	vst v0  }
0x23: {  	[spmem:s6] =	stream.linear.scatter [tilespmem:s17], [sflag:$0x3], $0x4000, $0x38;
	[tilespmem:$0x1E900] =	vst v63  }
0x24: {  	_ =	swait.ge [sflag:s18], $0x4000  }
0x25: {  	[sflag:s18] =	ssyncset.done $0x0  }
0x26: {  	[sflag:s18] =	ssyncadd.s32 $0xFFFFC000  }
0x27: {  	[spmem:s8] =	stream.linear.scatter [tilespmem:s17], [sflag:$0x3], $0x4000, $0x38;
	[tilespmem:$0x1E900] =	vst v63  }
0x28: {  	_ =	swait.ge [sflag:s18], $0x4000  }
0x29: {  	[sflag:s18] =	ssyncset.done $0x0  }
0x2a: {  	[sflag:s18] =	ssyncadd.s32 $0xFFFFC000  }
0x2b: {  	[spmem:s9] =	stream.linear.scatter [tilespmem:s17], [sflag:$0x3], $0x4000, $0x38;
	[tilespmem:$0x1E900] =	vst v63  }
0x2c: {  	_ =	swait.ge [sflag:s18], $0x4000  }
0x2d: {  	[sflag:s18] =	ssyncset.done $0x0  }
0x2e: {  	[sflag:s18] =	ssyncadd.s32 $0xFFFFC000  }
0x2f: {  	[spmem:s11] =	stream.linear.scatter [tilespmem:s17], [sflag:$0x3], $0x4000, $0x38;
	[tilespmem:$0x1E900] =	vst v63  }
0x30: {  	_ =	swait.ge [sflag:s18], $0x4000  }
0x31: {  	[sflag:s18] =	ssyncset.done $0x0  }
0x32: {  	[sflag:s18] =	ssyncadd.s32 $0xFFFFC000  }
0x33: {  	[spmem:s12] =	stream.linear.scatter [tilespmem:s17], [sflag:$0x3], $0x4000, $0x38;
	[tilespmem:$0x1E900] =	vst v63  }
0x34: {  	_ =	swait.ge [sflag:s18], $0x4000  }
0x35: {  	[sflag:s18] =	ssyncset.done $0x0  }
0x36: {  	[sflag:s18] =	ssyncadd.s32 $0xFFFFC000  }
0x37: {  	_ =	swait.ge [sflag:s19], $0x2800  }
0x38: {  	[sflag:s19] =	ssyncset.done $0x0  }
0x39: {  	[sflag:s19] =	ssyncadd.s32 $0xFFFFD800  }
0x3a: {  	[bflag:$0x0] =	sbarrier.arrive $0xFFFF  }
0x3b: {  	[tilespmem:s17], [sflag:$0x1] =	stream.indirect.gather [hbm4b:s4+s20], $0x80, s3, s20, $0xb8;
	[tilespmem:$0x1E900] =	vst v63  }
0x3c: {  	_ = 	snop  }
0x3d: {  	[tilespmem:s21], [sflag:$0x2] =	stream.linear.gather [hbm4b:s10+s3], $0x80, $0x38;
	[tilespmem:$0x1E900] =	vst v63  }
0x3e: {  	_ = 	snop  }
0x3f: {  	[tilespmem:s22], [sflag:$0x1] =	stream.indirect.gather [hbm4b:s4+s20], $0x80, s20, s20, $0xb8;
	[tilespmem:$0x1E900] =	vst v63  }
0x40: {  	_ = 	snop  }
0x41: {  	[tilespmem:s23], [sflag:$0x2] =	stream.linear.gather [hbm4b:s13+s3], $0x80, $0x38;
	[tilespmem:$0x1E900] =	vst v63  }
0x42: {  	_ =	swait.ge [sflag:s19], $0x4000  }
0x43: {  	[sflag:s19] =	ssyncset.done $0x0  }
0x44: {  	[sflag:s19] =	ssyncadd.s32 $0xFFFFC000  }
0x45: {  	_ =	swait.ge [sflag:s24], $0x80  }
0x46: {  	[sflag:s24] =	ssyncset.done $0x0  }
0x47: {  	s26 =	simm.s32 $0x100;
	[sflag:s24] =	ssyncadd.s32 $0xFFFFFF80  }
0x48: {  	[spmem:s2] =	stream.indirect.scatter.add.f32 [tilespmem:s17], [sflag:$0x3], $0x80, s21, s20, $0xb8;
	[tilespmem:$0x1E900] =	vst v63  }
0x49: {  	s28 =	sadd.s32 $0x30, s16;
	s29 =	simm.s32 $0x20;
	_ =	swait.ge [sflag:s18], $0x4000  }
0x4a: {  	s30 =	sadd.s32 $0xFFFFFFF0, s28;
	s29 =	sand.u32 $0x60, s29;
	[sflag:s18] =	ssyncset.done $0x0  }
0x4b: {  	s30 =	sand.u32 $0xFFFFF80, s30;
	s29 =	sadd.s32 s5, s29;
	[sflag:s18] =	ssyncadd.s32 $0xFFFFC000  }
0x4c: {  	[tilespmem:s17], [sflag:$0x1] =	stream.indirect.gather [hbm4b:s4+s20], $0x80, s26, s20, $0xb8;
	[tilespmem:$0x1E900] =	vst v63  }
0x4d: {  	s29 =	sadd.s32 s30, s29  }
0x4e: {  	[tilespmem:s21], [sflag:$0x2] =	stream.linear.gather [hbm4b:s29+s3], $0x80, $0x38;
	[tilespmem:$0x1E900] =	vst v63  }
0x4f: {  	_ =	swait.ge [sflag:s19], $0x4000  }
0x50: {  	[sflag:s19] =	ssyncset.done $0x0  }
0x51: {  	[sflag:s19] =	ssyncadd.s32 $0xFFFFC000  }
0x52: {  	_ =	swait.ge [sflag:s24], $0x80  }
0x53: {  	[sflag:s24] =	ssyncset.done $0x0  }
0x54: {  	s29 =	simm.s32 $0x30;
	[sflag:s24] =	ssyncadd.s32 $0xFFFFFF80  }
0x55: {  	[spmem:s2] =	stream.indirect.scatter.add.f32 [tilespmem:s22], [sflag:$0x3], $0x80, s23, s20, $0xb8;
	[tilespmem:$0x1E900] =	vst v63  }
0x56: {  	s1 =	simm.s32 $0x180;
	s29 =	sand.u32 $0x70, s29;
	_ =	swait.ge [sflag:s18], $0x4000  }
0x57: {  	s31 =	sand.u32 $0xFFFFF80, s28;
	s29 =	sadd.s32 s5, s29;
	[sflag:s18] =	ssyncset.done $0x0  }
0x58: {  	s28 =	simm.s32 $0x50;
	s29 =	sadd.s32 s31, s29;
	[sflag:s18] =	ssyncadd.s32 $0xFFFFC000  }
0x59: {  	[tilespmem:s22], [sflag:$0x1] =	stream.indirect.gather [hbm4b:s4+s20], $0x80, s1, s20, $0xb8;
	[tilespmem:$0x1E900] =	vst v63  }
.LBB2_4:
0x5a: {  	p0 =	sne.s32 s28, $0x4F0  }
0x5b: {  	s26 =	sadd.s32 $0x100, s26;
	s30 =	smov.u32 s28;
	s28 =	sadd.s32 $0x20, s28  }
0x5c: {  	[tilespmem:s23], [sflag:$0x2] =	stream.linear.gather [hbm4b:s29+s3], $0x80, $0x38;
	[tilespmem:$0x1E900] =	vst v63  }
0x5d: {  	_ =	swait.ge [sflag:s19], $0x4000  }
0x5e: {  	[sflag:s19] =	ssyncset.done $0x0  }
0x5f: {  	[sflag:s19] =	ssyncadd.s32 $0xFFFFC000  }
0x60: {  	_ =	swait.ge [sflag:s24], $0x80  }
0x61: {  	[sflag:s24] =	ssyncset.done $0x0  }
0x62: {  	[sflag:s24] =	ssyncadd.s32 $0xFFFFFF80  }
0x63: {  	[spmem:s2] =	stream.indirect.scatter.add.f32 [tilespmem:s17], [sflag:$0x3], $0x80, s21, s20, $0xb8;
	[tilespmem:$0x1E900] =	vst v63  }
0x64: {  	_ =	swait.ge [sflag:s18], $0x4000  }
0x65: {  	s29 =	sadd.s32 s30, s16;
	s31 =	sadd.s32 $0xFFFFFFF0, s30;
	[sflag:s18] =	ssyncset.done $0x0  }
0x66: {  	s1 =	sadd.s32 $0xFFFFFFF0, s29;
	s31 =	sand.u32 $0x60, s31;
	[sflag:s18] =	ssyncadd.s32 $0xFFFFC000  }
0x67: {  	s29 =	sand.u32 $0xFFFFF80, s29;
	s1 =	sand.u32 $0xFFFFF80, s1;
	s31 =	sadd.s32 s5, s31  }
0x68: {  	[tilespmem:s17], [sflag:$0x1] =	stream.indirect.gather [hbm4b:s4+s20], $0x80, s26, s20, $0xb8;
	[tilespmem:$0x1E900] =	vst v63  }
0x69: {  	s1 =	sadd.s32 s1, s31  }
0x6a: {  	[tilespmem:s21], [sflag:$0x2] =	stream.linear.gather [hbm4b:s1+s3], $0x80, $0x38;
	[tilespmem:$0x1E900] =	vst v63  }
0x6b: {  	_ =	swait.ge [sflag:s19], $0x4000  }
0x6c: {  	[sflag:s19] =	ssyncset.done $0x0  }
0x6d: {  	[sflag:s19] =	ssyncadd.s32 $0xFFFFC000  }
0x6e: {  	_ =	swait.ge [sflag:s24], $0x80  }
0x6f: {  	[sflag:s24] =	ssyncset.done $0x0  }
0x70: {  	[sflag:s24] =	ssyncadd.s32 $0xFFFFFF80  }
0x71: {  	[spmem:s2] =	stream.indirect.scatter.add.f32 [tilespmem:s22], [sflag:$0x3], $0x80, s23, s20, $0xb8;
	[tilespmem:$0x1E900] =	vst v63  }
.Ltmp1:
0x72: {  	_ = 	snop;
	(pc) =	sbr.rel @p0 .LBB2_4-.Ltmp1, $4  }
0x73: {  	s1 =	sand.u32 $0x70, s30;
	_ =	swait.ge [sflag:s18], $0x4000  }
0x74: {  	s30 =	sadd.s32 $0x80, s26;
	s1 =	sadd.s32 s5, s1;
	[sflag:s18] =	ssyncset.done $0x0  }
0x75: {  	s29 =	sadd.s32 s29, s1;
	[sflag:s18] =	ssyncadd.s32 $0xFFFFC000  }
0x76: {  	[tilespmem:s22], [sflag:$0x1] =	stream.indirect.gather [hbm4b:s4+s20], $0x80, s30, s20, $0xb8;
	[tilespmem:$0x1E900] =	vst v63  }
0x77: {  	[tilespmem:s23], [sflag:$0x2] =	stream.linear.gather [hbm4b:s29+s3], $0x80, $0x38;
	[tilespmem:$0x1E900] =	vst v63  }
0x78: {  	_ =	swait.ge [sflag:s19], $0x4000  }
0x79: {  	[sflag:s19] =	ssyncset.done $0x0  }
0x7a: {  	[sflag:s19] =	ssyncadd.s32 $0xFFFFC000  }
0x7b: {  	_ =	swait.ge [sflag:s24], $0x80  }
0x7c: {  	[sflag:s24] =	ssyncset.done $0x0  }
0x7d: {  	[sflag:s24] =	ssyncadd.s32 $0xFFFFFF80  }
0x7e: {  	[spmem:s2] =	stream.indirect.scatter.add.f32 [tilespmem:s17], [sflag:$0x3], $0x80, s21, s20, $0xb8;
	[tilespmem:$0x1E900] =	vst v63  }
0x7f: {  	_ =	swait.ge [sflag:s18], $0x4000  }
0x80: {  	[sflag:s18] =	ssyncset.done $0x0  }
0x81: {  	[sflag:s18] =	ssyncadd.s32 $0xFFFFC000  }
0x82: {  	_ =	swait.ge [sflag:s19], $0x4000  }
0x83: {  	[sflag:s19] =	ssyncset.done $0x0  }
0x84: {  	[sflag:s19] =	ssyncadd.s32 $0xFFFFC000  }
0x85: {  	_ =	swait.ge [sflag:s24], $0x80  }
0x86: {  	[sflag:s24] =	ssyncset.done $0x0  }
0x87: {  	[sflag:s24] =	ssyncadd.s32 $0xFFFFFF80  }
0x88: {  	[spmem:s2] =	stream.indirect.scatter.add.f32 [tilespmem:s22], [sflag:$0x3], $0x80, s23, s20, $0xb8;
	[tilespmem:$0x1E900] =	vst v63  }
0x89: {  	_ =	swait.ge [sflag:s18], $0x4000  }
0x8a: {  	s1 =	sshll.u32 s0, $0x6;
	s25 =	sadd.s32 $0x1, s25;
	[sflag:s18] =	ssyncset.done $0x0  }
0x8b: {  	s26 =	sshrl.u32 s6, $0x3;
	p0 =	sne.s32 s25, s15;
	[sflag:s18] =	ssyncadd.s32 $0xFFFFC000  }
.Ltmp2:
0x8c: {  	s1 =	sor.u32 $0x1C03, s1;
	[bflag:$0x0] =	sbarrier.arrive $0xFFFF;
	(pc) =	sbr.rel @p0 .LBB2_1-.Ltmp2, $4  }
0x8d: {  	[hbm:s14], [sflag:s1] =	dma.local [spmem:s26], $0x2800  }
0x8e: {  	_ =	swait.ge [sflag:s18], $0x2800  }
0x8f: {  	[sflag:s18] =	ssyncset.done $0x0  }
0x90: {  	[sflag:s18] =	ssyncadd.s32 $0xFFFFD800  }
0x91: {  	_ =	sfence.sel $0x180000  }
0x92: {  	[bflag:$0x0] =	sbarrier.arrive $0xFFFF  }
0x93: {  	_ =	strace $0x90000059  }
0x94: {  	[bflag:$0x2] =	sbarrier.arrive $0xFFFF  }
0x95: {  	p0 =	sne.s32 s0, $0x0;
	s0 =	rddreg [dreg:$0x2]  }
0x96: {  	s0 =	sadd.s32 @!p0 $0x100000, s0  }
0x97: {  	[sflag:s0] =	ssyncadd.tile.s32 @!p0 $0x1;
	_ =	shalt  }
.Lfunc_end2:
_tile_overlayer_lowered:
.L_overlay_start_2:
0x98: {  	(tag) =	ssettag $0x2  }
0x99: {  	s0 =	rddreg [dreg:$0x0];
	s2 =	stileid.u32  }
0x9a: {  	s1 =	rddreg [dreg:$0x1];
	p0 =	sne.s32 s2, $0x0  }
0x9b: {  	s3 =	rddreg [dreg:$0x2];
	[bflag:$0x3] =	sbarrier.arrive $0xFFFF;
	s2 =	simm.s32 @!p0 $0x1C03  }
0x9c: {  	[timem:s3], [sflag:s2] =	dma.local @!p0 [hbm:s0], s1  }
0x9d: {  	s0 =	simm.s32 @!p0 $0x3  }
0x9e: {  	_ =	swait.ge @!p0 [sflag:s0], s1  }
0x9f: {  	s1 =	ssub.s32 @!p0 $0x0, s1;
	[sflag:s0] =	ssyncset.done @!p0 $0x0  }
0xa0: {  	[sflag:s0] =	ssyncadd.s32 @!p0 s1  }
0xa1: {  	[bflag:$0x3] =	sbarrier.arrive $0xFFFF  }
0xa2: {  	_ =	shalt  }

</sc_bundles>
